<compile_context>
chip_gen: v7x
topology: tpu7x:2x2x1
jax: 0.10.2.dev20260603
libtpu: 0.0.44.dev20260713+nightly
codegen_flags: <defaults>
</compile_context>

<pallas_src>
import functools

import jax
import jax.numpy as jnp
from jax import lax
from jax.experimental import pallas as pl
from jax.experimental.pallas import tpu as pltpu
from jax.experimental.pallas import tpu_sc as plsc

NN = 10000
EE = 160000
DIN = 128
NH = 4
CH = 128
NG = 64

NC = 2
NS = 16
NW = NC * NS

EG = EE + NN
EGP = 172032
TG = EGP // NW
G1C = 64
G1N = TG // G1C
S2C = 128
S2N = TG // S2C

ENP = 163840
TN = ENP // NW
S3C = 128
S3N = TN // S3C

SR = 10240
ZB = 640
CB = 624
CBT = 16

BN = 1000
BE = 1024


def _tc1_body(x_ref, w_ref, atts_ref, attd_ref, haug_ref, ad_ref):
    h = jnp.dot(x_ref[...], w_ref[...], preferred_element_type=jnp.float32)
    hr = h.reshape(BN, NH, CH)
    a_s = jnp.sum(hr * atts_ref[...][None], axis=-1)
    a_d = jnp.sum(hr * attd_ref[...][None], axis=-1)
    z = jnp.zeros((BN, 124), jnp.float32)
    haug_ref[...] = jnp.concatenate([h, a_s, z], axis=1)
    ad_ref[...] = jnp.concatenate([a_d, z], axis=1)


def _tc1(x, w_gat, att_src, att_dst):
    return pl.pallas_call(
        _tc1_body,
        grid=(NN // BN,),
        in_specs=[
            pl.BlockSpec((BN, DIN), lambda i: (i, 0)),
            pl.BlockSpec((DIN, NH * CH), lambda i: (0, 0)),
            pl.BlockSpec((NH, CH), lambda i: (0, 0)),
            pl.BlockSpec((NH, CH), lambda i: (0, 0)),
        ],
        out_specs=[
            pl.BlockSpec((BN, NH * CH + CH), lambda i: (i, 0)),
            pl.BlockSpec((BN, CH), lambda i: (i, 0)),
        ],
        out_shape=[
            jax.ShapeDtypeStruct((NN, NH * CH + CH), jnp.float32),
            jax.ShapeDtypeStruct((NN, CH), jnp.float32),
        ],
    )(x, w_gat, att_src, att_dst)


def _sc1_body(haug_hbm, ad_hbm, srcg_hbm, dstg_hbm,
              hsa_hbm, adg_hbm,
              idxs_v, idxd_v, bufh0, bufh1, bufb0, bufb1,
              sgh0, sgh1, sgb0, sgb1, swh0, swh1, swb0, swb1):
    c = lax.axis_index("c")
    s = lax.axis_index("s")
    wid = s * NC + c
    pltpu.sync_copy(srcg_hbm.at[wid], idxs_v)
    pltpu.sync_copy(dstg_hbm.at[wid], idxd_v)
    base = wid * TG
    bufh = (bufh0, bufh1)
    bufb = (bufb0, bufb1)
    sgh = (sgh0, sgh1)
    sgb = (sgb0, sgb1)
    swh = (swh0, swh1)
    swb = (swb0, swb1)

    def issue_gather(i, p):
        pltpu.async_copy(haug_hbm.at[idxs_v.at[i]], bufh[p], sgh[p])
        pltpu.async_copy(ad_hbm.at[idxd_v.at[i]], bufb[p], sgb[p])

    def wait_gather(p):
        pltpu.make_async_copy(haug_hbm.at[idxs_v.at[0]], bufh[p], sgh[p]).wait()
        pltpu.make_async_copy(ad_hbm.at[idxd_v.at[0]], bufb[p], sgb[p]).wait()

    def issue_write(i, p):
        off = base + i * G1C
        pltpu.async_copy(bufh[p], hsa_hbm.at[pl.ds(off, G1C), :], swh[p])
        pltpu.async_copy(bufb[p], adg_hbm.at[pl.ds(off, G1C), :], swb[p])

    def wait_write(p):
        pltpu.make_async_copy(bufh[p], hsa_hbm.at[pl.ds(base, G1C), :], swh[p]).wait()
        pltpu.make_async_copy(bufb[p], adg_hbm.at[pl.ds(base, G1C), :], swb[p]).wait()

    issue_gather(0, 0)

    def body(j, carry):
        i0 = 2 * j
        wait_gather(0)
        issue_write(i0, 0)
        issue_gather(i0 + 1, 1)
        wait_gather(1)
        issue_write(i0 + 1, 1)
        wait_write(0)
        issue_gather(jnp.minimum(i0 + 2, G1N - 1), 0)
        wait_write(1)
        return carry

    lax.fori_loop(0, G1N // 2, body, 0)
    wait_gather(0)


def _sc1(haug, ad128, srcg3, dstg3):
    mesh = plsc.VectorSubcoreMesh(
        core_axis_name="c", subcore_axis_name="s",
        num_cores=NC, num_subcores=NS)
    return pl.kernel(
        _sc1_body,
        out_type=[
            jax.ShapeDtypeStruct((EGP, NH * CH + CH), jnp.float32),
            jax.ShapeDtypeStruct((EGP, CH), jnp.float32),
        ],
        mesh=mesh,
        scratch_types=[
            pltpu.VMEM((G1N, G1C), jnp.int32),
            pltpu.VMEM((G1N, G1C), jnp.int32),
            pltpu.VMEM((G1C, NH * CH + CH), jnp.float32),
            pltpu.VMEM((G1C, NH * CH + CH), jnp.float32),
            pltpu.VMEM((G1C, CH), jnp.float32),
            pltpu.VMEM((G1C, CH), jnp.float32),
        ] + [pltpu.SemaphoreType.DMA] * 8,
    )(haug, ad128, srcg3, dstg3)


def _tc2_body(hsa_ref, adg_ref, w_ref, msg_ref):
    i = pl.program_id(0)
    hsa = hsa_ref[...]
    a = hsa[:, NH * CH:NH * CH + NH] + adg_ref[...][:, :NH]
    a = jnp.where(a >= 0.0, a, 0.2 * a)
    w = jnp.exp(a)
    eid = i * BE + lax.broadcasted_iota(jnp.int32, (BE, 1), 0)
    w = jnp.where(eid < EG, w, 0.0)
    w_ref[...] = jnp.concatenate([w, jnp.zeros((BE, 124), jnp.float32)], axis=1)
    for q in range(NH):
        msg_ref[q, :, :] = hsa[:, q * CH:(q + 1) * CH] * w[:, q:q + 1]


def _tc2(hsa, adg):
    return pl.pallas_call(
        _tc2_body,
        grid=(EGP // BE,),
        in_specs=[
            pl.BlockSpec((BE, NH * CH + CH), lambda i: (i, 0)),
            pl.BlockSpec((BE, CH), lambda i: (i, 0)),
        ],
        out_specs=[
            pl.BlockSpec((BE, CH), lambda i: (i, 0)),
            pl.BlockSpec((NH, BE, CH), lambda i: (0, i, 0)),
        ],
        out_shape=[
            jax.ShapeDtypeStruct((EGP, CH), jnp.float32),
            jax.ShapeDtypeStruct((NH, EGP, CH), jnp.float32),
        ],
    )(hsa, adg)


def _scatter_pass(read_at, n, spA, idx_v, buf0, buf1, sr0, sr1, ss0, ss1):
    buf = (buf0, buf1)
    sr = (sr0, sr1)
    ss = (ss0, ss1)

    def issue_read(i, p):
        pltpu.async_copy(read_at(i), buf[p], sr[p])

    def wait_read(p):
        pltpu.make_async_copy(read_at(0), buf[p], sr[p]).wait()

    def issue_scat(i, p):
        pltpu.async_copy(buf[p], spA.at[idx_v.at[i]], ss[p], add=True)

    def wait_scat(p):
        pltpu.make_async_copy(buf[p], spA.at[idx_v.at[0]], ss[p]).wait()

    issue_read(0, 0)

    def body(j, carry):
        i0 = 2 * j
        wait_read(0)
        issue_scat(i0, 0)
        issue_read(i0 + 1, 1)
        wait_read(1)
        issue_scat(i0 + 1, 1)
        wait_scat(0)
        issue_read(jnp.minimum(i0 + 2, n - 1), 0)
        wait_scat(1)
        return carry

    lax.fori_loop(0, n // 2, body, 0)
    wait_read(0)


def _sc2_body(msg_hbm, w_hbm, dsts_hbm, z128_hbm,
              nump_hbm, denp_hbm,
              spA, idx_v, buf0, buf1, sr0, sr1, ss0, ss1):
    c = lax.axis_index("c")
    s = lax.axis_index("s")
    wid = s * NC + c
    pltpu.sync_copy(dsts_hbm.at[wid], idx_v)
    base = wid * TG

    pltpu.sync_copy(z128_hbm, spA.at[pl.ds(s * ZB, ZB)])
    plsc.subcore_barrier()
    _scatter_pass(lambda i: w_hbm.at[pl.ds(base + i * S2C, S2C), :],
                  S2N, spA, idx_v, buf0, buf1, sr0, sr1, ss0, ss1)
    plsc.subcore_barrier()
    pltpu.sync_copy(spA.at[pl.ds(s * CB, CB)],
                    denp_hbm.at[c, pl.ds(s * CB, CB), :])

    @pl.when(s == 0)
    def _():
        pltpu.sync_copy(spA.at[pl.ds(NS * CB, CBT)],
                        denp_hbm.at[c, pl.ds(NS * CB, CBT), :])

    for q in range(NH):
        plsc.subcore_barrier()
        pltpu.sync_copy(z128_hbm, spA.at[pl.ds(s * ZB, ZB)])
        plsc.subcore_barrier()
        _scatter_pass(lambda i: msg_hbm.at[q, pl.ds(base + i * S2C, S2C), :],
                      S2N, spA, idx_v, buf0, buf1, sr0, sr1, ss0, ss1)
        plsc.subcore_barrier()
        pltpu.sync_copy(spA.at[pl.ds(s * CB, CB)],
                        nump_hbm.at[c, q, pl.ds(s * CB, CB), :])

        @pl.when(s == 0)
        def _():
            pltpu.sync_copy(spA.at[pl.ds(NS * CB, CBT)],
                            nump_hbm.at[c, q, pl.ds(NS * CB, CBT), :])


def _sc2(msg4, w128, dsts3, z128):
    mesh = plsc.VectorSubcoreMesh(
        core_axis_name="c", subcore_axis_name="s",
        num_cores=NC, num_subcores=NS)
    return pl.kernel(
        _sc2_body,
        out_type=[
            jax.ShapeDtypeStruct((NC, NH, NN, CH), jnp.float32),
            jax.ShapeDtypeStruct((NC, NN, CH), jnp.float32),
        ],
        mesh=mesh,
        scratch_types=[
            pltpu.VMEM_SHARED((SR, CH), jnp.float32),
            pltpu.VMEM((S2N, S2C), jnp.int32),
            pltpu.VMEM((S2C, CH), jnp.float32),
            pltpu.VMEM((S2C, CH), jnp.float32),
        ] + [pltpu.SemaphoreType.DMA] * 4,
    )(msg4, w128, dsts3, z128)


def _tc3_body(nump_ref, denp_ref, bg_ref, out4_ref):
    num = nump_ref[...]
    den = denp_ref[...]
    ns = num[0] + num[1]
    d = den[0][:, :NH] + den[1][:, :NH]
    bg = bg_ref[...]
    for q in range(NH):
        o = ns[q] / d[:, q:q + 1] + bg[q][None, :]
        out4_ref[q, :, :] = jnp.maximum(o, 0.0)


def _tc3(nump, denp, bg4):
    return pl.pallas_call(
        _tc3_body,
        grid=(NN // BN,),
        in_specs=[
            pl.BlockSpec((NC, NH, BN, CH), lambda i: (0, 0, i, 0)),
            pl.BlockSpec((NC, BN, CH), lambda i: (0, i, 0)),
            pl.BlockSpec((NH, CH), lambda i: (0, 0)),
        ],
        out_specs=pl.BlockSpec((NH, BN, CH), lambda i: (0, i, 0)),
        out_shape=jax.ShapeDtypeStruct((NH, NN, CH), jnp.float32),
    )(nump, denp, bg4)


def _sc3_body(out4_hbm, srcn_hbm, dstn_hbm, z128_hbm,
              aggp_hbm,
              spA, idxs_v, idxd_v, buf0, buf1, sr0, sr1, ss0, ss1):
    c = lax.axis_index("c")
    s = lax.axis_index("s")
    wid = s * NC + c
    pltpu.sync_copy(srcn_hbm.at[wid], idxs_v)
    pltpu.sync_copy(dstn_hbm.at[wid], idxd_v)

    for q in range(NH):
        plsc.subcore_barrier()
        pltpu.sync_copy(z128_hbm, spA.at[pl.ds(s * ZB, ZB)])
        plsc.subcore_barrier()
        _scatter_pass(lambda i: out4_hbm.at[q].at[idxs_v.at[i]],
                      S3N, spA, idxd_v, buf0, buf1, sr0, sr1, ss0, ss1)
        plsc.subcore_barrier()
        pltpu.sync_copy(spA.at[pl.ds(s * CB, CB)],
                        aggp_hbm.at[c, q, pl.ds(s * CB, CB), :])

        @pl.when(s == 0)
        def _():
            pltpu.sync_copy(spA.at[pl.ds(NS * CB, CBT)],
                            aggp_hbm.at[c, q, pl.ds(NS * CB, CBT), :])


def _sc3(out4, srcn3, dstn3, z128):
    mesh = plsc.VectorSubcoreMesh(
        core_axis_name="c", subcore_axis_name="s",
        num_cores=NC, num_subcores=NS)
    return pl.kernel(
        _sc3_body,
        out_type=jax.ShapeDtypeStruct((NC, NH, NN, CH), jnp.float32),
        mesh=mesh,
        scratch_types=[
            pltpu.VMEM_SHARED((SR, CH), jnp.float32),
            pltpu.VMEM((S3N, S3C), jnp.int32),
            pltpu.VMEM((S3N, S3C), jnp.int32),
            pltpu.VMEM((S3C, CH), jnp.float32),
            pltpu.VMEM((S3C, CH), jnp.float32),
        ] + [pltpu.SemaphoreType.DMA] * 4,
    )(out4, srcn3, dstn3, z128)


def _tc4_body(out4_ref, aggp_ref, w1_ref, b1_ref, w2_ref, b2_ref,
              batch_ref, wf_ref, bf_ref, res_ref, psum):
    i = pl.program_id(0)

    @pl.when(i == 0)
    def _():
        psum[...] = jnp.zeros((NG, 128), jnp.float32)

    agg = aggp_ref[...]
    z = out4_ref[...] + agg[0] + agg[1]
    acc = jnp.zeros((BN, 128), jnp.float32)
    w1 = w1_ref[...]
    for q in range(NH):
        acc = acc + jnp.dot(z[q], w1[q], preferred_element_type=jnp.float32)
    y1 = jnp.maximum(acc + b1_ref[...], 0.0)
    y2 = jnp.dot(y1, w2_ref[...], preferred_element_type=jnp.float32) + b2_ref[...]
    y2aug = jnp.concatenate(
        [y2, jnp.ones((BN, 1), jnp.float32), jnp.zeros((BN, 63), jnp.float32)],
        axis=1)
    b = batch_ref[...][0, 0, :]
    gid = lax.broadcasted_iota(jnp.int32, (NG, BN), 0)
    onehot_t = (gid == b[None, :]).astype(jnp.float32)
    psum[...] += jnp.dot(onehot_t, y2aug, preferred_element_type=jnp.float32)

    @pl.when(i == NN // BN - 1)
    def _():
        p = psum[...]
        pooled = p[:, :NG] / jnp.maximum(p[:, NG:NG + 1], 1.0)
        res_ref[...] = jnp.dot(pooled, wf_ref[...],
                               preferred_element_type=jnp.float32) + bf_ref[...]


def _tc4(out4, aggp, w1_4, b1r, w2, b2r, batch3, wf, bfr):
    return pl.pallas_call(
        _tc4_body,
        grid=(NN // BN,),
        in_specs=[
            pl.BlockSpec((NH, BN, CH), lambda i: (0, i, 0)),
            pl.BlockSpec((NC, NH, BN, CH), lambda i: (0, 0, i, 0)),
            pl.BlockSpec((NH, CH, 128), lambda i: (0, 0, 0)),
            pl.BlockSpec((1, 128), lambda i: (0, 0)),
            pl.BlockSpec((128, NG), lambda i: (0, 0)),
            pl.BlockSpec((1, NG), lambda i: (0, 0)),
            pl.BlockSpec((1, 1, BN), lambda i: (i, 0, 0)),
            pl.BlockSpec((NG, 1), lambda i: (0, 0)),
            pl.BlockSpec((1, 1), lambda i: (0, 0)),
        ],
        out_specs=pl.BlockSpec((NG, 1), lambda i: (0, 0)),
        out_shape=jax.ShapeDtypeStruct((NG, 1), jnp.float32),
        scratch_shapes=[pltpu.VMEM((NG, 128), jnp.float32)],
    )(out4, aggp, w1_4, b1r, w2, b2r, batch3, wf, bfr)


def kernel(x, edge_index, batch, W_gat, att_src, att_dst, b_gat,
           W1, b1, W2, b2, Wf, bf):
    src0 = edge_index[0].astype(jnp.int32)
    dst0 = edge_index[1].astype(jnp.int32)
    loop = jnp.arange(NN, dtype=jnp.int32)
    padg = jnp.zeros((EGP - EG,), jnp.int32)
    srcg = jnp.concatenate([src0, loop, padg])
    dstg = jnp.concatenate([dst0, loop, padg])
    srcg3 = srcg.reshape(NW, G1N, G1C)
    dstg3 = dstg.reshape(NW, G1N, G1C)
    dsts3 = dstg.reshape(NW, S2N, S2C)
    srcn = jnp.concatenate([src0, jnp.zeros((ENP - EE,), jnp.int32)])
    dstn = jnp.concatenate(
        [dst0, jnp.full((ENP - EE,), NN, jnp.int32)])
    srcn3 = srcn.reshape(NW, S3N, S3C)
    dstn3 = dstn.reshape(NW, S3N, S3C)

    z128 = jnp.zeros((ZB, CH), jnp.float32)

    haug, ad128 = _tc1(x, W_gat, att_src, att_dst)
    hsa, adg = _sc1(haug, ad128, srcg3, dstg3)
    w128, msg4 = _tc2(hsa, adg)
    nump, denp = _sc2(msg4, w128, dsts3, z128)
    out4 = _tc3(nump, denp, b_gat.reshape(NH, CH))
    aggp = _sc3(out4, srcn3, dstn3, z128)
    res = _tc4(out4, aggp, W1.reshape(NH, CH, 128), b1.reshape(1, 128),
               W2, b2.reshape(1, NG), batch.astype(jnp.int32).reshape(NN // BN, 1, BN),
               Wf, bf.reshape(1, 1))
    return res

# --- scband reference (transcript-rebuilt; emitter-appended) ---
"""Pipeline reference for scband-gnnmodel-9337258901631 (READ-ONLY COPY).

The authoritative reference and input builder live on the scoring server;
editing this copy changes nothing except your own understanding.
"""

import jax, jax.numpy as jnp
import numpy as np

N = 10000
E = 160000
DIN = 128
H = 4
C = 128
G = 64


def setup_inputs(seed: int = 0) -> dict:
    key = jax.random.key(seed)
    ks = jax.random.split(key, 12)
    x = jax.random.normal(ks[0], (N, DIN), dtype=jnp.float32)
    edge_index = jax.random.randint(ks[1], (2, E), 0, N, dtype=jnp.int32)
    batch = jnp.sort(jax.random.randint(ks[2], (N,), 0, G, dtype=jnp.int32))
    s0 = 1.0 / np.sqrt(DIN)
    W_gat = jax.random.uniform(ks[3], (DIN, H * C), minval=-s0, maxval=s0, dtype=jnp.float32)
    att_src = jax.random.uniform(ks[4], (H, C), minval=-s0, maxval=s0, dtype=jnp.float32)
    att_dst = jax.random.uniform(ks[5], (H, C), minval=-s0, maxval=s0, dtype=jnp.float32)
    b_gat = jnp.zeros((H * C,), dtype=jnp.float32)
    s1 = 1.0 / np.sqrt(H * C)
    W1 = jax.random.uniform(ks[6], (H * C, 128), minval=-s1, maxval=s1, dtype=jnp.float32)
    b1 = jax.random.uniform(ks[7], (128,), minval=-s1, maxval=s1, dtype=jnp.float32)
    s2 = 1.0 / np.sqrt(128)
    W2 = jax.random.uniform(ks[8], (128, 64), minval=-s2, maxval=s2, dtype=jnp.float32)
    b2 = jax.random.uniform(ks[9], (64,), minval=-s2, maxval=s2, dtype=jnp.float32)
    s3 = 1.0 / np.sqrt(64)
    Wf = jax.random.uniform(ks[10], (64, 1), minval=-s3, maxval=s3, dtype=jnp.float32)
    bf = jax.random.uniform(ks[11], (1,), minval=-s3, maxval=s3, dtype=jnp.float32)
    return {"x": x, "edge_index": edge_index, "batch": batch, "W_gat": W_gat,
            "att_src": att_src, "att_dst": att_dst, "b_gat": b_gat,
            "W1": W1, "b1": b1, "W2": W2, "b2": b2, "Wf": Wf, "bf": bf}


def reference(x, edge_index, batch, W_gat, att_src, att_dst, b_gat, W1, b1, W2, b2, Wf, bf):
    src0 = edge_index[0]
    dst0 = edge_index[1]
    # GATConv (heads=4, concat=True, add_self_loops=True, negative_slope=0.2, eval-mode dropout=identity)
    loop = jnp.arange(N, dtype=src0.dtype)
    src = jnp.concatenate([src0, loop])
    dst = jnp.concatenate([dst0, loop])
    h = (x @ W_gat).reshape(N, H, C)
    a_s = jnp.sum(h * att_src[None, :, :], axis=-1)  # [N, H]
    a_d = jnp.sum(h * att_dst[None, :, :], axis=-1)  # [N, H]
    e = a_s[src] + a_d[dst]  # [E+N, H]
    e = jax.nn.leaky_relu(e, negative_slope=0.2)
    m = jax.lax.stop_gradient(jax.ops.segment_max(e, dst, num_segments=N))
    m = jnp.where(jnp.isfinite(m), m, 0.0)
    ex = jnp.exp(e - m[dst])
    denom = jax.ops.segment_sum(ex, dst, num_segments=N)
    alpha = ex / (denom[dst] + 1e-16)  # [E+N, H]
    msg = alpha[:, :, None] * h[src]  # [E+N, H, C]
    out = jax.ops.segment_sum(msg, dst, num_segments=N).reshape(N, H * C) + b_gat
    out = jax.nn.relu(out)
    # GINConv: (1+eps)*x + sum_{j in N(i)} x_j, eps=0, then MLP 512->128->64
    agg = jax.ops.segment_sum(out[src0], dst0, num_segments=N)
    z = out + agg
    z = jax.nn.relu(z @ W1 + b1) @ W2 + b2
    # global_mean_pool over batch
    sums = jax.ops.segment_sum(z, batch, num_segments=G)
    cnt = jax.ops.segment_sum(jnp.ones((N,), dtype=z.dtype), batch, num_segments=G)
    pooled = sums / jnp.clip(cnt, 1.0)[:, None]
    return pooled @ Wf + bf

if __name__ == "__main__":
    import jax
    _d = setup_inputs()
    print(jax.jit(kernel)(*tuple(_d.values())))

</pallas_src>

<mosaic_0001>
#map = affine_map<(d0, d1) -> (0, 0)>
#map1 = affine_map<(d0, d1) -> (0, 0, 0)>
module attributes {stable_mosaic.version = 14 : i64} {
  func.func @_sc1_body(%arg0: i32, %arg1: i32, %arg2: memref<10000x640xf32, #tpu.memory_space<hbm>>, %arg3: memref<10000x128xf32, #tpu.memory_space<hbm>>, %arg4: memref<32x84x64xi32, #tpu.memory_space<hbm>>, %arg5: memref<32x84x64xi32, #tpu.memory_space<hbm>>, %arg6: memref<172032x640xf32, #tpu.memory_space<hbm>>, %arg7: memref<172032x128xf32, #tpu.memory_space<hbm>>, %arg8: memref<84x64xi32, #tpu.memory_space<vmem>>, %arg9: memref<84x64xi32, #tpu.memory_space<vmem>>, %arg10: memref<64x640xf32, #tpu.memory_space<vmem>>, %arg11: memref<64x640xf32, #tpu.memory_space<vmem>>, %arg12: memref<64x128xf32, #tpu.memory_space<vmem>>, %arg13: memref<64x128xf32, #tpu.memory_space<vmem>>, %arg14: memref<!tpu.dma_semaphore, #tpu.memory_space<semaphore_mem>>, %arg15: memref<!tpu.dma_semaphore, #tpu.memory_space<semaphore_mem>>, %arg16: memref<!tpu.dma_semaphore, #tpu.memory_space<semaphore_mem>>, %arg17: memref<!tpu.dma_semaphore, #tpu.memory_space<semaphore_mem>>, %arg18: memref<!tpu.dma_semaphore, #tpu.memory_space<semaphore_mem>>, %arg19: memref<!tpu.dma_semaphore, #tpu.memory_space<semaphore_mem>>, %arg20: memref<!tpu.dma_semaphore, #tpu.memory_space<semaphore_mem>>, %arg21: memref<!tpu.dma_semaphore, #tpu.memory_space<semaphore_mem>>) attributes {dimension_semantics = [#tpu.dimension_semantics<core_parallel>, #tpu.dimension_semantics<subcore_parallel>], iteration_bounds = array<i64: 2, 16>, scalar_prefetch = 0 : i64, scratch_operands = 14 : i64, tpu.core_type = #tpu.core_type<sc_vector_subcore>, window_params = [{transform_indices = #map}, {transform_indices = #map}, {transform_indices = #map1}, {transform_indices = #map1}, {transform_indices = #map}, {transform_indices = #map}]} {
    %mul3A = arith.constant 2 : i32
    %mul3A_0 = arith.muli %arg1, %mul3A : i32
    %add3A = arith.addi %mul3A_0, %arg0 : i32
    "tpu.region"() ({
      %run_scoped3A = tpu.sem_alloc : memref<!tpu.dma_semaphore, #tpu.memory_space<semaphore_mem>>
      %dma_start3A_34 = arith.constant 0 : i32
      %dma_start3A_35 = arith.constant 0 : i32
      %dma_start3A_36 = tpu.memref_slice %arg4[%add3A, %dma_start3A_34, %dma_start3A_35] : memref<32x84x64xi32, #tpu.memory_space<hbm>> -> memref<1x84x64xi32, #tpu.memory_space<hbm>>
      %dma_start3A_37 = tpu.memref_squeeze %dma_start3A_36 : memref<1x84x64xi32, #tpu.memory_space<hbm>> -> memref<84x64xi32, #tpu.memory_space<hbm>>
      %dma_start3A_38 = arith.constant 0 : i32
      %dma_start3A_39 = arith.constant 0 : i32
      %dma_start3A_40 = tpu.memref_slice %arg4[%add3A, %dma_start3A_38, %dma_start3A_39] : memref<32x84x64xi32, #tpu.memory_space<hbm>> -> memref<1x84x64xi32, #tpu.memory_space<hbm>>
      %dma_start3A_41 = tpu.memref_squeeze %dma_start3A_40 : memref<1x84x64xi32, #tpu.memory_space<hbm>> -> memref<84x64xi32, #tpu.memory_space<hbm>>
      tpu.enqueue_dma source(%dma_start3A_41 : memref<84x64xi32, #tpu.memory_space<hbm>>) target(%arg8 : memref<84x64xi32, #tpu.memory_space<vmem>>) target_semaphore(%run_scoped3A : memref<!tpu.dma_semaphore, #tpu.memory_space<semaphore_mem>>)
      %dma_wait3A_42 = arith.constant 0 : i32
      %dma_wait3A_43 = arith.constant 0 : i32
      %dma_wait3A_44 = tpu.memref_slice %arg4[%add3A, %dma_wait3A_42, %dma_wait3A_43] : memref<32x84x64xi32, #tpu.memory_space<hbm>> -> memref<1x84x64xi32, #tpu.memory_space<hbm>>
      %dma_wait3A_45 = tpu.memref_squeeze %dma_wait3A_44 : memref<1x84x64xi32, #tpu.memory_space<hbm>> -> memref<84x64xi32, #tpu.memory_space<hbm>>
      %dma_wait3A_46 = arith.constant 0 : i32
      %dma_wait3A_47 = arith.constant 0 : i32
      %dma_wait3A_48 = tpu.memref_slice %arg4[%add3A, %dma_wait3A_46, %dma_wait3A_47] : memref<32x84x64xi32, #tpu.memory_space<hbm>> -> memref<1x84x64xi32, #tpu.memory_space<hbm>>
      %dma_wait3A_49 = tpu.memref_squeeze %dma_wait3A_48 : memref<1x84x64xi32, #tpu.memory_space<hbm>> -> memref<84x64xi32, #tpu.memory_space<hbm>>
      tpu.wait_dma2 semaphore(%run_scoped3A : memref<!tpu.dma_semaphore, #tpu.memory_space<semaphore_mem>>) src(%dma_wait3A_49 : memref<84x64xi32, #tpu.memory_space<hbm>>) dst(%arg8 : memref<84x64xi32, #tpu.memory_space<vmem>>)
      tpu.yield
    }) : () -> ()
    "tpu.region"() ({
      %run_scoped3A = tpu.sem_alloc : memref<!tpu.dma_semaphore, #tpu.memory_space<semaphore_mem>>
      %dma_start3A_34 = arith.constant 0 : i32
      %dma_start3A_35 = arith.constant 0 : i32
      %dma_start3A_36 = tpu.memref_slice %arg5[%add3A, %dma_start3A_34, %dma_start3A_35] : memref<32x84x64xi32, #tpu.memory_space<hbm>> -> memref<1x84x64xi32, #tpu.memory_space<hbm>>
      %dma_start3A_37 = tpu.memref_squeeze %dma_start3A_36 : memref<1x84x64xi32, #tpu.memory_space<hbm>> -> memref<84x64xi32, #tpu.memory_space<hbm>>
      %dma_start3A_38 = arith.constant 0 : i32
      %dma_start3A_39 = arith.constant 0 : i32
      %dma_start3A_40 = tpu.memref_slice %arg5[%add3A, %dma_start3A_38, %dma_start3A_39] : memref<32x84x64xi32, #tpu.memory_space<hbm>> -> memref<1x84x64xi32, #tpu.memory_space<hbm>>
      %dma_start3A_41 = tpu.memref_squeeze %dma_start3A_40 : memref<1x84x64xi32, #tpu.memory_space<hbm>> -> memref<84x64xi32, #tpu.memory_space<hbm>>
      tpu.enqueue_dma source(%dma_start3A_41 : memref<84x64xi32, #tpu.memory_space<hbm>>) target(%arg9 : memref<84x64xi32, #tpu.memory_space<vmem>>) target_semaphore(%run_scoped3A : memref<!tpu.dma_semaphore, #tpu.memory_space<semaphore_mem>>)
      %dma_wait3A_42 = arith.constant 0 : i32
      %dma_wait3A_43 = arith.constant 0 : i32
      %dma_wait3A_44 = tpu.memref_slice %arg5[%add3A, %dma_wait3A_42, %dma_wait3A_43] : memref<32x84x64xi32, #tpu.memory_space<hbm>> -> memref<1x84x64xi32, #tpu.memory_space<hbm>>
      %dma_wait3A_45 = tpu.memref_squeeze %dma_wait3A_44 : memref<1x84x64xi32, #tpu.memory_space<hbm>> -> memref<84x64xi32, #tpu.memory_space<hbm>>
      %dma_wait3A_46 = arith.constant 0 : i32
      %dma_wait3A_47 = arith.constant 0 : i32
      %dma_wait3A_48 = tpu.memref_slice %arg5[%add3A, %dma_wait3A_46, %dma_wait3A_47] : memref<32x84x64xi32, #tpu.memory_space<hbm>> -> memref<1x84x64xi32, #tpu.memory_space<hbm>>
      %dma_wait3A_49 = tpu.memref_squeeze %dma_wait3A_48 : memref<1x84x64xi32, #tpu.memory_space<hbm>> -> memref<84x64xi32, #tpu.memory_space<hbm>>
      tpu.wait_dma2 semaphore(%run_scoped3A : memref<!tpu.dma_semaphore, #tpu.memory_space<semaphore_mem>>) src(%dma_wait3A_49 : memref<84x64xi32, #tpu.memory_space<hbm>>) dst(%arg9 : memref<84x64xi32, #tpu.memory_space<vmem>>)
      tpu.yield
    }) : () -> ()
    %mul3A_1 = arith.constant 5376 : i32
    %mul3A_2 = arith.muli %add3A, %mul3A_1 : i32
    %dma_start3A = arith.constant 0 : i32
    %dma_start3A_3 = arith.constant 0 : i32
    %dma_start3A_4 = tpu.memref_slice %arg8[%dma_start3A, %dma_start3A_3] : memref<84x64xi32, #tpu.memory_space<vmem>> -> memref<1x64xi32, #tpu.memory_space<vmem>>
    %dma_start3A_5 = tpu.memref_squeeze %dma_start3A_4 : memref<1x64xi32, #tpu.memory_space<vmem>> -> memref<64xi32, #tpu.memory_space<vmem>>
    %dma_start3A_6 = arith.constant 0 : i32
    %dma_start3A_7 = arith.constant 0 : i32
    %dma_start3A_8 = tpu.memref_slice %arg2[%dma_start3A_6, %dma_start3A_7] : memref<10000x640xf32, #tpu.memory_space<hbm>> -> memref<10000x640xf32, #tpu.memory_space<hbm>>
    tpu.enqueue_indirect_dma source(%dma_start3A_8 : memref<10000x640xf32, #tpu.memory_space<hbm>>) target(%arg10 : memref<64x640xf32, #tpu.memory_space<vmem>>) offsets(%dma_start3A_5 : memref<64xi32, #tpu.memory_space<vmem>>) semaphore(%arg14 : memref<!tpu.dma_semaphore, #tpu.memory_space<semaphore_mem>>)
    %dma_start3A_9 = arith.constant 0 : i32
    %dma_start3A_10 = arith.constant 0 : i32
    %dma_start3A_11 = tpu.memref_slice %arg9[%dma_start3A_9, %dma_start3A_10] : memref<84x64xi32, #tpu.memory_space<vmem>> -> memref<1x64xi32, #tpu.memory_space<vmem>>
    %dma_start3A_12 = tpu.memref_squeeze %dma_start3A_11 : memref<1x64xi32, #tpu.memory_space<vmem>> -> memref<64xi32, #tpu.memory_space<vmem>>
    %dma_start3A_13 = arith.constant 0 : i32
    %dma_start3A_14 = arith.constant 0 : i32
    %dma_start3A_15 = tpu.memref_slice %arg3[%dma_start3A_13, %dma_start3A_14] : memref<10000x128xf32, #tpu.memory_space<hbm>> -> memref<10000x128xf32, #tpu.memory_space<hbm>>
    tpu.enqueue_indirect_dma source(%dma_start3A_15 : memref<10000x128xf32, #tpu.memory_space<hbm>>) target(%arg12 : memref<64x128xf32, #tpu.memory_space<vmem>>) offsets(%dma_start3A_12 : memref<64xi32, #tpu.memory_space<vmem>>) semaphore(%arg16 : memref<!tpu.dma_semaphore, #tpu.memory_space<semaphore_mem>>)
    %scan3A = arith.constant 0 : i32
    %scan3A_16 = arith.constant 0 : i32
    %scan3A_17 = arith.constant 42 : i32
    %scan3A_18 = arith.addi %scan3A_16, %scan3A_17 : i32
    %scan3A_19 = arith.constant 1 : i32
    scf.for %scan3A_34 = %scan3A_16 to %scan3A_18 step %scan3A_19  : i32 {
      %mul3A_35 = arith.constant 2 : i32
      %mul3A_36 = arith.muli %mul3A_35, %scan3A_34 : i32
      %dma_wait3A_37 = arith.constant 0 : i32
      %dma_wait3A_38 = arith.constant 0 : i32
      %dma_wait3A_39 = tpu.memref_slice %arg8[%dma_wait3A_37, %dma_wait3A_38] : memref<84x64xi32, #tpu.memory_space<vmem>> -> memref<1x64xi32, #tpu.memory_space<vmem>>
      %dma_wait3A_40 = tpu.memref_squeeze %dma_wait3A_39 : memref<1x64xi32, #tpu.memory_space<vmem>> -> memref<64xi32, #tpu.memory_space<vmem>>
      %dma_wait3A_41 = arith.constant 0 : i32
      %dma_wait3A_42 = arith.constant 0 : i32
      %dma_wait3A_43 = tpu.memref_slice %arg2[%dma_wait3A_41, %dma_wait3A_42] : memref<10000x640xf32, #tpu.memory_space<hbm>> -> memref<10000x640xf32, #tpu.memory_space<hbm>>
      tpu.wait_indirect_dma semaphore(%arg14 : memref<!tpu.dma_semaphore, #tpu.memory_space<semaphore_mem>>) src(%dma_wait3A_43 : memref<10000x640xf32, #tpu.memory_space<hbm>>) dst(%arg10 : memref<64x640xf32, #tpu.memory_space<vmem>>)
      %dma_wait3A_44 = arith.constant 0 : i32
      %dma_wait3A_45 = arith.constant 0 : i32
      %dma_wait3A_46 = tpu.memref_slice %arg9[%dma_wait3A_44, %dma_wait3A_45] : memref<84x64xi32, #tpu.memory_space<vmem>> -> memref<1x64xi32, #tpu.memory_space<vmem>>
      %dma_wait3A_47 = tpu.memref_squeeze %dma_wait3A_46 : memref<1x64xi32, #tpu.memory_space<vmem>> -> memref<64xi32, #tpu.memory_space<vmem>>
      %dma_wait3A_48 = arith.constant 0 : i32
      %dma_wait3A_49 = arith.constant 0 : i32
      %dma_wait3A_50 = tpu.memref_slice %arg3[%dma_wait3A_48, %dma_wait3A_49] : memref<10000x128xf32, #tpu.memory_space<hbm>> -> memref<10000x128xf32, #tpu.memory_space<hbm>>
      tpu.wait_indirect_dma semaphore(%arg16 : memref<!tpu.dma_semaphore, #tpu.memory_space<semaphore_mem>>) src(%dma_wait3A_50 : memref<10000x128xf32, #tpu.memory_space<hbm>>) dst(%arg12 : memref<64x128xf32, #tpu.memory_space<vmem>>)
      %mul3A_51 = arith.constant 64 : i32
      %mul3A_52 = arith.muli %mul3A_36, %mul3A_51 : i32
      %add3A_53 = arith.addi %mul3A_2, %mul3A_52 : i32
      %dma_start3A_54 = arith.constant 0 : i32
      %dma_start3A_55 = tpu.memref_slice %arg6[%add3A_53, %dma_start3A_54] : memref<172032x640xf32, #tpu.memory_space<hbm>> -> memref<64x640xf32, #tpu.memory_space<hbm>>
      %dma_start3A_56 = arith.constant 0 : i32
      %dma_start3A_57 = tpu.memref_slice %arg6[%add3A_53, %dma_start3A_56] : memref<172032x640xf32, #tpu.memory_space<hbm>> -> memref<64x640xf32, #tpu.memory_space<hbm>>
      tpu.enqueue_dma source(%arg10 : memref<64x640xf32, #tpu.memory_space<vmem>>) target(%dma_start3A_57 : memref<64x640xf32, #tpu.memory_space<hbm>>) target_semaphore(%arg18 : memref<!tpu.dma_semaphore, #tpu.memory_space<semaphore_mem>>)
      %dma_start3A_58 = arith.constant 0 : i32
      %dma_start3A_59 = tpu.memref_slice %arg7[%add3A_53, %dma_start3A_58] : memref<172032x128xf32, #tpu.memory_space<hbm>> -> memref<64x128xf32, #tpu.memory_space<hbm>>
      %dma_start3A_60 = arith.constant 0 : i32
      %dma_start3A_61 = tpu.memref_slice %arg7[%add3A_53, %dma_start3A_60] : memref<172032x128xf32, #tpu.memory_space<hbm>> -> memref<64x128xf32, #tpu.memory_space<hbm>>
      tpu.enqueue_dma source(%arg12 : memref<64x128xf32, #tpu.memory_space<vmem>>) target(%dma_start3A_61 : memref<64x128xf32, #tpu.memory_space<hbm>>) target_semaphore(%arg20 : memref<!tpu.dma_semaphore, #tpu.memory_space<semaphore_mem>>)
      %add3A_62 = arith.constant 1 : i32
      %add3A_63 = arith.addi %mul3A_36, %add3A_62 : i32
      %dma_start3A_64 = arith.constant 0 : i32
      %dma_start3A_65 = tpu.memref_slice %arg8[%add3A_63, %dma_start3A_64] : memref<84x64xi32, #tpu.memory_space<vmem>> -> memref<1x64xi32, #tpu.memory_space<vmem>>
      %dma_start3A_66 = tpu.memref_squeeze %dma_start3A_65 : memref<1x64xi32, #tpu.memory_space<vmem>> -> memref<64xi32, #tpu.memory_space<vmem>>
      %dma_start3A_67 = arith.constant 0 : i32
      %dma_start3A_68 = arith.constant 0 : i32
      %dma_start3A_69 = tpu.memref_slice %arg2[%dma_start3A_67, %dma_start3A_68] : memref<10000x640xf32, #tpu.memory_space<hbm>> -> memref<10000x640xf32, #tpu.memory_space<hbm>>
      tpu.enqueue_indirect_dma source(%dma_start3A_69 : memref<10000x640xf32, #tpu.memory_space<hbm>>) target(%arg11 : memref<64x640xf32, #tpu.memory_space<vmem>>) offsets(%dma_start3A_66 : memref<64xi32, #tpu.memory_space<vmem>>) semaphore(%arg15 : memref<!tpu.dma_semaphore, #tpu.memory_space<semaphore_mem>>)
      %dma_start3A_70 = arith.constant 0 : i32
      %dma_start3A_71 = tpu.memref_slice %arg9[%add3A_63, %dma_start3A_70] : memref<84x64xi32, #tpu.memory_space<vmem>> -> memref<1x64xi32, #tpu.memory_space<vmem>>
      %dma_start3A_72 = tpu.memref_squeeze %dma_start3A_71 : memref<1x64xi32, #tpu.memory_space<vmem>> -> memref<64xi32, #tpu.memory_space<vmem>>
      %dma_start3A_73 = arith.constant 0 : i32
      %dma_start3A_74 = arith.constant 0 : i32
      %dma_start3A_75 = tpu.memref_slice %arg3[%dma_start3A_73, %dma_start3A_74] : memref<10000x128xf32, #tpu.memory_space<hbm>> -> memref<10000x128xf32, #tpu.memory_space<hbm>>
      tpu.enqueue_indirect_dma source(%dma_start3A_75 : memref<10000x128xf32, #tpu.memory_space<hbm>>) target(%arg13 : memref<64x128xf32, #tpu.memory_space<vmem>>) offsets(%dma_start3A_72 : memref<64xi32, #tpu.memory_space<vmem>>) semaphore(%arg17 : memref<!tpu.dma_semaphore, #tpu.memory_space<semaphore_mem>>)
      %dma_wait3A_76 = arith.constant 0 : i32
      %dma_wait3A_77 = arith.constant 0 : i32
      %dma_wait3A_78 = tpu.memref_slice %arg8[%dma_wait3A_76, %dma_wait3A_77] : memref<84x64xi32, #tpu.memory_space<vmem>> -> memref<1x64xi32, #tpu.memory_space<vmem>>
      %dma_wait3A_79 = tpu.memref_squeeze %dma_wait3A_78 : memref<1x64xi32, #tpu.memory_space<vmem>> -> memref<64xi32, #tpu.memory_space<vmem>>
      %dma_wait3A_80 = arith.constant 0 : i32
      %dma_wait3A_81 = arith.constant 0 : i32
      %dma_wait3A_82 = tpu.memref_slice %arg2[%dma_wait3A_80, %dma_wait3A_81] : memref<10000x640xf32, #tpu.memory_space<hbm>> -> memref<10000x640xf32, #tpu.memory_space<hbm>>
      tpu.wait_indirect_dma semaphore(%arg15 : memref<!tpu.dma_semaphore, #tpu.memory_space<semaphore_mem>>) src(%dma_wait3A_82 : memref<10000x640xf32, #tpu.memory_space<hbm>>) dst(%arg11 : memref<64x640xf32, #tpu.memory_space<vmem>>)
      %dma_wait3A_83 = arith.constant 0 : i32
      %dma_wait3A_84 = arith.constant 0 : i32
      %dma_wait3A_85 = tpu.memref_slice %arg9[%dma_wait3A_83, %dma_wait3A_84] : memref<84x64xi32, #tpu.memory_space<vmem>> -> memref<1x64xi32, #tpu.memory_space<vmem>>
      %dma_wait3A_86 = tpu.memref_squeeze %dma_wait3A_85 : memref<1x64xi32, #tpu.memory_space<vmem>> -> memref<64xi32, #tpu.memory_space<vmem>>
      %dma_wait3A_87 = arith.constant 0 : i32
      %dma_wait3A_88 = arith.constant 0 : i32
      %dma_wait3A_89 = tpu.memref_slice %arg3[%dma_wait3A_87, %dma_wait3A_88] : memref<10000x128xf32, #tpu.memory_space<hbm>> -> memref<10000x128xf32, #tpu.memory_space<hbm>>
      tpu.wait_indirect_dma semaphore(%arg17 : memref<!tpu.dma_semaphore, #tpu.memory_space<semaphore_mem>>) src(%dma_wait3A_89 : memref<10000x128xf32, #tpu.memory_space<hbm>>) dst(%arg13 : memref<64x128xf32, #tpu.memory_space<vmem>>)
      %add3A_90 = arith.constant 1 : i32
      %add3A_91 = arith.addi %mul3A_36, %add3A_90 : i32
      %mul3A_92 = arith.constant 64 : i32
      %mul3A_93 = arith.muli %add3A_91, %mul3A_92 : i32
      %add3A_94 = arith.addi %mul3A_2, %mul3A_93 : i32
      %dma_start3A_95 = arith.constant 0 : i32
      %dma_start3A_96 = tpu.memref_slice %arg6[%add3A_94, %dma_start3A_95] : memref<172032x640xf32, #tpu.memory_space<hbm>> -> memref<64x640xf32, #tpu.memory_space<hbm>>
      %dma_start3A_97 = arith.constant 0 : i32
      %dma_start3A_98 = tpu.memref_slice %arg6[%add3A_94, %dma_start3A_97] : memref<172032x640xf32, #tpu.memory_space<hbm>> -> memref<64x640xf32, #tpu.memory_space<hbm>>
      tpu.enqueue_dma source(%arg11 : memref<64x640xf32, #tpu.memory_space<vmem>>) target(%dma_start3A_98 : memref<64x640xf32, #tpu.memory_space<hbm>>) target_semaphore(%arg19 : memref<!tpu.dma_semaphore, #tpu.memory_space<semaphore_mem>>)
      %dma_start3A_99 = arith.constant 0 : i32
      %dma_start3A_100 = tpu.memref_slice %arg7[%add3A_94, %dma_start3A_99] : memref<172032x128xf32, #tpu.memory_space<hbm>> -> memref<64x128xf32, #tpu.memory_space<hbm>>
      %dma_start3A_101 = arith.constant 0 : i32
      %dma_start3A_102 = tpu.memref_slice %arg7[%add3A_94, %dma_start3A_101] : memref<172032x128xf32, #tpu.memory_space<hbm>> -> memref<64x128xf32, #tpu.memory_space<hbm>>
      tpu.enqueue_dma source(%arg13 : memref<64x128xf32, #tpu.memory_space<vmem>>) target(%dma_start3A_102 : memref<64x128xf32, #tpu.memory_space<hbm>>) target_semaphore(%arg21 : memref<!tpu.dma_semaphore, #tpu.memory_space<semaphore_mem>>)
      %dma_wait3A_103 = arith.constant 0 : i32
      %dma_wait3A_104 = tpu.memref_slice %arg6[%mul3A_2, %dma_wait3A_103] : memref<172032x640xf32, #tpu.memory_space<hbm>> -> memref<64x640xf32, #tpu.memory_space<hbm>>
      %dma_wait3A_105 = arith.constant 0 : i32
      %dma_wait3A_106 = tpu.memref_slice %arg6[%mul3A_2, %dma_wait3A_105] : memref<172032x640xf32, #tpu.memory_space<hbm>> -> memref<64x640xf32, #tpu.memory_space<hbm>>
      tpu.wait_dma2 semaphore(%arg18 : memref<!tpu.dma_semaphore, #tpu.memory_space<semaphore_mem>>) src(%arg10 : memref<64x640xf32, #tpu.memory_space<vmem>>) dst(%dma_wait3A_106 : memref<64x640xf32, #tpu.memory_space<hbm>>)
      %dma_wait3A_107 = arith.constant 0 : i32
      %dma_wait3A_108 = tpu.memref_slice %arg7[%mul3A_2, %dma_wait3A_107] : memref<172032x128xf32, #tpu.memory_space<hbm>> -> memref<64x128xf32, #tpu.memory_space<hbm>>
      %dma_wait3A_109 = arith.constant 0 : i32
      %dma_wait3A_110 = tpu.memref_slice %arg7[%mul3A_2, %dma_wait3A_109] : memref<172032x128xf32, #tpu.memory_space<hbm>> -> memref<64x128xf32, #tpu.memory_space<hbm>>
      tpu.wait_dma2 semaphore(%arg20 : memref<!tpu.dma_semaphore, #tpu.memory_space<semaphore_mem>>) src(%arg12 : memref<64x128xf32, #tpu.memory_space<vmem>>) dst(%dma_wait3A_110 : memref<64x128xf32, #tpu.memory_space<hbm>>)
      %add3A_111 = arith.constant 2 : i32
      %add3A_112 = arith.addi %mul3A_36, %add3A_111 : i32
      %min3A = arith.constant 83 : i32
      %min3A_113 = arith.minsi %add3A_112, %min3A : i32
      %dma_start3A_114 = arith.constant 0 : i32
      %dma_start3A_115 = tpu.memref_slice %arg8[%min3A_113, %dma_start3A_114] : memref<84x64xi32, #tpu.memory_space<vmem>> -> memref<1x64xi32, #tpu.memory_space<vmem>>
      %dma_start3A_116 = tpu.memref_squeeze %dma_start3A_115 : memref<1x64xi32, #tpu.memory_space<vmem>> -> memref<64xi32, #tpu.memory_space<vmem>>
      %dma_start3A_117 = arith.constant 0 : i32
      %dma_start3A_118 = arith.constant 0 : i32
      %dma_start3A_119 = tpu.memref_slice %arg2[%dma_start3A_117, %dma_start3A_118] : memref<10000x640xf32, #tpu.memory_space<hbm>> -> memref<10000x640xf32, #tpu.memory_space<hbm>>
      tpu.enqueue_indirect_dma source(%dma_start3A_119 : memref<10000x640xf32, #tpu.memory_space<hbm>>) target(%arg10 : memref<64x640xf32, #tpu.memory_space<vmem>>) offsets(%dma_start3A_116 : memref<64xi32, #tpu.memory_space<vmem>>) semaphore(%arg14 : memref<!tpu.dma_semaphore, #tpu.memory_space<semaphore_mem>>)
      %dma_start3A_120 = arith.constant 0 : i32
      %dma_start3A_121 = tpu.memref_slice %arg9[%min3A_113, %dma_start3A_120] : memref<84x64xi32, #tpu.memory_space<vmem>> -> memref<1x64xi32, #tpu.memory_space<vmem>>
      %dma_start3A_122 = tpu.memref_squeeze %dma_start3A_121 : memref<1x64xi32, #tpu.memory_space<vmem>> -> memref<64xi32, #tpu.memory_space<vmem>>
      %dma_start3A_123 = arith.constant 0 : i32
      %dma_start3A_124 = arith.constant 0 : i32
      %dma_start3A_125 = tpu.memref_slice %arg3[%dma_start3A_123, %dma_start3A_124] : memref<10000x128xf32, #tpu.memory_space<hbm>> -> memref<10000x128xf32, #tpu.memory_space<hbm>>
      tpu.enqueue_indirect_dma source(%dma_start3A_125 : memref<10000x128xf32, #tpu.memory_space<hbm>>) target(%arg12 : memref<64x128xf32, #tpu.memory_space<vmem>>) offsets(%dma_start3A_122 : memref<64xi32, #tpu.memory_space<vmem>>) semaphore(%arg16 : memref<!tpu.dma_semaphore, #tpu.memory_space<semaphore_mem>>)
      %dma_wait3A_126 = arith.constant 0 : i32
      %dma_wait3A_127 = tpu.memref_slice %arg6[%mul3A_2, %dma_wait3A_126] : memref<172032x640xf32, #tpu.memory_space<hbm>> -> memref<64x640xf32, #tpu.memory_space<hbm>>
      %dma_wait3A_128 = arith.constant 0 : i32
      %dma_wait3A_129 = tpu.memref_slice %arg6[%mul3A_2, %dma_wait3A_128] : memref<172032x640xf32, #tpu.memory_space<hbm>> -> memref<64x640xf32, #tpu.memory_space<hbm>>
      tpu.wait_dma2 semaphore(%arg19 : memref<!tpu.dma_semaphore, #tpu.memory_space<semaphore_mem>>) src(%arg11 : memref<64x640xf32, #tpu.memory_space<vmem>>) dst(%dma_wait3A_129 : memref<64x640xf32, #tpu.memory_space<hbm>>)
      %dma_wait3A_130 = arith.constant 0 : i32
      %dma_wait3A_131 = tpu.memref_slice %arg7[%mul3A_2, %dma_wait3A_130] : memref<172032x128xf32, #tpu.memory_space<hbm>> -> memref<64x128xf32, #tpu.memory_space<hbm>>
      %dma_wait3A_132 = arith.constant 0 : i32
      %dma_wait3A_133 = tpu.memref_slice %arg7[%mul3A_2, %dma_wait3A_132] : memref<172032x128xf32, #tpu.memory_space<hbm>> -> memref<64x128xf32, #tpu.memory_space<hbm>>
      tpu.wait_dma2 semaphore(%arg21 : memref<!tpu.dma_semaphore, #tpu.memory_space<semaphore_mem>>) src(%arg13 : memref<64x128xf32, #tpu.memory_space<vmem>>) dst(%dma_wait3A_133 : memref<64x128xf32, #tpu.memory_space<hbm>>)
    }
    %scan3A_20 = arith.constant 42 : i32
    %dma_wait3A = arith.constant 0 : i32
    %dma_wait3A_21 = arith.constant 0 : i32
    %dma_wait3A_22 = tpu.memref_slice %arg8[%dma_wait3A, %dma_wait3A_21] : memref<84x64xi32, #tpu.memory_space<vmem>> -> memref<1x64xi32, #tpu.memory_space<vmem>>
    %dma_wait3A_23 = tpu.memref_squeeze %dma_wait3A_22 : memref<1x64xi32, #tpu.memory_space<vmem>> -> memref<64xi32, #tpu.memory_space<vmem>>
    %dma_wait3A_24 = arith.constant 0 : i32
    %dma_wait3A_25 = arith.constant 0 : i32
    %dma_wait3A_26 = tpu.memref_slice %arg2[%dma_wait3A_24, %dma_wait3A_25] : memref<10000x640xf32, #tpu.memory_space<hbm>> -> memref<10000x640xf32, #tpu.memory_space<hbm>>
    tpu.wait_indirect_dma semaphore(%arg14 : memref<!tpu.dma_semaphore, #tpu.memory_space<semaphore_mem>>) src(%dma_wait3A_26 : memref<10000x640xf32, #tpu.memory_space<hbm>>) dst(%arg10 : memref<64x640xf32, #tpu.memory_space<vmem>>)
    %dma_wait3A_27 = arith.constant 0 : i32
    %dma_wait3A_28 = arith.constant 0 : i32
    %dma_wait3A_29 = tpu.memref_slice %arg9[%dma_wait3A_27, %dma_wait3A_28] : memref<84x64xi32, #tpu.memory_space<vmem>> -> memref<1x64xi32, #tpu.memory_space<vmem>>
    %dma_wait3A_30 = tpu.memref_squeeze %dma_wait3A_29 : memref<1x64xi32, #tpu.memory_space<vmem>> -> memref<64xi32, #tpu.memory_space<vmem>>
    %dma_wait3A_31 = arith.constant 0 : i32
    %dma_wait3A_32 = arith.constant 0 : i32
    %dma_wait3A_33 = tpu.memref_slice %arg3[%dma_wait3A_31, %dma_wait3A_32] : memref<10000x128xf32, #tpu.memory_space<hbm>> -> memref<10000x128xf32, #tpu.memory_space<hbm>>
    tpu.wait_indirect_dma semaphore(%arg16 : memref<!tpu.dma_semaphore, #tpu.memory_space<semaphore_mem>>) src(%dma_wait3A_33 : memref<10000x128xf32, #tpu.memory_space<hbm>>) dst(%arg12 : memref<64x128xf32, #tpu.memory_space<vmem>>)
    return
  }
}

#map = affine_map<(d0, d1) -> (0, 0, 0)>
#map1 = affine_map<(d0, d1) -> (0, 0)>
#map2 = affine_map<(d0, d1) -> (0, 0, 0, 0)>
module attributes {stable_mosaic.version = 14 : i64} {
  func.func @_sc3_body(%arg0: i32, %arg1: i32, %arg2: memref<4x10000x128xf32, #tpu.memory_space<hbm>>, %arg3: memref<32x40x128xi32, #tpu.memory_space<hbm>>, %arg4: memref<32x40x128xi32, #tpu.memory_space<hbm>>, %arg5: memref<640x128xf32, #tpu.memory_space<hbm>>, %arg6: memref<2x4x10000x128xf32, #tpu.memory_space<hbm>>, %arg7: memref<10240x128xf32, #tpu.memory_space<vmem_shared>>, %arg8: memref<40x128xi32, #tpu.memory_space<vmem>>, %arg9: memref<40x128xi32, #tpu.memory_space<vmem>>, %arg10: memref<128x128xf32, #tpu.memory_space<vmem>>, %arg11: memref<128x128xf32, #tpu.memory_space<vmem>>, %arg12: memref<!tpu.dma_semaphore, #tpu.memory_space<semaphore_mem>>, %arg13: memref<!tpu.dma_semaphore, #tpu.memory_space<semaphore_mem>>, %arg14: memref<!tpu.dma_semaphore, #tpu.memory_space<semaphore_mem>>, %arg15: memref<!tpu.dma_semaphore, #tpu.memory_space<semaphore_mem>>) attributes {dimension_semantics = [#tpu.dimension_semantics<core_parallel>, #tpu.dimension_semantics<subcore_parallel>], iteration_bounds = array<i64: 2, 16>, scalar_prefetch = 0 : i64, scratch_operands = 9 : i64, tpu.core_type = #tpu.core_type<sc_vector_subcore>, window_params = [{transform_indices = #map}, {transform_indices = #map}, {transform_indices = #map}, {transform_indices = #map1}, {transform_indices = #map2}]} {
    %mul3A = arith.constant 2 : i32
    %mul3A_0 = arith.muli %arg1, %mul3A : i32
    %add3A = arith.addi %mul3A_0, %arg0 : i32
    "tpu.region"() ({
      %run_scoped3A_173 = tpu.sem_alloc : memref<!tpu.dma_semaphore, #tpu.memory_space<semaphore_mem>>
      %dma_start3A_174 = arith.constant 0 : i32
      %dma_start3A_175 = arith.constant 0 : i32
      %dma_start3A_176 = tpu.memref_slice %arg3[%add3A, %dma_start3A_174, %dma_start3A_175] : memref<32x40x128xi32, #tpu.memory_space<hbm>> -> memref<1x40x128xi32, #tpu.memory_space<hbm>>
      %dma_start3A_177 = tpu.memref_squeeze %dma_start3A_176 : memref<1x40x128xi32, #tpu.memory_space<hbm>> -> memref<40x128xi32, #tpu.memory_space<hbm>>
      %dma_start3A_178 = arith.constant 0 : i32
      %dma_start3A_179 = arith.constant 0 : i32
      %dma_start3A_180 = tpu.memref_slice %arg3[%add3A, %dma_start3A_178, %dma_start3A_179] : memref<32x40x128xi32, #tpu.memory_space<hbm>> -> memref<1x40x128xi32, #tpu.memory_space<hbm>>
      %dma_start3A_181 = tpu.memref_squeeze %dma_start3A_180 : memref<1x40x128xi32, #tpu.memory_space<hbm>> -> memref<40x128xi32, #tpu.memory_space<hbm>>
      tpu.enqueue_dma source(%dma_start3A_181 : memref<40x128xi32, #tpu.memory_space<hbm>>) target(%arg8 : memref<40x128xi32, #tpu.memory_space<vmem>>) target_semaphore(%run_scoped3A_173 : memref<!tpu.dma_semaphore, #tpu.memory_space<semaphore_mem>>)
      %dma_wait3A_182 = arith.constant 0 : i32
      %dma_wait3A_183 = arith.constant 0 : i32
      %dma_wait3A_184 = tpu.memref_slice %arg3[%add3A, %dma_wait3A_182, %dma_wait3A_183] : memref<32x40x128xi32, #tpu.memory_space<hbm>> -> memref<1x40x128xi32, #tpu.memory_space<hbm>>
      %dma_wait3A_185 = tpu.memref_squeeze %dma_wait3A_184 : memref<1x40x128xi32, #tpu.memory_space<hbm>> -> memref<40x128xi32, #tpu.memory_space<hbm>>
      %dma_wait3A_186 = arith.constant 0 : i32
      %dma_wait3A_187 = arith.constant 0 : i32
      %dma_wait3A_188 = tpu.memref_slice %arg3[%add3A, %dma_wait3A_186, %dma_wait3A_187] : memref<32x40x128xi32, #tpu.memory_space<hbm>> -> memref<1x40x128xi32, #tpu.memory_space<hbm>>
      %dma_wait3A_189 = tpu.memref_squeeze %dma_wait3A_188 : memref<1x40x128xi32, #tpu.memory_space<hbm>> -> memref<40x128xi32, #tpu.memory_space<hbm>>
      tpu.wait_dma2 semaphore(%run_scoped3A_173 : memref<!tpu.dma_semaphore, #tpu.memory_space<semaphore_mem>>) src(%dma_wait3A_189 : memref<40x128xi32, #tpu.memory_space<hbm>>) dst(%arg8 : memref<40x128xi32, #tpu.memory_space<vmem>>)
      tpu.yield
    }) : () -> ()
    "tpu.region"() ({
      %run_scoped3A_173 = tpu.sem_alloc : memref<!tpu.dma_semaphore, #tpu.memory_space<semaphore_mem>>
      %dma_start3A_174 = arith.constant 0 : i32
      %dma_start3A_175 = arith.constant 0 : i32
      %dma_start3A_176 = tpu.memref_slice %arg4[%add3A, %dma_start3A_174, %dma_start3A_175] : memref<32x40x128xi32, #tpu.memory_space<hbm>> -> memref<1x40x128xi32, #tpu.memory_space<hbm>>
      %dma_start3A_177 = tpu.memref_squeeze %dma_start3A_176 : memref<1x40x128xi32, #tpu.memory_space<hbm>> -> memref<40x128xi32, #tpu.memory_space<hbm>>
      %dma_start3A_178 = arith.constant 0 : i32
      %dma_start3A_179 = arith.constant 0 : i32
      %dma_start3A_180 = tpu.memref_slice %arg4[%add3A, %dma_start3A_178, %dma_start3A_179] : memref<32x40x128xi32, #tpu.memory_space<hbm>> -> memref<1x40x128xi32, #tpu.memory_space<hbm>>
      %dma_start3A_181 = tpu.memref_squeeze %dma_start3A_180 : memref<1x40x128xi32, #tpu.memory_space<hbm>> -> memref<40x128xi32, #tpu.memory_space<hbm>>
      tpu.enqueue_dma source(%dma_start3A_181 : memref<40x128xi32, #tpu.memory_space<hbm>>) target(%arg9 : memref<40x128xi32, #tpu.memory_space<vmem>>) target_semaphore(%run_scoped3A_173 : memref<!tpu.dma_semaphore, #tpu.memory_space<semaphore_mem>>)
      %dma_wait3A_182 = arith.constant 0 : i32
      %dma_wait3A_183 = arith.constant 0 : i32
      %dma_wait3A_184 = tpu.memref_slice %arg4[%add3A, %dma_wait3A_182, %dma_wait3A_183] : memref<32x40x128xi32, #tpu.memory_space<hbm>> -> memref<1x40x128xi32, #tpu.memory_space<hbm>>
      %dma_wait3A_185 = tpu.memref_squeeze %dma_wait3A_184 : memref<1x40x128xi32, #tpu.memory_space<hbm>> -> memref<40x128xi32, #tpu.memory_space<hbm>>
      %dma_wait3A_186 = arith.constant 0 : i32
      %dma_wait3A_187 = arith.constant 0 : i32
      %dma_wait3A_188 = tpu.memref_slice %arg4[%add3A, %dma_wait3A_186, %dma_wait3A_187] : memref<32x40x128xi32, #tpu.memory_space<hbm>> -> memref<1x40x128xi32, #tpu.memory_space<hbm>>
      %dma_wait3A_189 = tpu.memref_squeeze %dma_wait3A_188 : memref<1x40x128xi32, #tpu.memory_space<hbm>> -> memref<40x128xi32, #tpu.memory_space<hbm>>
      tpu.wait_dma2 semaphore(%run_scoped3A_173 : memref<!tpu.dma_semaphore, #tpu.memory_space<semaphore_mem>>) src(%dma_wait3A_189 : memref<40x128xi32, #tpu.memory_space<hbm>>) dst(%arg9 : memref<40x128xi32, #tpu.memory_space<vmem>>)
      tpu.yield
    }) : () -> ()
    %barrier3A = arith.constant 0 : index
    tpu.barrier barrier_id(%barrier3A)
    %mul3A_1 = arith.constant 640 : i32
    %mul3A_2 = arith.muli %arg1, %mul3A_1 : i32
    "tpu.region"() ({
      %run_scoped3A_173 = tpu.sem_alloc : memref<!tpu.dma_semaphore, #tpu.memory_space<semaphore_mem>>
      %dma_start3A_174 = arith.constant 0 : i32
      %dma_start3A_175 = tpu.memref_slice %arg7[%mul3A_2, %dma_start3A_174] : memref<10240x128xf32, #tpu.memory_space<vmem_shared>> -> memref<640x128xf32, #tpu.memory_space<vmem_shared>>
      tpu.enqueue_dma source(%arg5 : memref<640x128xf32, #tpu.memory_space<hbm>>) target(%dma_start3A_175 : memref<640x128xf32, #tpu.memory_space<vmem_shared>>) target_semaphore(%run_scoped3A_173 : memref<!tpu.dma_semaphore, #tpu.memory_space<semaphore_mem>>)
      %dma_wait3A_176 = arith.constant 0 : i32
      %dma_wait3A_177 = tpu.memref_slice %arg7[%mul3A_2, %dma_wait3A_176] : memref<10240x128xf32, #tpu.memory_space<vmem_shared>> -> memref<640x128xf32, #tpu.memory_space<vmem_shared>>
      tpu.wait_dma2 semaphore(%run_scoped3A_173 : memref<!tpu.dma_semaphore, #tpu.memory_space<semaphore_mem>>) src(%arg5 : memref<640x128xf32, #tpu.memory_space<hbm>>) dst(%dma_wait3A_177 : memref<640x128xf32, #tpu.memory_space<vmem_shared>>)
      tpu.yield
    }) : () -> ()
    %barrier3A_3 = arith.constant 0 : index
    tpu.barrier barrier_id(%barrier3A_3)
    %dma_start3A = arith.constant 0 : i32
    %dma_start3A_4 = arith.constant 0 : i32
    %dma_start3A_5 = arith.constant 0 : i32
    %dma_start3A_6 = tpu.memref_slice %arg8[%dma_start3A_4, %dma_start3A_5] : memref<40x128xi32, #tpu.memory_space<vmem>> -> memref<1x128xi32, #tpu.memory_space<vmem>>
    %dma_start3A_7 = tpu.memref_squeeze %dma_start3A_6 : memref<1x128xi32, #tpu.memory_space<vmem>> -> memref<128xi32, #tpu.memory_space<vmem>>
    %dma_start3A_8 = arith.constant 0 : i32
    %dma_start3A_9 = arith.constant 0 : i32
    %dma_start3A_10 = tpu.memref_slice %arg2[%dma_start3A, %dma_start3A_8, %dma_start3A_9] : memref<4x10000x128xf32, #tpu.memory_space<hbm>> -> memref<1x10000x128xf32, #tpu.memory_space<hbm>>
    %dma_start3A_11 = tpu.memref_squeeze %dma_start3A_10 : memref<1x10000x128xf32, #tpu.memory_space<hbm>> -> memref<10000x128xf32, #tpu.memory_space<hbm>>
    %dma_start3A_12 = arith.constant 0 : i32
    %dma_start3A_13 = arith.constant 0 : i32
    %dma_start3A_14 = tpu.memref_slice %dma_start3A_11[%dma_start3A_12, %dma_start3A_13] : memref<10000x128xf32, #tpu.memory_space<hbm>> -> memref<10000x128xf32, #tpu.memory_space<hbm>>
    tpu.enqueue_indirect_dma source(%dma_start3A_14 : memref<10000x128xf32, #tpu.memory_space<hbm>>) target(%arg10 : memref<128x128xf32, #tpu.memory_space<vmem>>) offsets(%dma_start3A_7 : memref<128xi32, #tpu.memory_space<vmem>>) semaphore(%arg12 : memref<!tpu.dma_semaphore, #tpu.memory_space<semaphore_mem>>)
    %scan3A = arith.constant 0 : i32
    %scan3A_15 = arith.constant 0 : i32
    %scan3A_16 = arith.constant 20 : i32
    %scan3A_17 = arith.addi %scan3A_15, %scan3A_16 : i32
    %scan3A_18 = arith.constant 1 : i32
    scf.for %scan3A_173 = %scan3A_15 to %scan3A_17 step %scan3A_18  : i32 {
      %mul3A_174 = arith.constant 2 : i32
      %mul3A_175 = arith.muli %mul3A_174, %scan3A_173 : i32
      %dma_wait3A_176 = arith.constant 0 : i32
      %dma_wait3A_177 = arith.constant 0 : i32
      %dma_wait3A_178 = arith.constant 0 : i32
      %dma_wait3A_179 = tpu.memref_slice %arg8[%dma_wait3A_177, %dma_wait3A_178] : memref<40x128xi32, #tpu.memory_space<vmem>> -> memref<1x128xi32, #tpu.memory_space<vmem>>
      %dma_wait3A_180 = tpu.memref_squeeze %dma_wait3A_179 : memref<1x128xi32, #tpu.memory_space<vmem>> -> memref<128xi32, #tpu.memory_space<vmem>>
      %dma_wait3A_181 = arith.constant 0 : i32
      %dma_wait3A_182 = arith.constant 0 : i32
      %dma_wait3A_183 = tpu.memref_slice %arg2[%dma_wait3A_176, %dma_wait3A_181, %dma_wait3A_182] : memref<4x10000x128xf32, #tpu.memory_space<hbm>> -> memref<1x10000x128xf32, #tpu.memory_space<hbm>>
      %dma_wait3A_184 = tpu.memref_squeeze %dma_wait3A_183 : memref<1x10000x128xf32, #tpu.memory_space<hbm>> -> memref<10000x128xf32, #tpu.memory_space<hbm>>
      %dma_wait3A_185 = arith.constant 0 : i32
      %dma_wait3A_186 = arith.constant 0 : i32
      %dma_wait3A_187 = tpu.memref_slice %dma_wait3A_184[%dma_wait3A_185, %dma_wait3A_186] : memref<10000x128xf32, #tpu.memory_space<hbm>> -> memref<10000x128xf32, #tpu.memory_space<hbm>>
      tpu.wait_indirect_dma semaphore(%arg12 : memref<!tpu.dma_semaphore, #tpu.memory_space<semaphore_mem>>) src(%dma_wait3A_187 : memref<10000x128xf32, #tpu.memory_space<hbm>>) dst(%arg10 : memref<128x128xf32, #tpu.memory_space<vmem>>)
      %dma_start3A_188 = arith.constant 0 : i32
      %dma_start3A_189 = tpu.memref_slice %arg9[%mul3A_175, %dma_start3A_188] : memref<40x128xi32, #tpu.memory_space<vmem>> -> memref<1x128xi32, #tpu.memory_space<vmem>>
      %dma_start3A_190 = tpu.memref_squeeze %dma_start3A_189 : memref<1x128xi32, #tpu.memory_space<vmem>> -> memref<128xi32, #tpu.memory_space<vmem>>
      %dma_start3A_191 = arith.constant 0 : i32
      %dma_start3A_192 = arith.constant 0 : i32
      %dma_start3A_193 = tpu.memref_slice %arg7[%dma_start3A_191, %dma_start3A_192] : memref<10240x128xf32, #tpu.memory_space<vmem_shared>> -> memref<10240x128xf32, #tpu.memory_space<vmem_shared>>
      tpu.enqueue_indirect_dma source(%arg10 : memref<128x128xf32, #tpu.memory_space<vmem>>) target(%dma_start3A_193 : memref<10240x128xf32, #tpu.memory_space<vmem_shared>>) offsets(%dma_start3A_190 : memref<128xi32, #tpu.memory_space<vmem>>) semaphore(%arg14 : memref<!tpu.dma_semaphore, #tpu.memory_space<semaphore_mem>>) {add = true}
      %add3A_194 = arith.constant 1 : i32
      %add3A_195 = arith.addi %mul3A_175, %add3A_194 : i32
      %dma_start3A_196 = arith.constant 0 : i32
      %dma_start3A_197 = arith.constant 0 : i32
      %dma_start3A_198 = tpu.memref_slice %arg8[%add3A_195, %dma_start3A_197] : memref<40x128xi32, #tpu.memory_space<vmem>> -> memref<1x128xi32, #tpu.memory_space<vmem>>
      %dma_start3A_199 = tpu.memref_squeeze %dma_start3A_198 : memref<1x128xi32, #tpu.memory_space<vmem>> -> memref<128xi32, #tpu.memory_space<vmem>>
      %dma_start3A_200 = arith.constant 0 : i32
      %dma_start3A_201 = arith.constant 0 : i32
      %dma_start3A_202 = tpu.memref_slice %arg2[%dma_start3A_196, %dma_start3A_200, %dma_start3A_201] : memref<4x10000x128xf32, #tpu.memory_space<hbm>> -> memref<1x10000x128xf32, #tpu.memory_space<hbm>>
      %dma_start3A_203 = tpu.memref_squeeze %dma_start3A_202 : memref<1x10000x128xf32, #tpu.memory_space<hbm>> -> memref<10000x128xf32, #tpu.memory_space<hbm>>
      %dma_start3A_204 = arith.constant 0 : i32
      %dma_start3A_205 = arith.constant 0 : i32
      %dma_start3A_206 = tpu.memref_slice %dma_start3A_203[%dma_start3A_204, %dma_start3A_205] : memref<10000x128xf32, #tpu.memory_space<hbm>> -> memref<10000x128xf32, #tpu.memory_space<hbm>>
      tpu.enqueue_indirect_dma source(%dma_start3A_206 : memref<10000x128xf32, #tpu.memory_space<hbm>>) target(%arg11 : memref<128x128xf32, #tpu.memory_space<vmem>>) offsets(%dma_start3A_199 : memref<128xi32, #tpu.memory_space<vmem>>) semaphore(%arg13 : memref<!tpu.dma_semaphore, #tpu.memory_space<semaphore_mem>>)
      %dma_wait3A_207 = arith.constant 0 : i32
      %dma_wait3A_208 = arith.constant 0 : i32
      %dma_wait3A_209 = arith.constant 0 : i32
      %dma_wait3A_210 = tpu.memref_slice %arg8[%dma_wait3A_208, %dma_wait3A_209] : memref<40x128xi32, #tpu.memory_space<vmem>> -> memref<1x128xi32, #tpu.memory_space<vmem>>
      %dma_wait3A_211 = tpu.memref_squeeze %dma_wait3A_210 : memref<1x128xi32, #tpu.memory_space<vmem>> -> memref<128xi32, #tpu.memory_space<vmem>>
      %dma_wait3A_212 = arith.constant 0 : i32
      %dma_wait3A_213 = arith.constant 0 : i32
      %dma_wait3A_214 = tpu.memref_slice %arg2[%dma_wait3A_207, %dma_wait3A_212, %dma_wait3A_213] : memref<4x10000x128xf32, #tpu.memory_space<hbm>> -> memref<1x10000x128xf32, #tpu.memory_space<hbm>>
      %dma_wait3A_215 = tpu.memref_squeeze %dma_wait3A_214 : memref<1x10000x128xf32, #tpu.memory_space<hbm>> -> memref<10000x128xf32, #tpu.memory_space<hbm>>
      %dma_wait3A_216 = arith.constant 0 : i32
      %dma_wait3A_217 = arith.constant 0 : i32
      %dma_wait3A_218 = tpu.memref_slice %dma_wait3A_215[%dma_wait3A_216, %dma_wait3A_217] : memref<10000x128xf32, #tpu.memory_space<hbm>> -> memref<10000x128xf32, #tpu.memory_space<hbm>>
      tpu.wait_indirect_dma semaphore(%arg13 : memref<!tpu.dma_semaphore, #tpu.memory_space<semaphore_mem>>) src(%dma_wait3A_218 : memref<10000x128xf32, #tpu.memory_space<hbm>>) dst(%arg11 : memref<128x128xf32, #tpu.memory_space<vmem>>)
      %add3A_219 = arith.constant 1 : i32
      %add3A_220 = arith.addi %mul3A_175, %add3A_219 : i32
      %dma_start3A_221 = arith.constant 0 : i32
      %dma_start3A_222 = tpu.memref_slice %arg9[%add3A_220, %dma_start3A_221] : memref<40x128xi32, #tpu.memory_space<vmem>> -> memref<1x128xi32, #tpu.memory_space<vmem>>
      %dma_start3A_223 = tpu.memref_squeeze %dma_start3A_222 : memref<1x128xi32, #tpu.memory_space<vmem>> -> memref<128xi32, #tpu.memory_space<vmem>>
      %dma_start3A_224 = arith.constant 0 : i32
      %dma_start3A_225 = arith.constant 0 : i32
      %dma_start3A_226 = tpu.memref_slice %arg7[%dma_start3A_224, %dma_start3A_225] : memref<10240x128xf32, #tpu.memory_space<vmem_shared>> -> memref<10240x128xf32, #tpu.memory_space<vmem_shared>>
      tpu.enqueue_indirect_dma source(%arg11 : memref<128x128xf32, #tpu.memory_space<vmem>>) target(%dma_start3A_226 : memref<10240x128xf32, #tpu.memory_space<vmem_shared>>) offsets(%dma_start3A_223 : memref<128xi32, #tpu.memory_space<vmem>>) semaphore(%arg15 : memref<!tpu.dma_semaphore, #tpu.memory_space<semaphore_mem>>) {add = true}
      %dma_wait3A_227 = arith.constant 0 : i32
      %dma_wait3A_228 = arith.constant 0 : i32
      %dma_wait3A_229 = tpu.memref_slice %arg9[%dma_wait3A_227, %dma_wait3A_228] : memref<40x128xi32, #tpu.memory_space<vmem>> -> memref<1x128xi32, #tpu.memory_space<vmem>>
      %dma_wait3A_230 = tpu.memref_squeeze %dma_wait3A_229 : memref<1x128xi32, #tpu.memory_space<vmem>> -> memref<128xi32, #tpu.memory_space<vmem>>
      %dma_wait3A_231 = arith.constant 0 : i32
      %dma_wait3A_232 = arith.constant 0 : i32
      %dma_wait3A_233 = tpu.memref_slice %arg7[%dma_wait3A_231, %dma_wait3A_232] : memref<10240x128xf32, #tpu.memory_space<vmem_shared>> -> memref<10240x128xf32, #tpu.memory_space<vmem_shared>>
      tpu.wait_indirect_dma semaphore(%arg14 : memref<!tpu.dma_semaphore, #tpu.memory_space<semaphore_mem>>) src(%arg10 : memref<128x128xf32, #tpu.memory_space<vmem>>) dst(%dma_wait3A_233 : memref<10240x128xf32, #tpu.memory_space<vmem_shared>>)
      %add3A_234 = arith.constant 2 : i32
      %add3A_235 = arith.addi %mul3A_175, %add3A_234 : i32
      %min3A = arith.constant 39 : i32
      %min3A_236 = arith.minsi %add3A_235, %min3A : i32
      %dma_start3A_237 = arith.constant 0 : i32
      %dma_start3A_238 = arith.constant 0 : i32
      %dma_start3A_239 = tpu.memref_slice %arg8[%min3A_236, %dma_start3A_238] : memref<40x128xi32, #tpu.memory_space<vmem>> -> memref<1x128xi32, #tpu.memory_space<vmem>>
      %dma_start3A_240 = tpu.memref_squeeze %dma_start3A_239 : memref<1x128xi32, #tpu.memory_space<vmem>> -> memref<128xi32, #tpu.memory_space<vmem>>
      %dma_start3A_241 = arith.constant 0 : i32
      %dma_start3A_242 = arith.constant 0 : i32
      %dma_start3A_243 = tpu.memref_slice %arg2[%dma_start3A_237, %dma_start3A_241, %dma_start3A_242] : memref<4x10000x128xf32, #tpu.memory_space<hbm>> -> memref<1x10000x128xf32, #tpu.memory_space<hbm>>
      %dma_start3A_244 = tpu.memref_squeeze %dma_start3A_243 : memref<1x10000x128xf32, #tpu.memory_space<hbm>> -> memref<10000x128xf32, #tpu.memory_space<hbm>>
      %dma_start3A_245 = arith.constant 0 : i32
      %dma_start3A_246 = arith.constant 0 : i32
      %dma_start3A_247 = tpu.memref_slice %dma_start3A_244[%dma_start3A_245, %dma_start3A_246] : memref<10000x128xf32, #tpu.memory_space<hbm>> -> memref<10000x128xf32, #tpu.memory_space<hbm>>
      tpu.enqueue_indirect_dma source(%dma_start3A_247 : memref<10000x128xf32, #tpu.memory_space<hbm>>) target(%arg10 : memref<128x128xf32, #tpu.memory_space<vmem>>) offsets(%dma_start3A_240 : memref<128xi32, #tpu.memory_space<vmem>>) semaphore(%arg12 : memref<!tpu.dma_semaphore, #tpu.memory_space<semaphore_mem>>)
      %dma_wait3A_248 = arith.constant 0 : i32
      %dma_wait3A_249 = arith.constant 0 : i32
      %dma_wait3A_250 = tpu.memref_slice %arg9[%dma_wait3A_248, %dma_wait3A_249] : memref<40x128xi32, #tpu.memory_space<vmem>> -> memref<1x128xi32, #tpu.memory_space<vmem>>
      %dma_wait3A_251 = tpu.memref_squeeze %dma_wait3A_250 : memref<1x128xi32, #tpu.memory_space<vmem>> -> memref<128xi32, #tpu.memory_space<vmem>>
      %dma_wait3A_252 = arith.constant 0 : i32
      %dma_wait3A_253 = arith.constant 0 : i32
      %dma_wait3A_254 = tpu.memref_slice %arg7[%dma_wait3A_252, %dma_wait3A_253] : memref<10240x128xf32, #tpu.memory_space<vmem_shared>> -> memref<10240x128xf32, #tpu.memory_space<vmem_shared>>
      tpu.wait_indirect_dma semaphore(%arg15 : memref<!tpu.dma_semaphore, #tpu.memory_space<semaphore_mem>>) src(%arg11 : memref<128x128xf32, #tpu.memory_space<vmem>>) dst(%dma_wait3A_254 : memref<10240x128xf32, #tpu.memory_space<vmem_shared>>)
    }
    %scan3A_19 = arith.constant 20 : i32
    %dma_wait3A = arith.constant 0 : i32
    %dma_wait3A_20 = arith.constant 0 : i32
    %dma_wait3A_21 = arith.constant 0 : i32
    %dma_wait3A_22 = tpu.memref_slice %arg8[%dma_wait3A_20, %dma_wait3A_21] : memref<40x128xi32, #tpu.memory_space<vmem>> -> memref<1x128xi32, #tpu.memory_space<vmem>>
    %dma_wait3A_23 = tpu.memref_squeeze %dma_wait3A_22 : memref<1x128xi32, #tpu.memory_space<vmem>> -> memref<128xi32, #tpu.memory_space<vmem>>
    %dma_wait3A_24 = arith.constant 0 : i32
    %dma_wait3A_25 = arith.constant 0 : i32
    %dma_wait3A_26 = tpu.memref_slice %arg2[%dma_wait3A, %dma_wait3A_24, %dma_wait3A_25] : memref<4x10000x128xf32, #tpu.memory_space<hbm>> -> memref<1x10000x128xf32, #tpu.memory_space<hbm>>
    %dma_wait3A_27 = tpu.memref_squeeze %dma_wait3A_26 : memref<1x10000x128xf32, #tpu.memory_space<hbm>> -> memref<10000x128xf32, #tpu.memory_space<hbm>>
    %dma_wait3A_28 = arith.constant 0 : i32
    %dma_wait3A_29 = arith.constant 0 : i32
    %dma_wait3A_30 = tpu.memref_slice %dma_wait3A_27[%dma_wait3A_28, %dma_wait3A_29] : memref<10000x128xf32, #tpu.memory_space<hbm>> -> memref<10000x128xf32, #tpu.memory_space<hbm>>
    tpu.wait_indirect_dma semaphore(%arg12 : memref<!tpu.dma_semaphore, #tpu.memory_space<semaphore_mem>>) src(%dma_wait3A_30 : memref<10000x128xf32, #tpu.memory_space<hbm>>) dst(%arg10 : memref<128x128xf32, #tpu.memory_space<vmem>>)
    %barrier3A_31 = arith.constant 0 : index
    tpu.barrier barrier_id(%barrier3A_31)
    %mul3A_32 = arith.constant 624 : i32
    %mul3A_33 = arith.muli %arg1, %mul3A_32 : i32
    %mul3A_34 = arith.constant 624 : i32
    %mul3A_35 = arith.muli %arg1, %mul3A_34 : i32
    %run_scoped3A = arith.constant 0 : i32
    "tpu.region"() ({
      %run_scoped3A_173 = tpu.sem_alloc : memref<!tpu.dma_semaphore, #tpu.memory_space<semaphore_mem>>
      %dma_start3A_174 = arith.constant 0 : i32
      %dma_start3A_175 = tpu.memref_slice %arg6[%arg0, %run_scoped3A, %mul3A_35, %dma_start3A_174] : memref<2x4x10000x128xf32, #tpu.memory_space<hbm>> -> memref<1x1x624x128xf32, #tpu.memory_space<hbm>>
      %dma_start3A_176 = tpu.memref_squeeze %dma_start3A_175 : memref<1x1x624x128xf32, #tpu.memory_space<hbm>> -> memref<624x128xf32, #tpu.memory_space<hbm>>
      %dma_start3A_177 = arith.constant 0 : i32
      %dma_start3A_178 = tpu.memref_slice %arg7[%mul3A_33, %dma_start3A_177] : memref<10240x128xf32, #tpu.memory_space<vmem_shared>> -> memref<624x128xf32, #tpu.memory_space<vmem_shared>>
      tpu.enqueue_dma source(%dma_start3A_178 : memref<624x128xf32, #tpu.memory_space<vmem_shared>>) target(%dma_start3A_176 : memref<624x128xf32, #tpu.memory_space<hbm>>) target_semaphore(%run_scoped3A_173 : memref<!tpu.dma_semaphore, #tpu.memory_space<semaphore_mem>>)
      %dma_wait3A_179 = arith.constant 0 : i32
      %dma_wait3A_180 = tpu.memref_slice %arg6[%arg0, %run_scoped3A, %mul3A_35, %dma_wait3A_179] : memref<2x4x10000x128xf32, #tpu.memory_space<hbm>> -> memref<1x1x624x128xf32, #tpu.memory_space<hbm>>
      %dma_wait3A_181 = tpu.memref_squeeze %dma_wait3A_180 : memref<1x1x624x128xf32, #tpu.memory_space<hbm>> -> memref<624x128xf32, #tpu.memory_space<hbm>>
      %dma_wait3A_182 = arith.constant 0 : i32
      %dma_wait3A_183 = tpu.memref_slice %arg7[%mul3A_33, %dma_wait3A_182] : memref<10240x128xf32, #tpu.memory_space<vmem_shared>> -> memref<624x128xf32, #tpu.memory_space<vmem_shared>>
      tpu.wait_dma2 semaphore(%run_scoped3A_173 : memref<!tpu.dma_semaphore, #tpu.memory_space<semaphore_mem>>) src(%dma_wait3A_183 : memref<624x128xf32, #tpu.memory_space<vmem_shared>>) dst(%dma_wait3A_181 : memref<624x128xf32, #tpu.memory_space<hbm>>)
      tpu.yield
    }) : () -> ()
    %eq3A = arith.constant 0 : i32
    %eq3A_36 = arith.cmpi eq, %arg1, %eq3A : i32
    %convert_element_type3A = arith.extui %eq3A_36 : i1 to i32
    %cond3A = arith.constant 0 : i32
    %cond3A_37 = arith.cmpi ne, %convert_element_type3A, %cond3A : i32
    scf.if %cond3A_37 {
      %run_scoped3A_173 = arith.constant 0 : i32
      "tpu.region"() ({
        %run_scoped3A_174 = tpu.sem_alloc : memref<!tpu.dma_semaphore, #tpu.memory_space<semaphore_mem>>
        %dma_start3A_175 = arith.constant 9984 : i32
        %dma_start3A_176 = arith.constant 0 : i32
        %dma_start3A_177 = tpu.memref_slice %arg6[%arg0, %run_scoped3A_173, %dma_start3A_175, %dma_start3A_176] : memref<2x4x10000x128xf32, #tpu.memory_space<hbm>> -> memref<1x1x16x128xf32, #tpu.memory_space<hbm>>
        %dma_start3A_178 = tpu.memref_squeeze %dma_start3A_177 : memref<1x1x16x128xf32, #tpu.memory_space<hbm>> -> memref<16x128xf32, #tpu.memory_space<hbm>>
        %dma_start3A_179 = arith.constant 9984 : i32
        %dma_start3A_180 = arith.constant 0 : i32
        %dma_start3A_181 = tpu.memref_slice %arg7[%dma_start3A_179, %dma_start3A_180] : memref<10240x128xf32, #tpu.memory_space<vmem_shared>> -> memref<16x128xf32, #tpu.memory_space<vmem_shared>>
        tpu.enqueue_dma source(%dma_start3A_181 : memref<16x128xf32, #tpu.memory_space<vmem_shared>>) target(%dma_start3A_178 : memref<16x128xf32, #tpu.memory_space<hbm>>) target_semaphore(%run_scoped3A_174 : memref<!tpu.dma_semaphore, #tpu.memory_space<semaphore_mem>>)
        %dma_wait3A_182 = arith.constant 9984 : i32
        %dma_wait3A_183 = arith.constant 0 : i32
        %dma_wait3A_184 = tpu.memref_slice %arg6[%arg0, %run_scoped3A_173, %dma_wait3A_182, %dma_wait3A_183] : memref<2x4x10000x128xf32, #tpu.memory_space<hbm>> -> memref<1x1x16x128xf32, #tpu.memory_space<hbm>>
        %dma_wait3A_185 = tpu.memref_squeeze %dma_wait3A_184 : memref<1x1x16x128xf32, #tpu.memory_space<hbm>> -> memref<16x128xf32, #tpu.memory_space<hbm>>
        %dma_wait3A_186 = arith.constant 9984 : i32
        %dma_wait3A_187 = arith.constant 0 : i32
        %dma_wait3A_188 = tpu.memref_slice %arg7[%dma_wait3A_186, %dma_wait3A_187] : memref<10240x128xf32, #tpu.memory_space<vmem_shared>> -> memref<16x128xf32, #tpu.memory_space<vmem_shared>>
        tpu.wait_dma2 semaphore(%run_scoped3A_174 : memref<!tpu.dma_semaphore, #tpu.memory_space<semaphore_mem>>) src(%dma_wait3A_188 : memref<16x128xf32, #tpu.memory_space<vmem_shared>>) dst(%dma_wait3A_185 : memref<16x128xf32, #tpu.memory_space<hbm>>)
        tpu.yield
      }) : () -> ()
    } else {
    }
    %barrier3A_38 = arith.constant 0 : index
    tpu.barrier barrier_id(%barrier3A_38)
    %mul3A_39 = arith.constant 640 : i32
    %mul3A_40 = arith.muli %arg1, %mul3A_39 : i32
    "tpu.region"() ({
      %run_scoped3A_173 = tpu.sem_alloc : memref<!tpu.dma_semaphore, #tpu.memory_space<semaphore_mem>>
      %dma_start3A_174 = arith.constant 0 : i32
      %dma_start3A_175 = tpu.memref_slice %arg7[%mul3A_40, %dma_start3A_174] : memref<10240x128xf32, #tpu.memory_space<vmem_shared>> -> memref<640x128xf32, #tpu.memory_space<vmem_shared>>
      tpu.enqueue_dma source(%arg5 : memref<640x128xf32, #tpu.memory_space<hbm>>) target(%dma_start3A_175 : memref<640x128xf32, #tpu.memory_space<vmem_shared>>) target_semaphore(%run_scoped3A_173 : memref<!tpu.dma_semaphore, #tpu.memory_space<semaphore_mem>>)
      %dma_wait3A_176 = arith.constant 0 : i32
      %dma_wait3A_177 = tpu.memref_slice %arg7[%mul3A_40, %dma_wait3A_176] : memref<10240x128xf32, #tpu.memory_space<vmem_shared>> -> memref<640x128xf32, #tpu.memory_space<vmem_shared>>
      tpu.wait_dma2 semaphore(%run_scoped3A_173 : memref<!tpu.dma_semaphore, #tpu.memory_space<semaphore_mem>>) src(%arg5 : memref<640x128xf32, #tpu.memory_space<hbm>>) dst(%dma_wait3A_177 : memref<640x128xf32, #tpu.memory_space<vmem_shared>>)
      tpu.yield
    }) : () -> ()
    %barrier3A_41 = arith.constant 0 : index
    tpu.barrier barrier_id(%barrier3A_41)
    %dma_start3A_42 = arith.constant 1 : i32
    %dma_start3A_43 = arith.constant 0 : i32
    %dma_start3A_44 = arith.constant 0 : i32
    %dma_start3A_45 = tpu.memref_slice %arg8[%dma_start3A_43, %dma_start3A_44] : memref<40x128xi32, #tpu.memory_space<vmem>> -> memref<1x128xi32, #tpu.memory_space<vmem>>
    %dma_start3A_46 = tpu.memref_squeeze %dma_start3A_45 : memref<1x128xi32, #tpu.memory_space<vmem>> -> memref<128xi32, #tpu.memory_space<vmem>>
    %dma_start3A_47 = arith.constant 0 : i32
    %dma_start3A_48 = arith.constant 0 : i32
    %dma_start3A_49 = tpu.memref_slice %arg2[%dma_start3A_42, %dma_start3A_47, %dma_start3A_48] : memref<4x10000x128xf32, #tpu.memory_space<hbm>> -> memref<1x10000x128xf32, #tpu.memory_space<hbm>>
    %dma_start3A_50 = tpu.memref_squeeze %dma_start3A_49 : memref<1x10000x128xf32, #tpu.memory_space<hbm>> -> memref<10000x128xf32, #tpu.memory_space<hbm>>
    %dma_start3A_51 = arith.constant 0 : i32
    %dma_start3A_52 = arith.constant 0 : i32
    %dma_start3A_53 = tpu.memref_slice %dma_start3A_50[%dma_start3A_51, %dma_start3A_52] : memref<10000x128xf32, #tpu.memory_space<hbm>> -> memref<10000x128xf32, #tpu.memory_space<hbm>>
    tpu.enqueue_indirect_dma source(%dma_start3A_53 : memref<10000x128xf32, #tpu.memory_space<hbm>>) target(%arg10 : memref<128x128xf32, #tpu.memory_space<vmem>>) offsets(%dma_start3A_46 : memref<128xi32, #tpu.memory_space<vmem>>) semaphore(%arg12 : memref<!tpu.dma_semaphore, #tpu.memory_space<semaphore_mem>>)
    %scan3A_54 = arith.constant 0 : i32
    %scan3A_55 = arith.constant 0 : i32
    %scan3A_56 = arith.constant 20 : i32
    %scan3A_57 = arith.addi %scan3A_55, %scan3A_56 : i32
    %scan3A_58 = arith.constant 1 : i32
    scf.for %scan3A_173 = %scan3A_55 to %scan3A_57 step %scan3A_58  : i32 {
      %mul3A_174 = arith.constant 2 : i32
      %mul3A_175 = arith.muli %mul3A_174, %scan3A_173 : i32
      %dma_wait3A_176 = arith.constant 1 : i32
      %dma_wait3A_177 = arith.constant 0 : i32
      %dma_wait3A_178 = arith.constant 0 : i32
      %dma_wait3A_179 = tpu.memref_slice %arg8[%dma_wait3A_177, %dma_wait3A_178] : memref<40x128xi32, #tpu.memory_space<vmem>> -> memref<1x128xi32, #tpu.memory_space<vmem>>
      %dma_wait3A_180 = tpu.memref_squeeze %dma_wait3A_179 : memref<1x128xi32, #tpu.memory_space<vmem>> -> memref<128xi32, #tpu.memory_space<vmem>>
      %dma_wait3A_181 = arith.constant 0 : i32
      %dma_wait3A_182 = arith.constant 0 : i32
      %dma_wait3A_183 = tpu.memref_slice %arg2[%dma_wait3A_176, %dma_wait3A_181, %dma_wait3A_182] : memref<4x10000x128xf32, #tpu.memory_space<hbm>> -> memref<1x10000x128xf32, #tpu.memory_space<hbm>>
      %dma_wait3A_184 = tpu.memref_squeeze %dma_wait3A_183 : memref<1x10000x128xf32, #tpu.memory_space<hbm>> -> memref<10000x128xf32, #tpu.memory_space<hbm>>
      %dma_wait3A_185 = arith.constant 0 : i32
      %dma_wait3A_186 = arith.constant 0 : i32
      %dma_wait3A_187 = tpu.memref_slice %dma_wait3A_184[%dma_wait3A_185, %dma_wait3A_186] : memref<10000x128xf32, #tpu.memory_space<hbm>> -> memref<10000x128xf32, #tpu.memory_space<hbm>>
      tpu.wait_indirect_dma semaphore(%arg12 : memref<!tpu.dma_semaphore, #tpu.memory_space<semaphore_mem>>) src(%dma_wait3A_187 : memref<10000x128xf32, #tpu.memory_space<hbm>>) dst(%arg10 : memref<128x128xf32, #tpu.memory_space<vmem>>)
      %dma_start3A_188 = arith.constant 0 : i32
      %dma_start3A_189 = tpu.memref_slice %arg9[%mul3A_175, %dma_start3A_188] : memref<40x128xi32, #tpu.memory_space<vmem>> -> memref<1x128xi32, #tpu.memory_space<vmem>>
      %dma_start3A_190 = tpu.memref_squeeze %dma_start3A_189 : memref<1x128xi32, #tpu.memory_space<vmem>> -> memref<128xi32, #tpu.memory_space<vmem>>
      %dma_start3A_191 = arith.constant 0 : i32
      %dma_start3A_192 = arith.constant 0 : i32
      %dma_start3A_193 = tpu.memref_slice %arg7[%dma_start3A_191, %dma_start3A_192] : memref<10240x128xf32, #tpu.memory_space<vmem_shared>> -> memref<10240x128xf32, #tpu.memory_space<vmem_shared>>
      tpu.enqueue_indirect_dma source(%arg10 : memref<128x128xf32, #tpu.memory_space<vmem>>) target(%dma_start3A_193 : memref<10240x128xf32, #tpu.memory_space<vmem_shared>>) offsets(%dma_start3A_190 : memref<128xi32, #tpu.memory_space<vmem>>) semaphore(%arg14 : memref<!tpu.dma_semaphore, #tpu.memory_space<semaphore_mem>>) {add = true}
      %add3A_194 = arith.constant 1 : i32
      %add3A_195 = arith.addi %mul3A_175, %add3A_194 : i32
      %dma_start3A_196 = arith.constant 1 : i32
      %dma_start3A_197 = arith.constant 0 : i32
      %dma_start3A_198 = tpu.memref_slice %arg8[%add3A_195, %dma_start3A_197] : memref<40x128xi32, #tpu.memory_space<vmem>> -> memref<1x128xi32, #tpu.memory_space<vmem>>
      %dma_start3A_199 = tpu.memref_squeeze %dma_start3A_198 : memref<1x128xi32, #tpu.memory_space<vmem>> -> memref<128xi32, #tpu.memory_space<vmem>>
      %dma_start3A_200 = arith.constant 0 : i32
      %dma_start3A_201 = arith.constant 0 : i32
      %dma_start3A_202 = tpu.memref_slice %arg2[%dma_start3A_196, %dma_start3A_200, %dma_start3A_201] : memref<4x10000x128xf32, #tpu.memory_space<hbm>> -> memref<1x10000x128xf32, #tpu.memory_space<hbm>>
      %dma_start3A_203 = tpu.memref_squeeze %dma_start3A_202 : memref<1x10000x128xf32, #tpu.memory_space<hbm>> -> memref<10000x128xf32, #tpu.memory_space<hbm>>
      %dma_start3A_204 = arith.constant 0 : i32
      %dma_start3A_205 = arith.constant 0 : i32
      %dma_start3A_206 = tpu.memref_slice %dma_start3A_203[%dma_start3A_204, %dma_start3A_205] : memref<10000x128xf32, #tpu.memory_space<hbm>> -> memref<10000x128xf32, #tpu.memory_space<hbm>>
      tpu.enqueue_indirect_dma source(%dma_start3A_206 : memref<10000x128xf32, #tpu.memory_space<hbm>>) target(%arg11 : memref<128x128xf32, #tpu.memory_space<vmem>>) offsets(%dma_start3A_199 : memref<128xi32, #tpu.memory_space<vmem>>) semaphore(%arg13 : memref<!tpu.dma_semaphore, #tpu.memory_space<semaphore_mem>>)
      %dma_wait3A_207 = arith.constant 1 : i32
      %dma_wait3A_208 = arith.constant 0 : i32
      %dma_wait3A_209 = arith.constant 0 : i32
      %dma_wait3A_210 = tpu.memref_slice %arg8[%dma_wait3A_208, %dma_wait3A_209] : memref<40x128xi32, #tpu.memory_space<vmem>> -> memref<1x128xi32, #tpu.memory_space<vmem>>
      %dma_wait3A_211 = tpu.memref_squeeze %dma_wait3A_210 : memref<1x128xi32, #tpu.memory_space<vmem>> -> memref<128xi32, #tpu.memory_space<vmem>>
      %dma_wait3A_212 = arith.constant 0 : i32
      %dma_wait3A_213 = arith.constant 0 : i32
      %dma_wait3A_214 = tpu.memref_slice %arg2[%dma_wait3A_207, %dma_wait3A_212, %dma_wait3A_213] : memref<4x10000x128xf32, #tpu.memory_space<hbm>> -> memref<1x10000x128xf32, #tpu.memory_space<hbm>>
      %dma_wait3A_215 = tpu.memref_squeeze %dma_wait3A_214 : memref<1x10000x128xf32, #tpu.memory_space<hbm>> -> memref<10000x128xf32, #tpu.memory_space<hbm>>
      %dma_wait3A_216 = arith.constant 0 : i32
      %dma_wait3A_217 = arith.constant 0 : i32
      %dma_wait3A_218 = tpu.memref_slice %dma_wait3A_215[%dma_wait3A_216, %dma_wait3A_217] : memref<10000x128xf32, #tpu.memory_space<hbm>> -> memref<10000x128xf32, #tpu.memory_space<hbm>>
      tpu.wait_indirect_dma semaphore(%arg13 : memref<!tpu.dma_semaphore, #tpu.memory_space<semaphore_mem>>) src(%dma_wait3A_218 : memref<10000x128xf32, #tpu.memory_space<hbm>>) dst(%arg11 : memref<128x128xf32, #tpu.memory_space<vmem>>)
      %add3A_219 = arith.constant 1 : i32
      %add3A_220 = arith.addi %mul3A_175, %add3A_219 : i32
      %dma_start3A_221 = arith.constant 0 : i32
      %dma_start3A_222 = tpu.memref_slice %arg9[%add3A_220, %dma_start3A_221] : memref<40x128xi32, #tpu.memory_space<vmem>> -> memref<1x128xi32, #tpu.memory_space<vmem>>
      %dma_start3A_223 = tpu.memref_squeeze %dma_start3A_222 : memref<1x128xi32, #tpu.memory_space<vmem>> -> memref<128xi32, #tpu.memory_space<vmem>>
      %dma_start3A_224 = arith.constant 0 : i32
      %dma_start3A_225 = arith.constant 0 : i32
      %dma_start3A_226 = tpu.memref_slice %arg7[%dma_start3A_224, %dma_start3A_225] : memref<10240x128xf32, #tpu.memory_space<vmem_shared>> -> memref<10240x128xf32, #tpu.memory_space<vmem_shared>>
      tpu.enqueue_indirect_dma source(%arg11 : memref<128x128xf32, #tpu.memory_space<vmem>>) target(%dma_start3A_226 : memref<10240x128xf32, #tpu.memory_space<vmem_shared>>) offsets(%dma_start3A_223 : memref<128xi32, #tpu.memory_space<vmem>>) semaphore(%arg15 : memref<!tpu.dma_semaphore, #tpu.memory_space<semaphore_mem>>) {add = true}
      %dma_wait3A_227 = arith.constant 0 : i32
      %dma_wait3A_228 = arith.constant 0 : i32
      %dma_wait3A_229 = tpu.memref_slice %arg9[%dma_wait3A_227, %dma_wait3A_228] : memref<40x128xi32, #tpu.memory_space<vmem>> -> memref<1x128xi32, #tpu.memory_space<vmem>>
      %dma_wait3A_230 = tpu.memref_squeeze %dma_wait3A_229 : memref<1x128xi32, #tpu.memory_space<vmem>> -> memref<128xi32, #tpu.memory_space<vmem>>
      %dma_wait3A_231 = arith.constant 0 : i32
      %dma_wait3A_232 = arith.constant 0 : i32
      %dma_wait3A_233 = tpu.memref_slice %arg7[%dma_wait3A_231, %dma_wait3A_232] : memref<10240x128xf32, #tpu.memory_space<vmem_shared>> -> memref<10240x128xf32, #tpu.memory_space<vmem_shared>>
      tpu.wait_indirect_dma semaphore(%arg14 : memref<!tpu.dma_semaphore, #tpu.memory_space<semaphore_mem>>) src(%arg10 : memref<128x128xf32, #tpu.memory_space<vmem>>) dst(%dma_wait3A_233 : memref<10240x128xf32, #tpu.memory_space<vmem_shared>>)
      %add3A_234 = arith.constant 2 : i32
      %add3A_235 = arith.addi %mul3A_175, %add3A_234 : i32
      %min3A = arith.constant 39 : i32
      %min3A_236 = arith.minsi %add3A_235, %min3A : i32
      %dma_start3A_237 = arith.constant 1 : i32
      %dma_start3A_238 = arith.constant 0 : i32
      %dma_start3A_239 = tpu.memref_slice %arg8[%min3A_236, %dma_start3A_238] : memref<40x128xi32, #tpu.memory_space<vmem>> -> memref<1x128xi32, #tpu.memory_space<vmem>>
      %dma_start3A_240 = tpu.memref_squeeze %dma_start3A_239 : memref<1x128xi32, #tpu.memory_space<vmem>> -> memref<128xi32, #tpu.memory_space<vmem>>
      %dma_start3A_241 = arith.constant 0 : i32
      %dma_start3A_242 = arith.constant 0 : i32
      %dma_start3A_243 = tpu.memref_slice %arg2[%dma_start3A_237, %dma_start3A_241, %dma_start3A_242] : memref<4x10000x128xf32, #tpu.memory_space<hbm>> -> memref<1x10000x128xf32, #tpu.memory_space<hbm>>
      %dma_start3A_244 = tpu.memref_squeeze %dma_start3A_243 : memref<1x10000x128xf32, #tpu.memory_space<hbm>> -> memref<10000x128xf32, #tpu.memory_space<hbm>>
      %dma_start3A_245 = arith.constant 0 : i32
      %dma_start3A_246 = arith.constant 0 : i32
      %dma_start3A_247 = tpu.memref_slice %dma_start3A_244[%dma_start3A_245, %dma_start3A_246] : memref<10000x128xf32, #tpu.memory_space<hbm>> -> memref<10000x128xf32, #tpu.memory_space<hbm>>
      tpu.enqueue_indirect_dma source(%dma_start3A_247 : memref<10000x128xf32, #tpu.memory_space<hbm>>) target(%arg10 : memref<128x128xf32, #tpu.memory_space<vmem>>) offsets(%dma_start3A_240 : memref<128xi32, #tpu.memory_space<vmem>>) semaphore(%arg12 : memref<!tpu.dma_semaphore, #tpu.memory_space<semaphore_mem>>)
      %dma_wait3A_248 = arith.constant 0 : i32
      %dma_wait3A_249 = arith.constant 0 : i32
      %dma_wait3A_250 = tpu.memref_slice %arg9[%dma_wait3A_248, %dma_wait3A_249] : memref<40x128xi32, #tpu.memory_space<vmem>> -> memref<1x128xi32, #tpu.memory_space<vmem>>
      %dma_wait3A_251 = tpu.memref_squeeze %dma_wait3A_250 : memref<1x128xi32, #tpu.memory_space<vmem>> -> memref<128xi32, #tpu.memory_space<vmem>>
      %dma_wait3A_252 = arith.constant 0 : i32
      %dma_wait3A_253 = arith.constant 0 : i32
      %dma_wait3A_254 = tpu.memref_slice %arg7[%dma_wait3A_252, %dma_wait3A_253] : memref<10240x128xf32, #tpu.memory_space<vmem_shared>> -> memref<10240x128xf32, #tpu.memory_space<vmem_shared>>
      tpu.wait_indirect_dma semaphore(%arg15 : memref<!tpu.dma_semaphore, #tpu.memory_space<semaphore_mem>>) src(%arg11 : memref<128x128xf32, #tpu.memory_space<vmem>>) dst(%dma_wait3A_254 : memref<10240x128xf32, #tpu.memory_space<vmem_shared>>)
    }
    %scan3A_59 = arith.constant 20 : i32
    %dma_wait3A_60 = arith.constant 1 : i32
    %dma_wait3A_61 = arith.constant 0 : i32
    %dma_wait3A_62 = arith.constant 0 : i32
    %dma_wait3A_63 = tpu.memref_slice %arg8[%dma_wait3A_61, %dma_wait3A_62] : memref<40x128xi32, #tpu.memory_space<vmem>> -> memref<1x128xi32, #tpu.memory_space<vmem>>
    %dma_wait3A_64 = tpu.memref_squeeze %dma_wait3A_63 : memref<1x128xi32, #tpu.memory_space<vmem>> -> memref<128xi32, #tpu.memory_space<vmem>>
    %dma_wait3A_65 = arith.constant 0 : i32
    %dma_wait3A_66 = arith.constant 0 : i32
    %dma_wait3A_67 = tpu.memref_slice %arg2[%dma_wait3A_60, %dma_wait3A_65, %dma_wait3A_66] : memref<4x10000x128xf32, #tpu.memory_space<hbm>> -> memref<1x10000x128xf32, #tpu.memory_space<hbm>>
    %dma_wait3A_68 = tpu.memref_squeeze %dma_wait3A_67 : memref<1x10000x128xf32, #tpu.memory_space<hbm>> -> memref<10000x128xf32, #tpu.memory_space<hbm>>
    %dma_wait3A_69 = arith.constant 0 : i32
    %dma_wait3A_70 = arith.constant 0 : i32
    %dma_wait3A_71 = tpu.memref_slice %dma_wait3A_68[%dma_wait3A_69, %dma_wait3A_70] : memref<10000x128xf32, #tpu.memory_space<hbm>> -> memref<10000x128xf32, #tpu.memory_space<hbm>>
    tpu.wait_indirect_dma semaphore(%arg12 : memref<!tpu.dma_semaphore, #tpu.memory_space<semaphore_mem>>) src(%dma_wait3A_71 : memref<10000x128xf32, #tpu.memory_space<hbm>>) dst(%arg10 : memref<128x128xf32, #tpu.memory_space<vmem>>)
    %barrier3A_72 = arith.constant 0 : index
    tpu.barrier barrier_id(%barrier3A_72)
    %mul3A_73 = arith.constant 624 : i32
    %mul3A_74 = arith.muli %arg1, %mul3A_73 : i32
    %mul3A_75 = arith.constant 624 : i32
    %mul3A_76 = arith.muli %arg1, %mul3A_75 : i32
    %run_scoped3A_77 = arith.constant 1 : i32
    "tpu.region"() ({
      %run_scoped3A_173 = tpu.sem_alloc : memref<!tpu.dma_semaphore, #tpu.memory_space<semaphore_mem>>
      %dma_start3A_174 = arith.constant 0 : i32
      %dma_start3A_175 = tpu.memref_slice %arg6[%arg0, %run_scoped3A_77, %mul3A_76, %dma_start3A_174] : memref<2x4x10000x128xf32, #tpu.memory_space<hbm>> -> memref<1x1x624x128xf32, #tpu.memory_space<hbm>>
      %dma_start3A_176 = tpu.memref_squeeze %dma_start3A_175 : memref<1x1x624x128xf32, #tpu.memory_space<hbm>> -> memref<624x128xf32, #tpu.memory_space<hbm>>
      %dma_start3A_177 = arith.constant 0 : i32
      %dma_start3A_178 = tpu.memref_slice %arg7[%mul3A_74, %dma_start3A_177] : memref<10240x128xf32, #tpu.memory_space<vmem_shared>> -> memref<624x128xf32, #tpu.memory_space<vmem_shared>>
      tpu.enqueue_dma source(%dma_start3A_178 : memref<624x128xf32, #tpu.memory_space<vmem_shared>>) target(%dma_start3A_176 : memref<624x128xf32, #tpu.memory_space<hbm>>) target_semaphore(%run_scoped3A_173 : memref<!tpu.dma_semaphore, #tpu.memory_space<semaphore_mem>>)
      %dma_wait3A_179 = arith.constant 0 : i32
      %dma_wait3A_180 = tpu.memref_slice %arg6[%arg0, %run_scoped3A_77, %mul3A_76, %dma_wait3A_179] : memref<2x4x10000x128xf32, #tpu.memory_space<hbm>> -> memref<1x1x624x128xf32, #tpu.memory_space<hbm>>
      %dma_wait3A_181 = tpu.memref_squeeze %dma_wait3A_180 : memref<1x1x624x128xf32, #tpu.memory_space<hbm>> -> memref<624x128xf32, #tpu.memory_space<hbm>>
      %dma_wait3A_182 = arith.constant 0 : i32
      %dma_wait3A_183 = tpu.memref_slice %arg7[%mul3A_74, %dma_wait3A_182] : memref<10240x128xf32, #tpu.memory_space<vmem_shared>> -> memref<624x128xf32, #tpu.memory_space<vmem_shared>>
      tpu.wait_dma2 semaphore(%run_scoped3A_173 : memref<!tpu.dma_semaphore, #tpu.memory_space<semaphore_mem>>) src(%dma_wait3A_183 : memref<624x128xf32, #tpu.memory_space<vmem_shared>>) dst(%dma_wait3A_181 : memref<624x128xf32, #tpu.memory_space<hbm>>)
      tpu.yield
    }) : () -> ()
    %eq3A_78 = arith.constant 0 : i32
    %eq3A_79 = arith.cmpi eq, %arg1, %eq3A_78 : i32
    %convert_element_type3A_80 = arith.extui %eq3A_79 : i1 to i32
    %cond3A_81 = arith.constant 0 : i32
    %cond3A_82 = arith.cmpi ne, %convert_element_type3A_80, %cond3A_81 : i32
    scf.if %cond3A_82 {
      %run_scoped3A_173 = arith.constant 1 : i32
      "tpu.region"() ({
        %run_scoped3A_174 = tpu.sem_alloc : memref<!tpu.dma_semaphore, #tpu.memory_space<semaphore_mem>>
        %dma_start3A_175 = arith.constant 9984 : i32
        %dma_start3A_176 = arith.constant 0 : i32
        %dma_start3A_177 = tpu.memref_slice %arg6[%arg0, %run_scoped3A_173, %dma_start3A_175, %dma_start3A_176] : memref<2x4x10000x128xf32, #tpu.memory_space<hbm>> -> memref<1x1x16x128xf32, #tpu.memory_space<hbm>>
        %dma_start3A_178 = tpu.memref_squeeze %dma_start3A_177 : memref<1x1x16x128xf32, #tpu.memory_space<hbm>> -> memref<16x128xf32, #tpu.memory_space<hbm>>
        %dma_start3A_179 = arith.constant 9984 : i32
        %dma_start3A_180 = arith.constant 0 : i32
        %dma_start3A_181 = tpu.memref_slice %arg7[%dma_start3A_179, %dma_start3A_180] : memref<10240x128xf32, #tpu.memory_space<vmem_shared>> -> memref<16x128xf32, #tpu.memory_space<vmem_shared>>
        tpu.enqueue_dma source(%dma_start3A_181 : memref<16x128xf32, #tpu.memory_space<vmem_shared>>) target(%dma_start3A_178 : memref<16x128xf32, #tpu.memory_space<hbm>>) target_semaphore(%run_scoped3A_174 : memref<!tpu.dma_semaphore, #tpu.memory_space<semaphore_mem>>)
        %dma_wait3A_182 = arith.constant 9984 : i32
        %dma_wait3A_183 = arith.constant 0 : i32
        %dma_wait3A_184 = tpu.memref_slice %arg6[%arg0, %run_scoped3A_173, %dma_wait3A_182, %dma_wait3A_183] : memref<2x4x10000x128xf32, #tpu.memory_space<hbm>> -> memref<1x1x16x128xf32, #tpu.memory_space<hbm>>
        %dma_wait3A_185 = tpu.memref_squeeze %dma_wait3A_184 : memref<1x1x16x128xf32, #tpu.memory_space<hbm>> -> memref<16x128xf32, #tpu.memory_space<hbm>>
        %dma_wait3A_186 = arith.constant 9984 : i32
        %dma_wait3A_187 = arith.constant 0 : i32
        %dma_wait3A_188 = tpu.memref_slice %arg7[%dma_wait3A_186, %dma_wait3A_187] : memref<10240x128xf32, #tpu.memory_space<vmem_shared>> -> memref<16x128xf32, #tpu.memory_space<vmem_shared>>
        tpu.wait_dma2 semaphore(%run_scoped3A_174 : memref<!tpu.dma_semaphore, #tpu.memory_space<semaphore_mem>>) src(%dma_wait3A_188 : memref<16x128xf32, #tpu.memory_space<vmem_shared>>) dst(%dma_wait3A_185 : memref<16x128xf32, #tpu.memory_space<hbm>>)
        tpu.yield
      }) : () -> ()
    } else {
    }
    %barrier3A_83 = arith.constant 0 : index
    tpu.barrier barrier_id(%barrier3A_83)
    %mul3A_84 = arith.constant 640 : i32
    %mul3A_85 = arith.muli %arg1, %mul3A_84 : i32
    "tpu.region"() ({
      %run_scoped3A_173 = tpu.sem_alloc : memref<!tpu.dma_semaphore, #tpu.memory_space<semaphore_mem>>
      %dma_start3A_174 = arith.constant 0 : i32
      %dma_start3A_175 = tpu.memref_slice %arg7[%mul3A_85, %dma_start3A_174] : memref<10240x128xf32, #tpu.memory_space<vmem_shared>> -> memref<640x128xf32, #tpu.memory_space<vmem_shared>>
      tpu.enqueue_dma source(%arg5 : memref<640x128xf32, #tpu.memory_space<hbm>>) target(%dma_start3A_175 : memref<640x128xf32, #tpu.memory_space<vmem_shared>>) target_semaphore(%run_scoped3A_173 : memref<!tpu.dma_semaphore, #tpu.memory_space<semaphore_mem>>)
      %dma_wait3A_176 = arith.constant 0 : i32
      %dma_wait3A_177 = tpu.memref_slice %arg7[%mul3A_85, %dma_wait3A_176] : memref<10240x128xf32, #tpu.memory_space<vmem_shared>> -> memref<640x128xf32, #tpu.memory_space<vmem_shared>>
      tpu.wait_dma2 semaphore(%run_scoped3A_173 : memref<!tpu.dma_semaphore, #tpu.memory_space<semaphore_mem>>) src(%arg5 : memref<640x128xf32, #tpu.memory_space<hbm>>) dst(%dma_wait3A_177 : memref<640x128xf32, #tpu.memory_space<vmem_shared>>)
      tpu.yield
    }) : () -> ()
    %barrier3A_86 = arith.constant 0 : index
    tpu.barrier barrier_id(%barrier3A_86)
    %dma_start3A_87 = arith.constant 2 : i32
    %dma_start3A_88 = arith.constant 0 : i32
    %dma_start3A_89 = arith.constant 0 : i32
    %dma_start3A_90 = tpu.memref_slice %arg8[%dma_start3A_88, %dma_start3A_89] : memref<40x128xi32, #tpu.memory_space<vmem>> -> memref<1x128xi32, #tpu.memory_space<vmem>>
    %dma_start3A_91 = tpu.memref_squeeze %dma_start3A_90 : memref<1x128xi32, #tpu.memory_space<vmem>> -> memref<128xi32, #tpu.memory_space<vmem>>
    %dma_start3A_92 = arith.constant 0 : i32
    %dma_start3A_93 = arith.constant 0 : i32
    %dma_start3A_94 = tpu.memref_slice %arg2[%dma_start3A_87, %dma_start3A_92, %dma_start3A_93] : memref<4x10000x128xf32, #tpu.memory_space<hbm>> -> memref<1x10000x128xf32, #tpu.memory_space<hbm>>
    %dma_start3A_95 = tpu.memref_squeeze %dma_start3A_94 : memref<1x10000x128xf32, #tpu.memory_space<hbm>> -> memref<10000x128xf32, #tpu.memory_space<hbm>>
    %dma_start3A_96 = arith.constant 0 : i32
    %dma_start3A_97 = arith.constant 0 : i32
    %dma_start3A_98 = tpu.memref_slice %dma_start3A_95[%dma_start3A_96, %dma_start3A_97] : memref<10000x128xf32, #tpu.memory_space<hbm>> -> memref<10000x128xf32, #tpu.memory_space<hbm>>
    tpu.enqueue_indirect_dma source(%dma_start3A_98 : memref<10000x128xf32, #tpu.memory_space<hbm>>) target(%arg10 : memref<128x128xf32, #tpu.memory_space<vmem>>) offsets(%dma_start3A_91 : memref<128xi32, #tpu.memory_space<vmem>>) semaphore(%arg12 : memref<!tpu.dma_semaphore, #tpu.memory_space<semaphore_mem>>)
    %scan3A_99 = arith.constant 0 : i32
    %scan3A_100 = arith.constant 0 : i32
    %scan3A_101 = arith.constant 20 : i32
    %scan3A_102 = arith.addi %scan3A_100, %scan3A_101 : i32
    %scan3A_103 = arith.constant 1 : i32
    scf.for %scan3A_173 = %scan3A_100 to %scan3A_102 step %scan3A_103  : i32 {
      %mul3A_174 = arith.constant 2 : i32
      %mul3A_175 = arith.muli %mul3A_174, %scan3A_173 : i32
      %dma_wait3A_176 = arith.constant 2 : i32
      %dma_wait3A_177 = arith.constant 0 : i32
      %dma_wait3A_178 = arith.constant 0 : i32
      %dma_wait3A_179 = tpu.memref_slice %arg8[%dma_wait3A_177, %dma_wait3A_178] : memref<40x128xi32, #tpu.memory_space<vmem>> -> memref<1x128xi32, #tpu.memory_space<vmem>>
      %dma_wait3A_180 = tpu.memref_squeeze %dma_wait3A_179 : memref<1x128xi32, #tpu.memory_space<vmem>> -> memref<128xi32, #tpu.memory_space<vmem>>
      %dma_wait3A_181 = arith.constant 0 : i32
      %dma_wait3A_182 = arith.constant 0 : i32
      %dma_wait3A_183 = tpu.memref_slice %arg2[%dma_wait3A_176, %dma_wait3A_181, %dma_wait3A_182] : memref<4x10000x128xf32, #tpu.memory_space<hbm>> -> memref<1x10000x128xf32, #tpu.memory_space<hbm>>
      %dma_wait3A_184 = tpu.memref_squeeze %dma_wait3A_183 : memref<1x10000x128xf32, #tpu.memory_space<hbm>> -> memref<10000x128xf32, #tpu.memory_space<hbm>>
      %dma_wait3A_185 = arith.constant 0 : i32
      %dma_wait3A_186 = arith.constant 0 : i32
      %dma_wait3A_187 = tpu.memref_slice %dma_wait3A_184[%dma_wait3A_185, %dma_wait3A_186] : memref<10000x128xf32, #tpu.memory_space<hbm>> -> memref<10000x128xf32, #tpu.memory_space<hbm>>
      tpu.wait_indirect_dma semaphore(%arg12 : memref<!tpu.dma_semaphore, #tpu.memory_space<semaphore_mem>>) src(%dma_wait3A_187 : memref<10000x128xf32, #tpu.memory_space<hbm>>) dst(%arg10 : memref<128x128xf32, #tpu.memory_space<vmem>>)
      %dma_start3A_188 = arith.constant 0 : i32
      %dma_start3A_189 = tpu.memref_slice %arg9[%mul3A_175, %dma_start3A_188] : memref<40x128xi32, #tpu.memory_space<vmem>> -> memref<1x128xi32, #tpu.memory_space<vmem>>
      %dma_start3A_190 = tpu.memref_squeeze %dma_start3A_189 : memref<1x128xi32, #tpu.memory_space<vmem>> -> memref<128xi32, #tpu.memory_space<vmem>>
      %dma_start3A_191 = arith.constant 0 : i32
      %dma_start3A_192 = arith.constant 0 : i32
      %dma_start3A_193 = tpu.memref_slice %arg7[%dma_start3A_191, %dma_start3A_192] : memref<10240x128xf32, #tpu.memory_space<vmem_shared>> -> memref<10240x128xf32, #tpu.memory_space<vmem_shared>>
      tpu.enqueue_indirect_dma source(%arg10 : memref<128x128xf32, #tpu.memory_space<vmem>>) target(%dma_start3A_193 : memref<10240x128xf32, #tpu.memory_space<vmem_shared>>) offsets(%dma_start3A_190 : memref<128xi32, #tpu.memory_space<vmem>>) semaphore(%arg14 : memref<!tpu.dma_semaphore, #tpu.memory_space<semaphore_mem>>) {add = true}
      %add3A_194 = arith.constant 1 : i32
      %add3A_195 = arith.addi %mul3A_175, %add3A_194 : i32
      %dma_start3A_196 = arith.constant 2 : i32
      %dma_start3A_197 = arith.constant 0 : i32
      %dma_start3A_198 = tpu.memref_slice %arg8[%add3A_195, %dma_start3A_197] : memref<40x128xi32, #tpu.memory_space<vmem>> -> memref<1x128xi32, #tpu.memory_space<vmem>>
      %dma_start3A_199 = tpu.memref_squeeze %dma_start3A_198 : memref<1x128xi32, #tpu.memory_space<vmem>> -> memref<128xi32, #tpu.memory_space<vmem>>
      %dma_start3A_200 = arith.constant 0 : i32
      %dma_start3A_201 = arith.constant 0 : i32
      %dma_start3A_202 = tpu.memref_slice %arg2[%dma_start3A_196, %dma_start3A_200, %dma_start3A_201] : memref<4x10000x128xf32, #tpu.memory_space<hbm>> -> memref<1x10000x128xf32, #tpu.memory_space<hbm>>
      %dma_start3A_203 = tpu.memref_squeeze %dma_start3A_202 : memref<1x10000x128xf32, #tpu.memory_space<hbm>> -> memref<10000x128xf32, #tpu.memory_space<hbm>>
      %dma_start3A_204 = arith.constant 0 : i32
      %dma_start3A_205 = arith.constant 0 : i32
      %dma_start3A_206 = tpu.memref_slice %dma_start3A_203[%dma_start3A_204, %dma_start3A_205] : memref<10000x128xf32, #tpu.memory_space<hbm>> -> memref<10000x128xf32, #tpu.memory_space<hbm>>
      tpu.enqueue_indirect_dma source(%dma_start3A_206 : memref<10000x128xf32, #tpu.memory_space<hbm>>) target(%arg11 : memref<128x128xf32, #tpu.memory_space<vmem>>) offsets(%dma_start3A_199 : memref<128xi32, #tpu.memory_space<vmem>>) semaphore(%arg13 : memref<!tpu.dma_semaphore, #tpu.memory_space<semaphore_mem>>)
      %dma_wait3A_207 = arith.constant 2 : i32
      %dma_wait3A_208 = arith.constant 0 : i32
      %dma_wait3A_209 = arith.constant 0 : i32
      %dma_wait3A_210 = tpu.memref_slice %arg8[%dma_wait3A_208, %dma_wait3A_209] : memref<40x128xi32, #tpu.memory_space<vmem>> -> memref<1x128xi32, #tpu.memory_space<vmem>>
      %dma_wait3A_211 = tpu.memref_squeeze %dma_wait3A_210 : memref<1x128xi32, #tpu.memory_space<vmem>> -> memref<128xi32, #tpu.memory_space<vmem>>
      %dma_wait3A_212 = arith.constant 0 : i32
      %dma_wait3A_213 = arith.constant 0 : i32
      %dma_wait3A_214 = tpu.memref_slice %arg2[%dma_wait3A_207, %dma_wait3A_212, %dma_wait3A_213] : memref<4x10000x128xf32, #tpu.memory_space<hbm>> -> memref<1x10000x128xf32, #tpu.memory_space<hbm>>
      %dma_wait3A_215 = tpu.memref_squeeze %dma_wait3A_214 : memref<1x10000x128xf32, #tpu.memory_space<hbm>> -> memref<10000x128xf32, #tpu.memory_space<hbm>>
      %dma_wait3A_216 = arith.constant 0 : i32
      %dma_wait3A_217 = arith.constant 0 : i32
      %dma_wait3A_218 = tpu.memref_slice %dma_wait3A_215[%dma_wait3A_216, %dma_wait3A_217] : memref<10000x128xf32, #tpu.memory_space<hbm>> -> memref<10000x128xf32, #tpu.memory_space<hbm>>
      tpu.wait_indirect_dma semaphore(%arg13 : memref<!tpu.dma_semaphore, #tpu.memory_space<semaphore_mem>>) src(%dma_wait3A_218 : memref<10000x128xf32, #tpu.memory_space<hbm>>) dst(%arg11 : memref<128x128xf32, #tpu.memory_space<vmem>>)
      %add3A_219 = arith.constant 1 : i32
      %add3A_220 = arith.addi %mul3A_175, %add3A_219 : i32
      %dma_start3A_221 = arith.constant 0 : i32
      %dma_start3A_222 = tpu.memref_slice %arg9[%add3A_220, %dma_start3A_221] : memref<40x128xi32, #tpu.memory_space<vmem>> -> memref<1x128xi32, #tpu.memory_space<vmem>>
      %dma_start3A_223 = tpu.memref_squeeze %dma_start3A_222 : memref<1x128xi32, #tpu.memory_space<vmem>> -> memref<128xi32, #tpu.memory_space<vmem>>
      %dma_start3A_224 = arith.constant 0 : i32
      %dma_start3A_225 = arith.constant 0 : i32
      %dma_start3A_226 = tpu.memref_slice %arg7[%dma_start3A_224, %dma_start3A_225] : memref<10240x128xf32, #tpu.memory_space<vmem_shared>> -> memref<10240x128xf32, #tpu.memory_space<vmem_shared>>
      tpu.enqueue_indirect_dma source(%arg11 : memref<128x128xf32, #tpu.memory_space<vmem>>) target(%dma_start3A_226 : memref<10240x128xf32, #tpu.memory_space<vmem_shared>>) offsets(%dma_start3A_223 : memref<128xi32, #tpu.memory_space<vmem>>) semaphore(%arg15 : memref<!tpu.dma_semaphore, #tpu.memory_space<semaphore_mem>>) {add = true}
      %dma_wait3A_227 = arith.constant 0 : i32
      %dma_wait3A_228 = arith.constant 0 : i32
      %dma_wait3A_229 = tpu.memref_slice %arg9[%dma_wait3A_227, %dma_wait3A_228] : memref<40x128xi32, #tpu.memory_space<vmem>> -> memref<1x128xi32, #tpu.memory_space<vmem>>
      %dma_wait3A_230 = tpu.memref_squeeze %dma_wait3A_229 : memref<1x128xi32, #tpu.memory_space<vmem>> -> memref<128xi32, #tpu.memory_space<vmem>>
      %dma_wait3A_231 = arith.constant 0 : i32
      %dma_wait3A_232 = arith.constant 0 : i32
      %dma_wait3A_233 = tpu.memref_slice %arg7[%dma_wait3A_231, %dma_wait3A_232] : memref<10240x128xf32, #tpu.memory_space<vmem_shared>> -> memref<10240x128xf32, #tpu.memory_space<vmem_shared>>
      tpu.wait_indirect_dma semaphore(%arg14 : memref<!tpu.dma_semaphore, #tpu.memory_space<semaphore_mem>>) src(%arg10 : memref<128x128xf32, #tpu.memory_space<vmem>>) dst(%dma_wait3A_233 : memref<10240x128xf32, #tpu.memory_space<vmem_shared>>)
      %add3A_234 = arith.constant 2 : i32
      %add3A_235 = arith.addi %mul3A_175, %add3A_234 : i32
      %min3A = arith.constant 39 : i32
      %min3A_236 = arith.minsi %add3A_235, %min3A : i32
      %dma_start3A_237 = arith.constant 2 : i32
      %dma_start3A_238 = arith.constant 0 : i32
      %dma_start3A_239 = tpu.memref_slice %arg8[%min3A_236, %dma_start3A_238] : memref<40x128xi32, #tpu.memory_space<vmem>> -> memref<1x128xi32, #tpu.memory_space<vmem>>
      %dma_start3A_240 = tpu.memref_squeeze %dma_start3A_239 : memref<1x128xi32, #tpu.memory_space<vmem>> -> memref<128xi32, #tpu.memory_space<vmem>>
      %dma_start3A_241 = arith.constant 0 : i32
      %dma_start3A_242 = arith.constant 0 : i32
      %dma_start3A_243 = tpu.memref_slice %arg2[%dma_start3A_237, %dma_start3A_241, %dma_start3A_242] : memref<4x10000x128xf32, #tpu.memory_space<hbm>> -> memref<1x10000x128xf32, #tpu.memory_space<hbm>>
      %dma_start3A_244 = tpu.memref_squeeze %dma_start3A_243 : memref<1x10000x128xf32, #tpu.memory_space<hbm>> -> memref<10000x128xf32, #tpu.memory_space<hbm>>
      %dma_start3A_245 = arith.constant 0 : i32
      %dma_start3A_246 = arith.constant 0 : i32
      %dma_start3A_247 = tpu.memref_slice %dma_start3A_244[%dma_start3A_245, %dma_start3A_246] : memref<10000x128xf32, #tpu.memory_space<hbm>> -> memref<10000x128xf32, #tpu.memory_space<hbm>>
      tpu.enqueue_indirect_dma source(%dma_start3A_247 : memref<10000x128xf32, #tpu.memory_space<hbm>>) target(%arg10 : memref<128x128xf32, #tpu.memory_space<vmem>>) offsets(%dma_start3A_240 : memref<128xi32, #tpu.memory_space<vmem>>) semaphore(%arg12 : memref<!tpu.dma_semaphore, #tpu.memory_space<semaphore_mem>>)
      %dma_wait3A_248 = arith.constant 0 : i32
      %dma_wait3A_249 = arith.constant 0 : i32
      %dma_wait3A_250 = tpu.memref_slice %arg9[%dma_wait3A_248, %dma_wait3A_249] : memref<40x128xi32, #tpu.memory_space<vmem>> -> memref<1x128xi32, #tpu.memory_space<vmem>>
      %dma_wait3A_251 = tpu.memref_squeeze %dma_wait3A_250 : memref<1x128xi32, #tpu.memory_space<vmem>> -> memref<128xi32, #tpu.memory_space<vmem>>
      %dma_wait3A_252 = arith.constant 0 : i32
      %dma_wait3A_253 = arith.constant 0 : i32
      %dma_wait3A_254 = tpu.memref_slice %arg7[%dma_wait3A_252, %dma_wait3A_253] : memref<10240x128xf32, #tpu.memory_space<vmem_shared>> -> memref<10240x128xf32, #tpu.memory_space<vmem_shared>>
      tpu.wait_indirect_dma semaphore(%arg15 : memref<!tpu.dma_semaphore, #tpu.memory_space<semaphore_mem>>) src(%arg11 : memref<128x128xf32, #tpu.memory_space<vmem>>) dst(%dma_wait3A_254 : memref<10240x128xf32, #tpu.memory_space<vmem_shared>>)
    }
    %scan3A_104 = arith.constant 20 : i32
    %dma_wait3A_105 = arith.constant 2 : i32
    %dma_wait3A_106 = arith.constant 0 : i32
    %dma_wait3A_107 = arith.constant 0 : i32
    %dma_wait3A_108 = tpu.memref_slice %arg8[%dma_wait3A_106, %dma_wait3A_107] : memref<40x128xi32, #tpu.memory_space<vmem>> -> memref<1x128xi32, #tpu.memory_space<vmem>>
    %dma_wait3A_109 = tpu.memref_squeeze %dma_wait3A_108 : memref<1x128xi32, #tpu.memory_space<vmem>> -> memref<128xi32, #tpu.memory_space<vmem>>
    %dma_wait3A_110 = arith.constant 0 : i32
    %dma_wait3A_111 = arith.constant 0 : i32
    %dma_wait3A_112 = tpu.memref_slice %arg2[%dma_wait3A_105, %dma_wait3A_110, %dma_wait3A_111] : memref<4x10000x128xf32, #tpu.memory_space<hbm>> -> memref<1x10000x128xf32, #tpu.memory_space<hbm>>
    %dma_wait3A_113 = tpu.memref_squeeze %dma_wait3A_112 : memref<1x10000x128xf32, #tpu.memory_space<hbm>> -> memref<10000x128xf32, #tpu.memory_space<hbm>>
    %dma_wait3A_114 = arith.constant 0 : i32
    %dma_wait3A_115 = arith.constant 0 : i32
    %dma_wait3A_116 = tpu.memref_slice %dma_wait3A_113[%dma_wait3A_114, %dma_wait3A_115] : memref<10000x128xf32, #tpu.memory_space<hbm>> -> memref<10000x128xf32, #tpu.memory_space<hbm>>
    tpu.wait_indirect_dma semaphore(%arg12 : memref<!tpu.dma_semaphore, #tpu.memory_space<semaphore_mem>>) src(%dma_wait3A_116 : memref<10000x128xf32, #tpu.memory_space<hbm>>) dst(%arg10 : memref<128x128xf32, #tpu.memory_space<vmem>>)
    %barrier3A_117 = arith.constant 0 : index
    tpu.barrier barrier_id(%barrier3A_117)
    %mul3A_118 = arith.constant 624 : i32
    %mul3A_119 = arith.muli %arg1, %mul3A_118 : i32
    %mul3A_120 = arith.constant 624 : i32
    %mul3A_121 = arith.muli %arg1, %mul3A_120 : i32
    %run_scoped3A_122 = arith.constant 2 : i32
    "tpu.region"() ({
      %run_scoped3A_173 = tpu.sem_alloc : memref<!tpu.dma_semaphore, #tpu.memory_space<semaphore_mem>>
      %dma_start3A_174 = arith.constant 0 : i32
      %dma_start3A_175 = tpu.memref_slice %arg6[%arg0, %run_scoped3A_122, %mul3A_121, %dma_start3A_174] : memref<2x4x10000x128xf32, #tpu.memory_space<hbm>> -> memref<1x1x624x128xf32, #tpu.memory_space<hbm>>
      %dma_start3A_176 = tpu.memref_squeeze %dma_start3A_175 : memref<1x1x624x128xf32, #tpu.memory_space<hbm>> -> memref<624x128xf32, #tpu.memory_space<hbm>>
      %dma_start3A_177 = arith.constant 0 : i32
      %dma_start3A_178 = tpu.memref_slice %arg7[%mul3A_119, %dma_start3A_177] : memref<10240x128xf32, #tpu.memory_space<vmem_shared>> -> memref<624x128xf32, #tpu.memory_space<vmem_shared>>
      tpu.enqueue_dma source(%dma_start3A_178 : memref<624x128xf32, #tpu.memory_space<vmem_shared>>) target(%dma_start3A_176 : memref<624x128xf32, #tpu.memory_space<hbm>>) target_semaphore(%run_scoped3A_173 : memref<!tpu.dma_semaphore, #tpu.memory_space<semaphore_mem>>)
      %dma_wait3A_179 = arith.constant 0 : i32
      %dma_wait3A_180 = tpu.memref_slice %arg6[%arg0, %run_scoped3A_122, %mul3A_121, %dma_wait3A_179] : memref<2x4x10000x128xf32, #tpu.memory_space<hbm>> -> memref<1x1x624x128xf32, #tpu.memory_space<hbm>>
      %dma_wait3A_181 = tpu.memref_squeeze %dma_wait3A_180 : memref<1x1x624x128xf32, #tpu.memory_space<hbm>> -> memref<624x128xf32, #tpu.memory_space<hbm>>
      %dma_wait3A_182 = arith.constant 0 : i32
      %dma_wait3A_183 = tpu.memref_slice %arg7[%mul3A_119, %dma_wait3A_182] : memref<10240x128xf32, #tpu.memory_space<vmem_shared>> -> memref<624x128xf32, #tpu.memory_space<vmem_shared>>
      tpu.wait_dma2 semaphore(%run_scoped3A_173 : memref<!tpu.dma_semaphore, #tpu.memory_space<semaphore_mem>>) src(%dma_wait3A_183 : memref<624x128xf32, #tpu.memory_space<vmem_shared>>) dst(%dma_wait3A_181 : memref<624x128xf32, #tpu.memory_space<hbm>>)
      tpu.yield
    }) : () -> ()
    %eq3A_123 = arith.constant 0 : i32
    %eq3A_124 = arith.cmpi eq, %arg1, %eq3A_123 : i32
    %convert_element_type3A_125 = arith.extui %eq3A_124 : i1 to i32
    %cond3A_126 = arith.constant 0 : i32
    %cond3A_127 = arith.cmpi ne, %convert_element_type3A_125, %cond3A_126 : i32
    scf.if %cond3A_127 {
      %run_scoped3A_173 = arith.constant 2 : i32
      "tpu.region"() ({
        %run_scoped3A_174 = tpu.sem_alloc : memref<!tpu.dma_semaphore, #tpu.memory_space<semaphore_mem>>
        %dma_start3A_175 = arith.constant 9984 : i32
        %dma_start3A_176 = arith.constant 0 : i32
        %dma_start3A_177 = tpu.memref_slice %arg6[%arg0, %run_scoped3A_173, %dma_start3A_175, %dma_start3A_176] : memref<2x4x10000x128xf32, #tpu.memory_space<hbm>> -> memref<1x1x16x128xf32, #tpu.memory_space<hbm>>
        %dma_start3A_178 = tpu.memref_squeeze %dma_start3A_177 : memref<1x1x16x128xf32, #tpu.memory_space<hbm>> -> memref<16x128xf32, #tpu.memory_space<hbm>>
        %dma_start3A_179 = arith.constant 9984 : i32
        %dma_start3A_180 = arith.constant 0 : i32
        %dma_start3A_181 = tpu.memref_slice %arg7[%dma_start3A_179, %dma_start3A_180] : memref<10240x128xf32, #tpu.memory_space<vmem_shared>> -> memref<16x128xf32, #tpu.memory_space<vmem_shared>>
        tpu.enqueue_dma source(%dma_start3A_181 : memref<16x128xf32, #tpu.memory_space<vmem_shared>>) target(%dma_start3A_178 : memref<16x128xf32, #tpu.memory_space<hbm>>) target_semaphore(%run_scoped3A_174 : memref<!tpu.dma_semaphore, #tpu.memory_space<semaphore_mem>>)
        %dma_wait3A_182 = arith.constant 9984 : i32
        %dma_wait3A_183 = arith.constant 0 : i32
        %dma_wait3A_184 = tpu.memref_slice %arg6[%arg0, %run_scoped3A_173, %dma_wait3A_182, %dma_wait3A_183] : memref<2x4x10000x128xf32, #tpu.memory_space<hbm>> -> memref<1x1x16x128xf32, #tpu.memory_space<hbm>>
        %dma_wait3A_185 = tpu.memref_squeeze %dma_wait3A_184 : memref<1x1x16x128xf32, #tpu.memory_space<hbm>> -> memref<16x128xf32, #tpu.memory_space<hbm>>
        %dma_wait3A_186 = arith.constant 9984 : i32
        %dma_wait3A_187 = arith.constant 0 : i32
        %dma_wait3A_188 = tpu.memref_slice %arg7[%dma_wait3A_186, %dma_wait3A_187] : memref<10240x128xf32, #tpu.memory_space<vmem_shared>> -> memref<16x128xf32, #tpu.memory_space<vmem_shared>>
        tpu.wait_dma2 semaphore(%run_scoped3A_174 : memref<!tpu.dma_semaphore, #tpu.memory_space<semaphore_mem>>) src(%dma_wait3A_188 : memref<16x128xf32, #tpu.memory_space<vmem_shared>>) dst(%dma_wait3A_185 : memref<16x128xf32, #tpu.memory_space<hbm>>)
        tpu.yield
      }) : () -> ()
    } else {
    }
    %barrier3A_128 = arith.constant 0 : index
    tpu.barrier barrier_id(%barrier3A_128)
    %mul3A_129 = arith.constant 640 : i32
    %mul3A_130 = arith.muli %arg1, %mul3A_129 : i32
    "tpu.region"() ({
      %run_scoped3A_173 = tpu.sem_alloc : memref<!tpu.dma_semaphore, #tpu.memory_space<semaphore_mem>>
      %dma_start3A_174 = arith.constant 0 : i32
      %dma_start3A_175 = tpu.memref_slice %arg7[%mul3A_130, %dma_start3A_174] : memref<10240x128xf32, #tpu.memory_space<vmem_shared>> -> memref<640x128xf32, #tpu.memory_space<vmem_shared>>
      tpu.enqueue_dma source(%arg5 : memref<640x128xf32, #tpu.memory_space<hbm>>) target(%dma_start3A_175 : memref<640x128xf32, #tpu.memory_space<vmem_shared>>) target_semaphore(%run_scoped3A_173 : memref<!tpu.dma_semaphore, #tpu.memory_space<semaphore_mem>>)
      %dma_wait3A_176 = arith.constant 0 : i32
      %dma_wait3A_177 = tpu.memref_slice %arg7[%mul3A_130, %dma_wait3A_176] : memref<10240x128xf32, #tpu.memory_space<vmem_shared>> -> memref<640x128xf32, #tpu.memory_space<vmem_shared>>
      tpu.wait_dma2 semaphore(%run_scoped3A_173 : memref<!tpu.dma_semaphore, #tpu.memory_space<semaphore_mem>>) src(%arg5 : memref<640x128xf32, #tpu.memory_space<hbm>>) dst(%dma_wait3A_177 : memref<640x128xf32, #tpu.memory_space<vmem_shared>>)
      tpu.yield
    }) : () -> ()
    %barrier3A_131 = arith.constant 0 : index
    tpu.barrier barrier_id(%barrier3A_131)
    %dma_start3A_132 = arith.constant 3 : i32
    %dma_start3A_133 = arith.constant 0 : i32
    %dma_start3A_134 = arith.constant 0 : i32
    %dma_start3A_135 = tpu.memref_slice %arg8[%dma_start3A_133, %dma_start3A_134] : memref<40x128xi32, #tpu.memory_space<vmem>> -> memref<1x128xi32, #tpu.memory_space<vmem>>
    %dma_start3A_136 = tpu.memref_squeeze %dma_start3A_135 : memref<1x128xi32, #tpu.memory_space<vmem>> -> memref<128xi32, #tpu.memory_space<vmem>>
    %dma_start3A_137 = arith.constant 0 : i32
    %dma_start3A_138 = arith.constant 0 : i32
    %dma_start3A_139 = tpu.memref_slice %arg2[%dma_start3A_132, %dma_start3A_137, %dma_start3A_138] : memref<4x10000x128xf32, #tpu.memory_space<hbm>> -> memref<1x10000x128xf32, #tpu.memory_space<hbm>>
    %dma_start3A_140 = tpu.memref_squeeze %dma_start3A_139 : memref<1x10000x128xf32, #tpu.memory_space<hbm>> -> memref<10000x128xf32, #tpu.memory_space<hbm>>
    %dma_start3A_141 = arith.constant 0 : i32
    %dma_start3A_142 = arith.constant 0 : i32
    %dma_start3A_143 = tpu.memref_slice %dma_start3A_140[%dma_start3A_141, %dma_start3A_142] : memref<10000x128xf32, #tpu.memory_space<hbm>> -> memref<10000x128xf32, #tpu.memory_space<hbm>>
    tpu.enqueue_indirect_dma source(%dma_start3A_143 : memref<10000x128xf32, #tpu.memory_space<hbm>>) target(%arg10 : memref<128x128xf32, #tpu.memory_space<vmem>>) offsets(%dma_start3A_136 : memref<128xi32, #tpu.memory_space<vmem>>) semaphore(%arg12 : memref<!tpu.dma_semaphore, #tpu.memory_space<semaphore_mem>>)
    %scan3A_144 = arith.constant 0 : i32
    %scan3A_145 = arith.constant 0 : i32
    %scan3A_146 = arith.constant 20 : i32
    %scan3A_147 = arith.addi %scan3A_145, %scan3A_146 : i32
    %scan3A_148 = arith.constant 1 : i32
    scf.for %scan3A_173 = %scan3A_145 to %scan3A_147 step %scan3A_148  : i32 {
      %mul3A_174 = arith.constant 2 : i32
      %mul3A_175 = arith.muli %mul3A_174, %scan3A_173 : i32
      %dma_wait3A_176 = arith.constant 3 : i32
      %dma_wait3A_177 = arith.constant 0 : i32
      %dma_wait3A_178 = arith.constant 0 : i32
      %dma_wait3A_179 = tpu.memref_slice %arg8[%dma_wait3A_177, %dma_wait3A_178] : memref<40x128xi32, #tpu.memory_space<vmem>> -> memref<1x128xi32, #tpu.memory_space<vmem>>
      %dma_wait3A_180 = tpu.memref_squeeze %dma_wait3A_179 : memref<1x128xi32, #tpu.memory_space<vmem>> -> memref<128xi32, #tpu.memory_space<vmem>>
      %dma_wait3A_181 = arith.constant 0 : i32
      %dma_wait3A_182 = arith.constant 0 : i32
      %dma_wait3A_183 = tpu.memref_slice %arg2[%dma_wait3A_176, %dma_wait3A_181, %dma_wait3A_182] : memref<4x10000x128xf32, #tpu.memory_space<hbm>> -> memref<1x10000x128xf32, #tpu.memory_space<hbm>>
      %dma_wait3A_184 = tpu.memref_squeeze %dma_wait3A_183 : memref<1x10000x128xf32, #tpu.memory_space<hbm>> -> memref<10000x128xf32, #tpu.memory_space<hbm>>
      %dma_wait3A_185 = arith.constant 0 : i32
      %dma_wait3A_186 = arith.constant 0 : i32
      %dma_wait3A_187 = tpu.memref_slice %dma_wait3A_184[%dma_wait3A_185, %dma_wait3A_186] : memref<10000x128xf32, #tpu.memory_space<hbm>> -> memref<10000x128xf32, #tpu.memory_space<hbm>>
      tpu.wait_indirect_dma semaphore(%arg12 : memref<!tpu.dma_semaphore, #tpu.memory_space<semaphore_mem>>) src(%dma_wait3A_187 : memref<10000x128xf32, #tpu.memory_space<hbm>>) dst(%arg10 : memref<128x128xf32, #tpu.memory_space<vmem>>)
      %dma_start3A_188 = arith.constant 0 : i32
      %dma_start3A_189 = tpu.memref_slice %arg9[%mul3A_175, %dma_start3A_188] : memref<40x128xi32, #tpu.memory_space<vmem>> -> memref<1x128xi32, #tpu.memory_space<vmem>>
      %dma_start3A_190 = tpu.memref_squeeze %dma_start3A_189 : memref<1x128xi32, #tpu.memory_space<vmem>> -> memref<128xi32, #tpu.memory_space<vmem>>
      %dma_start3A_191 = arith.constant 0 : i32
      %dma_start3A_192 = arith.constant 0 : i32
      %dma_start3A_193 = tpu.memref_slice %arg7[%dma_start3A_191, %dma_start3A_192] : memref<10240x128xf32, #tpu.memory_space<vmem_shared>> -> memref<10240x128xf32, #tpu.memory_space<vmem_shared>>
      tpu.enqueue_indirect_dma source(%arg10 : memref<128x128xf32, #tpu.memory_space<vmem>>) target(%dma_start3A_193 : memref<10240x128xf32, #tpu.memory_space<vmem_shared>>) offsets(%dma_start3A_190 : memref<128xi32, #tpu.memory_space<vmem>>) semaphore(%arg14 : memref<!tpu.dma_semaphore, #tpu.memory_space<semaphore_mem>>) {add = true}
      %add3A_194 = arith.constant 1 : i32
      %add3A_195 = arith.addi %mul3A_175, %add3A_194 : i32
      %dma_start3A_196 = arith.constant 3 : i32
      %dma_start3A_197 = arith.constant 0 : i32
      %dma_start3A_198 = tpu.memref_slice %arg8[%add3A_195, %dma_start3A_197] : memref<40x128xi32, #tpu.memory_space<vmem>> -> memref<1x128xi32, #tpu.memory_space<vmem>>
      %dma_start3A_199 = tpu.memref_squeeze %dma_start3A_198 : memref<1x128xi32, #tpu.memory_space<vmem>> -> memref<128xi32, #tpu.memory_space<vmem>>
      %dma_start3A_200 = arith.constant 0 : i32
      %dma_start3A_201 = arith.constant 0 : i32
      %dma_start3A_202 = tpu.memref_slice %arg2[%dma_start3A_196, %dma_start3A_200, %dma_start3A_201] : memref<4x10000x128xf32, #tpu.memory_space<hbm>> -> memref<1x10000x128xf32, #tpu.memory_space<hbm>>
      %dma_start3A_203 = tpu.memref_squeeze %dma_start3A_202 : memref<1x10000x128xf32, #tpu.memory_space<hbm>> -> memref<10000x128xf32, #tpu.memory_space<hbm>>
      %dma_start3A_204 = arith.constant 0 : i32
      %dma_start3A_205 = arith.constant 0 : i32
      %dma_start3A_206 = tpu.memref_slice %dma_start3A_203[%dma_start3A_204, %dma_start3A_205] : memref<10000x128xf32, #tpu.memory_space<hbm>> -> memref<10000x128xf32, #tpu.memory_space<hbm>>
      tpu.enqueue_indirect_dma source(%dma_start3A_206 : memref<10000x128xf32, #tpu.memory_space<hbm>>) target(%arg11 : memref<128x128xf32, #tpu.memory_space<vmem>>) offsets(%dma_start3A_199 : memref<128xi32, #tpu.memory_space<vmem>>) semaphore(%arg13 : memref<!tpu.dma_semaphore, #tpu.memory_space<semaphore_mem>>)
      %dma_wait3A_207 = arith.constant 3 : i32
      %dma_wait3A_208 = arith.constant 0 : i32
      %dma_wait3A_209 = arith.constant 0 : i32
      %dma_wait3A_210 = tpu.memref_slice %arg8[%dma_wait3A_208, %dma_wait3A_209] : memref<40x128xi32, #tpu.memory_space<vmem>> -> memref<1x128xi32, #tpu.memory_space<vmem>>
      %dma_wait3A_211 = tpu.memref_squeeze %dma_wait3A_210 : memref<1x128xi32, #tpu.memory_space<vmem>> -> memref<128xi32, #tpu.memory_space<vmem>>
      %dma_wait3A_212 = arith.constant 0 : i32
      %dma_wait3A_213 = arith.constant 0 : i32
      %dma_wait3A_214 = tpu.memref_slice %arg2[%dma_wait3A_207, %dma_wait3A_212, %dma_wait3A_213] : memref<4x10000x128xf32, #tpu.memory_space<hbm>> -> memref<1x10000x128xf32, #tpu.memory_space<hbm>>
      %dma_wait3A_215 = tpu.memref_squeeze %dma_wait3A_214 : memref<1x10000x128xf32, #tpu.memory_space<hbm>> -> memref<10000x128xf32, #tpu.memory_space<hbm>>
      %dma_wait3A_216 = arith.constant 0 : i32
      %dma_wait3A_217 = arith.constant 0 : i32
      %dma_wait3A_218 = tpu.memref_slice %dma_wait3A_215[%dma_wait3A_216, %dma_wait3A_217] : memref<10000x128xf32, #tpu.memory_space<hbm>> -> memref<10000x128xf32, #tpu.memory_space<hbm>>
      tpu.wait_indirect_dma semaphore(%arg13 : memref<!tpu.dma_semaphore, #tpu.memory_space<semaphore_mem>>) src(%dma_wait3A_218 : memref<10000x128xf32, #tpu.memory_space<hbm>>) dst(%arg11 : memref<128x128xf32, #tpu.memory_space<vmem>>)
      %add3A_219 = arith.constant 1 : i32
      %add3A_220 = arith.addi %mul3A_175, %add3A_219 : i32
      %dma_start3A_221 = arith.constant 0 : i32
      %dma_start3A_222 = tpu.memref_slice %arg9[%add3A_220, %dma_start3A_221] : memref<40x128xi32, #tpu.memory_space<vmem>> -> memref<1x128xi32, #tpu.memory_space<vmem>>
      %dma_start3A_223 = tpu.memref_squeeze %dma_start3A_222 : memref<1x128xi32, #tpu.memory_space<vmem>> -> memref<128xi32, #tpu.memory_space<vmem>>
      %dma_start3A_224 = arith.constant 0 : i32
      %dma_start3A_225 = arith.constant 0 : i32
      %dma_start3A_226 = tpu.memref_slice %arg7[%dma_start3A_224, %dma_start3A_225] : memref<10240x128xf32, #tpu.memory_space<vmem_shared>> -> memref<10240x128xf32, #tpu.memory_space<vmem_shared>>
      tpu.enqueue_indirect_dma source(%arg11 : memref<128x128xf32, #tpu.memory_space<vmem>>) target(%dma_start3A_226 : memref<10240x128xf32, #tpu.memory_space<vmem_shared>>) offsets(%dma_start3A_223 : memref<128xi32, #tpu.memory_space<vmem>>) semaphore(%arg15 : memref<!tpu.dma_semaphore, #tpu.memory_space<semaphore_mem>>) {add = true}
      %dma_wait3A_227 = arith.constant 0 : i32
      %dma_wait3A_228 = arith.constant 0 : i32
      %dma_wait3A_229 = tpu.memref_slice %arg9[%dma_wait3A_227, %dma_wait3A_228] : memref<40x128xi32, #tpu.memory_space<vmem>> -> memref<1x128xi32, #tpu.memory_space<vmem>>
      %dma_wait3A_230 = tpu.memref_squeeze %dma_wait3A_229 : memref<1x128xi32, #tpu.memory_space<vmem>> -> memref<128xi32, #tpu.memory_space<vmem>>
      %dma_wait3A_231 = arith.constant 0 : i32
      %dma_wait3A_232 = arith.constant 0 : i32
      %dma_wait3A_233 = tpu.memref_slice %arg7[%dma_wait3A_231, %dma_wait3A_232] : memref<10240x128xf32, #tpu.memory_space<vmem_shared>> -> memref<10240x128xf32, #tpu.memory_space<vmem_shared>>
      tpu.wait_indirect_dma semaphore(%arg14 : memref<!tpu.dma_semaphore, #tpu.memory_space<semaphore_mem>>) src(%arg10 : memref<128x128xf32, #tpu.memory_space<vmem>>) dst(%dma_wait3A_233 : memref<10240x128xf32, #tpu.memory_space<vmem_shared>>)
      %add3A_234 = arith.constant 2 : i32
      %add3A_235 = arith.addi %mul3A_175, %add3A_234 : i32
      %min3A = arith.constant 39 : i32
      %min3A_236 = arith.minsi %add3A_235, %min3A : i32
      %dma_start3A_237 = arith.constant 3 : i32
      %dma_start3A_238 = arith.constant 0 : i32
      %dma_start3A_239 = tpu.memref_slice %arg8[%min3A_236, %dma_start3A_238] : memref<40x128xi32, #tpu.memory_space<vmem>> -> memref<1x128xi32, #tpu.memory_space<vmem>>
      %dma_start3A_240 = tpu.memref_squeeze %dma_start3A_239 : memref<1x128xi32, #tpu.memory_space<vmem>> -> memref<128xi32, #tpu.memory_space<vmem>>
      %dma_start3A_241 = arith.constant 0 : i32
      %dma_start3A_242 = arith.constant 0 : i32
      %dma_start3A_243 = tpu.memref_slice %arg2[%dma_start3A_237, %dma_start3A_241, %dma_start3A_242] : memref<4x10000x128xf32, #tpu.memory_space<hbm>> -> memref<1x10000x128xf32, #tpu.memory_space<hbm>>
      %dma_start3A_244 = tpu.memref_squeeze %dma_start3A_243 : memref<1x10000x128xf32, #tpu.memory_space<hbm>> -> memref<10000x128xf32, #tpu.memory_space<hbm>>
      %dma_start3A_245 = arith.constant 0 : i32
      %dma_start3A_246 = arith.constant 0 : i32
      %dma_start3A_247 = tpu.memref_slice %dma_start3A_244[%dma_start3A_245, %dma_start3A_246] : memref<10000x128xf32, #tpu.memory_space<hbm>> -> memref<10000x128xf32, #tpu.memory_space<hbm>>
      tpu.enqueue_indirect_dma source(%dma_start3A_247 : memref<10000x128xf32, #tpu.memory_space<hbm>>) target(%arg10 : memref<128x128xf32, #tpu.memory_space<vmem>>) offsets(%dma_start3A_240 : memref<128xi32, #tpu.memory_space<vmem>>) semaphore(%arg12 : memref<!tpu.dma_semaphore, #tpu.memory_space<semaphore_mem>>)
      %dma_wait3A_248 = arith.constant 0 : i32
      %dma_wait3A_249 = arith.constant 0 : i32
      %dma_wait3A_250 = tpu.memref_slice %arg9[%dma_wait3A_248, %dma_wait3A_249] : memref<40x128xi32, #tpu.memory_space<vmem>> -> memref<1x128xi32, #tpu.memory_space<vmem>>
      %dma_wait3A_251 = tpu.memref_squeeze %dma_wait3A_250 : memref<1x128xi32, #tpu.memory_space<vmem>> -> memref<128xi32, #tpu.memory_space<vmem>>
      %dma_wait3A_252 = arith.constant 0 : i32
      %dma_wait3A_253 = arith.constant 0 : i32
      %dma_wait3A_254 = tpu.memref_slice %arg7[%dma_wait3A_252, %dma_wait3A_253] : memref<10240x128xf32, #tpu.memory_space<vmem_shared>> -> memref<10240x128xf32, #tpu.memory_space<vmem_shared>>
      tpu.wait_indirect_dma semaphore(%arg15 : memref<!tpu.dma_semaphore, #tpu.memory_space<semaphore_mem>>) src(%arg11 : memref<128x128xf32, #tpu.memory_space<vmem>>) dst(%dma_wait3A_254 : memref<10240x128xf32, #tpu.memory_space<vmem_shared>>)
    }
    %scan3A_149 = arith.constant 20 : i32
    %dma_wait3A_150 = arith.constant 3 : i32
    %dma_wait3A_151 = arith.constant 0 : i32
    %dma_wait3A_152 = arith.constant 0 : i32
    %dma_wait3A_153 = tpu.memref_slice %arg8[%dma_wait3A_151, %dma_wait3A_152] : memref<40x128xi32, #tpu.memory_space<vmem>> -> memref<1x128xi32, #tpu.memory_space<vmem>>
    %dma_wait3A_154 = tpu.memref_squeeze %dma_wait3A_153 : memref<1x128xi32, #tpu.memory_space<vmem>> -> memref<128xi32, #tpu.memory_space<vmem>>
    %dma_wait3A_155 = arith.constant 0 : i32
    %dma_wait3A_156 = arith.constant 0 : i32
    %dma_wait3A_157 = tpu.memref_slice %arg2[%dma_wait3A_150, %dma_wait3A_155, %dma_wait3A_156] : memref<4x10000x128xf32, #tpu.memory_space<hbm>> -> memref<1x10000x128xf32, #tpu.memory_space<hbm>>
    %dma_wait3A_158 = tpu.memref_squeeze %dma_wait3A_157 : memref<1x10000x128xf32, #tpu.memory_space<hbm>> -> memref<10000x128xf32, #tpu.memory_space<hbm>>
    %dma_wait3A_159 = arith.constant 0 : i32
    %dma_wait3A_160 = arith.constant 0 : i32
    %dma_wait3A_161 = tpu.memref_slice %dma_wait3A_158[%dma_wait3A_159, %dma_wait3A_160] : memref<10000x128xf32, #tpu.memory_space<hbm>> -> memref<10000x128xf32, #tpu.memory_space<hbm>>
    tpu.wait_indirect_dma semaphore(%arg12 : memref<!tpu.dma_semaphore, #tpu.memory_space<semaphore_mem>>) src(%dma_wait3A_161 : memref<10000x128xf32, #tpu.memory_space<hbm>>) dst(%arg10 : memref<128x128xf32, #tpu.memory_space<vmem>>)
    %barrier3A_162 = arith.constant 0 : index
    tpu.barrier barrier_id(%barrier3A_162)
    %mul3A_163 = arith.constant 624 : i32
    %mul3A_164 = arith.muli %arg1, %mul3A_163 : i32
    %mul3A_165 = arith.constant 624 : i32
    %mul3A_166 = arith.muli %arg1, %mul3A_165 : i32
    %run_scoped3A_167 = arith.constant 3 : i32
    "tpu.region"() ({
      %run_scoped3A_173 = tpu.sem_alloc : memref<!tpu.dma_semaphore, #tpu.memory_space<semaphore_mem>>
      %dma_start3A_174 = arith.constant 0 : i32
      %dma_start3A_175 = tpu.memref_slice %arg6[%arg0, %run_scoped3A_167, %mul3A_166, %dma_start3A_174] : memref<2x4x10000x128xf32, #tpu.memory_space<hbm>> -> memref<1x1x624x128xf32, #tpu.memory_space<hbm>>
      %dma_start3A_176 = tpu.memref_squeeze %dma_start3A_175 : memref<1x1x624x128xf32, #tpu.memory_space<hbm>> -> memref<624x128xf32, #tpu.memory_space<hbm>>
      %dma_start3A_177 = arith.constant 0 : i32
      %dma_start3A_178 = tpu.memref_slice %arg7[%mul3A_164, %dma_start3A_177] : memref<10240x128xf32, #tpu.memory_space<vmem_shared>> -> memref<624x128xf32, #tpu.memory_space<vmem_shared>>
      tpu.enqueue_dma source(%dma_start3A_178 : memref<624x128xf32, #tpu.memory_space<vmem_shared>>) target(%dma_start3A_176 : memref<624x128xf32, #tpu.memory_space<hbm>>) target_semaphore(%run_scoped3A_173 : memref<!tpu.dma_semaphore, #tpu.memory_space<semaphore_mem>>)
      %dma_wait3A_179 = arith.constant 0 : i32
      %dma_wait3A_180 = tpu.memref_slice %arg6[%arg0, %run_scoped3A_167, %mul3A_166, %dma_wait3A_179] : memref<2x4x10000x128xf32, #tpu.memory_space<hbm>> -> memref<1x1x624x128xf32, #tpu.memory_space<hbm>>
      %dma_wait3A_181 = tpu.memref_squeeze %dma_wait3A_180 : memref<1x1x624x128xf32, #tpu.memory_space<hbm>> -> memref<624x128xf32, #tpu.memory_space<hbm>>
      %dma_wait3A_182 = arith.constant 0 : i32
      %dma_wait3A_183 = tpu.memref_slice %arg7[%mul3A_164, %dma_wait3A_182] : memref<10240x128xf32, #tpu.memory_space<vmem_shared>> -> memref<624x128xf32, #tpu.memory_space<vmem_shared>>
      tpu.wait_dma2 semaphore(%run_scoped3A_173 : memref<!tpu.dma_semaphore, #tpu.memory_space<semaphore_mem>>) src(%dma_wait3A_183 : memref<624x128xf32, #tpu.memory_space<vmem_shared>>) dst(%dma_wait3A_181 : memref<624x128xf32, #tpu.memory_space<hbm>>)
      tpu.yield
    }) : () -> ()
    %eq3A_168 = arith.constant 0 : i32
    %eq3A_169 = arith.cmpi eq, %arg1, %eq3A_168 : i32
    %convert_element_type3A_170 = arith.extui %eq3A_169 : i1 to i32
    %cond3A_171 = arith.constant 0 : i32
    %cond3A_172 = arith.cmpi ne, %convert_element_type3A_170, %cond3A_171 : i32
    scf.if %cond3A_172 {
      %run_scoped3A_173 = arith.constant 3 : i32
      "tpu.region"() ({
        %run_scoped3A_174 = tpu.sem_alloc : memref<!tpu.dma_semaphore, #tpu.memory_space<semaphore_mem>>
        %dma_start3A_175 = arith.constant 9984 : i32
        %dma_start3A_176 = arith.constant 0 : i32
        %dma_start3A_177 = tpu.memref_slice %arg6[%arg0, %run_scoped3A_173, %dma_start3A_175, %dma_start3A_176] : memref<2x4x10000x128xf32, #tpu.memory_space<hbm>> -> memref<1x1x16x128xf32, #tpu.memory_space<hbm>>
        %dma_start3A_178 = tpu.memref_squeeze %dma_start3A_177 : memref<1x1x16x128xf32, #tpu.memory_space<hbm>> -> memref<16x128xf32, #tpu.memory_space<hbm>>
        %dma_start3A_179 = arith.constant 9984 : i32
        %dma_start3A_180 = arith.constant 0 : i32
        %dma_start3A_181 = tpu.memref_slice %arg7[%dma_start3A_179, %dma_start3A_180] : memref<10240x128xf32, #tpu.memory_space<vmem_shared>> -> memref<16x128xf32, #tpu.memory_space<vmem_shared>>
        tpu.enqueue_dma source(%dma_start3A_181 : memref<16x128xf32, #tpu.memory_space<vmem_shared>>) target(%dma_start3A_178 : memref<16x128xf32, #tpu.memory_space<hbm>>) target_semaphore(%run_scoped3A_174 : memref<!tpu.dma_semaphore, #tpu.memory_space<semaphore_mem>>)
        %dma_wait3A_182 = arith.constant 9984 : i32
        %dma_wait3A_183 = arith.constant 0 : i32
        %dma_wait3A_184 = tpu.memref_slice %arg6[%arg0, %run_scoped3A_173, %dma_wait3A_182, %dma_wait3A_183] : memref<2x4x10000x128xf32, #tpu.memory_space<hbm>> -> memref<1x1x16x128xf32, #tpu.memory_space<hbm>>
        %dma_wait3A_185 = tpu.memref_squeeze %dma_wait3A_184 : memref<1x1x16x128xf32, #tpu.memory_space<hbm>> -> memref<16x128xf32, #tpu.memory_space<hbm>>
        %dma_wait3A_186 = arith.constant 9984 : i32
        %dma_wait3A_187 = arith.constant 0 : i32
        %dma_wait3A_188 = tpu.memref_slice %arg7[%dma_wait3A_186, %dma_wait3A_187] : memref<10240x128xf32, #tpu.memory_space<vmem_shared>> -> memref<16x128xf32, #tpu.memory_space<vmem_shared>>
        tpu.wait_dma2 semaphore(%run_scoped3A_174 : memref<!tpu.dma_semaphore, #tpu.memory_space<semaphore_mem>>) src(%dma_wait3A_188 : memref<16x128xf32, #tpu.memory_space<vmem_shared>>) dst(%dma_wait3A_185 : memref<16x128xf32, #tpu.memory_space<hbm>>)
        tpu.yield
      }) : () -> ()
    } else {
    }
    return
  }
}

#map = affine_map<(d0, d1) -> (0, 0, 0)>
#map1 = affine_map<(d0, d1) -> (0, 0)>
#map2 = affine_map<(d0, d1) -> (0, 0, 0, 0)>
module attributes {stable_mosaic.version = 14 : i64} {
  func.func @_sc2_body(%arg0: i32, %arg1: i32, %arg2: memref<4x172032x128xf32, #tpu.memory_space<hbm>>, %arg3: memref<172032x128xf32, #tpu.memory_space<hbm>>, %arg4: memref<32x42x128xi32, #tpu.memory_space<hbm>>, %arg5: memref<640x128xf32, #tpu.memory_space<hbm>>, %arg6: memref<2x4x10000x128xf32, #tpu.memory_space<hbm>>, %arg7: memref<2x10000x128xf32, #tpu.memory_space<hbm>>, %arg8: memref<10240x128xf32, #tpu.memory_space<vmem_shared>>, %arg9: memref<42x128xi32, #tpu.memory_space<vmem>>, %arg10: memref<128x128xf32, #tpu.memory_space<vmem>>, %arg11: memref<128x128xf32, #tpu.memory_space<vmem>>, %arg12: memref<!tpu.dma_semaphore, #tpu.memory_space<semaphore_mem>>, %arg13: memref<!tpu.dma_semaphore, #tpu.memory_space<semaphore_mem>>, %arg14: memref<!tpu.dma_semaphore, #tpu.memory_space<semaphore_mem>>, %arg15: memref<!tpu.dma_semaphore, #tpu.memory_space<semaphore_mem>>) attributes {dimension_semantics = [#tpu.dimension_semantics<core_parallel>, #tpu.dimension_semantics<subcore_parallel>], iteration_bounds = array<i64: 2, 16>, scalar_prefetch = 0 : i64, scratch_operands = 8 : i64, tpu.core_type = #tpu.core_type<sc_vector_subcore>, window_params = [{transform_indices = #map}, {transform_indices = #map1}, {transform_indices = #map}, {transform_indices = #map1}, {transform_indices = #map2}, {transform_indices = #map}]} {
    %mul3A = arith.constant 2 : i32
    %mul3A_0 = arith.muli %arg1, %mul3A : i32
    %add3A = arith.addi %mul3A_0, %arg0 : i32
    "tpu.region"() ({
      %run_scoped3A_182 = tpu.sem_alloc : memref<!tpu.dma_semaphore, #tpu.memory_space<semaphore_mem>>
      %dma_start3A_183 = arith.constant 0 : i32
      %dma_start3A_184 = arith.constant 0 : i32
      %dma_start3A_185 = tpu.memref_slice %arg4[%add3A, %dma_start3A_183, %dma_start3A_184] : memref<32x42x128xi32, #tpu.memory_space<hbm>> -> memref<1x42x128xi32, #tpu.memory_space<hbm>>
      %dma_start3A_186 = tpu.memref_squeeze %dma_start3A_185 : memref<1x42x128xi32, #tpu.memory_space<hbm>> -> memref<42x128xi32, #tpu.memory_space<hbm>>
      %dma_start3A_187 = arith.constant 0 : i32
      %dma_start3A_188 = arith.constant 0 : i32
      %dma_start3A_189 = tpu.memref_slice %arg4[%add3A, %dma_start3A_187, %dma_start3A_188] : memref<32x42x128xi32, #tpu.memory_space<hbm>> -> memref<1x42x128xi32, #tpu.memory_space<hbm>>
      %dma_start3A_190 = tpu.memref_squeeze %dma_start3A_189 : memref<1x42x128xi32, #tpu.memory_space<hbm>> -> memref<42x128xi32, #tpu.memory_space<hbm>>
      tpu.enqueue_dma source(%dma_start3A_190 : memref<42x128xi32, #tpu.memory_space<hbm>>) target(%arg9 : memref<42x128xi32, #tpu.memory_space<vmem>>) target_semaphore(%run_scoped3A_182 : memref<!tpu.dma_semaphore, #tpu.memory_space<semaphore_mem>>)
      %dma_wait3A_191 = arith.constant 0 : i32
      %dma_wait3A_192 = arith.constant 0 : i32
      %dma_wait3A_193 = tpu.memref_slice %arg4[%add3A, %dma_wait3A_191, %dma_wait3A_192] : memref<32x42x128xi32, #tpu.memory_space<hbm>> -> memref<1x42x128xi32, #tpu.memory_space<hbm>>
      %dma_wait3A_194 = tpu.memref_squeeze %dma_wait3A_193 : memref<1x42x128xi32, #tpu.memory_space<hbm>> -> memref<42x128xi32, #tpu.memory_space<hbm>>
      %dma_wait3A_195 = arith.constant 0 : i32
      %dma_wait3A_196 = arith.constant 0 : i32
      %dma_wait3A_197 = tpu.memref_slice %arg4[%add3A, %dma_wait3A_195, %dma_wait3A_196] : memref<32x42x128xi32, #tpu.memory_space<hbm>> -> memref<1x42x128xi32, #tpu.memory_space<hbm>>
      %dma_wait3A_198 = tpu.memref_squeeze %dma_wait3A_197 : memref<1x42x128xi32, #tpu.memory_space<hbm>> -> memref<42x128xi32, #tpu.memory_space<hbm>>
      tpu.wait_dma2 semaphore(%run_scoped3A_182 : memref<!tpu.dma_semaphore, #tpu.memory_space<semaphore_mem>>) src(%dma_wait3A_198 : memref<42x128xi32, #tpu.memory_space<hbm>>) dst(%arg9 : memref<42x128xi32, #tpu.memory_space<vmem>>)
      tpu.yield
    }) : () -> ()
    %mul3A_1 = arith.constant 5376 : i32
    %mul3A_2 = arith.muli %add3A, %mul3A_1 : i32
    %mul3A_3 = arith.constant 640 : i32
    %mul3A_4 = arith.muli %arg1, %mul3A_3 : i32
    "tpu.region"() ({
      %run_scoped3A_182 = tpu.sem_alloc : memref<!tpu.dma_semaphore, #tpu.memory_space<semaphore_mem>>
      %dma_start3A_183 = arith.constant 0 : i32
      %dma_start3A_184 = tpu.memref_slice %arg8[%mul3A_4, %dma_start3A_183] : memref<10240x128xf32, #tpu.memory_space<vmem_shared>> -> memref<640x128xf32, #tpu.memory_space<vmem_shared>>
      tpu.enqueue_dma source(%arg5 : memref<640x128xf32, #tpu.memory_space<hbm>>) target(%dma_start3A_184 : memref<640x128xf32, #tpu.memory_space<vmem_shared>>) target_semaphore(%run_scoped3A_182 : memref<!tpu.dma_semaphore, #tpu.memory_space<semaphore_mem>>)
      %dma_wait3A_185 = arith.constant 0 : i32
      %dma_wait3A_186 = tpu.memref_slice %arg8[%mul3A_4, %dma_wait3A_185] : memref<10240x128xf32, #tpu.memory_space<vmem_shared>> -> memref<640x128xf32, #tpu.memory_space<vmem_shared>>
      tpu.wait_dma2 semaphore(%run_scoped3A_182 : memref<!tpu.dma_semaphore, #tpu.memory_space<semaphore_mem>>) src(%arg5 : memref<640x128xf32, #tpu.memory_space<hbm>>) dst(%dma_wait3A_186 : memref<640x128xf32, #tpu.memory_space<vmem_shared>>)
      tpu.yield
    }) : () -> ()
    %barrier3A = arith.constant 0 : index
    tpu.barrier barrier_id(%barrier3A)
    %add3A_5 = arith.constant 0 : i32
    %add3A_6 = arith.addi %mul3A_2, %add3A_5 : i32
    %dma_start3A = arith.constant 0 : i32
    %dma_start3A_7 = tpu.memref_slice %arg3[%add3A_6, %dma_start3A] : memref<172032x128xf32, #tpu.memory_space<hbm>> -> memref<128x128xf32, #tpu.memory_space<hbm>>
    %dma_start3A_8 = arith.constant 0 : i32
    %dma_start3A_9 = tpu.memref_slice %arg3[%add3A_6, %dma_start3A_8] : memref<172032x128xf32, #tpu.memory_space<hbm>> -> memref<128x128xf32, #tpu.memory_space<hbm>>
    tpu.enqueue_dma source(%dma_start3A_9 : memref<128x128xf32, #tpu.memory_space<hbm>>) target(%arg10 : memref<128x128xf32, #tpu.memory_space<vmem>>) target_semaphore(%arg12 : memref<!tpu.dma_semaphore, #tpu.memory_space<semaphore_mem>>)
    %scan3A = arith.constant 0 : i32
    %scan3A_10 = arith.constant 0 : i32
    %scan3A_11 = arith.constant 21 : i32
    %scan3A_12 = arith.addi %scan3A_10, %scan3A_11 : i32
    %scan3A_13 = arith.constant 1 : i32
    scf.for %scan3A_182 = %scan3A_10 to %scan3A_12 step %scan3A_13  : i32 {
      %mul3A_183 = arith.constant 2 : i32
      %mul3A_184 = arith.muli %mul3A_183, %scan3A_182 : i32
      %add3A_185 = arith.constant 0 : i32
      %add3A_186 = arith.addi %mul3A_2, %add3A_185 : i32
      %dma_wait3A_187 = arith.constant 0 : i32
      %dma_wait3A_188 = tpu.memref_slice %arg3[%add3A_186, %dma_wait3A_187] : memref<172032x128xf32, #tpu.memory_space<hbm>> -> memref<128x128xf32, #tpu.memory_space<hbm>>
      %dma_wait3A_189 = arith.constant 0 : i32
      %dma_wait3A_190 = tpu.memref_slice %arg3[%add3A_186, %dma_wait3A_189] : memref<172032x128xf32, #tpu.memory_space<hbm>> -> memref<128x128xf32, #tpu.memory_space<hbm>>
      tpu.wait_dma2 semaphore(%arg12 : memref<!tpu.dma_semaphore, #tpu.memory_space<semaphore_mem>>) src(%dma_wait3A_190 : memref<128x128xf32, #tpu.memory_space<hbm>>) dst(%arg10 : memref<128x128xf32, #tpu.memory_space<vmem>>)
      %dma_start3A_191 = arith.constant 0 : i32
      %dma_start3A_192 = tpu.memref_slice %arg9[%mul3A_184, %dma_start3A_191] : memref<42x128xi32, #tpu.memory_space<vmem>> -> memref<1x128xi32, #tpu.memory_space<vmem>>
      %dma_start3A_193 = tpu.memref_squeeze %dma_start3A_192 : memref<1x128xi32, #tpu.memory_space<vmem>> -> memref<128xi32, #tpu.memory_space<vmem>>
      %dma_start3A_194 = arith.constant 0 : i32
      %dma_start3A_195 = arith.constant 0 : i32
      %dma_start3A_196 = tpu.memref_slice %arg8[%dma_start3A_194, %dma_start3A_195] : memref<10240x128xf32, #tpu.memory_space<vmem_shared>> -> memref<10240x128xf32, #tpu.memory_space<vmem_shared>>
      tpu.enqueue_indirect_dma source(%arg10 : memref<128x128xf32, #tpu.memory_space<vmem>>) target(%dma_start3A_196 : memref<10240x128xf32, #tpu.memory_space<vmem_shared>>) offsets(%dma_start3A_193 : memref<128xi32, #tpu.memory_space<vmem>>) semaphore(%arg14 : memref<!tpu.dma_semaphore, #tpu.memory_space<semaphore_mem>>) {add = true}
      %add3A_197 = arith.constant 1 : i32
      %add3A_198 = arith.addi %mul3A_184, %add3A_197 : i32
      %mul3A_199 = arith.constant 128 : i32
      %mul3A_200 = arith.muli %add3A_198, %mul3A_199 : i32
      %add3A_201 = arith.addi %mul3A_2, %mul3A_200 : i32
      %dma_start3A_202 = arith.constant 0 : i32
      %dma_start3A_203 = tpu.memref_slice %arg3[%add3A_201, %dma_start3A_202] : memref<172032x128xf32, #tpu.memory_space<hbm>> -> memref<128x128xf32, #tpu.memory_space<hbm>>
      %dma_start3A_204 = arith.constant 0 : i32
      %dma_start3A_205 = tpu.memref_slice %arg3[%add3A_201, %dma_start3A_204] : memref<172032x128xf32, #tpu.memory_space<hbm>> -> memref<128x128xf32, #tpu.memory_space<hbm>>
      tpu.enqueue_dma source(%dma_start3A_205 : memref<128x128xf32, #tpu.memory_space<hbm>>) target(%arg11 : memref<128x128xf32, #tpu.memory_space<vmem>>) target_semaphore(%arg13 : memref<!tpu.dma_semaphore, #tpu.memory_space<semaphore_mem>>)
      %add3A_206 = arith.constant 0 : i32
      %add3A_207 = arith.addi %mul3A_2, %add3A_206 : i32
      %dma_wait3A_208 = arith.constant 0 : i32
      %dma_wait3A_209 = tpu.memref_slice %arg3[%add3A_207, %dma_wait3A_208] : memref<172032x128xf32, #tpu.memory_space<hbm>> -> memref<128x128xf32, #tpu.memory_space<hbm>>
      %dma_wait3A_210 = arith.constant 0 : i32
      %dma_wait3A_211 = tpu.memref_slice %arg3[%add3A_207, %dma_wait3A_210] : memref<172032x128xf32, #tpu.memory_space<hbm>> -> memref<128x128xf32, #tpu.memory_space<hbm>>
      tpu.wait_dma2 semaphore(%arg13 : memref<!tpu.dma_semaphore, #tpu.memory_space<semaphore_mem>>) src(%dma_wait3A_211 : memref<128x128xf32, #tpu.memory_space<hbm>>) dst(%arg11 : memref<128x128xf32, #tpu.memory_space<vmem>>)
      %add3A_212 = arith.constant 1 : i32
      %add3A_213 = arith.addi %mul3A_184, %add3A_212 : i32
      %dma_start3A_214 = arith.constant 0 : i32
      %dma_start3A_215 = tpu.memref_slice %arg9[%add3A_213, %dma_start3A_214] : memref<42x128xi32, #tpu.memory_space<vmem>> -> memref<1x128xi32, #tpu.memory_space<vmem>>
      %dma_start3A_216 = tpu.memref_squeeze %dma_start3A_215 : memref<1x128xi32, #tpu.memory_space<vmem>> -> memref<128xi32, #tpu.memory_space<vmem>>
      %dma_start3A_217 = arith.constant 0 : i32
      %dma_start3A_218 = arith.constant 0 : i32
      %dma_start3A_219 = tpu.memref_slice %arg8[%dma_start3A_217, %dma_start3A_218] : memref<10240x128xf32, #tpu.memory_space<vmem_shared>> -> memref<10240x128xf32, #tpu.memory_space<vmem_shared>>
      tpu.enqueue_indirect_dma source(%arg11 : memref<128x128xf32, #tpu.memory_space<vmem>>) target(%dma_start3A_219 : memref<10240x128xf32, #tpu.memory_space<vmem_shared>>) offsets(%dma_start3A_216 : memref<128xi32, #tpu.memory_space<vmem>>) semaphore(%arg15 : memref<!tpu.dma_semaphore, #tpu.memory_space<semaphore_mem>>) {add = true}
      %dma_wait3A_220 = arith.constant 0 : i32
      %dma_wait3A_221 = arith.constant 0 : i32
      %dma_wait3A_222 = tpu.memref_slice %arg9[%dma_wait3A_220, %dma_wait3A_221] : memref<42x128xi32, #tpu.memory_space<vmem>> -> memref<1x128xi32, #tpu.memory_space<vmem>>
      %dma_wait3A_223 = tpu.memref_squeeze %dma_wait3A_222 : memref<1x128xi32, #tpu.memory_space<vmem>> -> memref<128xi32, #tpu.memory_space<vmem>>
      %dma_wait3A_224 = arith.constant 0 : i32
      %dma_wait3A_225 = arith.constant 0 : i32
      %dma_wait3A_226 = tpu.memref_slice %arg8[%dma_wait3A_224, %dma_wait3A_225] : memref<10240x128xf32, #tpu.memory_space<vmem_shared>> -> memref<10240x128xf32, #tpu.memory_space<vmem_shared>>
      tpu.wait_indirect_dma semaphore(%arg14 : memref<!tpu.dma_semaphore, #tpu.memory_space<semaphore_mem>>) src(%arg10 : memref<128x128xf32, #tpu.memory_space<vmem>>) dst(%dma_wait3A_226 : memref<10240x128xf32, #tpu.memory_space<vmem_shared>>)
      %add3A_227 = arith.constant 2 : i32
      %add3A_228 = arith.addi %mul3A_184, %add3A_227 : i32
      %min3A = arith.constant 41 : i32
      %min3A_229 = arith.minsi %add3A_228, %min3A : i32
      %mul3A_230 = arith.constant 128 : i32
      %mul3A_231 = arith.muli %min3A_229, %mul3A_230 : i32
      %add3A_232 = arith.addi %mul3A_2, %mul3A_231 : i32
      %dma_start3A_233 = arith.constant 0 : i32
      %dma_start3A_234 = tpu.memref_slice %arg3[%add3A_232, %dma_start3A_233] : memref<172032x128xf32, #tpu.memory_space<hbm>> -> memref<128x128xf32, #tpu.memory_space<hbm>>
      %dma_start3A_235 = arith.constant 0 : i32
      %dma_start3A_236 = tpu.memref_slice %arg3[%add3A_232, %dma_start3A_235] : memref<172032x128xf32, #tpu.memory_space<hbm>> -> memref<128x128xf32, #tpu.memory_space<hbm>>
      tpu.enqueue_dma source(%dma_start3A_236 : memref<128x128xf32, #tpu.memory_space<hbm>>) target(%arg10 : memref<128x128xf32, #tpu.memory_space<vmem>>) target_semaphore(%arg12 : memref<!tpu.dma_semaphore, #tpu.memory_space<semaphore_mem>>)
      %dma_wait3A_237 = arith.constant 0 : i32
      %dma_wait3A_238 = arith.constant 0 : i32
      %dma_wait3A_239 = tpu.memref_slice %arg9[%dma_wait3A_237, %dma_wait3A_238] : memref<42x128xi32, #tpu.memory_space<vmem>> -> memref<1x128xi32, #tpu.memory_space<vmem>>
      %dma_wait3A_240 = tpu.memref_squeeze %dma_wait3A_239 : memref<1x128xi32, #tpu.memory_space<vmem>> -> memref<128xi32, #tpu.memory_space<vmem>>
      %dma_wait3A_241 = arith.constant 0 : i32
      %dma_wait3A_242 = arith.constant 0 : i32
      %dma_wait3A_243 = tpu.memref_slice %arg8[%dma_wait3A_241, %dma_wait3A_242] : memref<10240x128xf32, #tpu.memory_space<vmem_shared>> -> memref<10240x128xf32, #tpu.memory_space<vmem_shared>>
      tpu.wait_indirect_dma semaphore(%arg15 : memref<!tpu.dma_semaphore, #tpu.memory_space<semaphore_mem>>) src(%arg11 : memref<128x128xf32, #tpu.memory_space<vmem>>) dst(%dma_wait3A_243 : memref<10240x128xf32, #tpu.memory_space<vmem_shared>>)
    }
    %scan3A_14 = arith.constant 21 : i32
    %add3A_15 = arith.constant 0 : i32
    %add3A_16 = arith.addi %mul3A_2, %add3A_15 : i32
    %dma_wait3A = arith.constant 0 : i32
    %dma_wait3A_17 = tpu.memref_slice %arg3[%add3A_16, %dma_wait3A] : memref<172032x128xf32, #tpu.memory_space<hbm>> -> memref<128x128xf32, #tpu.memory_space<hbm>>
    %dma_wait3A_18 = arith.constant 0 : i32
    %dma_wait3A_19 = tpu.memref_slice %arg3[%add3A_16, %dma_wait3A_18] : memref<172032x128xf32, #tpu.memory_space<hbm>> -> memref<128x128xf32, #tpu.memory_space<hbm>>
    tpu.wait_dma2 semaphore(%arg12 : memref<!tpu.dma_semaphore, #tpu.memory_space<semaphore_mem>>) src(%dma_wait3A_19 : memref<128x128xf32, #tpu.memory_space<hbm>>) dst(%arg10 : memref<128x128xf32, #tpu.memory_space<vmem>>)
    %barrier3A_20 = arith.constant 0 : index
    tpu.barrier barrier_id(%barrier3A_20)
    %mul3A_21 = arith.constant 624 : i32
    %mul3A_22 = arith.muli %arg1, %mul3A_21 : i32
    %mul3A_23 = arith.constant 624 : i32
    %mul3A_24 = arith.muli %arg1, %mul3A_23 : i32
    "tpu.region"() ({
      %run_scoped3A_182 = tpu.sem_alloc : memref<!tpu.dma_semaphore, #tpu.memory_space<semaphore_mem>>
      %dma_start3A_183 = arith.constant 0 : i32
      %dma_start3A_184 = tpu.memref_slice %arg7[%arg0, %mul3A_24, %dma_start3A_183] : memref<2x10000x128xf32, #tpu.memory_space<hbm>> -> memref<1x624x128xf32, #tpu.memory_space<hbm>>
      %dma_start3A_185 = tpu.memref_squeeze %dma_start3A_184 : memref<1x624x128xf32, #tpu.memory_space<hbm>> -> memref<624x128xf32, #tpu.memory_space<hbm>>
      %dma_start3A_186 = arith.constant 0 : i32
      %dma_start3A_187 = tpu.memref_slice %arg8[%mul3A_22, %dma_start3A_186] : memref<10240x128xf32, #tpu.memory_space<vmem_shared>> -> memref<624x128xf32, #tpu.memory_space<vmem_shared>>
      tpu.enqueue_dma source(%dma_start3A_187 : memref<624x128xf32, #tpu.memory_space<vmem_shared>>) target(%dma_start3A_185 : memref<624x128xf32, #tpu.memory_space<hbm>>) target_semaphore(%run_scoped3A_182 : memref<!tpu.dma_semaphore, #tpu.memory_space<semaphore_mem>>)
      %dma_wait3A_188 = arith.constant 0 : i32
      %dma_wait3A_189 = tpu.memref_slice %arg7[%arg0, %mul3A_24, %dma_wait3A_188] : memref<2x10000x128xf32, #tpu.memory_space<hbm>> -> memref<1x624x128xf32, #tpu.memory_space<hbm>>
      %dma_wait3A_190 = tpu.memref_squeeze %dma_wait3A_189 : memref<1x624x128xf32, #tpu.memory_space<hbm>> -> memref<624x128xf32, #tpu.memory_space<hbm>>
      %dma_wait3A_191 = arith.constant 0 : i32
      %dma_wait3A_192 = tpu.memref_slice %arg8[%mul3A_22, %dma_wait3A_191] : memref<10240x128xf32, #tpu.memory_space<vmem_shared>> -> memref<624x128xf32, #tpu.memory_space<vmem_shared>>
      tpu.wait_dma2 semaphore(%run_scoped3A_182 : memref<!tpu.dma_semaphore, #tpu.memory_space<semaphore_mem>>) src(%dma_wait3A_192 : memref<624x128xf32, #tpu.memory_space<vmem_shared>>) dst(%dma_wait3A_190 : memref<624x128xf32, #tpu.memory_space<hbm>>)
      tpu.yield
    }) : () -> ()
    %eq3A = arith.constant 0 : i32
    %eq3A_25 = arith.cmpi eq, %arg1, %eq3A : i32
    %convert_element_type3A = arith.extui %eq3A_25 : i1 to i32
    %cond3A = arith.constant 0 : i32
    %cond3A_26 = arith.cmpi ne, %convert_element_type3A, %cond3A : i32
    scf.if %cond3A_26 {
      "tpu.region"() ({
        %run_scoped3A_182 = tpu.sem_alloc : memref<!tpu.dma_semaphore, #tpu.memory_space<semaphore_mem>>
        %dma_start3A_183 = arith.constant 9984 : i32
        %dma_start3A_184 = arith.constant 0 : i32
        %dma_start3A_185 = tpu.memref_slice %arg7[%arg0, %dma_start3A_183, %dma_start3A_184] : memref<2x10000x128xf32, #tpu.memory_space<hbm>> -> memref<1x16x128xf32, #tpu.memory_space<hbm>>
        %dma_start3A_186 = tpu.memref_squeeze %dma_start3A_185 : memref<1x16x128xf32, #tpu.memory_space<hbm>> -> memref<16x128xf32, #tpu.memory_space<hbm>>
        %dma_start3A_187 = arith.constant 9984 : i32
        %dma_start3A_188 = arith.constant 0 : i32
        %dma_start3A_189 = tpu.memref_slice %arg8[%dma_start3A_187, %dma_start3A_188] : memref<10240x128xf32, #tpu.memory_space<vmem_shared>> -> memref<16x128xf32, #tpu.memory_space<vmem_shared>>
        tpu.enqueue_dma source(%dma_start3A_189 : memref<16x128xf32, #tpu.memory_space<vmem_shared>>) target(%dma_start3A_186 : memref<16x128xf32, #tpu.memory_space<hbm>>) target_semaphore(%run_scoped3A_182 : memref<!tpu.dma_semaphore, #tpu.memory_space<semaphore_mem>>)
        %dma_wait3A_190 = arith.constant 9984 : i32
        %dma_wait3A_191 = arith.constant 0 : i32
        %dma_wait3A_192 = tpu.memref_slice %arg7[%arg0, %dma_wait3A_190, %dma_wait3A_191] : memref<2x10000x128xf32, #tpu.memory_space<hbm>> -> memref<1x16x128xf32, #tpu.memory_space<hbm>>
        %dma_wait3A_193 = tpu.memref_squeeze %dma_wait3A_192 : memref<1x16x128xf32, #tpu.memory_space<hbm>> -> memref<16x128xf32, #tpu.memory_space<hbm>>
        %dma_wait3A_194 = arith.constant 9984 : i32
        %dma_wait3A_195 = arith.constant 0 : i32
        %dma_wait3A_196 = tpu.memref_slice %arg8[%dma_wait3A_194, %dma_wait3A_195] : memref<10240x128xf32, #tpu.memory_space<vmem_shared>> -> memref<16x128xf32, #tpu.memory_space<vmem_shared>>
        tpu.wait_dma2 semaphore(%run_scoped3A_182 : memref<!tpu.dma_semaphore, #tpu.memory_space<semaphore_mem>>) src(%dma_wait3A_196 : memref<16x128xf32, #tpu.memory_space<vmem_shared>>) dst(%dma_wait3A_193 : memref<16x128xf32, #tpu.memory_space<hbm>>)
        tpu.yield
      }) : () -> ()
    } else {
    }
    %barrier3A_27 = arith.constant 0 : index
    tpu.barrier barrier_id(%barrier3A_27)
    %mul3A_28 = arith.constant 640 : i32
    %mul3A_29 = arith.muli %arg1, %mul3A_28 : i32
    "tpu.region"() ({
      %run_scoped3A_182 = tpu.sem_alloc : memref<!tpu.dma_semaphore, #tpu.memory_space<semaphore_mem>>
      %dma_start3A_183 = arith.constant 0 : i32
      %dma_start3A_184 = tpu.memref_slice %arg8[%mul3A_29, %dma_start3A_183] : memref<10240x128xf32, #tpu.memory_space<vmem_shared>> -> memref<640x128xf32, #tpu.memory_space<vmem_shared>>
      tpu.enqueue_dma source(%arg5 : memref<640x128xf32, #tpu.memory_space<hbm>>) target(%dma_start3A_184 : memref<640x128xf32, #tpu.memory_space<vmem_shared>>) target_semaphore(%run_scoped3A_182 : memref<!tpu.dma_semaphore, #tpu.memory_space<semaphore_mem>>)
      %dma_wait3A_185 = arith.constant 0 : i32
      %dma_wait3A_186 = tpu.memref_slice %arg8[%mul3A_29, %dma_wait3A_185] : memref<10240x128xf32, #tpu.memory_space<vmem_shared>> -> memref<640x128xf32, #tpu.memory_space<vmem_shared>>
      tpu.wait_dma2 semaphore(%run_scoped3A_182 : memref<!tpu.dma_semaphore, #tpu.memory_space<semaphore_mem>>) src(%arg5 : memref<640x128xf32, #tpu.memory_space<hbm>>) dst(%dma_wait3A_186 : memref<640x128xf32, #tpu.memory_space<vmem_shared>>)
      tpu.yield
    }) : () -> ()
    %barrier3A_30 = arith.constant 0 : index
    tpu.barrier barrier_id(%barrier3A_30)
    %add3A_31 = arith.constant 0 : i32
    %add3A_32 = arith.addi %mul3A_2, %add3A_31 : i32
    %dma_start3A_33 = arith.constant 0 : i32
    %dma_start3A_34 = arith.constant 0 : i32
    %dma_start3A_35 = tpu.memref_slice %arg2[%dma_start3A_33, %add3A_32, %dma_start3A_34] : memref<4x172032x128xf32, #tpu.memory_space<hbm>> -> memref<1x128x128xf32, #tpu.memory_space<hbm>>
    %dma_start3A_36 = tpu.memref_squeeze %dma_start3A_35 : memref<1x128x128xf32, #tpu.memory_space<hbm>> -> memref<128x128xf32, #tpu.memory_space<hbm>>
    %dma_start3A_37 = arith.constant 0 : i32
    %dma_start3A_38 = tpu.memref_slice %arg2[%dma_start3A_33, %add3A_32, %dma_start3A_37] : memref<4x172032x128xf32, #tpu.memory_space<hbm>> -> memref<1x128x128xf32, #tpu.memory_space<hbm>>
    %dma_start3A_39 = tpu.memref_squeeze %dma_start3A_38 : memref<1x128x128xf32, #tpu.memory_space<hbm>> -> memref<128x128xf32, #tpu.memory_space<hbm>>
    tpu.enqueue_dma source(%dma_start3A_39 : memref<128x128xf32, #tpu.memory_space<hbm>>) target(%arg10 : memref<128x128xf32, #tpu.memory_space<vmem>>) target_semaphore(%arg12 : memref<!tpu.dma_semaphore, #tpu.memory_space<semaphore_mem>>)
    %scan3A_40 = arith.constant 0 : i32
    %scan3A_41 = arith.constant 0 : i32
    %scan3A_42 = arith.constant 21 : i32
    %scan3A_43 = arith.addi %scan3A_41, %scan3A_42 : i32
    %scan3A_44 = arith.constant 1 : i32
    scf.for %scan3A_182 = %scan3A_41 to %scan3A_43 step %scan3A_44  : i32 {
      %mul3A_183 = arith.constant 2 : i32
      %mul3A_184 = arith.muli %mul3A_183, %scan3A_182 : i32
      %add3A_185 = arith.constant 0 : i32
      %add3A_186 = arith.addi %mul3A_2, %add3A_185 : i32
      %dma_wait3A_187 = arith.constant 0 : i32
      %dma_wait3A_188 = arith.constant 0 : i32
      %dma_wait3A_189 = tpu.memref_slice %arg2[%dma_wait3A_187, %add3A_186, %dma_wait3A_188] : memref<4x172032x128xf32, #tpu.memory_space<hbm>> -> memref<1x128x128xf32, #tpu.memory_space<hbm>>
      %dma_wait3A_190 = tpu.memref_squeeze %dma_wait3A_189 : memref<1x128x128xf32, #tpu.memory_space<hbm>> -> memref<128x128xf32, #tpu.memory_space<hbm>>
      %dma_wait3A_191 = arith.constant 0 : i32
      %dma_wait3A_192 = tpu.memref_slice %arg2[%dma_wait3A_187, %add3A_186, %dma_wait3A_191] : memref<4x172032x128xf32, #tpu.memory_space<hbm>> -> memref<1x128x128xf32, #tpu.memory_space<hbm>>
      %dma_wait3A_193 = tpu.memref_squeeze %dma_wait3A_192 : memref<1x128x128xf32, #tpu.memory_space<hbm>> -> memref<128x128xf32, #tpu.memory_space<hbm>>
      tpu.wait_dma2 semaphore(%arg12 : memref<!tpu.dma_semaphore, #tpu.memory_space<semaphore_mem>>) src(%dma_wait3A_193 : memref<128x128xf32, #tpu.memory_space<hbm>>) dst(%arg10 : memref<128x128xf32, #tpu.memory_space<vmem>>)
      %dma_start3A_194 = arith.constant 0 : i32
      %dma_start3A_195 = tpu.memref_slice %arg9[%mul3A_184, %dma_start3A_194] : memref<42x128xi32, #tpu.memory_space<vmem>> -> memref<1x128xi32, #tpu.memory_space<vmem>>
      %dma_start3A_196 = tpu.memref_squeeze %dma_start3A_195 : memref<1x128xi32, #tpu.memory_space<vmem>> -> memref<128xi32, #tpu.memory_space<vmem>>
      %dma_start3A_197 = arith.constant 0 : i32
      %dma_start3A_198 = arith.constant 0 : i32
      %dma_start3A_199 = tpu.memref_slice %arg8[%dma_start3A_197, %dma_start3A_198] : memref<10240x128xf32, #tpu.memory_space<vmem_shared>> -> memref<10240x128xf32, #tpu.memory_space<vmem_shared>>
      tpu.enqueue_indirect_dma source(%arg10 : memref<128x128xf32, #tpu.memory_space<vmem>>) target(%dma_start3A_199 : memref<10240x128xf32, #tpu.memory_space<vmem_shared>>) offsets(%dma_start3A_196 : memref<128xi32, #tpu.memory_space<vmem>>) semaphore(%arg14 : memref<!tpu.dma_semaphore, #tpu.memory_space<semaphore_mem>>) {add = true}
      %add3A_200 = arith.constant 1 : i32
      %add3A_201 = arith.addi %mul3A_184, %add3A_200 : i32
      %mul3A_202 = arith.constant 128 : i32
      %mul3A_203 = arith.muli %add3A_201, %mul3A_202 : i32
      %add3A_204 = arith.addi %mul3A_2, %mul3A_203 : i32
      %dma_start3A_205 = arith.constant 0 : i32
      %dma_start3A_206 = arith.constant 0 : i32
      %dma_start3A_207 = tpu.memref_slice %arg2[%dma_start3A_205, %add3A_204, %dma_start3A_206] : memref<4x172032x128xf32, #tpu.memory_space<hbm>> -> memref<1x128x128xf32, #tpu.memory_space<hbm>>
      %dma_start3A_208 = tpu.memref_squeeze %dma_start3A_207 : memref<1x128x128xf32, #tpu.memory_space<hbm>> -> memref<128x128xf32, #tpu.memory_space<hbm>>
      %dma_start3A_209 = arith.constant 0 : i32
      %dma_start3A_210 = tpu.memref_slice %arg2[%dma_start3A_205, %add3A_204, %dma_start3A_209] : memref<4x172032x128xf32, #tpu.memory_space<hbm>> -> memref<1x128x128xf32, #tpu.memory_space<hbm>>
      %dma_start3A_211 = tpu.memref_squeeze %dma_start3A_210 : memref<1x128x128xf32, #tpu.memory_space<hbm>> -> memref<128x128xf32, #tpu.memory_space<hbm>>
      tpu.enqueue_dma source(%dma_start3A_211 : memref<128x128xf32, #tpu.memory_space<hbm>>) target(%arg11 : memref<128x128xf32, #tpu.memory_space<vmem>>) target_semaphore(%arg13 : memref<!tpu.dma_semaphore, #tpu.memory_space<semaphore_mem>>)
      %add3A_212 = arith.constant 0 : i32
      %add3A_213 = arith.addi %mul3A_2, %add3A_212 : i32
      %dma_wait3A_214 = arith.constant 0 : i32
      %dma_wait3A_215 = arith.constant 0 : i32
      %dma_wait3A_216 = tpu.memref_slice %arg2[%dma_wait3A_214, %add3A_213, %dma_wait3A_215] : memref<4x172032x128xf32, #tpu.memory_space<hbm>> -> memref<1x128x128xf32, #tpu.memory_space<hbm>>
      %dma_wait3A_217 = tpu.memref_squeeze %dma_wait3A_216 : memref<1x128x128xf32, #tpu.memory_space<hbm>> -> memref<128x128xf32, #tpu.memory_space<hbm>>
      %dma_wait3A_218 = arith.constant 0 : i32
      %dma_wait3A_219 = tpu.memref_slice %arg2[%dma_wait3A_214, %add3A_213, %dma_wait3A_218] : memref<4x172032x128xf32, #tpu.memory_space<hbm>> -> memref<1x128x128xf32, #tpu.memory_space<hbm>>
      %dma_wait3A_220 = tpu.memref_squeeze %dma_wait3A_219 : memref<1x128x128xf32, #tpu.memory_space<hbm>> -> memref<128x128xf32, #tpu.memory_space<hbm>>
      tpu.wait_dma2 semaphore(%arg13 : memref<!tpu.dma_semaphore, #tpu.memory_space<semaphore_mem>>) src(%dma_wait3A_220 : memref<128x128xf32, #tpu.memory_space<hbm>>) dst(%arg11 : memref<128x128xf32, #tpu.memory_space<vmem>>)
      %add3A_221 = arith.constant 1 : i32
      %add3A_222 = arith.addi %mul3A_184, %add3A_221 : i32
      %dma_start3A_223 = arith.constant 0 : i32
      %dma_start3A_224 = tpu.memref_slice %arg9[%add3A_222, %dma_start3A_223] : memref<42x128xi32, #tpu.memory_space<vmem>> -> memref<1x128xi32, #tpu.memory_space<vmem>>
      %dma_start3A_225 = tpu.memref_squeeze %dma_start3A_224 : memref<1x128xi32, #tpu.memory_space<vmem>> -> memref<128xi32, #tpu.memory_space<vmem>>
      %dma_start3A_226 = arith.constant 0 : i32
      %dma_start3A_227 = arith.constant 0 : i32
      %dma_start3A_228 = tpu.memref_slice %arg8[%dma_start3A_226, %dma_start3A_227] : memref<10240x128xf32, #tpu.memory_space<vmem_shared>> -> memref<10240x128xf32, #tpu.memory_space<vmem_shared>>
      tpu.enqueue_indirect_dma source(%arg11 : memref<128x128xf32, #tpu.memory_space<vmem>>) target(%dma_start3A_228 : memref<10240x128xf32, #tpu.memory_space<vmem_shared>>) offsets(%dma_start3A_225 : memref<128xi32, #tpu.memory_space<vmem>>) semaphore(%arg15 : memref<!tpu.dma_semaphore, #tpu.memory_space<semaphore_mem>>) {add = true}
      %dma_wait3A_229 = arith.constant 0 : i32
      %dma_wait3A_230 = arith.constant 0 : i32
      %dma_wait3A_231 = tpu.memref_slice %arg9[%dma_wait3A_229, %dma_wait3A_230] : memref<42x128xi32, #tpu.memory_space<vmem>> -> memref<1x128xi32, #tpu.memory_space<vmem>>
      %dma_wait3A_232 = tpu.memref_squeeze %dma_wait3A_231 : memref<1x128xi32, #tpu.memory_space<vmem>> -> memref<128xi32, #tpu.memory_space<vmem>>
      %dma_wait3A_233 = arith.constant 0 : i32
      %dma_wait3A_234 = arith.constant 0 : i32
      %dma_wait3A_235 = tpu.memref_slice %arg8[%dma_wait3A_233, %dma_wait3A_234] : memref<10240x128xf32, #tpu.memory_space<vmem_shared>> -> memref<10240x128xf32, #tpu.memory_space<vmem_shared>>
      tpu.wait_indirect_dma semaphore(%arg14 : memref<!tpu.dma_semaphore, #tpu.memory_space<semaphore_mem>>) src(%arg10 : memref<128x128xf32, #tpu.memory_space<vmem>>) dst(%dma_wait3A_235 : memref<10240x128xf32, #tpu.memory_space<vmem_shared>>)
      %add3A_236 = arith.constant 2 : i32
      %add3A_237 = arith.addi %mul3A_184, %add3A_236 : i32
      %min3A = arith.constant 41 : i32
      %min3A_238 = arith.minsi %add3A_237, %min3A : i32
      %mul3A_239 = arith.constant 128 : i32
      %mul3A_240 = arith.muli %min3A_238, %mul3A_239 : i32
      %add3A_241 = arith.addi %mul3A_2, %mul3A_240 : i32
      %dma_start3A_242 = arith.constant 0 : i32
      %dma_start3A_243 = arith.constant 0 : i32
      %dma_start3A_244 = tpu.memref_slice %arg2[%dma_start3A_242, %add3A_241, %dma_start3A_243] : memref<4x172032x128xf32, #tpu.memory_space<hbm>> -> memref<1x128x128xf32, #tpu.memory_space<hbm>>
      %dma_start3A_245 = tpu.memref_squeeze %dma_start3A_244 : memref<1x128x128xf32, #tpu.memory_space<hbm>> -> memref<128x128xf32, #tpu.memory_space<hbm>>
      %dma_start3A_246 = arith.constant 0 : i32
      %dma_start3A_247 = tpu.memref_slice %arg2[%dma_start3A_242, %add3A_241, %dma_start3A_246] : memref<4x172032x128xf32, #tpu.memory_space<hbm>> -> memref<1x128x128xf32, #tpu.memory_space<hbm>>
      %dma_start3A_248 = tpu.memref_squeeze %dma_start3A_247 : memref<1x128x128xf32, #tpu.memory_space<hbm>> -> memref<128x128xf32, #tpu.memory_space<hbm>>
      tpu.enqueue_dma source(%dma_start3A_248 : memref<128x128xf32, #tpu.memory_space<hbm>>) target(%arg10 : memref<128x128xf32, #tpu.memory_space<vmem>>) target_semaphore(%arg12 : memref<!tpu.dma_semaphore, #tpu.memory_space<semaphore_mem>>)
      %dma_wait3A_249 = arith.constant 0 : i32
      %dma_wait3A_250 = arith.constant 0 : i32
      %dma_wait3A_251 = tpu.memref_slice %arg9[%dma_wait3A_249, %dma_wait3A_250] : memref<42x128xi32, #tpu.memory_space<vmem>> -> memref<1x128xi32, #tpu.memory_space<vmem>>
      %dma_wait3A_252 = tpu.memref_squeeze %dma_wait3A_251 : memref<1x128xi32, #tpu.memory_space<vmem>> -> memref<128xi32, #tpu.memory_space<vmem>>
      %dma_wait3A_253 = arith.constant 0 : i32
      %dma_wait3A_254 = arith.constant 0 : i32
      %dma_wait3A_255 = tpu.memref_slice %arg8[%dma_wait3A_253, %dma_wait3A_254] : memref<10240x128xf32, #tpu.memory_space<vmem_shared>> -> memref<10240x128xf32, #tpu.memory_space<vmem_shared>>
      tpu.wait_indirect_dma semaphore(%arg15 : memref<!tpu.dma_semaphore, #tpu.memory_space<semaphore_mem>>) src(%arg11 : memref<128x128xf32, #tpu.memory_space<vmem>>) dst(%dma_wait3A_255 : memref<10240x128xf32, #tpu.memory_space<vmem_shared>>)
    }
    %scan3A_45 = arith.constant 21 : i32
    %add3A_46 = arith.constant 0 : i32
    %add3A_47 = arith.addi %mul3A_2, %add3A_46 : i32
    %dma_wait3A_48 = arith.constant 0 : i32
    %dma_wait3A_49 = arith.constant 0 : i32
    %dma_wait3A_50 = tpu.memref_slice %arg2[%dma_wait3A_48, %add3A_47, %dma_wait3A_49] : memref<4x172032x128xf32, #tpu.memory_space<hbm>> -> memref<1x128x128xf32, #tpu.memory_space<hbm>>
    %dma_wait3A_51 = tpu.memref_squeeze %dma_wait3A_50 : memref<1x128x128xf32, #tpu.memory_space<hbm>> -> memref<128x128xf32, #tpu.memory_space<hbm>>
    %dma_wait3A_52 = arith.constant 0 : i32
    %dma_wait3A_53 = tpu.memref_slice %arg2[%dma_wait3A_48, %add3A_47, %dma_wait3A_52] : memref<4x172032x128xf32, #tpu.memory_space<hbm>> -> memref<1x128x128xf32, #tpu.memory_space<hbm>>
    %dma_wait3A_54 = tpu.memref_squeeze %dma_wait3A_53 : memref<1x128x128xf32, #tpu.memory_space<hbm>> -> memref<128x128xf32, #tpu.memory_space<hbm>>
    tpu.wait_dma2 semaphore(%arg12 : memref<!tpu.dma_semaphore, #tpu.memory_space<semaphore_mem>>) src(%dma_wait3A_54 : memref<128x128xf32, #tpu.memory_space<hbm>>) dst(%arg10 : memref<128x128xf32, #tpu.memory_space<vmem>>)
    %barrier3A_55 = arith.constant 0 : index
    tpu.barrier barrier_id(%barrier3A_55)
    %mul3A_56 = arith.constant 624 : i32
    %mul3A_57 = arith.muli %arg1, %mul3A_56 : i32
    %mul3A_58 = arith.constant 624 : i32
    %mul3A_59 = arith.muli %arg1, %mul3A_58 : i32
    %run_scoped3A = arith.constant 0 : i32
    "tpu.region"() ({
      %run_scoped3A_182 = tpu.sem_alloc : memref<!tpu.dma_semaphore, #tpu.memory_space<semaphore_mem>>
      %dma_start3A_183 = arith.constant 0 : i32
      %dma_start3A_184 = tpu.memref_slice %arg6[%arg0, %run_scoped3A, %mul3A_59, %dma_start3A_183] : memref<2x4x10000x128xf32, #tpu.memory_space<hbm>> -> memref<1x1x624x128xf32, #tpu.memory_space<hbm>>
      %dma_start3A_185 = tpu.memref_squeeze %dma_start3A_184 : memref<1x1x624x128xf32, #tpu.memory_space<hbm>> -> memref<624x128xf32, #tpu.memory_space<hbm>>
      %dma_start3A_186 = arith.constant 0 : i32
      %dma_start3A_187 = tpu.memref_slice %arg8[%mul3A_57, %dma_start3A_186] : memref<10240x128xf32, #tpu.memory_space<vmem_shared>> -> memref<624x128xf32, #tpu.memory_space<vmem_shared>>
      tpu.enqueue_dma source(%dma_start3A_187 : memref<624x128xf32, #tpu.memory_space<vmem_shared>>) target(%dma_start3A_185 : memref<624x128xf32, #tpu.memory_space<hbm>>) target_semaphore(%run_scoped3A_182 : memref<!tpu.dma_semaphore, #tpu.memory_space<semaphore_mem>>)
      %dma_wait3A_188 = arith.constant 0 : i32
      %dma_wait3A_189 = tpu.memref_slice %arg6[%arg0, %run_scoped3A, %mul3A_59, %dma_wait3A_188] : memref<2x4x10000x128xf32, #tpu.memory_space<hbm>> -> memref<1x1x624x128xf32, #tpu.memory_space<hbm>>
      %dma_wait3A_190 = tpu.memref_squeeze %dma_wait3A_189 : memref<1x1x624x128xf32, #tpu.memory_space<hbm>> -> memref<624x128xf32, #tpu.memory_space<hbm>>
      %dma_wait3A_191 = arith.constant 0 : i32
      %dma_wait3A_192 = tpu.memref_slice %arg8[%mul3A_57, %dma_wait3A_191] : memref<10240x128xf32, #tpu.memory_space<vmem_shared>> -> memref<624x128xf32, #tpu.memory_space<vmem_shared>>
      tpu.wait_dma2 semaphore(%run_scoped3A_182 : memref<!tpu.dma_semaphore, #tpu.memory_space<semaphore_mem>>) src(%dma_wait3A_192 : memref<624x128xf32, #tpu.memory_space<vmem_shared>>) dst(%dma_wait3A_190 : memref<624x128xf32, #tpu.memory_space<hbm>>)
      tpu.yield
    }) : () -> ()
    %eq3A_60 = arith.constant 0 : i32
    %eq3A_61 = arith.cmpi eq, %arg1, %eq3A_60 : i32
    %convert_element_type3A_62 = arith.extui %eq3A_61 : i1 to i32
    %cond3A_63 = arith.constant 0 : i32
    %cond3A_64 = arith.cmpi ne, %convert_element_type3A_62, %cond3A_63 : i32
    scf.if %cond3A_64 {
      %run_scoped3A_182 = arith.constant 0 : i32
      "tpu.region"() ({
        %run_scoped3A_183 = tpu.sem_alloc : memref<!tpu.dma_semaphore, #tpu.memory_space<semaphore_mem>>
        %dma_start3A_184 = arith.constant 9984 : i32
        %dma_start3A_185 = arith.constant 0 : i32
        %dma_start3A_186 = tpu.memref_slice %arg6[%arg0, %run_scoped3A_182, %dma_start3A_184, %dma_start3A_185] : memref<2x4x10000x128xf32, #tpu.memory_space<hbm>> -> memref<1x1x16x128xf32, #tpu.memory_space<hbm>>
        %dma_start3A_187 = tpu.memref_squeeze %dma_start3A_186 : memref<1x1x16x128xf32, #tpu.memory_space<hbm>> -> memref<16x128xf32, #tpu.memory_space<hbm>>
        %dma_start3A_188 = arith.constant 9984 : i32
        %dma_start3A_189 = arith.constant 0 : i32
        %dma_start3A_190 = tpu.memref_slice %arg8[%dma_start3A_188, %dma_start3A_189] : memref<10240x128xf32, #tpu.memory_space<vmem_shared>> -> memref<16x128xf32, #tpu.memory_space<vmem_shared>>
        tpu.enqueue_dma source(%dma_start3A_190 : memref<16x128xf32, #tpu.memory_space<vmem_shared>>) target(%dma_start3A_187 : memref<16x128xf32, #tpu.memory_space<hbm>>) target_semaphore(%run_scoped3A_183 : memref<!tpu.dma_semaphore, #tpu.memory_space<semaphore_mem>>)
        %dma_wait3A_191 = arith.constant 9984 : i32
        %dma_wait3A_192 = arith.constant 0 : i32
        %dma_wait3A_193 = tpu.memref_slice %arg6[%arg0, %run_scoped3A_182, %dma_wait3A_191, %dma_wait3A_192] : memref<2x4x10000x128xf32, #tpu.memory_space<hbm>> -> memref<1x1x16x128xf32, #tpu.memory_space<hbm>>
        %dma_wait3A_194 = tpu.memref_squeeze %dma_wait3A_193 : memref<1x1x16x128xf32, #tpu.memory_space<hbm>> -> memref<16x128xf32, #tpu.memory_space<hbm>>
        %dma_wait3A_195 = arith.constant 9984 : i32
        %dma_wait3A_196 = arith.constant 0 : i32
        %dma_wait3A_197 = tpu.memref_slice %arg8[%dma_wait3A_195, %dma_wait3A_196] : memref<10240x128xf32, #tpu.memory_space<vmem_shared>> -> memref<16x128xf32, #tpu.memory_space<vmem_shared>>
        tpu.wait_dma2 semaphore(%run_scoped3A_183 : memref<!tpu.dma_semaphore, #tpu.memory_space<semaphore_mem>>) src(%dma_wait3A_197 : memref<16x128xf32, #tpu.memory_space<vmem_shared>>) dst(%dma_wait3A_194 : memref<16x128xf32, #tpu.memory_space<hbm>>)
        tpu.yield
      }) : () -> ()
    } else {
    }
    %barrier3A_65 = arith.constant 0 : index
    tpu.barrier barrier_id(%barrier3A_65)
    %mul3A_66 = arith.constant 640 : i32
    %mul3A_67 = arith.muli %arg1, %mul3A_66 : i32
    "tpu.region"() ({
      %run_scoped3A_182 = tpu.sem_alloc : memref<!tpu.dma_semaphore, #tpu.memory_space<semaphore_mem>>
      %dma_start3A_183 = arith.constant 0 : i32
      %dma_start3A_184 = tpu.memref_slice %arg8[%mul3A_67, %dma_start3A_183] : memref<10240x128xf32, #tpu.memory_space<vmem_shared>> -> memref<640x128xf32, #tpu.memory_space<vmem_shared>>
      tpu.enqueue_dma source(%arg5 : memref<640x128xf32, #tpu.memory_space<hbm>>) target(%dma_start3A_184 : memref<640x128xf32, #tpu.memory_space<vmem_shared>>) target_semaphore(%run_scoped3A_182 : memref<!tpu.dma_semaphore, #tpu.memory_space<semaphore_mem>>)
      %dma_wait3A_185 = arith.constant 0 : i32
      %dma_wait3A_186 = tpu.memref_slice %arg8[%mul3A_67, %dma_wait3A_185] : memref<10240x128xf32, #tpu.memory_space<vmem_shared>> -> memref<640x128xf32, #tpu.memory_space<vmem_shared>>
      tpu.wait_dma2 semaphore(%run_scoped3A_182 : memref<!tpu.dma_semaphore, #tpu.memory_space<semaphore_mem>>) src(%arg5 : memref<640x128xf32, #tpu.memory_space<hbm>>) dst(%dma_wait3A_186 : memref<640x128xf32, #tpu.memory_space<vmem_shared>>)
      tpu.yield
    }) : () -> ()
    %barrier3A_68 = arith.constant 0 : index
    tpu.barrier barrier_id(%barrier3A_68)
    %add3A_69 = arith.constant 0 : i32
    %add3A_70 = arith.addi %mul3A_2, %add3A_69 : i32
    %dma_start3A_71 = arith.constant 1 : i32
    %dma_start3A_72 = arith.constant 0 : i32
    %dma_start3A_73 = tpu.memref_slice %arg2[%dma_start3A_71, %add3A_70, %dma_start3A_72] : memref<4x172032x128xf32, #tpu.memory_space<hbm>> -> memref<1x128x128xf32, #tpu.memory_space<hbm>>
    %dma_start3A_74 = tpu.memref_squeeze %dma_start3A_73 : memref<1x128x128xf32, #tpu.memory_space<hbm>> -> memref<128x128xf32, #tpu.memory_space<hbm>>
    %dma_start3A_75 = arith.constant 0 : i32
    %dma_start3A_76 = tpu.memref_slice %arg2[%dma_start3A_71, %add3A_70, %dma_start3A_75] : memref<4x172032x128xf32, #tpu.memory_space<hbm>> -> memref<1x128x128xf32, #tpu.memory_space<hbm>>
    %dma_start3A_77 = tpu.memref_squeeze %dma_start3A_76 : memref<1x128x128xf32, #tpu.memory_space<hbm>> -> memref<128x128xf32, #tpu.memory_space<hbm>>
    tpu.enqueue_dma source(%dma_start3A_77 : memref<128x128xf32, #tpu.memory_space<hbm>>) target(%arg10 : memref<128x128xf32, #tpu.memory_space<vmem>>) target_semaphore(%arg12 : memref<!tpu.dma_semaphore, #tpu.memory_space<semaphore_mem>>)
    %scan3A_78 = arith.constant 0 : i32
    %scan3A_79 = arith.constant 0 : i32
    %scan3A_80 = arith.constant 21 : i32
    %scan3A_81 = arith.addi %scan3A_79, %scan3A_80 : i32
    %scan3A_82 = arith.constant 1 : i32
    scf.for %scan3A_182 = %scan3A_79 to %scan3A_81 step %scan3A_82  : i32 {
      %mul3A_183 = arith.constant 2 : i32
      %mul3A_184 = arith.muli %mul3A_183, %scan3A_182 : i32
      %add3A_185 = arith.constant 0 : i32
      %add3A_186 = arith.addi %mul3A_2, %add3A_185 : i32
      %dma_wait3A_187 = arith.constant 1 : i32
      %dma_wait3A_188 = arith.constant 0 : i32
      %dma_wait3A_189 = tpu.memref_slice %arg2[%dma_wait3A_187, %add3A_186, %dma_wait3A_188] : memref<4x172032x128xf32, #tpu.memory_space<hbm>> -> memref<1x128x128xf32, #tpu.memory_space<hbm>>
      %dma_wait3A_190 = tpu.memref_squeeze %dma_wait3A_189 : memref<1x128x128xf32, #tpu.memory_space<hbm>> -> memref<128x128xf32, #tpu.memory_space<hbm>>
      %dma_wait3A_191 = arith.constant 0 : i32
      %dma_wait3A_192 = tpu.memref_slice %arg2[%dma_wait3A_187, %add3A_186, %dma_wait3A_191] : memref<4x172032x128xf32, #tpu.memory_space<hbm>> -> memref<1x128x128xf32, #tpu.memory_space<hbm>>
      %dma_wait3A_193 = tpu.memref_squeeze %dma_wait3A_192 : memref<1x128x128xf32, #tpu.memory_space<hbm>> -> memref<128x128xf32, #tpu.memory_space<hbm>>
      tpu.wait_dma2 semaphore(%arg12 : memref<!tpu.dma_semaphore, #tpu.memory_space<semaphore_mem>>) src(%dma_wait3A_193 : memref<128x128xf32, #tpu.memory_space<hbm>>) dst(%arg10 : memref<128x128xf32, #tpu.memory_space<vmem>>)
      %dma_start3A_194 = arith.constant 0 : i32
      %dma_start3A_195 = tpu.memref_slice %arg9[%mul3A_184, %dma_start3A_194] : memref<42x128xi32, #tpu.memory_space<vmem>> -> memref<1x128xi32, #tpu.memory_space<vmem>>
      %dma_start3A_196 = tpu.memref_squeeze %dma_start3A_195 : memref<1x128xi32, #tpu.memory_space<vmem>> -> memref<128xi32, #tpu.memory_space<vmem>>
      %dma_start3A_197 = arith.constant 0 : i32
      %dma_start3A_198 = arith.constant 0 : i32
      %dma_start3A_199 = tpu.memref_slice %arg8[%dma_start3A_197, %dma_start3A_198] : memref<10240x128xf32, #tpu.memory_space<vmem_shared>> -> memref<10240x128xf32, #tpu.memory_space<vmem_shared>>
      tpu.enqueue_indirect_dma source(%arg10 : memref<128x128xf32, #tpu.memory_space<vmem>>) target(%dma_start3A_199 : memref<10240x128xf32, #tpu.memory_space<vmem_shared>>) offsets(%dma_start3A_196 : memref<128xi32, #tpu.memory_space<vmem>>) semaphore(%arg14 : memref<!tpu.dma_semaphore, #tpu.memory_space<semaphore_mem>>) {add = true}
      %add3A_200 = arith.constant 1 : i32
      %add3A_201 = arith.addi %mul3A_184, %add3A_200 : i32
      %mul3A_202 = arith.constant 128 : i32
      %mul3A_203 = arith.muli %add3A_201, %mul3A_202 : i32
      %add3A_204 = arith.addi %mul3A_2, %mul3A_203 : i32
      %dma_start3A_205 = arith.constant 1 : i32
      %dma_start3A_206 = arith.constant 0 : i32
      %dma_start3A_207 = tpu.memref_slice %arg2[%dma_start3A_205, %add3A_204, %dma_start3A_206] : memref<4x172032x128xf32, #tpu.memory_space<hbm>> -> memref<1x128x128xf32, #tpu.memory_space<hbm>>
      %dma_start3A_208 = tpu.memref_squeeze %dma_start3A_207 : memref<1x128x128xf32, #tpu.memory_space<hbm>> -> memref<128x128xf32, #tpu.memory_space<hbm>>
      %dma_start3A_209 = arith.constant 0 : i32
      %dma_start3A_210 = tpu.memref_slice %arg2[%dma_start3A_205, %add3A_204, %dma_start3A_209] : memref<4x172032x128xf32, #tpu.memory_space<hbm>> -> memref<1x128x128xf32, #tpu.memory_space<hbm>>
      %dma_start3A_211 = tpu.memref_squeeze %dma_start3A_210 : memref<1x128x128xf32, #tpu.memory_space<hbm>> -> memref<128x128xf32, #tpu.memory_space<hbm>>
      tpu.enqueue_dma source(%dma_start3A_211 : memref<128x128xf32, #tpu.memory_space<hbm>>) target(%arg11 : memref<128x128xf32, #tpu.memory_space<vmem>>) target_semaphore(%arg13 : memref<!tpu.dma_semaphore, #tpu.memory_space<semaphore_mem>>)
      %add3A_212 = arith.constant 0 : i32
      %add3A_213 = arith.addi %mul3A_2, %add3A_212 : i32
      %dma_wait3A_214 = arith.constant 1 : i32
      %dma_wait3A_215 = arith.constant 0 : i32
      %dma_wait3A_216 = tpu.memref_slice %arg2[%dma_wait3A_214, %add3A_213, %dma_wait3A_215] : memref<4x172032x128xf32, #tpu.memory_space<hbm>> -> memref<1x128x128xf32, #tpu.memory_space<hbm>>
      %dma_wait3A_217 = tpu.memref_squeeze %dma_wait3A_216 : memref<1x128x128xf32, #tpu.memory_space<hbm>> -> memref<128x128xf32, #tpu.memory_space<hbm>>
      %dma_wait3A_218 = arith.constant 0 : i32
      %dma_wait3A_219 = tpu.memref_slice %arg2[%dma_wait3A_214, %add3A_213, %dma_wait3A_218] : memref<4x172032x128xf32, #tpu.memory_space<hbm>> -> memref<1x128x128xf32, #tpu.memory_space<hbm>>
      %dma_wait3A_220 = tpu.memref_squeeze %dma_wait3A_219 : memref<1x128x128xf32, #tpu.memory_space<hbm>> -> memref<128x128xf32, #tpu.memory_space<hbm>>
      tpu.wait_dma2 semaphore(%arg13 : memref<!tpu.dma_semaphore, #tpu.memory_space<semaphore_mem>>) src(%dma_wait3A_220 : memref<128x128xf32, #tpu.memory_space<hbm>>) dst(%arg11 : memref<128x128xf32, #tpu.memory_space<vmem>>)
      %add3A_221 = arith.constant 1 : i32
      %add3A_222 = arith.addi %mul3A_184, %add3A_221 : i32
      %dma_start3A_223 = arith.constant 0 : i32
      %dma_start3A_224 = tpu.memref_slice %arg9[%add3A_222, %dma_start3A_223] : memref<42x128xi32, #tpu.memory_space<vmem>> -> memref<1x128xi32, #tpu.memory_space<vmem>>
      %dma_start3A_225 = tpu.memref_squeeze %dma_start3A_224 : memref<1x128xi32, #tpu.memory_space<vmem>> -> memref<128xi32, #tpu.memory_space<vmem>>
      %dma_start3A_226 = arith.constant 0 : i32
      %dma_start3A_227 = arith.constant 0 : i32
      %dma_start3A_228 = tpu.memref_slice %arg8[%dma_start3A_226, %dma_start3A_227] : memref<10240x128xf32, #tpu.memory_space<vmem_shared>> -> memref<10240x128xf32, #tpu.memory_space<vmem_shared>>
      tpu.enqueue_indirect_dma source(%arg11 : memref<128x128xf32, #tpu.memory_space<vmem>>) target(%dma_start3A_228 : memref<10240x128xf32, #tpu.memory_space<vmem_shared>>) offsets(%dma_start3A_225 : memref<128xi32, #tpu.memory_space<vmem>>) semaphore(%arg15 : memref<!tpu.dma_semaphore, #tpu.memory_space<semaphore_mem>>) {add = true}
      %dma_wait3A_229 = arith.constant 0 : i32
      %dma_wait3A_230 = arith.constant 0 : i32
      %dma_wait3A_231 = tpu.memref_slice %arg9[%dma_wait3A_229, %dma_wait3A_230] : memref<42x128xi32, #tpu.memory_space<vmem>> -> memref<1x128xi32, #tpu.memory_space<vmem>>
      %dma_wait3A_232 = tpu.memref_squeeze %dma_wait3A_231 : memref<1x128xi32, #tpu.memory_space<vmem>> -> memref<128xi32, #tpu.memory_space<vmem>>
      %dma_wait3A_233 = arith.constant 0 : i32
      %dma_wait3A_234 = arith.constant 0 : i32
      %dma_wait3A_235 = tpu.memref_slice %arg8[%dma_wait3A_233, %dma_wait3A_234] : memref<10240x128xf32, #tpu.memory_space<vmem_shared>> -> memref<10240x128xf32, #tpu.memory_space<vmem_shared>>
      tpu.wait_indirect_dma semaphore(%arg14 : memref<!tpu.dma_semaphore, #tpu.memory_space<semaphore_mem>>) src(%arg10 : memref<128x128xf32, #tpu.memory_space<vmem>>) dst(%dma_wait3A_235 : memref<10240x128xf32, #tpu.memory_space<vmem_shared>>)
      %add3A_236 = arith.constant 2 : i32
      %add3A_237 = arith.addi %mul3A_184, %add3A_236 : i32
      %min3A = arith.constant 41 : i32
      %min3A_238 = arith.minsi %add3A_237, %min3A : i32
      %mul3A_239 = arith.constant 128 : i32
      %mul3A_240 = arith.muli %min3A_238, %mul3A_239 : i32
      %add3A_241 = arith.addi %mul3A_2, %mul3A_240 : i32
      %dma_start3A_242 = arith.constant 1 : i32
      %dma_start3A_243 = arith.constant 0 : i32
      %dma_start3A_244 = tpu.memref_slice %arg2[%dma_start3A_242, %add3A_241, %dma_start3A_243] : memref<4x172032x128xf32, #tpu.memory_space<hbm>> -> memref<1x128x128xf32, #tpu.memory_space<hbm>>
      %dma_start3A_245 = tpu.memref_squeeze %dma_start3A_244 : memref<1x128x128xf32, #tpu.memory_space<hbm>> -> memref<128x128xf32, #tpu.memory_space<hbm>>
      %dma_start3A_246 = arith.constant 0 : i32
      %dma_start3A_247 = tpu.memref_slice %arg2[%dma_start3A_242, %add3A_241, %dma_start3A_246] : memref<4x172032x128xf32, #tpu.memory_space<hbm>> -> memref<1x128x128xf32, #tpu.memory_space<hbm>>
      %dma_start3A_248 = tpu.memref_squeeze %dma_start3A_247 : memref<1x128x128xf32, #tpu.memory_space<hbm>> -> memref<128x128xf32, #tpu.memory_space<hbm>>
      tpu.enqueue_dma source(%dma_start3A_248 : memref<128x128xf32, #tpu.memory_space<hbm>>) target(%arg10 : memref<128x128xf32, #tpu.memory_space<vmem>>) target_semaphore(%arg12 : memref<!tpu.dma_semaphore, #tpu.memory_space<semaphore_mem>>)
      %dma_wait3A_249 = arith.constant 0 : i32
      %dma_wait3A_250 = arith.constant 0 : i32
      %dma_wait3A_251 = tpu.memref_slice %arg9[%dma_wait3A_249, %dma_wait3A_250] : memref<42x128xi32, #tpu.memory_space<vmem>> -> memref<1x128xi32, #tpu.memory_space<vmem>>
      %dma_wait3A_252 = tpu.memref_squeeze %dma_wait3A_251 : memref<1x128xi32, #tpu.memory_space<vmem>> -> memref<128xi32, #tpu.memory_space<vmem>>
      %dma_wait3A_253 = arith.constant 0 : i32
      %dma_wait3A_254 = arith.constant 0 : i32
      %dma_wait3A_255 = tpu.memref_slice %arg8[%dma_wait3A_253, %dma_wait3A_254] : memref<10240x128xf32, #tpu.memory_space<vmem_shared>> -> memref<10240x128xf32, #tpu.memory_space<vmem_shared>>
      tpu.wait_indirect_dma semaphore(%arg15 : memref<!tpu.dma_semaphore, #tpu.memory_space<semaphore_mem>>) src(%arg11 : memref<128x128xf32, #tpu.memory_space<vmem>>) dst(%dma_wait3A_255 : memref<10240x128xf32, #tpu.memory_space<vmem_shared>>)
    }
    %scan3A_83 = arith.constant 21 : i32
    %add3A_84 = arith.constant 0 : i32
    %add3A_85 = arith.addi %mul3A_2, %add3A_84 : i32
    %dma_wait3A_86 = arith.constant 1 : i32
    %dma_wait3A_87 = arith.constant 0 : i32
    %dma_wait3A_88 = tpu.memref_slice %arg2[%dma_wait3A_86, %add3A_85, %dma_wait3A_87] : memref<4x172032x128xf32, #tpu.memory_space<hbm>> -> memref<1x128x128xf32, #tpu.memory_space<hbm>>
    %dma_wait3A_89 = tpu.memref_squeeze %dma_wait3A_88 : memref<1x128x128xf32, #tpu.memory_space<hbm>> -> memref<128x128xf32, #tpu.memory_space<hbm>>
    %dma_wait3A_90 = arith.constant 0 : i32
    %dma_wait3A_91 = tpu.memref_slice %arg2[%dma_wait3A_86, %add3A_85, %dma_wait3A_90] : memref<4x172032x128xf32, #tpu.memory_space<hbm>> -> memref<1x128x128xf32, #tpu.memory_space<hbm>>
    %dma_wait3A_92 = tpu.memref_squeeze %dma_wait3A_91 : memref<1x128x128xf32, #tpu.memory_space<hbm>> -> memref<128x128xf32, #tpu.memory_space<hbm>>
    tpu.wait_dma2 semaphore(%arg12 : memref<!tpu.dma_semaphore, #tpu.memory_space<semaphore_mem>>) src(%dma_wait3A_92 : memref<128x128xf32, #tpu.memory_space<hbm>>) dst(%arg10 : memref<128x128xf32, #tpu.memory_space<vmem>>)
    %barrier3A_93 = arith.constant 0 : index
    tpu.barrier barrier_id(%barrier3A_93)
    %mul3A_94 = arith.constant 624 : i32
    %mul3A_95 = arith.muli %arg1, %mul3A_94 : i32
    %mul3A_96 = arith.constant 624 : i32
    %mul3A_97 = arith.muli %arg1, %mul3A_96 : i32
    %run_scoped3A_98 = arith.constant 1 : i32
    "tpu.region"() ({
      %run_scoped3A_182 = tpu.sem_alloc : memref<!tpu.dma_semaphore, #tpu.memory_space<semaphore_mem>>
      %dma_start3A_183 = arith.constant 0 : i32
      %dma_start3A_184 = tpu.memref_slice %arg6[%arg0, %run_scoped3A_98, %mul3A_97, %dma_start3A_183] : memref<2x4x10000x128xf32, #tpu.memory_space<hbm>> -> memref<1x1x624x128xf32, #tpu.memory_space<hbm>>
      %dma_start3A_185 = tpu.memref_squeeze %dma_start3A_184 : memref<1x1x624x128xf32, #tpu.memory_space<hbm>> -> memref<624x128xf32, #tpu.memory_space<hbm>>
      %dma_start3A_186 = arith.constant 0 : i32
      %dma_start3A_187 = tpu.memref_slice %arg8[%mul3A_95, %dma_start3A_186] : memref<10240x128xf32, #tpu.memory_space<vmem_shared>> -> memref<624x128xf32, #tpu.memory_space<vmem_shared>>
      tpu.enqueue_dma source(%dma_start3A_187 : memref<624x128xf32, #tpu.memory_space<vmem_shared>>) target(%dma_start3A_185 : memref<624x128xf32, #tpu.memory_space<hbm>>) target_semaphore(%run_scoped3A_182 : memref<!tpu.dma_semaphore, #tpu.memory_space<semaphore_mem>>)
      %dma_wait3A_188 = arith.constant 0 : i32
      %dma_wait3A_189 = tpu.memref_slice %arg6[%arg0, %run_scoped3A_98, %mul3A_97, %dma_wait3A_188] : memref<2x4x10000x128xf32, #tpu.memory_space<hbm>> -> memref<1x1x624x128xf32, #tpu.memory_space<hbm>>
      %dma_wait3A_190 = tpu.memref_squeeze %dma_wait3A_189 : memref<1x1x624x128xf32, #tpu.memory_space<hbm>> -> memref<624x128xf32, #tpu.memory_space<hbm>>
      %dma_wait3A_191 = arith.constant 0 : i32
      %dma_wait3A_192 = tpu.memref_slice %arg8[%mul3A_95, %dma_wait3A_191] : memref<10240x128xf32, #tpu.memory_space<vmem_shared>> -> memref<624x128xf32, #tpu.memory_space<vmem_shared>>
      tpu.wait_dma2 semaphore(%run_scoped3A_182 : memref<!tpu.dma_semaphore, #tpu.memory_space<semaphore_mem>>) src(%dma_wait3A_192 : memref<624x128xf32, #tpu.memory_space<vmem_shared>>) dst(%dma_wait3A_190 : memref<624x128xf32, #tpu.memory_space<hbm>>)
      tpu.yield
    }) : () -> ()
    %eq3A_99 = arith.constant 0 : i32
    %eq3A_100 = arith.cmpi eq, %arg1, %eq3A_99 : i32
    %convert_element_type3A_101 = arith.extui %eq3A_100 : i1 to i32
    %cond3A_102 = arith.constant 0 : i32
    %cond3A_103 = arith.cmpi ne, %convert_element_type3A_101, %cond3A_102 : i32
    scf.if %cond3A_103 {
      %run_scoped3A_182 = arith.constant 1 : i32
      "tpu.region"() ({
        %run_scoped3A_183 = tpu.sem_alloc : memref<!tpu.dma_semaphore, #tpu.memory_space<semaphore_mem>>
        %dma_start3A_184 = arith.constant 9984 : i32
        %dma_start3A_185 = arith.constant 0 : i32
        %dma_start3A_186 = tpu.memref_slice %arg6[%arg0, %run_scoped3A_182, %dma_start3A_184, %dma_start3A_185] : memref<2x4x10000x128xf32, #tpu.memory_space<hbm>> -> memref<1x1x16x128xf32, #tpu.memory_space<hbm>>
        %dma_start3A_187 = tpu.memref_squeeze %dma_start3A_186 : memref<1x1x16x128xf32, #tpu.memory_space<hbm>> -> memref<16x128xf32, #tpu.memory_space<hbm>>
        %dma_start3A_188 = arith.constant 9984 : i32
        %dma_start3A_189 = arith.constant 0 : i32
        %dma_start3A_190 = tpu.memref_slice %arg8[%dma_start3A_188, %dma_start3A_189] : memref<10240x128xf32, #tpu.memory_space<vmem_shared>> -> memref<16x128xf32, #tpu.memory_space<vmem_shared>>
        tpu.enqueue_dma source(%dma_start3A_190 : memref<16x128xf32, #tpu.memory_space<vmem_shared>>) target(%dma_start3A_187 : memref<16x128xf32, #tpu.memory_space<hbm>>) target_semaphore(%run_scoped3A_183 : memref<!tpu.dma_semaphore, #tpu.memory_space<semaphore_mem>>)
        %dma_wait3A_191 = arith.constant 9984 : i32
        %dma_wait3A_192 = arith.constant 0 : i32
        %dma_wait3A_193 = tpu.memref_slice %arg6[%arg0, %run_scoped3A_182, %dma_wait3A_191, %dma_wait3A_192] : memref<2x4x10000x128xf32, #tpu.memory_space<hbm>> -> memref<1x1x16x128xf32, #tpu.memory_space<hbm>>
        %dma_wait3A_194 = tpu.memref_squeeze %dma_wait3A_193 : memref<1x1x16x128xf32, #tpu.memory_space<hbm>> -> memref<16x128xf32, #tpu.memory_space<hbm>>
        %dma_wait3A_195 = arith.constant 9984 : i32
        %dma_wait3A_196 = arith.constant 0 : i32
        %dma_wait3A_197 = tpu.memref_slice %arg8[%dma_wait3A_195, %dma_wait3A_196] : memref<10240x128xf32, #tpu.memory_space<vmem_shared>> -> memref<16x128xf32, #tpu.memory_space<vmem_shared>>
        tpu.wait_dma2 semaphore(%run_scoped3A_183 : memref<!tpu.dma_semaphore, #tpu.memory_space<semaphore_mem>>) src(%dma_wait3A_197 : memref<16x128xf32, #tpu.memory_space<vmem_shared>>) dst(%dma_wait3A_194 : memref<16x128xf32, #tpu.memory_space<hbm>>)
        tpu.yield
      }) : () -> ()
    } else {
    }
    %barrier3A_104 = arith.constant 0 : index
    tpu.barrier barrier_id(%barrier3A_104)
    %mul3A_105 = arith.constant 640 : i32
    %mul3A_106 = arith.muli %arg1, %mul3A_105 : i32
    "tpu.region"() ({
      %run_scoped3A_182 = tpu.sem_alloc : memref<!tpu.dma_semaphore, #tpu.memory_space<semaphore_mem>>
      %dma_start3A_183 = arith.constant 0 : i32
      %dma_start3A_184 = tpu.memref_slice %arg8[%mul3A_106, %dma_start3A_183] : memref<10240x128xf32, #tpu.memory_space<vmem_shared>> -> memref<640x128xf32, #tpu.memory_space<vmem_shared>>
      tpu.enqueue_dma source(%arg5 : memref<640x128xf32, #tpu.memory_space<hbm>>) target(%dma_start3A_184 : memref<640x128xf32, #tpu.memory_space<vmem_shared>>) target_semaphore(%run_scoped3A_182 : memref<!tpu.dma_semaphore, #tpu.memory_space<semaphore_mem>>)
      %dma_wait3A_185 = arith.constant 0 : i32
      %dma_wait3A_186 = tpu.memref_slice %arg8[%mul3A_106, %dma_wait3A_185] : memref<10240x128xf32, #tpu.memory_space<vmem_shared>> -> memref<640x128xf32, #tpu.memory_space<vmem_shared>>
      tpu.wait_dma2 semaphore(%run_scoped3A_182 : memref<!tpu.dma_semaphore, #tpu.memory_space<semaphore_mem>>) src(%arg5 : memref<640x128xf32, #tpu.memory_space<hbm>>) dst(%dma_wait3A_186 : memref<640x128xf32, #tpu.memory_space<vmem_shared>>)
      tpu.yield
    }) : () -> ()
    %barrier3A_107 = arith.constant 0 : index
    tpu.barrier barrier_id(%barrier3A_107)
    %add3A_108 = arith.constant 0 : i32
    %add3A_109 = arith.addi %mul3A_2, %add3A_108 : i32
    %dma_start3A_110 = arith.constant 2 : i32
    %dma_start3A_111 = arith.constant 0 : i32
    %dma_start3A_112 = tpu.memref_slice %arg2[%dma_start3A_110, %add3A_109, %dma_start3A_111] : memref<4x172032x128xf32, #tpu.memory_space<hbm>> -> memref<1x128x128xf32, #tpu.memory_space<hbm>>
    %dma_start3A_113 = tpu.memref_squeeze %dma_start3A_112 : memref<1x128x128xf32, #tpu.memory_space<hbm>> -> memref<128x128xf32, #tpu.memory_space<hbm>>
    %dma_start3A_114 = arith.constant 0 : i32
    %dma_start3A_115 = tpu.memref_slice %arg2[%dma_start3A_110, %add3A_109, %dma_start3A_114] : memref<4x172032x128xf32, #tpu.memory_space<hbm>> -> memref<1x128x128xf32, #tpu.memory_space<hbm>>
    %dma_start3A_116 = tpu.memref_squeeze %dma_start3A_115 : memref<1x128x128xf32, #tpu.memory_space<hbm>> -> memref<128x128xf32, #tpu.memory_space<hbm>>
    tpu.enqueue_dma source(%dma_start3A_116 : memref<128x128xf32, #tpu.memory_space<hbm>>) target(%arg10 : memref<128x128xf32, #tpu.memory_space<vmem>>) target_semaphore(%arg12 : memref<!tpu.dma_semaphore, #tpu.memory_space<semaphore_mem>>)
    %scan3A_117 = arith.constant 0 : i32
    %scan3A_118 = arith.constant 0 : i32
    %scan3A_119 = arith.constant 21 : i32
    %scan3A_120 = arith.addi %scan3A_118, %scan3A_119 : i32
    %scan3A_121 = arith.constant 1 : i32
    scf.for %scan3A_182 = %scan3A_118 to %scan3A_120 step %scan3A_121  : i32 {
      %mul3A_183 = arith.constant 2 : i32
      %mul3A_184 = arith.muli %mul3A_183, %scan3A_182 : i32
      %add3A_185 = arith.constant 0 : i32
      %add3A_186 = arith.addi %mul3A_2, %add3A_185 : i32
      %dma_wait3A_187 = arith.constant 2 : i32
      %dma_wait3A_188 = arith.constant 0 : i32
      %dma_wait3A_189 = tpu.memref_slice %arg2[%dma_wait3A_187, %add3A_186, %dma_wait3A_188] : memref<4x172032x128xf32, #tpu.memory_space<hbm>> -> memref<1x128x128xf32, #tpu.memory_space<hbm>>
      %dma_wait3A_190 = tpu.memref_squeeze %dma_wait3A_189 : memref<1x128x128xf32, #tpu.memory_space<hbm>> -> memref<128x128xf32, #tpu.memory_space<hbm>>
      %dma_wait3A_191 = arith.constant 0 : i32
      %dma_wait3A_192 = tpu.memref_slice %arg2[%dma_wait3A_187, %add3A_186, %dma_wait3A_191] : memref<4x172032x128xf32, #tpu.memory_space<hbm>> -> memref<1x128x128xf32, #tpu.memory_space<hbm>>
      %dma_wait3A_193 = tpu.memref_squeeze %dma_wait3A_192 : memref<1x128x128xf32, #tpu.memory_space<hbm>> -> memref<128x128xf32, #tpu.memory_space<hbm>>
      tpu.wait_dma2 semaphore(%arg12 : memref<!tpu.dma_semaphore, #tpu.memory_space<semaphore_mem>>) src(%dma_wait3A_193 : memref<128x128xf32, #tpu.memory_space<hbm>>) dst(%arg10 : memref<128x128xf32, #tpu.memory_space<vmem>>)
      %dma_start3A_194 = arith.constant 0 : i32
      %dma_start3A_195 = tpu.memref_slice %arg9[%mul3A_184, %dma_start3A_194] : memref<42x128xi32, #tpu.memory_space<vmem>> -> memref<1x128xi32, #tpu.memory_space<vmem>>
      %dma_start3A_196 = tpu.memref_squeeze %dma_start3A_195 : memref<1x128xi32, #tpu.memory_space<vmem>> -> memref<128xi32, #tpu.memory_space<vmem>>
      %dma_start3A_197 = arith.constant 0 : i32
      %dma_start3A_198 = arith.constant 0 : i32
      %dma_start3A_199 = tpu.memref_slice %arg8[%dma_start3A_197, %dma_start3A_198] : memref<10240x128xf32, #tpu.memory_space<vmem_shared>> -> memref<10240x128xf32, #tpu.memory_space<vmem_shared>>
      tpu.enqueue_indirect_dma source(%arg10 : memref<128x128xf32, #tpu.memory_space<vmem>>) target(%dma_start3A_199 : memref<10240x128xf32, #tpu.memory_space<vmem_shared>>) offsets(%dma_start3A_196 : memref<128xi32, #tpu.memory_space<vmem>>) semaphore(%arg14 : memref<!tpu.dma_semaphore, #tpu.memory_space<semaphore_mem>>) {add = true}
      %add3A_200 = arith.constant 1 : i32
      %add3A_201 = arith.addi %mul3A_184, %add3A_200 : i32
      %mul3A_202 = arith.constant 128 : i32
      %mul3A_203 = arith.muli %add3A_201, %mul3A_202 : i32
      %add3A_204 = arith.addi %mul3A_2, %mul3A_203 : i32
      %dma_start3A_205 = arith.constant 2 : i32
      %dma_start3A_206 = arith.constant 0 : i32
      %dma_start3A_207 = tpu.memref_slice %arg2[%dma_start3A_205, %add3A_204, %dma_start3A_206] : memref<4x172032x128xf32, #tpu.memory_space<hbm>> -> memref<1x128x128xf32, #tpu.memory_space<hbm>>
      %dma_start3A_208 = tpu.memref_squeeze %dma_start3A_207 : memref<1x128x128xf32, #tpu.memory_space<hbm>> -> memref<128x128xf32, #tpu.memory_space<hbm>>
      %dma_start3A_209 = arith.constant 0 : i32
      %dma_start3A_210 = tpu.memref_slice %arg2[%dma_start3A_205, %add3A_204, %dma_start3A_209] : memref<4x172032x128xf32, #tpu.memory_space<hbm>> -> memref<1x128x128xf32, #tpu.memory_space<hbm>>
      %dma_start3A_211 = tpu.memref_squeeze %dma_start3A_210 : memref<1x128x128xf32, #tpu.memory_space<hbm>> -> memref<128x128xf32, #tpu.memory_space<hbm>>
      tpu.enqueue_dma source(%dma_start3A_211 : memref<128x128xf32, #tpu.memory_space<hbm>>) target(%arg11 : memref<128x128xf32, #tpu.memory_space<vmem>>) target_semaphore(%arg13 : memref<!tpu.dma_semaphore, #tpu.memory_space<semaphore_mem>>)
      %add3A_212 = arith.constant 0 : i32
      %add3A_213 = arith.addi %mul3A_2, %add3A_212 : i32
      %dma_wait3A_214 = arith.constant 2 : i32
      %dma_wait3A_215 = arith.constant 0 : i32
      %dma_wait3A_216 = tpu.memref_slice %arg2[%dma_wait3A_214, %add3A_213, %dma_wait3A_215] : memref<4x172032x128xf32, #tpu.memory_space<hbm>> -> memref<1x128x128xf32, #tpu.memory_space<hbm>>
      %dma_wait3A_217 = tpu.memref_squeeze %dma_wait3A_216 : memref<1x128x128xf32, #tpu.memory_space<hbm>> -> memref<128x128xf32, #tpu.memory_space<hbm>>
      %dma_wait3A_218 = arith.constant 0 : i32
      %dma_wait3A_219 = tpu.memref_slice %arg2[%dma_wait3A_214, %add3A_213, %dma_wait3A_218] : memref<4x172032x128xf32, #tpu.memory_space<hbm>> -> memref<1x128x128xf32, #tpu.memory_space<hbm>>
      %dma_wait3A_220 = tpu.memref_squeeze %dma_wait3A_219 : memref<1x128x128xf32, #tpu.memory_space<hbm>> -> memref<128x128xf32, #tpu.memory_space<hbm>>
      tpu.wait_dma2 semaphore(%arg13 : memref<!tpu.dma_semaphore, #tpu.memory_space<semaphore_mem>>) src(%dma_wait3A_220 : memref<128x128xf32, #tpu.memory_space<hbm>>) dst(%arg11 : memref<128x128xf32, #tpu.memory_space<vmem>>)
      %add3A_221 = arith.constant 1 : i32
      %add3A_222 = arith.addi %mul3A_184, %add3A_221 : i32
      %dma_start3A_223 = arith.constant 0 : i32
      %dma_start3A_224 = tpu.memref_slice %arg9[%add3A_222, %dma_start3A_223] : memref<42x128xi32, #tpu.memory_space<vmem>> -> memref<1x128xi32, #tpu.memory_space<vmem>>
      %dma_start3A_225 = tpu.memref_squeeze %dma_start3A_224 : memref<1x128xi32, #tpu.memory_space<vmem>> -> memref<128xi32, #tpu.memory_space<vmem>>
      %dma_start3A_226 = arith.constant 0 : i32
      %dma_start3A_227 = arith.constant 0 : i32
      %dma_start3A_228 = tpu.memref_slice %arg8[%dma_start3A_226, %dma_start3A_227] : memref<10240x128xf32, #tpu.memory_space<vmem_shared>> -> memref<10240x128xf32, #tpu.memory_space<vmem_shared>>
      tpu.enqueue_indirect_dma source(%arg11 : memref<128x128xf32, #tpu.memory_space<vmem>>) target(%dma_start3A_228 : memref<10240x128xf32, #tpu.memory_space<vmem_shared>>) offsets(%dma_start3A_225 : memref<128xi32, #tpu.memory_space<vmem>>) semaphore(%arg15 : memref<!tpu.dma_semaphore, #tpu.memory_space<semaphore_mem>>) {add = true}
      %dma_wait3A_229 = arith.constant 0 : i32
      %dma_wait3A_230 = arith.constant 0 : i32
      %dma_wait3A_231 = tpu.memref_slice %arg9[%dma_wait3A_229, %dma_wait3A_230] : memref<42x128xi32, #tpu.memory_space<vmem>> -> memref<1x128xi32, #tpu.memory_space<vmem>>
      %dma_wait3A_232 = tpu.memref_squeeze %dma_wait3A_231 : memref<1x128xi32, #tpu.memory_space<vmem>> -> memref<128xi32, #tpu.memory_space<vmem>>
      %dma_wait3A_233 = arith.constant 0 : i32
      %dma_wait3A_234 = arith.constant 0 : i32
      %dma_wait3A_235 = tpu.memref_slice %arg8[%dma_wait3A_233, %dma_wait3A_234] : memref<10240x128xf32, #tpu.memory_space<vmem_shared>> -> memref<10240x128xf32, #tpu.memory_space<vmem_shared>>
      tpu.wait_indirect_dma semaphore(%arg14 : memref<!tpu.dma_semaphore, #tpu.memory_space<semaphore_mem>>) src(%arg10 : memref<128x128xf32, #tpu.memory_space<vmem>>) dst(%dma_wait3A_235 : memref<10240x128xf32, #tpu.memory_space<vmem_shared>>)
      %add3A_236 = arith.constant 2 : i32
      %add3A_237 = arith.addi %mul3A_184, %add3A_236 : i32
      %min3A = arith.constant 41 : i32
      %min3A_238 = arith.minsi %add3A_237, %min3A : i32
      %mul3A_239 = arith.constant 128 : i32
      %mul3A_240 = arith.muli %min3A_238, %mul3A_239 : i32
      %add3A_241 = arith.addi %mul3A_2, %mul3A_240 : i32
      %dma_start3A_242 = arith.constant 2 : i32
      %dma_start3A_243 = arith.constant 0 : i32
      %dma_start3A_244 = tpu.memref_slice %arg2[%dma_start3A_242, %add3A_241, %dma_start3A_243] : memref<4x172032x128xf32, #tpu.memory_space<hbm>> -> memref<1x128x128xf32, #tpu.memory_space<hbm>>
      %dma_start3A_245 = tpu.memref_squeeze %dma_start3A_244 : memref<1x128x128xf32, #tpu.memory_space<hbm>> -> memref<128x128xf32, #tpu.memory_space<hbm>>
      %dma_start3A_246 = arith.constant 0 : i32
      %dma_start3A_247 = tpu.memref_slice %arg2[%dma_start3A_242, %add3A_241, %dma_start3A_246] : memref<4x172032x128xf32, #tpu.memory_space<hbm>> -> memref<1x128x128xf32, #tpu.memory_space<hbm>>
      %dma_start3A_248 = tpu.memref_squeeze %dma_start3A_247 : memref<1x128x128xf32, #tpu.memory_space<hbm>> -> memref<128x128xf32, #tpu.memory_space<hbm>>
      tpu.enqueue_dma source(%dma_start3A_248 : memref<128x128xf32, #tpu.memory_space<hbm>>) target(%arg10 : memref<128x128xf32, #tpu.memory_space<vmem>>) target_semaphore(%arg12 : memref<!tpu.dma_semaphore, #tpu.memory_space<semaphore_mem>>)
      %dma_wait3A_249 = arith.constant 0 : i32
      %dma_wait3A_250 = arith.constant 0 : i32
      %dma_wait3A_251 = tpu.memref_slice %arg9[%dma_wait3A_249, %dma_wait3A_250] : memref<42x128xi32, #tpu.memory_space<vmem>> -> memref<1x128xi32, #tpu.memory_space<vmem>>
      %dma_wait3A_252 = tpu.memref_squeeze %dma_wait3A_251 : memref<1x128xi32, #tpu.memory_space<vmem>> -> memref<128xi32, #tpu.memory_space<vmem>>
      %dma_wait3A_253 = arith.constant 0 : i32
      %dma_wait3A_254 = arith.constant 0 : i32
      %dma_wait3A_255 = tpu.memref_slice %arg8[%dma_wait3A_253, %dma_wait3A_254] : memref<10240x128xf32, #tpu.memory_space<vmem_shared>> -> memref<10240x128xf32, #tpu.memory_space<vmem_shared>>
      tpu.wait_indirect_dma semaphore(%arg15 : memref<!tpu.dma_semaphore, #tpu.memory_space<semaphore_mem>>) src(%arg11 : memref<128x128xf32, #tpu.memory_space<vmem>>) dst(%dma_wait3A_255 : memref<10240x128xf32, #tpu.memory_space<vmem_shared>>)
    }
    %scan3A_122 = arith.constant 21 : i32
    %add3A_123 = arith.constant 0 : i32
    %add3A_124 = arith.addi %mul3A_2, %add3A_123 : i32
    %dma_wait3A_125 = arith.constant 2 : i32
    %dma_wait3A_126 = arith.constant 0 : i32
    %dma_wait3A_127 = tpu.memref_slice %arg2[%dma_wait3A_125, %add3A_124, %dma_wait3A_126] : memref<4x172032x128xf32, #tpu.memory_space<hbm>> -> memref<1x128x128xf32, #tpu.memory_space<hbm>>
    %dma_wait3A_128 = tpu.memref_squeeze %dma_wait3A_127 : memref<1x128x128xf32, #tpu.memory_space<hbm>> -> memref<128x128xf32, #tpu.memory_space<hbm>>
    %dma_wait3A_129 = arith.constant 0 : i32
    %dma_wait3A_130 = tpu.memref_slice %arg2[%dma_wait3A_125, %add3A_124, %dma_wait3A_129] : memref<4x172032x128xf32, #tpu.memory_space<hbm>> -> memref<1x128x128xf32, #tpu.memory_space<hbm>>
    %dma_wait3A_131 = tpu.memref_squeeze %dma_wait3A_130 : memref<1x128x128xf32, #tpu.memory_space<hbm>> -> memref<128x128xf32, #tpu.memory_space<hbm>>
    tpu.wait_dma2 semaphore(%arg12 : memref<!tpu.dma_semaphore, #tpu.memory_space<semaphore_mem>>) src(%dma_wait3A_131 : memref<128x128xf32, #tpu.memory_space<hbm>>) dst(%arg10 : memref<128x128xf32, #tpu.memory_space<vmem>>)
    %barrier3A_132 = arith.constant 0 : index
    tpu.barrier barrier_id(%barrier3A_132)
    %mul3A_133 = arith.constant 624 : i32
    %mul3A_134 = arith.muli %arg1, %mul3A_133 : i32
    %mul3A_135 = arith.constant 624 : i32
    %mul3A_136 = arith.muli %arg1, %mul3A_135 : i32
    %run_scoped3A_137 = arith.constant 2 : i32
    "tpu.region"() ({
      %run_scoped3A_182 = tpu.sem_alloc : memref<!tpu.dma_semaphore, #tpu.memory_space<semaphore_mem>>
      %dma_start3A_183 = arith.constant 0 : i32
      %dma_start3A_184 = tpu.memref_slice %arg6[%arg0, %run_scoped3A_137, %mul3A_136, %dma_start3A_183] : memref<2x4x10000x128xf32, #tpu.memory_space<hbm>> -> memref<1x1x624x128xf32, #tpu.memory_space<hbm>>
      %dma_start3A_185 = tpu.memref_squeeze %dma_start3A_184 : memref<1x1x624x128xf32, #tpu.memory_space<hbm>> -> memref<624x128xf32, #tpu.memory_space<hbm>>
      %dma_start3A_186 = arith.constant 0 : i32
      %dma_start3A_187 = tpu.memref_slice %arg8[%mul3A_134, %dma_start3A_186] : memref<10240x128xf32, #tpu.memory_space<vmem_shared>> -> memref<624x128xf32, #tpu.memory_space<vmem_shared>>
      tpu.enqueue_dma source(%dma_start3A_187 : memref<624x128xf32, #tpu.memory_space<vmem_shared>>) target(%dma_start3A_185 : memref<624x128xf32, #tpu.memory_space<hbm>>) target_semaphore(%run_scoped3A_182 : memref<!tpu.dma_semaphore, #tpu.memory_space<semaphore_mem>>)
      %dma_wait3A_188 = arith.constant 0 : i32
      %dma_wait3A_189 = tpu.memref_slice %arg6[%arg0, %run_scoped3A_137, %mul3A_136, %dma_wait3A_188] : memref<2x4x10000x128xf32, #tpu.memory_space<hbm>> -> memref<1x1x624x128xf32, #tpu.memory_space<hbm>>
      %dma_wait3A_190 = tpu.memref_squeeze %dma_wait3A_189 : memref<1x1x624x128xf32, #tpu.memory_space<hbm>> -> memref<624x128xf32, #tpu.memory_space<hbm>>
      %dma_wait3A_191 = arith.constant 0 : i32
      %dma_wait3A_192 = tpu.memref_slice %arg8[%mul3A_134, %dma_wait3A_191] : memref<10240x128xf32, #tpu.memory_space<vmem_shared>> -> memref<624x128xf32, #tpu.memory_space<vmem_shared>>
      tpu.wait_dma2 semaphore(%run_scoped3A_182 : memref<!tpu.dma_semaphore, #tpu.memory_space<semaphore_mem>>) src(%dma_wait3A_192 : memref<624x128xf32, #tpu.memory_space<vmem_shared>>) dst(%dma_wait3A_190 : memref<624x128xf32, #tpu.memory_space<hbm>>)
      tpu.yield
    }) : () -> ()
    %eq3A_138 = arith.constant 0 : i32
    %eq3A_139 = arith.cmpi eq, %arg1, %eq3A_138 : i32
    %convert_element_type3A_140 = arith.extui %eq3A_139 : i1 to i32
    %cond3A_141 = arith.constant 0 : i32
    %cond3A_142 = arith.cmpi ne, %convert_element_type3A_140, %cond3A_141 : i32
    scf.if %cond3A_142 {
      %run_scoped3A_182 = arith.constant 2 : i32
      "tpu.region"() ({
        %run_scoped3A_183 = tpu.sem_alloc : memref<!tpu.dma_semaphore, #tpu.memory_space<semaphore_mem>>
        %dma_start3A_184 = arith.constant 9984 : i32
        %dma_start3A_185 = arith.constant 0 : i32
        %dma_start3A_186 = tpu.memref_slice %arg6[%arg0, %run_scoped3A_182, %dma_start3A_184, %dma_start3A_185] : memref<2x4x10000x128xf32, #tpu.memory_space<hbm>> -> memref<1x1x16x128xf32, #tpu.memory_space<hbm>>
        %dma_start3A_187 = tpu.memref_squeeze %dma_start3A_186 : memref<1x1x16x128xf32, #tpu.memory_space<hbm>> -> memref<16x128xf32, #tpu.memory_space<hbm>>
        %dma_start3A_188 = arith.constant 9984 : i32
        %dma_start3A_189 = arith.constant 0 : i32
        %dma_start3A_190 = tpu.memref_slice %arg8[%dma_start3A_188, %dma_start3A_189] : memref<10240x128xf32, #tpu.memory_space<vmem_shared>> -> memref<16x128xf32, #tpu.memory_space<vmem_shared>>
        tpu.enqueue_dma source(%dma_start3A_190 : memref<16x128xf32, #tpu.memory_space<vmem_shared>>) target(%dma_start3A_187 : memref<16x128xf32, #tpu.memory_space<hbm>>) target_semaphore(%run_scoped3A_183 : memref<!tpu.dma_semaphore, #tpu.memory_space<semaphore_mem>>)
        %dma_wait3A_191 = arith.constant 9984 : i32
        %dma_wait3A_192 = arith.constant 0 : i32
        %dma_wait3A_193 = tpu.memref_slice %arg6[%arg0, %run_scoped3A_182, %dma_wait3A_191, %dma_wait3A_192] : memref<2x4x10000x128xf32, #tpu.memory_space<hbm>> -> memref<1x1x16x128xf32, #tpu.memory_space<hbm>>
        %dma_wait3A_194 = tpu.memref_squeeze %dma_wait3A_193 : memref<1x1x16x128xf32, #tpu.memory_space<hbm>> -> memref<16x128xf32, #tpu.memory_space<hbm>>
        %dma_wait3A_195 = arith.constant 9984 : i32
        %dma_wait3A_196 = arith.constant 0 : i32
        %dma_wait3A_197 = tpu.memref_slice %arg8[%dma_wait3A_195, %dma_wait3A_196] : memref<10240x128xf32, #tpu.memory_space<vmem_shared>> -> memref<16x128xf32, #tpu.memory_space<vmem_shared>>
        tpu.wait_dma2 semaphore(%run_scoped3A_183 : memref<!tpu.dma_semaphore, #tpu.memory_space<semaphore_mem>>) src(%dma_wait3A_197 : memref<16x128xf32, #tpu.memory_space<vmem_shared>>) dst(%dma_wait3A_194 : memref<16x128xf32, #tpu.memory_space<hbm>>)
        tpu.yield
      }) : () -> ()
    } else {
    }
    %barrier3A_143 = arith.constant 0 : index
    tpu.barrier barrier_id(%barrier3A_143)
    %mul3A_144 = arith.constant 640 : i32
    %mul3A_145 = arith.muli %arg1, %mul3A_144 : i32
    "tpu.region"() ({
      %run_scoped3A_182 = tpu.sem_alloc : memref<!tpu.dma_semaphore, #tpu.memory_space<semaphore_mem>>
      %dma_start3A_183 = arith.constant 0 : i32
      %dma_start3A_184 = tpu.memref_slice %arg8[%mul3A_145, %dma_start3A_183] : memref<10240x128xf32, #tpu.memory_space<vmem_shared>> -> memref<640x128xf32, #tpu.memory_space<vmem_shared>>
      tpu.enqueue_dma source(%arg5 : memref<640x128xf32, #tpu.memory_space<hbm>>) target(%dma_start3A_184 : memref<640x128xf32, #tpu.memory_space<vmem_shared>>) target_semaphore(%run_scoped3A_182 : memref<!tpu.dma_semaphore, #tpu.memory_space<semaphore_mem>>)
      %dma_wait3A_185 = arith.constant 0 : i32
      %dma_wait3A_186 = tpu.memref_slice %arg8[%mul3A_145, %dma_wait3A_185] : memref<10240x128xf32, #tpu.memory_space<vmem_shared>> -> memref<640x128xf32, #tpu.memory_space<vmem_shared>>
      tpu.wait_dma2 semaphore(%run_scoped3A_182 : memref<!tpu.dma_semaphore, #tpu.memory_space<semaphore_mem>>) src(%arg5 : memref<640x128xf32, #tpu.memory_space<hbm>>) dst(%dma_wait3A_186 : memref<640x128xf32, #tpu.memory_space<vmem_shared>>)
      tpu.yield
    }) : () -> ()
    %barrier3A_146 = arith.constant 0 : index
    tpu.barrier barrier_id(%barrier3A_146)
    %add3A_147 = arith.constant 0 : i32
    %add3A_148 = arith.addi %mul3A_2, %add3A_147 : i32
    %dma_start3A_149 = arith.constant 3 : i32
    %dma_start3A_150 = arith.constant 0 : i32
    %dma_start3A_151 = tpu.memref_slice %arg2[%dma_start3A_149, %add3A_148, %dma_start3A_150] : memref<4x172032x128xf32, #tpu.memory_space<hbm>> -> memref<1x128x128xf32, #tpu.memory_space<hbm>>
    %dma_start3A_152 = tpu.memref_squeeze %dma_start3A_151 : memref<1x128x128xf32, #tpu.memory_space<hbm>> -> memref<128x128xf32, #tpu.memory_space<hbm>>
    %dma_start3A_153 = arith.constant 0 : i32
    %dma_start3A_154 = tpu.memref_slice %arg2[%dma_start3A_149, %add3A_148, %dma_start3A_153] : memref<4x172032x128xf32, #tpu.memory_space<hbm>> -> memref<1x128x128xf32, #tpu.memory_space<hbm>>
    %dma_start3A_155 = tpu.memref_squeeze %dma_start3A_154 : memref<1x128x128xf32, #tpu.memory_space<hbm>> -> memref<128x128xf32, #tpu.memory_space<hbm>>
    tpu.enqueue_dma source(%dma_start3A_155 : memref<128x128xf32, #tpu.memory_space<hbm>>) target(%arg10 : memref<128x128xf32, #tpu.memory_space<vmem>>) target_semaphore(%arg12 : memref<!tpu.dma_semaphore, #tpu.memory_space<semaphore_mem>>)
    %scan3A_156 = arith.constant 0 : i32
    %scan3A_157 = arith.constant 0 : i32
    %scan3A_158 = arith.constant 21 : i32
    %scan3A_159 = arith.addi %scan3A_157, %scan3A_158 : i32
    %scan3A_160 = arith.constant 1 : i32
    scf.for %scan3A_182 = %scan3A_157 to %scan3A_159 step %scan3A_160  : i32 {
      %mul3A_183 = arith.constant 2 : i32
      %mul3A_184 = arith.muli %mul3A_183, %scan3A_182 : i32
      %add3A_185 = arith.constant 0 : i32
      %add3A_186 = arith.addi %mul3A_2, %add3A_185 : i32
      %dma_wait3A_187 = arith.constant 3 : i32
      %dma_wait3A_188 = arith.constant 0 : i32
      %dma_wait3A_189 = tpu.memref_slice %arg2[%dma_wait3A_187, %add3A_186, %dma_wait3A_188] : memref<4x172032x128xf32, #tpu.memory_space<hbm>> -> memref<1x128x128xf32, #tpu.memory_space<hbm>>
      %dma_wait3A_190 = tpu.memref_squeeze %dma_wait3A_189 : memref<1x128x128xf32, #tpu.memory_space<hbm>> -> memref<128x128xf32, #tpu.memory_space<hbm>>
      %dma_wait3A_191 = arith.constant 0 : i32
      %dma_wait3A_192 = tpu.memref_slice %arg2[%dma_wait3A_187, %add3A_186, %dma_wait3A_191] : memref<4x172032x128xf32, #tpu.memory_space<hbm>> -> memref<1x128x128xf32, #tpu.memory_space<hbm>>
      %dma_wait3A_193 = tpu.memref_squeeze %dma_wait3A_192 : memref<1x128x128xf32, #tpu.memory_space<hbm>> -> memref<128x128xf32, #tpu.memory_space<hbm>>
      tpu.wait_dma2 semaphore(%arg12 : memref<!tpu.dma_semaphore, #tpu.memory_space<semaphore_mem>>) src(%dma_wait3A_193 : memref<128x128xf32, #tpu.memory_space<hbm>>) dst(%arg10 : memref<128x128xf32, #tpu.memory_space<vmem>>)
      %dma_start3A_194 = arith.constant 0 : i32
      %dma_start3A_195 = tpu.memref_slice %arg9[%mul3A_184, %dma_start3A_194] : memref<42x128xi32, #tpu.memory_space<vmem>> -> memref<1x128xi32, #tpu.memory_space<vmem>>
      %dma_start3A_196 = tpu.memref_squeeze %dma_start3A_195 : memref<1x128xi32, #tpu.memory_space<vmem>> -> memref<128xi32, #tpu.memory_space<vmem>>
      %dma_start3A_197 = arith.constant 0 : i32
      %dma_start3A_198 = arith.constant 0 : i32
      %dma_start3A_199 = tpu.memref_slice %arg8[%dma_start3A_197, %dma_start3A_198] : memref<10240x128xf32, #tpu.memory_space<vmem_shared>> -> memref<10240x128xf32, #tpu.memory_space<vmem_shared>>
      tpu.enqueue_indirect_dma source(%arg10 : memref<128x128xf32, #tpu.memory_space<vmem>>) target(%dma_start3A_199 : memref<10240x128xf32, #tpu.memory_space<vmem_shared>>) offsets(%dma_start3A_196 : memref<128xi32, #tpu.memory_space<vmem>>) semaphore(%arg14 : memref<!tpu.dma_semaphore, #tpu.memory_space<semaphore_mem>>) {add = true}
      %add3A_200 = arith.constant 1 : i32
      %add3A_201 = arith.addi %mul3A_184, %add3A_200 : i32
      %mul3A_202 = arith.constant 128 : i32
      %mul3A_203 = arith.muli %add3A_201, %mul3A_202 : i32
      %add3A_204 = arith.addi %mul3A_2, %mul3A_203 : i32
      %dma_start3A_205 = arith.constant 3 : i32
      %dma_start3A_206 = arith.constant 0 : i32
      %dma_start3A_207 = tpu.memref_slice %arg2[%dma_start3A_205, %add3A_204, %dma_start3A_206] : memref<4x172032x128xf32, #tpu.memory_space<hbm>> -> memref<1x128x128xf32, #tpu.memory_space<hbm>>
      %dma_start3A_208 = tpu.memref_squeeze %dma_start3A_207 : memref<1x128x128xf32, #tpu.memory_space<hbm>> -> memref<128x128xf32, #tpu.memory_space<hbm>>
      %dma_start3A_209 = arith.constant 0 : i32
      %dma_start3A_210 = tpu.memref_slice %arg2[%dma_start3A_205, %add3A_204, %dma_start3A_209] : memref<4x172032x128xf32, #tpu.memory_space<hbm>> -> memref<1x128x128xf32, #tpu.memory_space<hbm>>
      %dma_start3A_211 = tpu.memref_squeeze %dma_start3A_210 : memref<1x128x128xf32, #tpu.memory_space<hbm>> -> memref<128x128xf32, #tpu.memory_space<hbm>>
      tpu.enqueue_dma source(%dma_start3A_211 : memref<128x128xf32, #tpu.memory_space<hbm>>) target(%arg11 : memref<128x128xf32, #tpu.memory_space<vmem>>) target_semaphore(%arg13 : memref<!tpu.dma_semaphore, #tpu.memory_space<semaphore_mem>>)
      %add3A_212 = arith.constant 0 : i32
      %add3A_213 = arith.addi %mul3A_2, %add3A_212 : i32
      %dma_wait3A_214 = arith.constant 3 : i32
      %dma_wait3A_215 = arith.constant 0 : i32
      %dma_wait3A_216 = tpu.memref_slice %arg2[%dma_wait3A_214, %add3A_213, %dma_wait3A_215] : memref<4x172032x128xf32, #tpu.memory_space<hbm>> -> memref<1x128x128xf32, #tpu.memory_space<hbm>>
      %dma_wait3A_217 = tpu.memref_squeeze %dma_wait3A_216 : memref<1x128x128xf32, #tpu.memory_space<hbm>> -> memref<128x128xf32, #tpu.memory_space<hbm>>
      %dma_wait3A_218 = arith.constant 0 : i32
      %dma_wait3A_219 = tpu.memref_slice %arg2[%dma_wait3A_214, %add3A_213, %dma_wait3A_218] : memref<4x172032x128xf32, #tpu.memory_space<hbm>> -> memref<1x128x128xf32, #tpu.memory_space<hbm>>
      %dma_wait3A_220 = tpu.memref_squeeze %dma_wait3A_219 : memref<1x128x128xf32, #tpu.memory_space<hbm>> -> memref<128x128xf32, #tpu.memory_space<hbm>>
      tpu.wait_dma2 semaphore(%arg13 : memref<!tpu.dma_semaphore, #tpu.memory_space<semaphore_mem>>) src(%dma_wait3A_220 : memref<128x128xf32, #tpu.memory_space<hbm>>) dst(%arg11 : memref<128x128xf32, #tpu.memory_space<vmem>>)
      %add3A_221 = arith.constant 1 : i32
      %add3A_222 = arith.addi %mul3A_184, %add3A_221 : i32
      %dma_start3A_223 = arith.constant 0 : i32
      %dma_start3A_224 = tpu.memref_slice %arg9[%add3A_222, %dma_start3A_223] : memref<42x128xi32, #tpu.memory_space<vmem>> -> memref<1x128xi32, #tpu.memory_space<vmem>>
      %dma_start3A_225 = tpu.memref_squeeze %dma_start3A_224 : memref<1x128xi32, #tpu.memory_space<vmem>> -> memref<128xi32, #tpu.memory_space<vmem>>
      %dma_start3A_226 = arith.constant 0 : i32
      %dma_start3A_227 = arith.constant 0 : i32
      %dma_start3A_228 = tpu.memref_slice %arg8[%dma_start3A_226, %dma_start3A_227] : memref<10240x128xf32, #tpu.memory_space<vmem_shared>> -> memref<10240x128xf32, #tpu.memory_space<vmem_shared>>
      tpu.enqueue_indirect_dma source(%arg11 : memref<128x128xf32, #tpu.memory_space<vmem>>) target(%dma_start3A_228 : memref<10240x128xf32, #tpu.memory_space<vmem_shared>>) offsets(%dma_start3A_225 : memref<128xi32, #tpu.memory_space<vmem>>) semaphore(%arg15 : memref<!tpu.dma_semaphore, #tpu.memory_space<semaphore_mem>>) {add = true}
      %dma_wait3A_229 = arith.constant 0 : i32
      %dma_wait3A_230 = arith.constant 0 : i32
      %dma_wait3A_231 = tpu.memref_slice %arg9[%dma_wait3A_229, %dma_wait3A_230] : memref<42x128xi32, #tpu.memory_space<vmem>> -> memref<1x128xi32, #tpu.memory_space<vmem>>
      %dma_wait3A_232 = tpu.memref_squeeze %dma_wait3A_231 : memref<1x128xi32, #tpu.memory_space<vmem>> -> memref<128xi32, #tpu.memory_space<vmem>>
      %dma_wait3A_233 = arith.constant 0 : i32
      %dma_wait3A_234 = arith.constant 0 : i32
      %dma_wait3A_235 = tpu.memref_slice %arg8[%dma_wait3A_233, %dma_wait3A_234] : memref<10240x128xf32, #tpu.memory_space<vmem_shared>> -> memref<10240x128xf32, #tpu.memory_space<vmem_shared>>
      tpu.wait_indirect_dma semaphore(%arg14 : memref<!tpu.dma_semaphore, #tpu.memory_space<semaphore_mem>>) src(%arg10 : memref<128x128xf32, #tpu.memory_space<vmem>>) dst(%dma_wait3A_235 : memref<10240x128xf32, #tpu.memory_space<vmem_shared>>)
      %add3A_236 = arith.constant 2 : i32
      %add3A_237 = arith.addi %mul3A_184, %add3A_236 : i32
      %min3A = arith.constant 41 : i32
      %min3A_238 = arith.minsi %add3A_237, %min3A : i32
      %mul3A_239 = arith.constant 128 : i32
      %mul3A_240 = arith.muli %min3A_238, %mul3A_239 : i32
      %add3A_241 = arith.addi %mul3A_2, %mul3A_240 : i32
      %dma_start3A_242 = arith.constant 3 : i32
      %dma_start3A_243 = arith.constant 0 : i32
      %dma_start3A_244 = tpu.memref_slice %arg2[%dma_start3A_242, %add3A_241, %dma_start3A_243] : memref<4x172032x128xf32, #tpu.memory_space<hbm>> -> memref<1x128x128xf32, #tpu.memory_space<hbm>>
      %dma_start3A_245 = tpu.memref_squeeze %dma_start3A_244 : memref<1x128x128xf32, #tpu.memory_space<hbm>> -> memref<128x128xf32, #tpu.memory_space<hbm>>
      %dma_start3A_246 = arith.constant 0 : i32
      %dma_start3A_247 = tpu.memref_slice %arg2[%dma_start3A_242, %add3A_241, %dma_start3A_246] : memref<4x172032x128xf32, #tpu.memory_space<hbm>> -> memref<1x128x128xf32, #tpu.memory_space<hbm>>
      %dma_start3A_248 = tpu.memref_squeeze %dma_start3A_247 : memref<1x128x128xf32, #tpu.memory_space<hbm>> -> memref<128x128xf32, #tpu.memory_space<hbm>>
      tpu.enqueue_dma source(%dma_start3A_248 : memref<128x128xf32, #tpu.memory_space<hbm>>) target(%arg10 : memref<128x128xf32, #tpu.memory_space<vmem>>) target_semaphore(%arg12 : memref<!tpu.dma_semaphore, #tpu.memory_space<semaphore_mem>>)
      %dma_wait3A_249 = arith.constant 0 : i32
      %dma_wait3A_250 = arith.constant 0 : i32
      %dma_wait3A_251 = tpu.memref_slice %arg9[%dma_wait3A_249, %dma_wait3A_250] : memref<42x128xi32, #tpu.memory_space<vmem>> -> memref<1x128xi32, #tpu.memory_space<vmem>>
      %dma_wait3A_252 = tpu.memref_squeeze %dma_wait3A_251 : memref<1x128xi32, #tpu.memory_space<vmem>> -> memref<128xi32, #tpu.memory_space<vmem>>
      %dma_wait3A_253 = arith.constant 0 : i32
      %dma_wait3A_254 = arith.constant 0 : i32
      %dma_wait3A_255 = tpu.memref_slice %arg8[%dma_wait3A_253, %dma_wait3A_254] : memref<10240x128xf32, #tpu.memory_space<vmem_shared>> -> memref<10240x128xf32, #tpu.memory_space<vmem_shared>>
      tpu.wait_indirect_dma semaphore(%arg15 : memref<!tpu.dma_semaphore, #tpu.memory_space<semaphore_mem>>) src(%arg11 : memref<128x128xf32, #tpu.memory_space<vmem>>) dst(%dma_wait3A_255 : memref<10240x128xf32, #tpu.memory_space<vmem_shared>>)
    }
    %scan3A_161 = arith.constant 21 : i32
    %add3A_162 = arith.constant 0 : i32
    %add3A_163 = arith.addi %mul3A_2, %add3A_162 : i32
    %dma_wait3A_164 = arith.constant 3 : i32
    %dma_wait3A_165 = arith.constant 0 : i32
    %dma_wait3A_166 = tpu.memref_slice %arg2[%dma_wait3A_164, %add3A_163, %dma_wait3A_165] : memref<4x172032x128xf32, #tpu.memory_space<hbm>> -> memref<1x128x128xf32, #tpu.memory_space<hbm>>
    %dma_wait3A_167 = tpu.memref_squeeze %dma_wait3A_166 : memref<1x128x128xf32, #tpu.memory_space<hbm>> -> memref<128x128xf32, #tpu.memory_space<hbm>>
    %dma_wait3A_168 = arith.constant 0 : i32
    %dma_wait3A_169 = tpu.memref_slice %arg2[%dma_wait3A_164, %add3A_163, %dma_wait3A_168] : memref<4x172032x128xf32, #tpu.memory_space<hbm>> -> memref<1x128x128xf32, #tpu.memory_space<hbm>>
    %dma_wait3A_170 = tpu.memref_squeeze %dma_wait3A_169 : memref<1x128x128xf32, #tpu.memory_space<hbm>> -> memref<128x128xf32, #tpu.memory_space<hbm>>
    tpu.wait_dma2 semaphore(%arg12 : memref<!tpu.dma_semaphore, #tpu.memory_space<semaphore_mem>>) src(%dma_wait3A_170 : memref<128x128xf32, #tpu.memory_space<hbm>>) dst(%arg10 : memref<128x128xf32, #tpu.memory_space<vmem>>)
    %barrier3A_171 = arith.constant 0 : index
    tpu.barrier barrier_id(%barrier3A_171)
    %mul3A_172 = arith.constant 624 : i32
    %mul3A_173 = arith.muli %arg1, %mul3A_172 : i32
    %mul3A_174 = arith.constant 624 : i32
    %mul3A_175 = arith.muli %arg1, %mul3A_174 : i32
    %run_scoped3A_176 = arith.constant 3 : i32
    "tpu.region"() ({
      %run_scoped3A_182 = tpu.sem_alloc : memref<!tpu.dma_semaphore, #tpu.memory_space<semaphore_mem>>
      %dma_start3A_183 = arith.constant 0 : i32
      %dma_start3A_184 = tpu.memref_slice %arg6[%arg0, %run_scoped3A_176, %mul3A_175, %dma_start3A_183] : memref<2x4x10000x128xf32, #tpu.memory_space<hbm>> -> memref<1x1x624x128xf32, #tpu.memory_space<hbm>>
      %dma_start3A_185 = tpu.memref_squeeze %dma_start3A_184 : memref<1x1x624x128xf32, #tpu.memory_space<hbm>> -> memref<624x128xf32, #tpu.memory_space<hbm>>
      %dma_start3A_186 = arith.constant 0 : i32
      %dma_start3A_187 = tpu.memref_slice %arg8[%mul3A_173, %dma_start3A_186] : memref<10240x128xf32, #tpu.memory_space<vmem_shared>> -> memref<624x128xf32, #tpu.memory_space<vmem_shared>>
      tpu.enqueue_dma source(%dma_start3A_187 : memref<624x128xf32, #tpu.memory_space<vmem_shared>>) target(%dma_start3A_185 : memref<624x128xf32, #tpu.memory_space<hbm>>) target_semaphore(%run_scoped3A_182 : memref<!tpu.dma_semaphore, #tpu.memory_space<semaphore_mem>>)
      %dma_wait3A_188 = arith.constant 0 : i32
      %dma_wait3A_189 = tpu.memref_slice %arg6[%arg0, %run_scoped3A_176, %mul3A_175, %dma_wait3A_188] : memref<2x4x10000x128xf32, #tpu.memory_space<hbm>> -> memref<1x1x624x128xf32, #tpu.memory_space<hbm>>
      %dma_wait3A_190 = tpu.memref_squeeze %dma_wait3A_189 : memref<1x1x624x128xf32, #tpu.memory_space<hbm>> -> memref<624x128xf32, #tpu.memory_space<hbm>>
      %dma_wait3A_191 = arith.constant 0 : i32
      %dma_wait3A_192 = tpu.memref_slice %arg8[%mul3A_173, %dma_wait3A_191] : memref<10240x128xf32, #tpu.memory_space<vmem_shared>> -> memref<624x128xf32, #tpu.memory_space<vmem_shared>>
      tpu.wait_dma2 semaphore(%run_scoped3A_182 : memref<!tpu.dma_semaphore, #tpu.memory_space<semaphore_mem>>) src(%dma_wait3A_192 : memref<624x128xf32, #tpu.memory_space<vmem_shared>>) dst(%dma_wait3A_190 : memref<624x128xf32, #tpu.memory_space<hbm>>)
      tpu.yield
    }) : () -> ()
    %eq3A_177 = arith.constant 0 : i32
    %eq3A_178 = arith.cmpi eq, %arg1, %eq3A_177 : i32
    %convert_element_type3A_179 = arith.extui %eq3A_178 : i1 to i32
    %cond3A_180 = arith.constant 0 : i32
    %cond3A_181 = arith.cmpi ne, %convert_element_type3A_179, %cond3A_180 : i32
    scf.if %cond3A_181 {
      %run_scoped3A_182 = arith.constant 3 : i32
      "tpu.region"() ({
        %run_scoped3A_183 = tpu.sem_alloc : memref<!tpu.dma_semaphore, #tpu.memory_space<semaphore_mem>>
        %dma_start3A_184 = arith.constant 9984 : i32
        %dma_start3A_185 = arith.constant 0 : i32
        %dma_start3A_186 = tpu.memref_slice %arg6[%arg0, %run_scoped3A_182, %dma_start3A_184, %dma_start3A_185] : memref<2x4x10000x128xf32, #tpu.memory_space<hbm>> -> memref<1x1x16x128xf32, #tpu.memory_space<hbm>>
        %dma_start3A_187 = tpu.memref_squeeze %dma_start3A_186 : memref<1x1x16x128xf32, #tpu.memory_space<hbm>> -> memref<16x128xf32, #tpu.memory_space<hbm>>
        %dma_start3A_188 = arith.constant 9984 : i32
        %dma_start3A_189 = arith.constant 0 : i32
        %dma_start3A_190 = tpu.memref_slice %arg8[%dma_start3A_188, %dma_start3A_189] : memref<10240x128xf32, #tpu.memory_space<vmem_shared>> -> memref<16x128xf32, #tpu.memory_space<vmem_shared>>
        tpu.enqueue_dma source(%dma_start3A_190 : memref<16x128xf32, #tpu.memory_space<vmem_shared>>) target(%dma_start3A_187 : memref<16x128xf32, #tpu.memory_space<hbm>>) target_semaphore(%run_scoped3A_183 : memref<!tpu.dma_semaphore, #tpu.memory_space<semaphore_mem>>)
        %dma_wait3A_191 = arith.constant 9984 : i32
        %dma_wait3A_192 = arith.constant 0 : i32
        %dma_wait3A_193 = tpu.memref_slice %arg6[%arg0, %run_scoped3A_182, %dma_wait3A_191, %dma_wait3A_192] : memref<2x4x10000x128xf32, #tpu.memory_space<hbm>> -> memref<1x1x16x128xf32, #tpu.memory_space<hbm>>
        %dma_wait3A_194 = tpu.memref_squeeze %dma_wait3A_193 : memref<1x1x16x128xf32, #tpu.memory_space<hbm>> -> memref<16x128xf32, #tpu.memory_space<hbm>>
        %dma_wait3A_195 = arith.constant 9984 : i32
        %dma_wait3A_196 = arith.constant 0 : i32
        %dma_wait3A_197 = tpu.memref_slice %arg8[%dma_wait3A_195, %dma_wait3A_196] : memref<10240x128xf32, #tpu.memory_space<vmem_shared>> -> memref<16x128xf32, #tpu.memory_space<vmem_shared>>
        tpu.wait_dma2 semaphore(%run_scoped3A_183 : memref<!tpu.dma_semaphore, #tpu.memory_space<semaphore_mem>>) src(%dma_wait3A_197 : memref<16x128xf32, #tpu.memory_space<vmem_shared>>) dst(%dma_wait3A_194 : memref<16x128xf32, #tpu.memory_space<hbm>>)
        tpu.yield
      }) : () -> ()
    } else {
    }
    return
  }
}

module attributes {stable_mosaic.version = 14 : i64} {
  func.func @_tc1_body(%arg0: i32, %arg1: memref<1000x128xf32, #tpu.memory_space<vmem>>, %arg2: memref<128x512xf32, #tpu.memory_space<vmem>>, %arg3: memref<4x128xf32, #tpu.memory_space<vmem>>, %arg4: memref<4x128xf32, #tpu.memory_space<vmem>>, %arg5: memref<1000x640xf32, #tpu.memory_space<vmem>>, %arg6: memref<1000x128xf32, #tpu.memory_space<vmem>>) attributes {dimension_semantics = [#tpu.dimension_semantics<arbitrary>], iteration_bounds = array<i64: 10>, scalar_prefetch = 0 : i64, scratch_operands = 0 : i64, tpu.core_type = #tpu.core_type<tc>, window_params = [{transform_indices = @transform_0, window_bounds = array<i64: 1000, 128>}, {pipeline_mode = #tpu.pipeline_mode<synchronous>, transform_indices = @transform_1, window_bounds = array<i64: 128, 512>}, {pipeline_mode = #tpu.pipeline_mode<synchronous>, transform_indices = @transform_2, window_bounds = array<i64: 4, 128>}, {pipeline_mode = #tpu.pipeline_mode<synchronous>, transform_indices = @transform_3, window_bounds = array<i64: 4, 128>}, {transform_indices = @transform_4, window_bounds = array<i64: 1000, 640>}, {transform_indices = @transform_5, window_bounds = array<i64: 1000, 128>}]} {
    %get3A = arith.constant 0 : index
    %get3A_0 = arith.constant 0 : index
    %get3A_1 = vector.load %arg1[%get3A, %get3A_0] : memref<1000x128xf32, #tpu.memory_space<vmem>>, vector<1000x128xf32>
    %get3A_2 = arith.constant 0 : index
    %get3A_3 = arith.constant 0 : index
    %get3A_4 = vector.load %arg2[%get3A_2, %get3A_3] : memref<128x512xf32, #tpu.memory_space<vmem>>, vector<128x512xf32>
    %dot_general3A = arith.constant dense<0.000000e+00> : vector<1000x512xf32>
    %dot_general3A_5 = tpu.matmul %get3A_1, %get3A_4, %dot_general3A {dimension_numbers = #tpu.dot_dimension_numbers<[1], [0], [0], [1], [0, 0, 1, 1], [], []>, transpose_lhs_hint = false} : vector<1000x128xf32>, vector<128x512xf32>, vector<1000x512xf32> -> vector<1000x512xf32>
    %reshape3A = vector.shape_cast %dot_general3A_5 : vector<1000x512xf32> to vector<1000x4x128xf32>
    %get3A_6 = arith.constant 0 : index
    %get3A_7 = arith.constant 0 : index
    %get3A_8 = vector.load %arg3[%get3A_6, %get3A_7] : memref<4x128xf32, #tpu.memory_space<vmem>>, vector<4x128xf32>
    %broadcast_in_dim3A = vector.shape_cast %get3A_8 : vector<4x128xf32> to vector<1x4x128xf32>
    %mul3A = vector.broadcast %broadcast_in_dim3A : vector<1x4x128xf32> to vector<1000x4x128xf32>
    %mul3A_9 = arith.mulf %reshape3A, %mul3A : vector<1000x4x128xf32>
    %reduce_sum3A = arith.constant dense<0.000000e+00> : vector<1000x4xf32>
    %reduce_sum3A_10 = vector.multi_reduction <add>, %mul3A_9, %reduce_sum3A [2] : vector<1000x4x128xf32> to vector<1000x4xf32>
    %get3A_11 = arith.constant 0 : index
    %get3A_12 = arith.constant 0 : index
    %get3A_13 = vector.load %arg4[%get3A_11, %get3A_12] : memref<4x128xf32, #tpu.memory_space<vmem>>, vector<4x128xf32>
    %broadcast_in_dim3A_14 = vector.shape_cast %get3A_13 : vector<4x128xf32> to vector<1x4x128xf32>
    %mul3A_15 = vector.broadcast %broadcast_in_dim3A_14 : vector<1x4x128xf32> to vector<1000x4x128xf32>
    %mul3A_16 = arith.mulf %reshape3A, %mul3A_15 : vector<1000x4x128xf32>
    %reduce_sum3A_17 = arith.constant dense<0.000000e+00> : vector<1000x4xf32>
    %reduce_sum3A_18 = vector.multi_reduction <add>, %mul3A_16, %reduce_sum3A_17 [2] : vector<1000x4x128xf32> to vector<1000x4xf32>
    %broadcast_in_dim3A_19 = arith.constant 0.000000e+00 : f32
    %broadcast_in_dim3A_20 = vector.broadcast %broadcast_in_dim3A_19 : f32 to vector<1000x124xf32>
    %concatenate3A = tpu.concatenate %dot_general3A_5, %reduce_sum3A_10, %broadcast_in_dim3A_20 in 1 : vector<1000x512xf32>, vector<1000x4xf32>, vector<1000x124xf32> -> vector<1000x640xf32>
    %swap3A = arith.constant 0 : index
    %swap3A_21 = arith.constant 0 : index
    %swap3A_22 = vector.load %arg5[%swap3A, %swap3A_21] : memref<1000x640xf32, #tpu.memory_space<vmem>>, vector<1000x640xf32>
    tpu.vector_store %arg5[%swap3A, %swap3A_21], %concatenate3A {strides = array<i32>} : memref<1000x640xf32, #tpu.memory_space<vmem>>, vector<1000x640xf32>,
    %concatenate3A_23 = tpu.concatenate %reduce_sum3A_18, %broadcast_in_dim3A_20 in 1 : vector<1000x4xf32>, vector<1000x124xf32> -> vector<1000x128xf32>
    %swap3A_24 = arith.constant 0 : index
    %swap3A_25 = arith.constant 0 : index
    %swap3A_26 = vector.load %arg6[%swap3A_24, %swap3A_25] : memref<1000x128xf32, #tpu.memory_space<vmem>>, vector<1000x128xf32>
    tpu.vector_store %arg6[%swap3A_24, %swap3A_25], %concatenate3A_23 {strides = array<i32>} : memref<1000x128xf32, #tpu.memory_space<vmem>>, vector<1000x128xf32>,
    return
  }
  func.func @transform_0(%arg0: i32) -> (i32, i32) {
    %c0_i32 = arith.constant 0 : i32
    %c0_i32_0 = arith.constant 0 : i32
    return %arg0, %c0_i32 : i32, i32
  }
  func.func @transform_1(%arg0: i32) -> (i32, i32) {
    %c0_i32 = arith.constant 0 : i32
    %c0_i32_0 = arith.constant 0 : i32
    %c0_i32_1 = arith.constant 0 : i32
    return %c0_i32, %c0_i32_0 : i32, i32
  }
  func.func @transform_2(%arg0: i32) -> (i32, i32) {
    %c0_i32 = arith.constant 0 : i32
    %c0_i32_0 = arith.constant 0 : i32
    %c0_i32_1 = arith.constant 0 : i32
    return %c0_i32, %c0_i32_0 : i32, i32
  }
  func.func @transform_3(%arg0: i32) -> (i32, i32) {
    %c0_i32 = arith.constant 0 : i32
    %c0_i32_0 = arith.constant 0 : i32
    %c0_i32_1 = arith.constant 0 : i32
    return %c0_i32, %c0_i32_0 : i32, i32
  }
  func.func @transform_4(%arg0: i32) -> (i32, i32) {
    %c0_i32 = arith.constant 0 : i32
    %c0_i32_0 = arith.constant 0 : i32
    return %arg0, %c0_i32 : i32, i32
  }
  func.func @transform_5(%arg0: i32) -> (i32, i32) {
    %c0_i32 = arith.constant 0 : i32
    %c0_i32_0 = arith.constant 0 : i32
    return %arg0, %c0_i32 : i32, i32
  }
}

module attributes {stable_mosaic.version = 14 : i64} {
  func.func @_tc2_body(%arg0: i32, %arg1: memref<1024x640xf32, #tpu.memory_space<vmem>>, %arg2: memref<1024x128xf32, #tpu.memory_space<vmem>>, %arg3: memref<1024x128xf32, #tpu.memory_space<vmem>>, %arg4: memref<4x1024x128xf32, #tpu.memory_space<vmem>>) attributes {dimension_semantics = [#tpu.dimension_semantics<arbitrary>], iteration_bounds = array<i64: 168>, scalar_prefetch = 0 : i64, scratch_operands = 0 : i64, tpu.core_type = #tpu.core_type<tc>, window_params = [{transform_indices = @transform_0, window_bounds = array<i64: 1024, 640>}, {transform_indices = @transform_1, window_bounds = array<i64: 1024, 128>}, {transform_indices = @transform_2, window_bounds = array<i64: 1024, 128>}, {transform_indices = @transform_3, window_bounds = array<i64: 4, 1024, 128>}]} {
    %get3A = arith.constant 0 : index
    %get3A_0 = arith.constant 0 : index
    %get3A_1 = vector.load %arg1[%get3A, %get3A_0] : memref<1024x640xf32, #tpu.memory_space<vmem>>, vector<1024x640xf32>
    %slice3A = vector.extract_strided_slice %get3A_1 {offsets = [0, 512], sizes = [1024, 4], strides = [1, 1]} : vector<1024x640xf32> to vector<1024x4xf32>
    %get3A_2 = arith.constant 0 : index
    %get3A_3 = arith.constant 0 : index
    %get3A_4 = vector.load %arg2[%get3A_2, %get3A_3] : memref<1024x128xf32, #tpu.memory_space<vmem>>, vector<1024x128xf32>
    %slice3A_5 = vector.extract_strided_slice %get3A_4 {offsets = [0, 0], sizes = [1024, 4], strides = [1, 1]} : vector<1024x128xf32> to vector<1024x4xf32>
    %add3A = arith.addf %slice3A, %slice3A_5 : vector<1024x4xf32>
    %ge3A = arith.constant 0.000000e+00 : f32
    %ge3A_6 = vector.broadcast %ge3A : f32 to vector<1024x4xf32>
    %ge3A_7 = arith.cmpf oge, %add3A, %ge3A_6 : vector<1024x4xf32>
    %mul3A = arith.constant 2.000000e-01 : f32
    %mul3A_8 = vector.broadcast %mul3A : f32 to vector<1024x4xf32>
    %mul3A_9 = arith.mulf %mul3A_8, %add3A : vector<1024x4xf32>
    %select_n3A = arith.select %ge3A_7, %add3A, %mul3A_9 : vector<1024x4xi1>, vector<1024x4xf32>
    %exp3A = math.exp %select_n3A : vector<1024x4xf32>
    %mul3A_10 = arith.constant 1024 : i32
    %mul3A_11 = arith.muli %arg0, %mul3A_10 : i32
    %iota3A = tpu.iota {dimensions = array<i32: 0>} : vector<1024x1xi32>
    %add3A_12 = vector.broadcast %mul3A_11 : i32 to vector<1024x1xi32>
    %add3A_13 = arith.addi %add3A_12, %iota3A : vector<1024x1xi32>
    %lt3A = arith.constant 170000 : i32
    %lt3A_14 = vector.broadcast %lt3A : i32 to vector<1024x1xi32>
    %lt3A_15 = arith.cmpi slt, %add3A_13, %lt3A_14 : vector<1024x1xi32>
    %jit3A = arith.constant 0.000000e+00 : f32
    %broadcast_in_dim3A = vector.shape_cast %lt3A_15 : vector<1024x1xi1> to vector<1024x1xi1>
    %broadcast_in_dim3A_16 = vector.broadcast %broadcast_in_dim3A : vector<1024x1xi1> to vector<1024x4xi1>
    %broadcast_in_dim3A_17 = vector.broadcast %jit3A : f32 to vector<1024x4xf32>
    %select_n3A_18 = arith.select %broadcast_in_dim3A_16, %exp3A, %broadcast_in_dim3A_17 : vector<1024x4xi1>, vector<1024x4xf32>
    %broadcast_in_dim3A_19 = arith.constant 0.000000e+00 : f32
    %broadcast_in_dim3A_20 = vector.broadcast %broadcast_in_dim3A_19 : f32 to vector<1024x124xf32>
    %concatenate3A = tpu.concatenate %select_n3A_18, %broadcast_in_dim3A_20 in 1 : vector<1024x4xf32>, vector<1024x124xf32> -> vector<1024x128xf32>
    %swap3A = arith.constant 0 : index
    %swap3A_21 = arith.constant 0 : index
    %swap3A_22 = vector.load %arg3[%swap3A, %swap3A_21] : memref<1024x128xf32, #tpu.memory_space<vmem>>, vector<1024x128xf32>
    tpu.vector_store %arg3[%swap3A, %swap3A_21], %concatenate3A {strides = array<i32>} : memref<1024x128xf32, #tpu.memory_space<vmem>>, vector<1024x128xf32>,
    %slice3A_23 = vector.extract_strided_slice %get3A_1 {offsets = [0, 0], sizes = [1024, 128], strides = [1, 1]} : vector<1024x640xf32> to vector<1024x128xf32>
    %slice3A_24 = vector.extract_strided_slice %select_n3A_18 {offsets = [0, 0], sizes = [1024, 1], strides = [1, 1]} : vector<1024x4xf32> to vector<1024x1xf32>
    %mul3A_25 = vector.broadcast %slice3A_24 : vector<1024x1xf32> to vector<1024x128xf32>
    %mul3A_26 = arith.mulf %slice3A_23, %mul3A_25 : vector<1024x128xf32>
    %swap3A_27 = arith.constant 0 : index
    %swap3A_28 = arith.constant 0 : index
    %swap3A_29 = arith.constant 0 : index
    %swap3A_30 = vector.load %arg4[%swap3A_27, %swap3A_28, %swap3A_29] : memref<4x1024x128xf32, #tpu.memory_space<vmem>>, vector<1x1024x128xf32>
    %swap3A_31 = vector.shape_cast %swap3A_30 : vector<1x1024x128xf32> to vector<1024x128xf32>
    %swap3A_32 = vector.shape_cast %mul3A_26 : vector<1024x128xf32> to vector<1x1024x128xf32>
    tpu.vector_store %arg4[%swap3A_27, %swap3A_28, %swap3A_29], %swap3A_32 {strides = array<i32>} : memref<4x1024x128xf32, #tpu.memory_space<vmem>>, vector<1x1024x128xf32>,
    %slice3A_33 = vector.extract_strided_slice %get3A_1 {offsets = [0, 128], sizes = [1024, 128], strides = [1, 1]} : vector<1024x640xf32> to vector<1024x128xf32>
    %slice3A_34 = vector.extract_strided_slice %select_n3A_18 {offsets = [0, 1], sizes = [1024, 1], strides = [1, 1]} : vector<1024x4xf32> to vector<1024x1xf32>
    %mul3A_35 = vector.broadcast %slice3A_34 : vector<1024x1xf32> to vector<1024x128xf32>
    %mul3A_36 = arith.mulf %slice3A_33, %mul3A_35 : vector<1024x128xf32>
    %swap3A_37 = arith.constant 1 : index
    %swap3A_38 = arith.constant 0 : index
    %swap3A_39 = arith.constant 0 : index
    %swap3A_40 = vector.load %arg4[%swap3A_37, %swap3A_38, %swap3A_39] : memref<4x1024x128xf32, #tpu.memory_space<vmem>>, vector<1x1024x128xf32>
    %swap3A_41 = vector.shape_cast %swap3A_40 : vector<1x1024x128xf32> to vector<1024x128xf32>
    %swap3A_42 = vector.shape_cast %mul3A_36 : vector<1024x128xf32> to vector<1x1024x128xf32>
    tpu.vector_store %arg4[%swap3A_37, %swap3A_38, %swap3A_39], %swap3A_42 {strides = array<i32>} : memref<4x1024x128xf32, #tpu.memory_space<vmem>>, vector<1x1024x128xf32>,
    %slice3A_43 = vector.extract_strided_slice %get3A_1 {offsets = [0, 256], sizes = [1024, 128], strides = [1, 1]} : vector<1024x640xf32> to vector<1024x128xf32>
    %slice3A_44 = vector.extract_strided_slice %select_n3A_18 {offsets = [0, 2], sizes = [1024, 1], strides = [1, 1]} : vector<1024x4xf32> to vector<1024x1xf32>
    %mul3A_45 = vector.broadcast %slice3A_44 : vector<1024x1xf32> to vector<1024x128xf32>
    %mul3A_46 = arith.mulf %slice3A_43, %mul3A_45 : vector<1024x128xf32>
    %swap3A_47 = arith.constant 2 : index
    %swap3A_48 = arith.constant 0 : index
    %swap3A_49 = arith.constant 0 : index
    %swap3A_50 = vector.load %arg4[%swap3A_47, %swap3A_48, %swap3A_49] : memref<4x1024x128xf32, #tpu.memory_space<vmem>>, vector<1x1024x128xf32>
    %swap3A_51 = vector.shape_cast %swap3A_50 : vector<1x1024x128xf32> to vector<1024x128xf32>
    %swap3A_52 = vector.shape_cast %mul3A_46 : vector<1024x128xf32> to vector<1x1024x128xf32>
    tpu.vector_store %arg4[%swap3A_47, %swap3A_48, %swap3A_49], %swap3A_52 {strides = array<i32>} : memref<4x1024x128xf32, #tpu.memory_space<vmem>>, vector<1x1024x128xf32>,
    %slice3A_53 = vector.extract_strided_slice %get3A_1 {offsets = [0, 384], sizes = [1024, 128], strides = [1, 1]} : vector<1024x640xf32> to vector<1024x128xf32>
    %slice3A_54 = vector.extract_strided_slice %select_n3A_18 {offsets = [0, 3], sizes = [1024, 1], strides = [1, 1]} : vector<1024x4xf32> to vector<1024x1xf32>
    %mul3A_55 = vector.broadcast %slice3A_54 : vector<1024x1xf32> to vector<1024x128xf32>
    %mul3A_56 = arith.mulf %slice3A_53, %mul3A_55 : vector<1024x128xf32>
    %swap3A_57 = arith.constant 3 : index
    %swap3A_58 = arith.constant 0 : index
    %swap3A_59 = arith.constant 0 : index
    %swap3A_60 = vector.load %arg4[%swap3A_57, %swap3A_58, %swap3A_59] : memref<4x1024x128xf32, #tpu.memory_space<vmem>>, vector<1x1024x128xf32>
    %swap3A_61 = vector.shape_cast %swap3A_60 : vector<1x1024x128xf32> to vector<1024x128xf32>
    %swap3A_62 = vector.shape_cast %mul3A_56 : vector<1024x128xf32> to vector<1x1024x128xf32>
    tpu.vector_store %arg4[%swap3A_57, %swap3A_58, %swap3A_59], %swap3A_62 {strides = array<i32>} : memref<4x1024x128xf32, #tpu.memory_space<vmem>>, vector<1x1024x128xf32>,
    return
  }
  func.func @transform_0(%arg0: i32) -> (i32, i32) {
    %c0_i32 = arith.constant 0 : i32
    %c0_i32_0 = arith.constant 0 : i32
    return %arg0, %c0_i32 : i32, i32
  }
  func.func @transform_1(%arg0: i32) -> (i32, i32) {
    %c0_i32 = arith.constant 0 : i32
    %c0_i32_0 = arith.constant 0 : i32
    return %arg0, %c0_i32 : i32, i32
  }
  func.func @transform_2(%arg0: i32) -> (i32, i32) {
    %c0_i32 = arith.constant 0 : i32
    %c0_i32_0 = arith.constant 0 : i32
    return %arg0, %c0_i32 : i32, i32
  }
  func.func @transform_3(%arg0: i32) -> (i32, i32, i32) {
    %c0_i32 = arith.constant 0 : i32
    %c0_i32_0 = arith.constant 0 : i32
    %c0_i32_1 = arith.constant 0 : i32
    return %c0_i32, %arg0, %c0_i32_0 : i32, i32, i32
  }
}

module attributes {stable_mosaic.version = 14 : i64} {
  func.func @_tc3_body(%arg0: i32, %arg1: memref<2x4x1000x128xf32, #tpu.memory_space<vmem>>, %arg2: memref<2x1000x128xf32, #tpu.memory_space<vmem>>, %arg3: memref<4x128xf32, #tpu.memory_space<vmem>>, %arg4: memref<4x1000x128xf32, #tpu.memory_space<vmem>>) attributes {dimension_semantics = [#tpu.dimension_semantics<arbitrary>], iteration_bounds = array<i64: 10>, scalar_prefetch = 0 : i64, scratch_operands = 0 : i64, tpu.core_type = #tpu.core_type<tc>, window_params = [{transform_indices = @transform_0, window_bounds = array<i64: 2, 4, 1000, 128>}, {transform_indices = @transform_1, window_bounds = array<i64: 2, 1000, 128>}, {pipeline_mode = #tpu.pipeline_mode<synchronous>, transform_indices = @transform_2, window_bounds = array<i64: 4, 128>}, {transform_indices = @transform_3, window_bounds = array<i64: 4, 1000, 128>}]} {
    %get3A = arith.constant 0 : index
    %get3A_0 = arith.constant 0 : index
    %get3A_1 = arith.constant 0 : index
    %get3A_2 = arith.constant 0 : index
    %get3A_3 = vector.load %arg1[%get3A, %get3A_0, %get3A_1, %get3A_2] : memref<2x4x1000x128xf32, #tpu.memory_space<vmem>>, vector<2x4x1000x128xf32>
    %get3A_4 = arith.constant 0 : index
    %get3A_5 = arith.constant 0 : index
    %get3A_6 = arith.constant 0 : index
    %get3A_7 = vector.load %arg2[%get3A_4, %get3A_5, %get3A_6] : memref<2x1000x128xf32, #tpu.memory_space<vmem>>, vector<2x1000x128xf32>
    %slice3A = vector.extract_strided_slice %get3A_3 {offsets = [0, 0, 0, 0], sizes = [1, 4, 1000, 128], strides = [1, 1, 1, 1]} : vector<2x4x1000x128xf32> to vector<1x4x1000x128xf32>
    %squeeze3A = vector.shape_cast %slice3A : vector<1x4x1000x128xf32> to vector<4x1000x128xf32>
    %slice3A_8 = vector.extract_strided_slice %get3A_3 {offsets = [1, 0, 0, 0], sizes = [1, 4, 1000, 128], strides = [1, 1, 1, 1]} : vector<2x4x1000x128xf32> to vector<1x4x1000x128xf32>
    %squeeze3A_9 = vector.shape_cast %slice3A_8 : vector<1x4x1000x128xf32> to vector<4x1000x128xf32>
    %add3A = arith.addf %squeeze3A, %squeeze3A_9 : vector<4x1000x128xf32>
    %slice3A_10 = vector.extract_strided_slice %get3A_7 {offsets = [0, 0, 0], sizes = [1, 1000, 128], strides = [1, 1, 1]} : vector<2x1000x128xf32> to vector<1x1000x128xf32>
    %squeeze3A_11 = vector.shape_cast %slice3A_10 : vector<1x1000x128xf32> to vector<1000x128xf32>
    %slice3A_12 = vector.extract_strided_slice %squeeze3A_11 {offsets = [0, 0], sizes = [1000, 4], strides = [1, 1]} : vector<1000x128xf32> to vector<1000x4xf32>
    %slice3A_13 = vector.extract_strided_slice %get3A_7 {offsets = [1, 0, 0], sizes = [1, 1000, 128], strides = [1, 1, 1]} : vector<2x1000x128xf32> to vector<1x1000x128xf32>
    %squeeze3A_14 = vector.shape_cast %slice3A_13 : vector<1x1000x128xf32> to vector<1000x128xf32>
    %slice3A_15 = vector.extract_strided_slice %squeeze3A_14 {offsets = [0, 0], sizes = [1000, 4], strides = [1, 1]} : vector<1000x128xf32> to vector<1000x4xf32>
    %add3A_16 = arith.addf %slice3A_12, %slice3A_15 : vector<1000x4xf32>
    %get3A_17 = arith.constant 0 : index
    %get3A_18 = arith.constant 0 : index
    %get3A_19 = vector.load %arg3[%get3A_17, %get3A_18] : memref<4x128xf32, #tpu.memory_space<vmem>>, vector<4x128xf32>
    %slice3A_20 = vector.extract_strided_slice %add3A {offsets = [0, 0, 0], sizes = [1, 1000, 128], strides = [1, 1, 1]} : vector<4x1000x128xf32> to vector<1x1000x128xf32>
    %squeeze3A_21 = vector.shape_cast %slice3A_20 : vector<1x1000x128xf32> to vector<1000x128xf32>
    %slice3A_22 = vector.extract_strided_slice %add3A_16 {offsets = [0, 0], sizes = [1000, 1], strides = [1, 1]} : vector<1000x4xf32> to vector<1000x1xf32>
    %div3A = vector.broadcast %slice3A_22 : vector<1000x1xf32> to vector<1000x128xf32>
    %div3A_23 = arith.divf %squeeze3A_21, %div3A : vector<1000x128xf32>
    %slice3A_24 = vector.extract_strided_slice %get3A_19 {offsets = [0, 0], sizes = [1, 128], strides = [1, 1]} : vector<4x128xf32> to vector<1x128xf32>
    %squeeze3A_25 = vector.shape_cast %slice3A_24 : vector<1x128xf32> to vector<128xf32>
    %broadcast_in_dim3A = vector.shape_cast %squeeze3A_25 : vector<128xf32> to vector<1x128xf32>
    %add3A_26 = vector.broadcast %broadcast_in_dim3A : vector<1x128xf32> to vector<1000x128xf32>
    %add3A_27 = arith.addf %div3A_23, %add3A_26 : vector<1000x128xf32>
    %max3A = arith.constant 0.000000e+00 : f32
    %max3A_28 = vector.broadcast %max3A : f32 to vector<1000x128xf32>
    %max3A_29 = arith.maximumf %add3A_27, %max3A_28 : vector<1000x128xf32>
    %swap3A = arith.constant 0 : index
    %swap3A_30 = arith.constant 0 : index
    %swap3A_31 = arith.constant 0 : index
    %swap3A_32 = vector.load %arg4[%swap3A, %swap3A_30, %swap3A_31] : memref<4x1000x128xf32, #tpu.memory_space<vmem>>, vector<1x1000x128xf32>
    %swap3A_33 = vector.shape_cast %swap3A_32 : vector<1x1000x128xf32> to vector<1000x128xf32>
    %swap3A_34 = vector.shape_cast %max3A_29 : vector<1000x128xf32> to vector<1x1000x128xf32>
    tpu.vector_store %arg4[%swap3A, %swap3A_30, %swap3A_31], %swap3A_34 {strides = array<i32>} : memref<4x1000x128xf32, #tpu.memory_space<vmem>>, vector<1x1000x128xf32>,
    %slice3A_35 = vector.extract_strided_slice %add3A {offsets = [1, 0, 0], sizes = [1, 1000, 128], strides = [1, 1, 1]} : vector<4x1000x128xf32> to vector<1x1000x128xf32>
    %squeeze3A_36 = vector.shape_cast %slice3A_35 : vector<1x1000x128xf32> to vector<1000x128xf32>
    %slice3A_37 = vector.extract_strided_slice %add3A_16 {offsets = [0, 1], sizes = [1000, 1], strides = [1, 1]} : vector<1000x4xf32> to vector<1000x1xf32>
    %div3A_38 = vector.broadcast %slice3A_37 : vector<1000x1xf32> to vector<1000x128xf32>
    %div3A_39 = arith.divf %squeeze3A_36, %div3A_38 : vector<1000x128xf32>
    %slice3A_40 = vector.extract_strided_slice %get3A_19 {offsets = [1, 0], sizes = [1, 128], strides = [1, 1]} : vector<4x128xf32> to vector<1x128xf32>
    %squeeze3A_41 = vector.shape_cast %slice3A_40 : vector<1x128xf32> to vector<128xf32>
    %broadcast_in_dim3A_42 = vector.shape_cast %squeeze3A_41 : vector<128xf32> to vector<1x128xf32>
    %add3A_43 = vector.broadcast %broadcast_in_dim3A_42 : vector<1x128xf32> to vector<1000x128xf32>
    %add3A_44 = arith.addf %div3A_39, %add3A_43 : vector<1000x128xf32>
    %max3A_45 = arith.constant 0.000000e+00 : f32
    %max3A_46 = vector.broadcast %max3A_45 : f32 to vector<1000x128xf32>
    %max3A_47 = arith.maximumf %add3A_44, %max3A_46 : vector<1000x128xf32>
    %swap3A_48 = arith.constant 1 : index
    %swap3A_49 = arith.constant 0 : index
    %swap3A_50 = arith.constant 0 : index
    %swap3A_51 = vector.load %arg4[%swap3A_48, %swap3A_49, %swap3A_50] : memref<4x1000x128xf32, #tpu.memory_space<vmem>>, vector<1x1000x128xf32>
    %swap3A_52 = vector.shape_cast %swap3A_51 : vector<1x1000x128xf32> to vector<1000x128xf32>
    %swap3A_53 = vector.shape_cast %max3A_47 : vector<1000x128xf32> to vector<1x1000x128xf32>
    tpu.vector_store %arg4[%swap3A_48, %swap3A_49, %swap3A_50], %swap3A_53 {strides = array<i32>} : memref<4x1000x128xf32, #tpu.memory_space<vmem>>, vector<1x1000x128xf32>,
    %slice3A_54 = vector.extract_strided_slice %add3A {offsets = [2, 0, 0], sizes = [1, 1000, 128], strides = [1, 1, 1]} : vector<4x1000x128xf32> to vector<1x1000x128xf32>
    %squeeze3A_55 = vector.shape_cast %slice3A_54 : vector<1x1000x128xf32> to vector<1000x128xf32>
    %slice3A_56 = vector.extract_strided_slice %add3A_16 {offsets = [0, 2], sizes = [1000, 1], strides = [1, 1]} : vector<1000x4xf32> to vector<1000x1xf32>
    %div3A_57 = vector.broadcast %slice3A_56 : vector<1000x1xf32> to vector<1000x128xf32>
    %div3A_58 = arith.divf %squeeze3A_55, %div3A_57 : vector<1000x128xf32>
    %slice3A_59 = vector.extract_strided_slice %get3A_19 {offsets = [2, 0], sizes = [1, 128], strides = [1, 1]} : vector<4x128xf32> to vector<1x128xf32>
    %squeeze3A_60 = vector.shape_cast %slice3A_59 : vector<1x128xf32> to vector<128xf32>
    %broadcast_in_dim3A_61 = vector.shape_cast %squeeze3A_60 : vector<128xf32> to vector<1x128xf32>
    %add3A_62 = vector.broadcast %broadcast_in_dim3A_61 : vector<1x128xf32> to vector<1000x128xf32>
    %add3A_63 = arith.addf %div3A_58, %add3A_62 : vector<1000x128xf32>
    %max3A_64 = arith.constant 0.000000e+00 : f32
    %max3A_65 = vector.broadcast %max3A_64 : f32 to vector<1000x128xf32>
    %max3A_66 = arith.maximumf %add3A_63, %max3A_65 : vector<1000x128xf32>
    %swap3A_67 = arith.constant 2 : index
    %swap3A_68 = arith.constant 0 : index
    %swap3A_69 = arith.constant 0 : index
    %swap3A_70 = vector.load %arg4[%swap3A_67, %swap3A_68, %swap3A_69] : memref<4x1000x128xf32, #tpu.memory_space<vmem>>, vector<1x1000x128xf32>
    %swap3A_71 = vector.shape_cast %swap3A_70 : vector<1x1000x128xf32> to vector<1000x128xf32>
    %swap3A_72 = vector.shape_cast %max3A_66 : vector<1000x128xf32> to vector<1x1000x128xf32>
    tpu.vector_store %arg4[%swap3A_67, %swap3A_68, %swap3A_69], %swap3A_72 {strides = array<i32>} : memref<4x1000x128xf32, #tpu.memory_space<vmem>>, vector<1x1000x128xf32>,
    %slice3A_73 = vector.extract_strided_slice %add3A {offsets = [3, 0, 0], sizes = [1, 1000, 128], strides = [1, 1, 1]} : vector<4x1000x128xf32> to vector<1x1000x128xf32>
    %squeeze3A_74 = vector.shape_cast %slice3A_73 : vector<1x1000x128xf32> to vector<1000x128xf32>
    %slice3A_75 = vector.extract_strided_slice %add3A_16 {offsets = [0, 3], sizes = [1000, 1], strides = [1, 1]} : vector<1000x4xf32> to vector<1000x1xf32>
    %div3A_76 = vector.broadcast %slice3A_75 : vector<1000x1xf32> to vector<1000x128xf32>
    %div3A_77 = arith.divf %squeeze3A_74, %div3A_76 : vector<1000x128xf32>
    %slice3A_78 = vector.extract_strided_slice %get3A_19 {offsets = [3, 0], sizes = [1, 128], strides = [1, 1]} : vector<4x128xf32> to vector<1x128xf32>
    %squeeze3A_79 = vector.shape_cast %slice3A_78 : vector<1x128xf32> to vector<128xf32>
    %broadcast_in_dim3A_80 = vector.shape_cast %squeeze3A_79 : vector<128xf32> to vector<1x128xf32>
    %add3A_81 = vector.broadcast %broadcast_in_dim3A_80 : vector<1x128xf32> to vector<1000x128xf32>
    %add3A_82 = arith.addf %div3A_77, %add3A_81 : vector<1000x128xf32>
    %max3A_83 = arith.constant 0.000000e+00 : f32
    %max3A_84 = vector.broadcast %max3A_83 : f32 to vector<1000x128xf32>
    %max3A_85 = arith.maximumf %add3A_82, %max3A_84 : vector<1000x128xf32>
    %swap3A_86 = arith.constant 3 : index
    %swap3A_87 = arith.constant 0 : index
    %swap3A_88 = arith.constant 0 : index
    %swap3A_89 = vector.load %arg4[%swap3A_86, %swap3A_87, %swap3A_88] : memref<4x1000x128xf32, #tpu.memory_space<vmem>>, vector<1x1000x128xf32>
    %swap3A_90 = vector.shape_cast %swap3A_89 : vector<1x1000x128xf32> to vector<1000x128xf32>
    %swap3A_91 = vector.shape_cast %max3A_85 : vector<1000x128xf32> to vector<1x1000x128xf32>
    tpu.vector_store %arg4[%swap3A_86, %swap3A_87, %swap3A_88], %swap3A_91 {strides = array<i32>} : memref<4x1000x128xf32, #tpu.memory_space<vmem>>, vector<1x1000x128xf32>,
    return
  }
  func.func @transform_0(%arg0: i32) -> (i32, i32, i32, i32) {
    %c0_i32 = arith.constant 0 : i32
    %c0_i32_0 = arith.constant 0 : i32
    %c0_i32_1 = arith.constant 0 : i32
    %c0_i32_2 = arith.constant 0 : i32
    return %c0_i32, %c0_i32_0, %arg0, %c0_i32_1 : i32, i32, i32, i32
  }
  func.func @transform_1(%arg0: i32) -> (i32, i32, i32) {
    %c0_i32 = arith.constant 0 : i32
    %c0_i32_0 = arith.constant 0 : i32
    %c0_i32_1 = arith.constant 0 : i32
    return %c0_i32, %arg0, %c0_i32_0 : i32, i32, i32
  }
  func.func @transform_2(%arg0: i32) -> (i32, i32) {
    %c0_i32 = arith.constant 0 : i32
    %c0_i32_0 = arith.constant 0 : i32
    %c0_i32_1 = arith.constant 0 : i32
    return %c0_i32, %c0_i32_0 : i32, i32
  }
  func.func @transform_3(%arg0: i32) -> (i32, i32, i32) {
    %c0_i32 = arith.constant 0 : i32
    %c0_i32_0 = arith.constant 0 : i32
    %c0_i32_1 = arith.constant 0 : i32
    return %c0_i32, %arg0, %c0_i32_0 : i32, i32, i32
  }
}

module attributes {stable_mosaic.version = 14 : i64} {
  func.func @_tc4_body(%arg0: i32, %arg1: memref<4x1000x128xf32, #tpu.memory_space<vmem>>, %arg2: memref<2x4x1000x128xf32, #tpu.memory_space<vmem>>, %arg3: memref<4x128x128xf32, #tpu.memory_space<vmem>>, %arg4: memref<1x128xf32, #tpu.memory_space<vmem>>, %arg5: memref<128x64xf32, #tpu.memory_space<vmem>>, %arg6: memref<1x64xf32, #tpu.memory_space<vmem>>, %arg7: memref<1x1x1000xi32, #tpu.memory_space<vmem>>, %arg8: memref<64x1xf32, #tpu.memory_space<vmem>>, %arg9: memref<1x1xf32, #tpu.memory_space<vmem>>, %arg10: memref<64x1xf32, #tpu.memory_space<vmem>>, %arg11: memref<64x128xf32, #tpu.memory_space<vmem>>) attributes {dimension_semantics = [#tpu.dimension_semantics<arbitrary>], iteration_bounds = array<i64: 10>, scalar_prefetch = 0 : i64, scratch_operands = 1 : i64, tpu.core_type = #tpu.core_type<tc>, window_params = [{transform_indices = @transform_0, window_bounds = array<i64: 4, 1000, 128>}, {transform_indices = @transform_1, window_bounds = array<i64: 2, 4, 1000, 128>}, {pipeline_mode = #tpu.pipeline_mode<synchronous>, transform_indices = @transform_2, window_bounds = array<i64: 4, 128, 128>}, {pipeline_mode = #tpu.pipeline_mode<synchronous>, transform_indices = @transform_3, window_bounds = array<i64: 1, 128>}, {pipeline_mode = #tpu.pipeline_mode<synchronous>, transform_indices = @transform_4, window_bounds = array<i64: 128, 64>}, {pipeline_mode = #tpu.pipeline_mode<synchronous>, transform_indices = @transform_5, window_bounds = array<i64: 1, 64>}, {transform_indices = @transform_6, window_bounds = array<i64: 1, 1, 1000>}, {pipeline_mode = #tpu.pipeline_mode<synchronous>, transform_indices = @transform_7, window_bounds = array<i64: 64, 1>}, {pipeline_mode = #tpu.pipeline_mode<synchronous>, transform_indices = @transform_8, window_bounds = array<i64: 1, 1>}, {pipeline_mode = #tpu.pipeline_mode<synchronous>, transform_indices = @transform_9, window_bounds = array<i64: 64, 1>}]} {
    %eq3A = arith.constant 0 : i32
    %eq3A_0 = arith.cmpi eq, %arg0, %eq3A : i32
    %convert_element_type3A = arith.extui %eq3A_0 : i1 to i32
    %cond3A = arith.constant 0 : i32
    %cond3A_1 = arith.cmpi ne, %convert_element_type3A, %cond3A : i32
    scf.if %cond3A_1 {
      %broadcast_in_dim3A_89 = arith.constant 0.000000e+00 : f32
      %broadcast_in_dim3A_90 = vector.broadcast %broadcast_in_dim3A_89 : f32 to vector<64x128xf32>
      %swap3A_91 = arith.constant 0 : index
      %swap3A_92 = arith.constant 0 : index
      %swap3A_93 = vector.load %arg11[%swap3A_91, %swap3A_92] : memref<64x128xf32, #tpu.memory_space<vmem>>, vector<64x128xf32>
      tpu.vector_store %arg11[%swap3A_91, %swap3A_92], %broadcast_in_dim3A_90 {strides = array<i32>} : memref<64x128xf32, #tpu.memory_space<vmem>>, vector<64x128xf32>,
    } else {
    }
    %get3A = arith.constant 0 : index
    %get3A_2 = arith.constant 0 : index
    %get3A_3 = arith.constant 0 : index
    %get3A_4 = arith.constant 0 : index
    %get3A_5 = vector.load %arg2[%get3A, %get3A_2, %get3A_3, %get3A_4] : memref<2x4x1000x128xf32, #tpu.memory_space<vmem>>, vector<2x4x1000x128xf32>
    %get3A_6 = arith.constant 0 : index
    %get3A_7 = arith.constant 0 : index
    %get3A_8 = arith.constant 0 : index
    %get3A_9 = vector.load %arg1[%get3A_6, %get3A_7, %get3A_8] : memref<4x1000x128xf32, #tpu.memory_space<vmem>>, vector<4x1000x128xf32>
    %slice3A = vector.extract_strided_slice %get3A_5 {offsets = [0, 0, 0, 0], sizes = [1, 4, 1000, 128], strides = [1, 1, 1, 1]} : vector<2x4x1000x128xf32> to vector<1x4x1000x128xf32>
    %squeeze3A = vector.shape_cast %slice3A : vector<1x4x1000x128xf32> to vector<4x1000x128xf32>
    %add3A = arith.addf %get3A_9, %squeeze3A : vector<4x1000x128xf32>
    %slice3A_10 = vector.extract_strided_slice %get3A_5 {offsets = [1, 0, 0, 0], sizes = [1, 4, 1000, 128], strides = [1, 1, 1, 1]} : vector<2x4x1000x128xf32> to vector<1x4x1000x128xf32>
    %squeeze3A_11 = vector.shape_cast %slice3A_10 : vector<1x4x1000x128xf32> to vector<4x1000x128xf32>
    %add3A_12 = arith.addf %add3A, %squeeze3A_11 : vector<4x1000x128xf32>
    %broadcast_in_dim3A = arith.constant 0.000000e+00 : f32
    %broadcast_in_dim3A_13 = vector.broadcast %broadcast_in_dim3A : f32 to vector<1000x128xf32>
    %get3A_14 = arith.constant 0 : index
    %get3A_15 = arith.constant 0 : index
    %get3A_16 = arith.constant 0 : index
    %get3A_17 = vector.load %arg3[%get3A_14, %get3A_15, %get3A_16] : memref<4x128x128xf32, #tpu.memory_space<vmem>>, vector<4x128x128xf32>
    %slice3A_18 = vector.extract_strided_slice %add3A_12 {offsets = [0, 0, 0], sizes = [1, 1000, 128], strides = [1, 1, 1]} : vector<4x1000x128xf32> to vector<1x1000x128xf32>
    %squeeze3A_19 = vector.shape_cast %slice3A_18 : vector<1x1000x128xf32> to vector<1000x128xf32>
    %slice3A_20 = vector.extract_strided_slice %get3A_17 {offsets = [0, 0, 0], sizes = [1, 128, 128], strides = [1, 1, 1]} : vector<4x128x128xf32> to vector<1x128x128xf32>
    %squeeze3A_21 = vector.shape_cast %slice3A_20 : vector<1x128x128xf32> to vector<128x128xf32>
    %dot_general3A = arith.constant dense<0.000000e+00> : vector<1000x128xf32>
    %dot_general3A_22 = tpu.matmul %squeeze3A_19, %squeeze3A_21, %dot_general3A {dimension_numbers = #tpu.dot_dimension_numbers<[1], [0], [0], [1], [0, 0, 1, 1], [], []>, transpose_lhs_hint = false} : vector<1000x128xf32>, vector<128x128xf32>, vector<1000x128xf32> -> vector<1000x128xf32>
    %add3A_23 = arith.addf %broadcast_in_dim3A_13, %dot_general3A_22 : vector<1000x128xf32>
    %slice3A_24 = vector.extract_strided_slice %add3A_12 {offsets = [1, 0, 0], sizes = [1, 1000, 128], strides = [1, 1, 1]} : vector<4x1000x128xf32> to vector<1x1000x128xf32>
    %squeeze3A_25 = vector.shape_cast %slice3A_24 : vector<1x1000x128xf32> to vector<1000x128xf32>
    %slice3A_26 = vector.extract_strided_slice %get3A_17 {offsets = [1, 0, 0], sizes = [1, 128, 128], strides = [1, 1, 1]} : vector<4x128x128xf32> to vector<1x128x128xf32>
    %squeeze3A_27 = vector.shape_cast %slice3A_26 : vector<1x128x128xf32> to vector<128x128xf32>
    %dot_general3A_28 = arith.constant dense<0.000000e+00> : vector<1000x128xf32>
    %dot_general3A_29 = tpu.matmul %squeeze3A_25, %squeeze3A_27, %dot_general3A_28 {dimension_numbers = #tpu.dot_dimension_numbers<[1], [0], [0], [1], [0, 0, 1, 1], [], []>, transpose_lhs_hint = false} : vector<1000x128xf32>, vector<128x128xf32>, vector<1000x128xf32> -> vector<1000x128xf32>
    %add3A_30 = arith.addf %add3A_23, %dot_general3A_29 : vector<1000x128xf32>
    %slice3A_31 = vector.extract_strided_slice %add3A_12 {offsets = [2, 0, 0], sizes = [1, 1000, 128], strides = [1, 1, 1]} : vector<4x1000x128xf32> to vector<1x1000x128xf32>
    %squeeze3A_32 = vector.shape_cast %slice3A_31 : vector<1x1000x128xf32> to vector<1000x128xf32>
    %slice3A_33 = vector.extract_strided_slice %get3A_17 {offsets = [2, 0, 0], sizes = [1, 128, 128], strides = [1, 1, 1]} : vector<4x128x128xf32> to vector<1x128x128xf32>
    %squeeze3A_34 = vector.shape_cast %slice3A_33 : vector<1x128x128xf32> to vector<128x128xf32>
    %dot_general3A_35 = arith.constant dense<0.000000e+00> : vector<1000x128xf32>
    %dot_general3A_36 = tpu.matmul %squeeze3A_32, %squeeze3A_34, %dot_general3A_35 {dimension_numbers = #tpu.dot_dimension_numbers<[1], [0], [0], [1], [0, 0, 1, 1], [], []>, transpose_lhs_hint = false} : vector<1000x128xf32>, vector<128x128xf32>, vector<1000x128xf32> -> vector<1000x128xf32>
    %add3A_37 = arith.addf %add3A_30, %dot_general3A_36 : vector<1000x128xf32>
    %slice3A_38 = vector.extract_strided_slice %add3A_12 {offsets = [3, 0, 0], sizes = [1, 1000, 128], strides = [1, 1, 1]} : vector<4x1000x128xf32> to vector<1x1000x128xf32>
    %squeeze3A_39 = vector.shape_cast %slice3A_38 : vector<1x1000x128xf32> to vector<1000x128xf32>
    %slice3A_40 = vector.extract_strided_slice %get3A_17 {offsets = [3, 0, 0], sizes = [1, 128, 128], strides = [1, 1, 1]} : vector<4x128x128xf32> to vector<1x128x128xf32>
    %squeeze3A_41 = vector.shape_cast %slice3A_40 : vector<1x128x128xf32> to vector<128x128xf32>
    %dot_general3A_42 = arith.constant dense<0.000000e+00> : vector<1000x128xf32>
    %dot_general3A_43 = tpu.matmul %squeeze3A_39, %squeeze3A_41, %dot_general3A_42 {dimension_numbers = #tpu.dot_dimension_numbers<[1], [0], [0], [1], [0, 0, 1, 1], [], []>, transpose_lhs_hint = false} : vector<1000x128xf32>, vector<128x128xf32>, vector<1000x128xf32> -> vector<1000x128xf32>
    %add3A_44 = arith.addf %add3A_37, %dot_general3A_43 : vector<1000x128xf32>
    %get3A_45 = arith.constant 0 : index
    %get3A_46 = arith.constant 0 : index
    %get3A_47 = vector.load %arg4[%get3A_45, %get3A_46] : memref<1x128xf32, #tpu.memory_space<vmem>>, vector<1x128xf32>
    %add3A_48 = vector.broadcast %get3A_47 : vector<1x128xf32> to vector<1000x128xf32>
    %add3A_49 = arith.addf %add3A_44, %add3A_48 : vector<1000x128xf32>
    %max3A = arith.constant 0.000000e+00 : f32
    %max3A_50 = vector.broadcast %max3A : f32 to vector<1000x128xf32>
    %max3A_51 = arith.maximumf %add3A_49, %max3A_50 : vector<1000x128xf32>
    %get3A_52 = arith.constant 0 : index
    %get3A_53 = arith.constant 0 : index
    %get3A_54 = vector.load %arg5[%get3A_52, %get3A_53] : memref<128x64xf32, #tpu.memory_space<vmem>>, vector<128x64xf32>
    %dot_general3A_55 = arith.constant dense<0.000000e+00> : vector<1000x64xf32>
    %dot_general3A_56 = tpu.matmul %max3A_51, %get3A_54, %dot_general3A_55 {dimension_numbers = #tpu.dot_dimension_numbers<[1], [0], [0], [1], [0, 0, 1, 1], [], []>, transpose_lhs_hint = false} : vector<1000x128xf32>, vector<128x64xf32>, vector<1000x64xf32> -> vector<1000x64xf32>
    %get3A_57 = arith.constant 0 : index
    %get3A_58 = arith.constant 0 : index
    %get3A_59 = vector.load %arg6[%get3A_57, %get3A_58] : memref<1x64xf32, #tpu.memory_space<vmem>>, vector<1x64xf32>
    %add3A_60 = vector.broadcast %get3A_59 : vector<1x64xf32> to vector<1000x64xf32>
    %add3A_61 = arith.addf %dot_general3A_56, %add3A_60 : vector<1000x64xf32>
    %broadcast_in_dim3A_62 = arith.constant 1.000000e+00 : f32
    %broadcast_in_dim3A_63 = vector.broadcast %broadcast_in_dim3A_62 : f32 to vector<1000x1xf32>
    %broadcast_in_dim3A_64 = arith.constant 0.000000e+00 : f32
    %broadcast_in_dim3A_65 = vector.broadcast %broadcast_in_dim3A_64 : f32 to vector<1000x63xf32>
    %concatenate3A = tpu.concatenate %add3A_61, %broadcast_in_dim3A_63, %broadcast_in_dim3A_65 in 1 : vector<1000x64xf32>, vector<1000x1xf32>, vector<1000x63xf32> -> vector<1000x128xf32>
    %get3A_66 = arith.constant 0 : index
    %get3A_67 = arith.constant 0 : index
    %get3A_68 = arith.constant 0 : index
    %get3A_69 = vector.load %arg7[%get3A_66, %get3A_67, %get3A_68] : memref<1x1x1000xi32, #tpu.memory_space<vmem>>, vector<1x1x1000xi32>
    %squeeze3A_70 = vector.shape_cast %get3A_69 : vector<1x1x1000xi32> to vector<1000xi32>
    %iota3A = tpu.iota {dimensions = array<i32: 0>} : vector<64x1000xi32>
    %broadcast_in_dim3A_71 = vector.shape_cast %squeeze3A_70 : vector<1000xi32> to vector<1x1000xi32>
    %eq3A_72 = vector.broadcast %broadcast_in_dim3A_71 : vector<1x1000xi32> to vector<64x1000xi32>
    %eq3A_73 = arith.cmpi eq, %iota3A, %eq3A_72 : vector<64x1000xi32>
    %convert_element_type3A_74 = arith.extui %eq3A_73 : vector<64x1000xi1> to vector<64x1000xi32>
    %convert_element_type3A_75 = arith.sitofp %convert_element_type3A_74 : vector<64x1000xi32> to vector<64x1000xf32>
    %get3A_76 = arith.constant 0 : index
    %get3A_77 = arith.constant 0 : index
    %get3A_78 = vector.load %arg11[%get3A_76, %get3A_77] : memref<64x128xf32, #tpu.memory_space<vmem>>, vector<64x128xf32>
    %dot_general3A_79 = arith.constant dense<0.000000e+00> : vector<64x128xf32>
    %dot_general3A_80 = tpu.matmul %convert_element_type3A_75, %concatenate3A, %dot_general3A_79 {dimension_numbers = #tpu.dot_dimension_numbers<[1], [0], [0], [1], [0, 0, 1, 1], [], []>, transpose_lhs_hint = false} : vector<64x1000xf32>, vector<1000x128xf32>, vector<64x128xf32> -> vector<64x128xf32>
    %add3A_81 = arith.addf %get3A_78, %dot_general3A_80 : vector<64x128xf32>
    %swap3A = arith.constant 0 : index
    %swap3A_82 = arith.constant 0 : index
    %swap3A_83 = vector.load %arg11[%swap3A, %swap3A_82] : memref<64x128xf32, #tpu.memory_space<vmem>>, vector<64x128xf32>
    tpu.vector_store %arg11[%swap3A, %swap3A_82], %add3A_81 {strides = array<i32>} : memref<64x128xf32, #tpu.memory_space<vmem>>, vector<64x128xf32>,
    %eq3A_84 = arith.constant 9 : i32
    %eq3A_85 = arith.cmpi eq, %arg0, %eq3A_84 : i32
    %convert_element_type3A_86 = arith.extui %eq3A_85 : i1 to i32
    %cond3A_87 = arith.constant 0 : i32
    %cond3A_88 = arith.cmpi ne, %convert_element_type3A_86, %cond3A_87 : i32
    scf.if %cond3A_88 {
      %get3A_89 = arith.constant 0 : index
      %get3A_90 = arith.constant 0 : index
      %get3A_91 = vector.load %arg11[%get3A_89, %get3A_90] : memref<64x128xf32, #tpu.memory_space<vmem>>, vector<64x128xf32>
      %slice3A_92 = vector.extract_strided_slice %get3A_91 {offsets = [0, 0], sizes = [64, 64], strides = [1, 1]} : vector<64x128xf32> to vector<64x64xf32>
      %slice3A_93 = vector.extract_strided_slice %get3A_91 {offsets = [0, 64], sizes = [64, 1], strides = [1, 1]} : vector<64x128xf32> to vector<64x1xf32>
      %max3A_94 = arith.constant 1.000000e+00 : f32
      %max3A_95 = vector.broadcast %max3A_94 : f32 to vector<64x1xf32>
      %max3A_96 = arith.maximumf %slice3A_93, %max3A_95 : vector<64x1xf32>
      %div3A = vector.broadcast %max3A_96 : vector<64x1xf32> to vector<64x64xf32>
      %div3A_97 = arith.divf %slice3A_92, %div3A : vector<64x64xf32>
      %get3A_98 = arith.constant 0 : index
      %get3A_99 = arith.constant 0 : index
      %get3A_100 = vector.load %arg8[%get3A_98, %get3A_99] : memref<64x1xf32, #tpu.memory_space<vmem>>, vector<64x1xf32>
      %dot_general3A_101 = arith.constant dense<0.000000e+00> : vector<64x1xf32>
      %dot_general3A_102 = tpu.matmul %div3A_97, %get3A_100, %dot_general3A_101 {dimension_numbers = #tpu.dot_dimension_numbers<[1], [0], [0], [1], [0, 0, 1, 1], [], []>, transpose_lhs_hint = false} : vector<64x64xf32>, vector<64x1xf32>, vector<64x1xf32> -> vector<64x1xf32>
      %get3A_103 = arith.constant 0 : index
      %get3A_104 = arith.constant 0 : index
      %get3A_105 = vector.load %arg9[%get3A_103, %get3A_104] : memref<1x1xf32, #tpu.memory_space<vmem>>, vector<1x1xf32>
      %add3A_106 = vector.broadcast %get3A_105 : vector<1x1xf32> to vector<64x1xf32>
      %add3A_107 = arith.addf %dot_general3A_102, %add3A_106 : vector<64x1xf32>
      %swap3A_108 = arith.constant 0 : index
      %swap3A_109 = arith.constant 0 : index
      %swap3A_110 = vector.load %arg10[%swap3A_108, %swap3A_109] : memref<64x1xf32, #tpu.memory_space<vmem>>, vector<64x1xf32>
      tpu.vector_store %arg10[%swap3A_108, %swap3A_109], %add3A_107 {strides = array<i32>} : memref<64x1xf32, #tpu.memory_space<vmem>>, vector<64x1xf32>,
    } else {
    }
    return
  }
  func.func @transform_0(%arg0: i32) -> (i32, i32, i32) {
    %c0_i32 = arith.constant 0 : i32
    %c0_i32_0 = arith.constant 0 : i32
    %c0_i32_1 = arith.constant 0 : i32
    return %c0_i32, %arg0, %c0_i32_0 : i32, i32, i32
  }
  func.func @transform_1(%arg0: i32) -> (i32, i32, i32, i32) {
    %c0_i32 = arith.constant 0 : i32
    %c0_i32_0 = arith.constant 0 : i32
    %c0_i32_1 = arith.constant 0 : i32
    %c0_i32_2 = arith.constant 0 : i32
    return %c0_i32, %c0_i32_0, %arg0, %c0_i32_1 : i32, i32, i32, i32
  }
  func.func @transform_2(%arg0: i32) -> (i32, i32, i32) {
    %c0_i32 = arith.constant 0 : i32
    %c0_i32_0 = arith.constant 0 : i32
    %c0_i32_1 = arith.constant 0 : i32
    %c0_i32_2 = arith.constant 0 : i32
    return %c0_i32, %c0_i32_0, %c0_i32_1 : i32, i32, i32
  }
  func.func @transform_3(%arg0: i32) -> (i32, i32) {
    %c0_i32 = arith.constant 0 : i32
    %c0_i32_0 = arith.constant 0 : i32
    %c0_i32_1 = arith.constant 0 : i32
    return %c0_i32, %c0_i32_0 : i32, i32
  }
  func.func @transform_4(%arg0: i32) -> (i32, i32) {
    %c0_i32 = arith.constant 0 : i32
    %c0_i32_0 = arith.constant 0 : i32
    %c0_i32_1 = arith.constant 0 : i32
    return %c0_i32, %c0_i32_0 : i32, i32
  }
  func.func @transform_5(%arg0: i32) -> (i32, i32) {
    %c0_i32 = arith.constant 0 : i32
    %c0_i32_0 = arith.constant 0 : i32
    %c0_i32_1 = arith.constant 0 : i32
    return %c0_i32, %c0_i32_0 : i32, i32
  }
  func.func @transform_6(%arg0: i32) -> (i32, i32, i32) {
    %c0_i32 = arith.constant 0 : i32
    %c0_i32_0 = arith.constant 0 : i32
    %c0_i32_1 = arith.constant 0 : i32
    return %arg0, %c0_i32, %c0_i32_0 : i32, i32, i32
  }
  func.func @transform_7(%arg0: i32) -> (i32, i32) {
    %c0_i32 = arith.constant 0 : i32
    %c0_i32_0 = arith.constant 0 : i32
    %c0_i32_1 = arith.constant 0 : i32
    return %c0_i32, %c0_i32_0 : i32, i32
  }
  func.func @transform_8(%arg0: i32) -> (i32, i32) {
    %c0_i32 = arith.constant 0 : i32
    %c0_i32_0 = arith.constant 0 : i32
    %c0_i32_1 = arith.constant 0 : i32
    return %c0_i32, %c0_i32_0 : i32, i32
  }
  func.func @transform_9(%arg0: i32) -> (i32, i32) {
    %c0_i32 = arith.constant 0 : i32
    %c0_i32_0 = arith.constant 0 : i32
    %c0_i32_1 = arith.constant 0 : i32
    return %c0_i32, %c0_i32_0 : i32, i32
  }
}

</mosaic_0001>

<sc_bundles>
// kernel: kernel.12.cloned.1.call-start
scs
__scs_entry_jumppad:
0x0: {  	(pc) =	sbr.rel $0x88, $3  }
0x1: {  	(tag) =	ssettag $0x0;
	lr =	simm.s32 $0x1  }
0x2: {  	[smem:$0x3F94] =	sst lr;
	_ =	strace $0xD0000000  }
0x3: {  	_ = 	snop  }
0x4: {  	_ = 	snop  }
0x5: {  	_ = 	snop  }
0x6: {  	_ = 	snop  }
0x7: {  	_ = 	snop  }
__scs_overlays_trampoline_lowered:
0x8: {  	[smem:$0x3FA3] =	sst s0  }
0x9: {  	[smem:$0x3FA4] =	sst s1  }
0xa: {  	[smem:$0x3FA5] =	sst s2  }
0xb: {  	[smem:$0x3FA6] =	sst s3  }
0xc: {  	[smem:$0x3FA7] =	sst s4  }
0xd: {  	[smem:$0x3FA8] =	sst s5  }
0xe: {  	[smem:$0x3FA9] =	sst s6  }
0xf: {  	[smem:$0x3FAA] =	sst s7  }
0x10: {  	[smem:$0x3FAB] =	sst s8  }
0x11: {  	[smem:$0x3FAC] =	sst s9;
	s0 =	simm.s32 @!p0 $0x0  }
0x12: {  	s1 =	sld [smem:$0x3F92];
	s0 =	simm.s32 @p0 $0x1  }
0x13: {  	[smem:$0x3FAD] =	sst s0;
	s0 =	simm.s32 @!p1 $0x0  }
0x14: {  	s2 =	sld [smem:$0x3F91];
	s0 =	simm.s32 @p1 $0x1  }
0x15: {  	[smem:$0x3FAE] =	sst s0;
	s0 =	simm.s32 @!p2 $0x0  }
0x16: {  	s3 =	sld [smem:$0x3FDB];
	s0 =	simm.s32 @p2 $0x1  }
0x17: {  	s4 =	simm.s32 $0x1BF5;
	[smem:$0x3FB0] =	sst s0  }
0x18: {  	s0 =	sld [smem:$0x3F93];
	_ =	swait.ge [sflag:s4], $0x0  }
0x19: {  	s7 =	sld [smem:$0x3F94]  }
0x1a: {  	s8 =	sadd.s32 $0xFFFFE003, lr  }
0x1b: {  	s9 =	sadd.s32 $0xFFFFFEF7, lr;
	s5 =	simm.s32 $0xFFFFFFFF;
	p2 =	slt.u32 s8, $0xFFFFF086  }
0x1c: {  	p1 =	slt.u32 s9, $0xF7A;
	s5 =	simm.s32 @!p2 $0x0  }
0x1d: {  	s5 =	simm.s32 @p1 $0x1;
	p0 =	seq.s32 s7, s2  }
0x1e: {  	s7 =	smul.u32 @!p0 $0xF7A, s2;
	p2 =	seq.s32 @!p0 s5, $0x0  }
0x1f: {  	s9 =	smul.u32 $0xF7A, s1;
	s8 =	simm.s32 @!p0 $0x1BF5;
	p2 =	por !p2, p0  }
0x20: {  	[sflag:s8] =	ssyncset.s32 @!p0 $0xFFFFF086;
	s6 =	sadd.s32 @!p0 s3, s7;
	s7 =	simm.s32 @!p0 $0x108  }
0x21: {  	s3 =	sadd.s32 s3, s9;
	s6 =	sadd.s32 @!p0 $0x88, s6;
	s7 =	simm.s32 @p2 $0x1082  }
0x22: {  	[simem:s7], [sflag:s8] =	dma.local @!p0 [hbm:s6], $0xF7A  }
0x23: {  	s9 =	sor.u32 $0xD0000000, s2;
	s6 =	simm.s32 $0x108;
	_ =	swait.ge @!p0 [sflag:s8], $0x0  }
0x24: {  	s3 =	sadd.s32 $0x88, s3;
	s6 =	simm.s32 @!p1 $0x1082;
	[sflag:s4] =	ssyncset.s32 $0xFFFFF086  }
0x25: {  	[simem:s6], [sflag:s4] =	dma.local [hbm:s3], $0xF7A  }
0x26: {  	[smem:$0x3F94] =	sst s1;
	(tag) =	ssettag s2;
	_ =	strace s9  }
0x27: {  	s1 =	sld [smem:$0x3FA4]  }
0x28: {  	s2 =	sld [smem:$0x3FA5]  }
0x29: {  	s4 =	sld [smem:$0x3FA7]  }
0x2a: {  	p0 =	seq.s32 s5, $0x0;
	s5 =	sld [smem:$0x3FA8]  }
0x2b: {  	s6 =	sld [smem:$0x3FA9]  }
0x2c: {  	s7 =	sld [smem:$0x3FAA]  }
0x2d: {  	s3 =	simm.s32 $0x108;
	s8 =	sld [smem:$0x3FAB]  }
0x2e: {  	s3 =	simm.s32 @!p0 $0x1082;
	s9 =	sld [smem:$0x3FAC]  }
0x2f: {  	lr =	sadd.s32 s0, s3;
	s0 =	sld [smem:$0x3FA3]  }
0x30: {  	s3 =	sld [smem:$0x3FA6]  }
0x31: {  	[smem:$0x3FAF] =	sst s10  }
0x32: {  	s10 =	sld [smem:$0x3FAD];
	_ =	sdelay $0x3  }
0x33: {  	p0 =	seq.s32 s10, $0x1;
	s10 =	sld [smem:$0x3FAF];
	_ =	sdelay $0x3  }
0x34: {  	[smem:$0x3FAF] =	sst s10  }
0x35: {  	s10 =	sld [smem:$0x3FAE];
	_ =	sdelay $0x3  }
0x36: {  	p1 =	seq.s32 s10, $0x1;
	s10 =	sld [smem:$0x3FAF];
	_ =	sdelay $0x3  }
0x37: {  	[smem:$0x3FAF] =	sst s10  }
0x38: {  	s10 =	sld [smem:$0x3FB0]  }
0x39: {  	_ = 	snop;
	(pc) =	sbr.ind lr, $3  }
0x3a: {  	_ = 	snop  }
0x3b: {  	_ = 	snop  }
0x3c: {  	p2 =	seq.s32 s10, $0x1;
	s10 =	sld [smem:$0x3FAF]  }
0x3d: {  	_ =	shalt  }
0x3e: {  	_ =	shalt  }
0x3f: {  	_ =	shalt  }
0x40: {  	_ =	shalt  }
0x41: {  	_ =	shalt  }
0x42: {  	_ =	shalt  }
0x43: {  	_ =	shalt  }
0x44: {  	_ =	shalt  }
0x45: {  	_ =	shalt  }
0x46: {  	_ =	shalt  }
0x47: {  	_ =	shalt  }
0x48: {  	_ =	shalt  }
0x49: {  	_ =	shalt  }
0x4a: {  	_ =	shalt  }
0x4b: {  	_ =	shalt  }
0x4c: {  	_ =	shalt  }
0x4d: {  	_ =	shalt  }
0x4e: {  	_ =	shalt  }
0x4f: {  	_ =	shalt  }
0x50: {  	_ =	shalt  }
0x51: {  	_ =	shalt  }
0x52: {  	_ =	shalt  }
0x53: {  	_ =	shalt  }
0x54: {  	_ =	shalt  }
0x55: {  	_ =	shalt  }
0x56: {  	_ =	shalt  }
0x57: {  	_ =	shalt  }
0x58: {  	_ =	shalt  }
0x59: {  	_ =	shalt  }
0x5a: {  	_ =	shalt  }
0x5b: {  	_ =	shalt  }
0x5c: {  	_ =	shalt  }
0x5d: {  	_ =	shalt  }
0x5e: {  	_ =	shalt  }
0x5f: {  	_ =	shalt  }
0x60: {  	_ =	shalt  }
0x61: {  	_ =	shalt  }
0x62: {  	_ =	shalt  }
0x63: {  	_ =	shalt  }
0x64: {  	_ =	shalt  }
0x65: {  	_ =	shalt  }
0x66: {  	_ =	shalt  }
0x67: {  	_ =	shalt  }
0x68: {  	_ =	shalt  }
0x69: {  	_ =	shalt  }
0x6a: {  	_ =	shalt  }
0x6b: {  	_ =	shalt  }
0x6c: {  	_ =	shalt  }
0x6d: {  	_ =	shalt  }
0x6e: {  	_ =	shalt  }
0x6f: {  	_ =	shalt  }
0x70: {  	_ =	shalt  }
0x71: {  	_ =	shalt  }
0x72: {  	_ =	shalt  }
0x73: {  	_ =	shalt  }
0x74: {  	_ =	shalt  }
0x75: {  	_ =	shalt  }
0x76: {  	_ =	shalt  }
0x77: {  	_ =	shalt  }
0x78: {  	_ =	shalt  }
0x79: {  	_ =	shalt  }
0x7a: {  	_ =	shalt  }
0x7b: {  	_ =	shalt  }
0x7c: {  	_ =	shalt  }
0x7d: {  	_ =	shalt  }
0x7e: {  	_ =	shalt  }
0x7f: {  	_ =	shalt  }
0x80: {  	_ =	shalt  }
0x81: {  	_ =	shalt  }
0x82: {  	_ =	shalt  }
0x83: {  	_ =	shalt  }
0x84: {  	_ =	shalt  }
0x85: {  	_ =	shalt  }
0x86: {  	_ =	shalt  }
0x87: {  	_ =	shalt  }
.Lfunc_end0:
.L_simem_size_0:
called_computation.1_lowered:
.L_overlay_start_0:
0x88: {  	s2 =	sld [smem:$0x3FD9]  }
0x89: {  	s3 =	sld [smem:$0x3FFE];
	_ =	sdelay $0x1  }
0x8a: {  	s1 =	srdreg.scid  }
0x8b: {  	s0 =	sand.u32 $0x1, s1  }
0x8c: {  	s16 =	sshll.u32 s0, $0xA;
	s2 =	sadd.s32 s3, s2  }
0x8d: {  	s2 =	sadd.s32 s2, s16  }
0x8e: {  	[smem:$0x3FBB] =	sst s2  }
0x8f: {  	_ = 	snop  }
0x90: {  	(tm) =	ssettm $0x1  }
0x91: {  	s17 =	sld [smem:$0x3FFB];
	_ =	sdelay $0x3  }
0x92: {  	_ =	strace s17  }
0x93: {  	s2 =	sld [smem:$0x3FFC];
	_ =	sdelay $0x3  }
0x94: {  	_ =	strace s2  }
0x95: {  	s2 =	sld [smem:$0x3FFD];
	_ =	sdelay $0x3  }
0x96: {  	_ =	strace s2  }
0x97: {  	_ =	strace $0x8FFFFFFF  }
0x98: {  	s18 =	sld [smem:$0x3FDB];
	_ =	sdelay $0x1  }
0x99: {  	s19 =	simm.s32 $_scs_section_size  }
0x9a: {  	s4 =	simm.s32 $_size__tile_overlayer_lowered;
	s5 =	simm.s32 $_tile_overlayer_lowered  }
0x9b: {  	s22 =	simm.s32 $0x1BFF;
	s21 =	sshll.u32 s5, $0x1;
	s2 =	sadd.s32 s19, s18  }
0x9c: {  	s6 =	simm.s32 $0x0;
	s20 =	sshll.u32 s4, $0x1;
	s4 =	sadd.s32 s21, s2  }
0x9d: {  	[timem:s6], [sflag:s22] =	dma.local [hbm:s4], s20  }
0x9e: {  	_ =	swait.ge [sflag:s22], s20  }
0x9f: {  	s3 =	ssub.s32 $0x0, s20;
	[sflag:s22] =	ssyncset.done $0x0  }
0xa0: {  	[sflag:s22] =	ssyncadd.s32 s3;
	_ =	sdelay $0x1  }
0xa1: {  	s23 =	simm.s32 $0x1B8B  }
0xa2: {  	_ =	swait.ge [sflag:s23], $0x1  }
0xa3: {  	[sflag:s23] =	ssyncset.done $0x0  }
0xa4: {  	s25 =	simm.s32 $0x1B8E;
	s24 =	sld [smem:$0x3FFE];
	[sflag:s23] =	ssyncadd.s32 $0xFFFFFFFF  }
0xa5: {  	s26 =	simm.s32 $execute0_lowered;
	[smem:$0x3FD2] =	sst s25  }
0xa6: {  	s4 =	sshll.u32 s26, $0x1;
	_ =	strace $0x80000049;
	[dreg:$0x1] =	wrdreg $0xFFFFFFFF  }
0xa7: {  	s28 =	simm.s32 $_size_execute0_lowered;
	s2 =	sadd.s32 s2, s4;
	[dreg:$0x0] =	wrdreg $0x0  }
0xa8: {  	s4 =	sshll.u32 s28, $0x1;
	[dreg:$0x2] =	wrdreg s2  }
0xa9: {  	[dreg:$0x3] =	wrdreg s4  }
0xaa: {  	[dreg:$0x4] =	wrdreg $0xC0  }
0xab: {  	_ =	task [dreg:s6], $0x5FFFF  }
0xac: {  	[dreg:$0x1] =	wrdreg $0xFFFFFFFF  }
0xad: {  	[dreg:$0x0] =	wrdreg $0x60  }
0xae: {  	[dreg:$0x2] =	wrdreg s24  }
0xaf: {  	[dreg:$0x3] =	wrdreg $0x0  }
0xb0: {  	[dreg:$0x4] =	wrdreg $0x9  }
0xb1: {  	_ =	task.clear_ibuf [dreg:s6], $0x5FFFF;
	_ =	strace $0x90000049  }
0xb2: {  	s29 =	simm.s32 $0x9;
	_ =	strace $0x8000004B  }
0xb3: {  	_ =	swait.ge [sflag:s29], $0x1  }
0xb4: {  	[sflag:s29] =	ssyncadd.s32 $0xFFFFFFFF  }
0xb5: {  	_ =	strace $0x9000004B  }
0xb6: {  	_ =	sfence  }
0xb7: {  	s30 =	sld [smem:$0x0];
	_ =	sdelay $0x2  }
0xb8: {  	s31 =	sshll.u32 s1, $0xD;
	s1 =	sshrl.u32 s1, $0x2  }
0xb9: {  	s3 =	sand.u32 $0x4000, s31;
	s1 =	sadd.s32 s1, s30  }
0xba: {  	s0 =	sor.u32 s3, s0;
	s1 =	sshll.u32 s1, $0x11  }
0xbb: {  	s0 =	sor.u32 s1, s0  }
0xbc: {  	s0 =	sadd.s32 $0x8F2B, s0  }
0xbd: {  	[sflag:s0] =	ssyncadd.remote.s32 $0x1  }
0xbe: {  	_ =	sfence.sel $0xFFFF  }
0xbf: {  	[dreg:$0x0] =	wrdreg $0xFFFFFFFF;
	(pc) =	sbr.abs _section_cstart, $3  }
0xc0: {  	[dreg:$0x1] =	wrdreg $0xFFFFFFFF  }
0xc1: {  	_ =	task.clear_ibuf [dreg:s6], $0x2FFFF;
	_ =	strace $0x9FFFFFFF  }
0xc2: {  	(tm) =	ssettm $0x7FFFFFFF  }
0xc3: {  	_ =	shalt  }
tec
execute0_lowered:
.L_overlay_start_1:
0x0: {  	(tag) =	ssettag $0x1  }
0x1: {  	s0 =	rddreg [dreg:$0x0];
	s1 =	srdreg.scid  }
0x2: {  	s16 =	stileid.u32;
	s2 =	rddreg [dreg:$0x1];
	s3 =	simm.s32 $0x0  }
0x3: {  	s30 =	simm.s32 $0x15800;
	s31 =	simm.s32 $0x1;
	s9 =	smul.u32 $0x50000, s16  }
0x4: {  	s1 =	sand.u32 $0x1, s1;
	s4 =	sshll.u32 s16, $0x1;
	s15 =	smul.u32 $0x13800, s16  }
0x5: {  	[smem:$0x7FF] =	sst s3;
	s5 =	sadd.s32 $0x10D3C00, s0;
	s25 =	smul.u32 $0x4E000, s16  }
0x6: {  	s22 =	sadd.s32 $0xD400, s0;
	s10 =	sadd.s32 $0x5DE00, s0;
	s21 =	smul.u32 $0x2A000, s16  }
0x7: {  	s7 =	sor.u32 s1, s4;
	_ =	strace $0x8000004A;
	s13 =	smul.u32 $0x138800, s1  }
0x8: {  	p0 =	sne.s32 s16, $0x0;
	s4 =	sadd.s32 $0x1373C00, s0;
	s6 =	smul.u32 $0x300, s7  }
0x9: {  	[smem:$0x7FB] =	sst s22;
	s12 =	ssub.s32 $0x2, s1;
	s11 =	smul.u32 $0xA8000, s7  }
0xa: {  	s14 =	sshrl.u32 s12, $0x1;
	s9 =	sshrl.u32 s9, $0x2;
	s7 =	smul.u32 $0x15000, s7  }
0xb: {  	s12 =	ssub.s32 s12, s14;
	s23 =	sadd.s32 s9, s2;
	s24 =	sadd.s32 s15, s13  }
0xc: {  	s13 =	sshrl.u32 s13, $0x3;
	s8 =	sadd.s32 s6, s0;
	s0 =	sadd.s32 $0xFC00, s0  }
0xd: {  	[dreg:$0x4] =	wrdreg s23;
	s9 =	sshrl.u32 s24, $0x3;
	s6 =	smul.u32 $0x4E2000, s1  }
0xe: {  	s23 =	smul.u32 $0x150000, s16;
	s12 =	smax.u32 s12, $0x1;
	s7 =	sadd.s32 $0x14800, s7  }
0xf: {  	s8 =	sadd.s32 $0x10CDC00, s8;
	s13 =	sadd.s32 s0, s13;
	[dreg:$0xf] =	wrdreg s12  }
0x10: {  	s0 =	sadd.s32 s0, s9;
	s9 =	sadd.s32 $0x138000, s2;
	[dreg:$0x3] =	wrdreg s8  }
0x11: {  	s8 =	sshrl.u32 s11, $0x3;
	s11 =	sshrl.u32 s25, $0x2;
	[dreg:$0x6] =	wrdreg s0  }
0x12: {  	s18 =	sadd.s32 $0x27000, s13;
	s19 =	sadd.s32 s15, s6;
	[dreg:$0x15] =	wrdreg s9  }
0x13: {  	s20 =	sshrl.u32 s6, $0x3;
	s26 =	sadd.s32 s5, s8;
	[dreg:$0x8] =	wrdreg s18  }
0x14: {  	s25 =	smul.u32 $0xA8000, s1;
	s17 =	sadd.s32 s11, s2;
	[dreg:$0x5] =	wrdreg s26  }
0x15: {  	s0 =	sshrl.u32 s19, $0x3;
	s19 =	sadd.s32 s5, s7;
	[dreg:$0x7] =	wrdreg s17  }
0x16: {  	s13 =	sadd.s32 s4, s8;
	s22 =	sadd.s32 s10, s20;
	[dreg:$0x10] =	wrdreg s19  }
0x17: {  	s14 =	sadd.s32 s10, s0;
	s10 =	sadd.s32 $0x27000, s22;
	[dreg:$0x9] =	wrdreg s13  }
0x18: {  	s6 =	smul.u32 $0x15000, s1;
	s24 =	sadd.s32 $0x4E100, s22;
	[dreg:$0xb] =	wrdreg s10  }
0x19: {  	s9 =	simm.s32 $0x4;
	s26 =	sadd.s32 $0x75200, s22;
	[dreg:$0xc] =	wrdreg s24  }
0x1a: {  	s18 =	sadd.s32 s21, s4;
	s0 =	sadd.s32 $0x9C300, s22;
	[dreg:$0xd] =	wrdreg s26  }
0x1b: {  	s15 =	sadd.s32 s25, s23;
	s12 =	sadd.s32 $0x540000, s13;
	[dreg:$0xe] =	wrdreg s0  }
0x1c: {  	s17 =	sadd.s32 s21, s5;
	s21 =	sadd.s32 s6, s18;
	[dreg:$0x18] =	wrdreg s12  }
0x1d: {  	s22 =	sadd.s32 $0x14800, s8;
	s8 =	sadd.s32 s4, s7;
	[dreg:$0xa] =	wrdreg s14  }
0x1e: {  	s20 =	sadd.s32 s6, s17;
	s23 =	sadd.s32 s5, s22;
	[dreg:$0x11] =	wrdreg s8  }
0x1f: {  	s24 =	sadd.s32 $0x1508000, s15;
	s0 =	sadd.s32 s4, s22;
	[dreg:$0x12] =	wrdreg s23  }
0x20: {  	s26 =	sadd.s32 $0x2A08000, s15;
	s6 =	sadd.s32 $0x8000, s15;
	[dreg:$0x13] =	wrdreg s0  }
0x21: {  	s1 =	sadd.s32 $0x3F08000, s15;
	s10 =	sadd.s32 $0x2A0000, s13;
	[dreg:$0x14] =	wrdreg s6  }
0x22: {  	s11 =	sadd.s32 $0x27100, s14;
	s15 =	sadd.s32 $0x4E200, s14;
	[dreg:$0x16] =	wrdreg s10  }
0x23: {  	s17 =	sadd.s32 $0x7E0000, s13;
	s18 =	sadd.s32 $0x75300, s14;
	[dreg:$0x17] =	wrdreg s11  }
0x24: {  	s19 =	sadd.s32 $0x2A0000, s8;
	s22 =	sadd.s32 $0x2B4800, s13;
	[dreg:$0x19] =	wrdreg s15  }
0x25: {  	s12 =	simm.s32 $0x0;
	s25 =	sshrl.u32 s24, $0x3;
	[dreg:$0x1a] =	wrdreg s17  }
0x26: {  	s7 =	sshrl.u32 s26, $0x3;
	[dreg:$0x1b] =	wrdreg s18;
	s23 =	sadd.s32 $0x540000, s8  }
0x27: {  	[dreg:$0x1c] =	wrdreg s19;
	s24 =	sadd.s32 $0x554800, s13;
	s26 =	sadd.s32 $0x7F4800, s13  }
0x28: {  	[dreg:$0x1d] =	wrdreg s22;
	s19 =	sadd.s32 $0x2A0800, s21;
	s22 =	sadd.s32 $0x540800, s21  }
0x29: {  	s0 =	simm.s32 $0x80;
	s28 =	sadd.s32 s25, s4;
	[dreg:$0x1e] =	wrdreg s23  }
0x2a: {  	s29 =	sadd.s32 s7, s4;
	s7 =	sshrl.u32 s1, $0x3;
	[dreg:$0x1f] =	wrdreg s24  }
0x2b: {  	s25 =	sadd.s32 $0x7E0000, s8;
	[smem:$0x7FD] =	sst s26;
	s24 =	sadd.s32 $0x7E0800, s21  }
0x2c: {  	s1 =	simm.s32 $0x19800;
	s8 =	simm.s32 $0x3;
	[smem:$0x7FC] =	sst s25  }
0x2d: {  	s17 =	sadd.s32 s7, s4;
	s25 =	simm.s32 $0x5;
	s7 =	simm.s32 $0x2  }
.LBB2_1:
0x2e: {  	s10 =	rddreg [dreg:$0x3];
	s11 =	simm.s32 $0x14000;
	s26 =	stileid.u32  }
0x2f: {  	[tilespmem:s11], [sflag:$0x5] =	stream.linear.gather [hbm4b:s10+s3], $0x1500, $0x38;
	[tilespmem:$0x1D800] =	vst v63  }
0x30: {  	s13 =	sshll.u32 s26, $0x6;
	_ =	swait.ge [sflag:s25], $0x1500  }
0x31: {  	s15 =	sor.u32 $0x1C05, s13;
	s13 =	sld [smem:$0x7FB]  }
0x32: {  	[sflag:s25] =	ssyncset.done $0x0;
	s11 =	rddreg [dreg:$0x4]  }
0x33: {  	[sflag:s25] =	ssyncadd.s32 $0xFFFFEB00;
	s16 =	sshrl.u32 s11, $0x3  }
0x34: {  	[spmem:s16], [sflag:s15] =	dma.local [hbm:s13], $0x2800  }
0x35: {  	_ =	swait.ge [sflag:s25], $0x2800  }
0x36: {  	[sflag:s25] =	ssyncset.done $0x0  }
0x37: {  	[sflag:s25] =	ssyncadd.s32 $0xFFFFD800  }
0x38: {  	[bflag:$0x0] =	sbarrier.arrive $0xFFFF  }
0x39: {  	s14 =	rddreg [dreg:$0x5]  }
0x3a: {  	[tilespmem:s30], [sflag:$0x1] =	stream.linear.gather [hbm4b:s14+s3], $0x4000, $0x38;
	[tilespmem:$0x1D800] =	vst v63  }
0x3b: {  	_ =	swait.ge [sflag:s31], $0x4000  }
0x3c: {  	[sflag:s31] =	ssyncset.done $0x0  }
0x3d: {  	s18 =	simm.s32 $0x14000;
	[sflag:s31] =	ssyncadd.s32 $0xFFFFC000  }
0x3e: {  	[spmem:s2] =	stream.indirect.scatter.add.f32 [tilespmem:s30], [sflag:$0x3], $0x80, s18, s0, $0xb8;
	[tilespmem:$0x1D800] =	vst v63  }
0x3f: {  	s23 =	sadd.s32 $0x800, s20  }
0x40: {  	[tilespmem:s1], [sflag:$0x2] =	stream.linear.gather [hbm4b:s23+s3], $0x4000, $0x38;
	[tilespmem:$0x1D800] =	vst v63  }
0x41: {  	_ =	swait.ge [sflag:s7], $0x4000  }
0x42: {  	[sflag:s7] =	ssyncset.done $0x0  }
0x43: {  	s14 =	simm.s32 $0x14080;
	[sflag:s7] =	ssyncadd.s32 $0xFFFFC000  }
0x44: {  	[spmem:s2] =	stream.indirect.scatter.add.f32 [tilespmem:s1], [sflag:$0x4], $0x80, s14, s0, $0xb8;
	[tilespmem:$0x1D800] =	vst v63  }
0x45: {  	_ =	swait.ge [sflag:s8], $0x4000  }
0x46: {  	s18 =	rddreg [dreg:$0x14]  }
0x47: {  	[sflag:s8] =	ssyncset.done $0x0;
	s23 =	sshrl.u32 s18, $0x3  }
0x48: {  	[sflag:s8] =	ssyncadd.s32 $0xFFFFC000;
	s26 =	sadd.s32 s5, s23  }
0x49: {  	[tilespmem:s30], [sflag:$0x1] =	stream.linear.gather [hbm4b:s26+s3], $0x4000, $0x38;
	[tilespmem:$0x1D800] =	vst v63  }
0x4a: {  	_ =	swait.ge [sflag:s9], $0x4000  }
0x4b: {  	s6 =	simm.s32 $0x15400;
	s13 =	simm.s32 $0x1800;
	[sflag:s9] =	ssyncset.done $0x0  }
.LBB2_2:
0x4c: {  	[sflag:s9] =	ssyncadd.s32 $0xFFFFC000  }
0x4d: {  	s14 =	sadd.s32 $0x100, s14;
	s18 =	sadd.s32 $0x8000, s18;
	s26 =	smov.u32 s13  }
0x4e: {  	p1 =	sne.s32 s13, $0x13800;
	s13 =	sadd.s32 $0x1000, s13;
	_ =	swait.ge [sflag:s31], $0x4000  }
0x4f: {  	[sflag:s31] =	ssyncset.done $0x0  }
0x50: {  	s11 =	sadd.s32 $0xFFFFFF80, s14;
	[sflag:s31] =	ssyncadd.s32 $0xFFFFC000  }
0x51: {  	[spmem:s2] =	stream.indirect.scatter.add.f32 [tilespmem:s30], [sflag:$0x3], $0x80, s11, s0, $0xb8;
	[tilespmem:$0x1D800] =	vst v63  }
0x52: {  	s11 =	sadd.s32 s26, s20  }
0x53: {  	[tilespmem:s1], [sflag:$0x2] =	stream.linear.gather [hbm4b:s11+s3], $0x4000, $0x38;
	[tilespmem:$0x1D800] =	vst v63  }
0x54: {  	_ =	swait.ge [sflag:s7], $0x4000  }
0x55: {  	[sflag:s7] =	ssyncset.done $0x0  }
0x56: {  	[sflag:s7] =	ssyncadd.s32 $0xFFFFC000  }
0x57: {  	[spmem:s2] =	stream.indirect.scatter.add.f32 [tilespmem:s1], [sflag:$0x4], $0x80, s14, s0, $0xb8;
	[tilespmem:$0x1D800] =	vst v63  }
0x58: {  	_ =	swait.ge [sflag:s8], $0x4000  }
.Ltmp0:
0x59: {  	s11 =	sshrl.u32 s18, $0x3;
	[sflag:s8] =	ssyncset.done $0x0;
	(pc) =	sbr.rel @p1 .LBB2_2-.Ltmp0, $4  }
0x5a: {  	s11 =	sadd.s32 s5, s11;
	[sflag:s8] =	ssyncadd.s32 $0xFFFFC000  }
0x5b: {  	[tilespmem:s30], [sflag:$0x1] =	stream.linear.gather [hbm4b:s11+s3], $0x4000, $0x38;
	[tilespmem:$0x1D800] =	vst v63  }
0x5c: {  	_ =	swait.ge [sflag:s9], $0x4000  }
0x5d: {  	[sflag:s9] =	ssyncset.done $0x0  }
0x5e: {  	[sflag:s9] =	ssyncadd.s32 $0xFFFFC000  }
0x5f: {  	_ =	swait.ge [sflag:s31], $0x4000  }
0x60: {  	[sflag:s31] =	ssyncset.done $0x0  }
0x61: {  	[sflag:s31] =	ssyncadd.s32 $0xFFFFC000  }
0x62: {  	[spmem:s2] =	stream.indirect.scatter.add.f32 [tilespmem:s30], [sflag:$0x3], $0x80, s6, s0, $0xb8;
	[tilespmem:$0x1D800] =	vst v63  }
0x63: {  	s10 =	rddreg [dreg:$0x10]  }
0x64: {  	[tilespmem:s1], [sflag:$0x2] =	stream.linear.gather [hbm4b:s10+s3], $0x4000, $0x38;
	[tilespmem:$0x1D800] =	vst v63  }
0x65: {  	_ =	swait.ge [sflag:s7], $0x4000  }
0x66: {  	[sflag:s7] =	ssyncset.done $0x0  }
0x67: {  	s10 =	simm.s32 $0x15480;
	[sflag:s7] =	ssyncadd.s32 $0xFFFFC000  }
0x68: {  	[spmem:s2] =	stream.indirect.scatter.add.f32 [tilespmem:s1], [sflag:$0x4], $0x80, s10, s0, $0xb8;
	[tilespmem:$0x1D800] =	vst v63  }
0x69: {  	_ =	swait.ge [sflag:s8], $0x4000  }
0x6a: {  	[sflag:s8] =	ssyncset.done $0x0  }
0x6b: {  	s11 =	rddreg [dreg:$0x12];
	[sflag:s8] =	ssyncadd.s32 $0xFFFFC000  }
0x6c: {  	[tilespmem:s30], [sflag:$0x1] =	stream.linear.gather [hbm4b:s11+s3], $0x4000, $0x38;
	[tilespmem:$0x1D800] =	vst v63  }
0x6d: {  	_ =	swait.ge [sflag:s9], $0x4000  }
0x6e: {  	[sflag:s9] =	ssyncset.done $0x0  }
0x6f: {  	[sflag:s9] =	ssyncadd.s32 $0xFFFFC000  }
0x70: {  	_ =	swait.ge [sflag:s31], $0x4000  }
0x71: {  	[sflag:s31] =	ssyncset.done $0x0  }
0x72: {  	[sflag:s31] =	ssyncadd.s32 $0xFFFFC000  }
0x73: {  	[bflag:$0x0] =	sbarrier.arrive $0xFFFF  }
0x74: {  	s13 =	rddreg [dreg:$0x7]  }
0x75: {  	s14 =	rddreg [dreg:$0x6];
	s18 =	sshrl.u32 s13, $0x3  }
0x76: {  	[hbm:s14], [sflag:s15] =	dma.local [spmem:s18], $0x2700  }
0x77: {  	_ =	swait.ge [sflag:s25], $0x2700  }
0x78: {  	s11 =	simm.s32 @!p0 $0x5;
	[sflag:s25] =	ssyncset.done $0x0;
	s10 =	rddreg [dreg:$0x15]  }
0x79: {  	[sflag:s25] =	ssyncadd.s32 $0xFFFFD900;
	s14 =	sshrl.u32 @!p0 s10, $0x3;
	s10 =	rddreg [dreg:$0x8]  }
0x7a: {  	[hbm:s10], [sflag:s15] =	dma.local @!p0 [spmem:s14], $0x100  }
0x7b: {  	_ =	swait.ge @!p0 [sflag:s11], $0x100  }
0x7c: {  	[sflag:s11] =	ssyncset.done @!p0 $0x0  }
0x7d: {  	[sflag:s11] =	ssyncadd.s32 @!p0 $0xFFFFFF00  }
0x7e: {  	[bflag:$0x0] =	sbarrier.arrive $0xFFFF  }
0x7f: {  	s6 =	sld [smem:$0x7FB];
	_ =	sdelay $0x2  }
0x80: {  	[spmem:s16], [sflag:s15] =	dma.local [hbm:s6], $0x2800  }
0x81: {  	_ =	swait.ge [sflag:s25], $0x2800  }
0x82: {  	[sflag:s25] =	ssyncset.done $0x0  }
0x83: {  	[sflag:s25] =	ssyncadd.s32 $0xFFFFD800  }
0x84: {  	[bflag:$0x0] =	sbarrier.arrive $0xFFFF  }
0x85: {  	s26 =	rddreg [dreg:$0x9]  }
0x86: {  	[tilespmem:s30], [sflag:$0x1] =	stream.linear.gather [hbm4b:s26+s3], $0x4000, $0x38;
	[tilespmem:$0x1D800] =	vst v63  }
0x87: {  	_ =	swait.ge [sflag:s31], $0x4000  }
0x88: {  	[sflag:s31] =	ssyncset.done $0x0  }
0x89: {  	s10 =	simm.s32 $0x14000;
	[sflag:s31] =	ssyncadd.s32 $0xFFFFC000  }
0x8a: {  	[spmem:s2] =	stream.indirect.scatter.add.f32 [tilespmem:s30], [sflag:$0x3], $0x80, s10, s0, $0xb8;
	[tilespmem:$0x1D800] =	vst v63  }
0x8b: {  	s13 =	sadd.s32 $0x800, s21  }
0x8c: {  	[tilespmem:s1], [sflag:$0x2] =	stream.linear.gather [hbm4b:s13+s3], $0x4000, $0x38;
	[tilespmem:$0x1D800] =	vst v63  }
0x8d: {  	_ =	swait.ge [sflag:s7], $0x4000  }
0x8e: {  	[sflag:s7] =	ssyncset.done $0x0  }
0x8f: {  	s13 =	simm.s32 $0x14080;
	[sflag:s7] =	ssyncadd.s32 $0xFFFFC000  }
0x90: {  	[spmem:s2] =	stream.indirect.scatter.add.f32 [tilespmem:s1], [sflag:$0x4], $0x80, s13, s0, $0xb8;
	[tilespmem:$0x1D800] =	vst v63  }
0x91: {  	_ =	swait.ge [sflag:s8], $0x4000  }
0x92: {  	[sflag:s8] =	ssyncset.done $0x0  }
0x93: {  	s26 =	sadd.s32 s4, s23;
	[sflag:s8] =	ssyncadd.s32 $0xFFFFC000  }
0x94: {  	[tilespmem:s30], [sflag:$0x1] =	stream.linear.gather [hbm4b:s26+s3], $0x4000, $0x38;
	[tilespmem:$0x1D800] =	vst v63  }
0x95: {  	_ =	swait.ge [sflag:s9], $0x4000  }
0x96: {  	s23 =	simm.s32 $0x1800;
	[sflag:s9] =	ssyncset.done $0x0;
	s26 =	rddreg [dreg:$0x14]  }
.LBB2_4:
0x97: {  	[sflag:s9] =	ssyncadd.s32 $0xFFFFC000  }
0x98: {  	s13 =	sadd.s32 $0x100, s13;
	s26 =	sadd.s32 $0x8000, s26;
	s11 =	smov.u32 s23  }
0x99: {  	p1 =	sne.s32 s23, $0x13800;
	s23 =	sadd.s32 $0x1000, s23;
	_ =	swait.ge [sflag:s31], $0x4000  }
0x9a: {  	[sflag:s31] =	ssyncset.done $0x0  }
0x9b: {  	s10 =	sadd.s32 $0xFFFFFF80, s13;
	[sflag:s31] =	ssyncadd.s32 $0xFFFFC000  }
0x9c: {  	[spmem:s2] =	stream.indirect.scatter.add.f32 [tilespmem:s30], [sflag:$0x3], $0x80, s10, s0, $0xb8;
	[tilespmem:$0x1D800] =	vst v63  }
0x9d: {  	s10 =	sadd.s32 s11, s21  }
0x9e: {  	[tilespmem:s1], [sflag:$0x2] =	stream.linear.gather [hbm4b:s10+s3], $0x4000, $0x38;
	[tilespmem:$0x1D800] =	vst v63  }
0x9f: {  	_ =	swait.ge [sflag:s7], $0x4000  }
0xa0: {  	[sflag:s7] =	ssyncset.done $0x0  }
0xa1: {  	[sflag:s7] =	ssyncadd.s32 $0xFFFFC000  }
0xa2: {  	[spmem:s2] =	stream.indirect.scatter.add.f32 [tilespmem:s1], [sflag:$0x4], $0x80, s13, s0, $0xb8;
	[tilespmem:$0x1D800] =	vst v63  }
0xa3: {  	_ =	swait.ge [sflag:s8], $0x4000  }
.Ltmp1:
0xa4: {  	s10 =	sshrl.u32 s26, $0x3;
	[sflag:s8] =	ssyncset.done $0x0;
	(pc) =	sbr.rel @p1 .LBB2_4-.Ltmp1, $4  }
0xa5: {  	s10 =	sadd.s32 s4, s10;
	[sflag:s8] =	ssyncadd.s32 $0xFFFFC000  }
0xa6: {  	[tilespmem:s30], [sflag:$0x1] =	stream.linear.gather [hbm4b:s10+s3], $0x4000, $0x38;
	[tilespmem:$0x1D800] =	vst v63  }
0xa7: {  	_ =	swait.ge [sflag:s9], $0x4000  }
0xa8: {  	[sflag:s9] =	ssyncset.done $0x0  }
0xa9: {  	[sflag:s9] =	ssyncadd.s32 $0xFFFFC000  }
0xaa: {  	_ =	swait.ge [sflag:s31], $0x4000  }
0xab: {  	[sflag:s31] =	ssyncset.done $0x0  }
0xac: {  	s26 =	simm.s32 $0x15400;
	[sflag:s31] =	ssyncadd.s32 $0xFFFFC000  }
0xad: {  	[spmem:s2] =	stream.indirect.scatter.add.f32 [tilespmem:s30], [sflag:$0x3], $0x80, s26, s0, $0xb8;
	[tilespmem:$0x1D800] =	vst v63  }
0xae: {  	s10 =	rddreg [dreg:$0x11]  }
0xaf: {  	[tilespmem:s1], [sflag:$0x2] =	stream.linear.gather [hbm4b:s10+s3], $0x4000, $0x38;
	[tilespmem:$0x1D800] =	vst v63  }
0xb0: {  	_ =	swait.ge [sflag:s7], $0x4000  }
0xb1: {  	[sflag:s7] =	ssyncset.done $0x0  }
0xb2: {  	s23 =	simm.s32 $0x15480;
	[sflag:s7] =	ssyncadd.s32 $0xFFFFC000  }
0xb3: {  	[spmem:s2] =	stream.indirect.scatter.add.f32 [tilespmem:s1], [sflag:$0x4], $0x80, s23, s0, $0xb8;
	[tilespmem:$0x1D800] =	vst v63  }
0xb4: {  	_ =	swait.ge [sflag:s8], $0x4000  }
0xb5: {  	[sflag:s8] =	ssyncset.done $0x0  }
0xb6: {  	s11 =	rddreg [dreg:$0x13];
	[sflag:s8] =	ssyncadd.s32 $0xFFFFC000  }
0xb7: {  	[tilespmem:s30], [sflag:$0x1] =	stream.linear.gather [hbm4b:s11+s3], $0x4000, $0x38;
	[tilespmem:$0x1D800] =	vst v63  }
0xb8: {  	_ =	swait.ge [sflag:s9], $0x4000  }
0xb9: {  	[sflag:s9] =	ssyncset.done $0x0  }
0xba: {  	[sflag:s9] =	ssyncadd.s32 $0xFFFFC000  }
0xbb: {  	_ =	swait.ge [sflag:s31], $0x4000  }
0xbc: {  	[sflag:s31] =	ssyncset.done $0x0  }
0xbd: {  	[sflag:s31] =	ssyncadd.s32 $0xFFFFC000  }
0xbe: {  	[bflag:$0x0] =	sbarrier.arrive $0xFFFF  }
0xbf: {  	s13 =	rddreg [dreg:$0xa]  }
0xc0: {  	[hbm:s13], [sflag:s15] =	dma.local [spmem:s18], $0x2700  }
0xc1: {  	_ =	swait.ge [sflag:s25], $0x2700  }
0xc2: {  	[sflag:s25] =	ssyncset.done $0x0  }
0xc3: {  	s10 =	rddreg [dreg:$0xb];
	[sflag:s25] =	ssyncadd.s32 $0xFFFFD900  }
0xc4: {  	[hbm:s10], [sflag:s15] =	dma.local @!p0 [spmem:s14], $0x100  }
0xc5: {  	s10 =	simm.s32 @!p0 $0x5  }
0xc6: {  	_ =	swait.ge @!p0 [sflag:s10], $0x100  }
0xc7: {  	[sflag:s10] =	ssyncset.done @!p0 $0x0  }
0xc8: {  	[sflag:s10] =	ssyncadd.s32 @!p0 $0xFFFFFF00  }
0xc9: {  	[bflag:$0x0] =	sbarrier.arrive $0xFFFF  }
0xca: {  	[spmem:s16], [sflag:s15] =	dma.local [hbm:s6], $0x2800  }
0xcb: {  	_ =	swait.ge [sflag:s25], $0x2800  }
0xcc: {  	[sflag:s25] =	ssyncset.done $0x0  }
0xcd: {  	[sflag:s25] =	ssyncadd.s32 $0xFFFFD800  }
0xce: {  	[bflag:$0x0] =	sbarrier.arrive $0xFFFF  }
0xcf: {  	s23 =	simm.s32 $0x0;
	s11 =	rddreg [dreg:$0x16]  }
0xd0: {  	[tilespmem:s30], [sflag:$0x1] =	stream.linear.gather [hbm4b:s11+s23], $0x4000, $0x38;
	[tilespmem:$0x1D800] =	vst v63  }
0xd1: {  	_ =	swait.ge [sflag:s31], $0x4000  }
0xd2: {  	[sflag:s31] =	ssyncset.done $0x0  }
0xd3: {  	s11 =	simm.s32 $0x14000;
	[sflag:s31] =	ssyncadd.s32 $0xFFFFC000  }
0xd4: {  	[spmem:s2] =	stream.indirect.scatter.add.f32 [tilespmem:s30], [sflag:$0x3], $0x80, s11, s0, $0xb8;
	[tilespmem:$0x1D800] =	vst v63  }
0xd5: {  	s13 =	sadd.s32 $0x0, s19  }
0xd6: {  	[tilespmem:s1], [sflag:$0x2] =	stream.linear.gather [hbm4b:s13+s3], $0x4000, $0x38;
	[tilespmem:$0x1D800] =	vst v63  }
0xd7: {  	_ =	swait.ge [sflag:s7], $0x4000  }
0xd8: {  	[sflag:s7] =	ssyncset.done $0x0  }
0xd9: {  	s13 =	simm.s32 $0x14080;
	[sflag:s7] =	ssyncadd.s32 $0xFFFFC000  }
0xda: {  	[spmem:s2] =	stream.indirect.scatter.add.f32 [tilespmem:s1], [sflag:$0x4], $0x80, s13, s0, $0xb8;
	[tilespmem:$0x1D800] =	vst v63  }
0xdb: {  	_ =	swait.ge [sflag:s8], $0x4000  }
0xdc: {  	[sflag:s8] =	ssyncset.done $0x0  }
0xdd: {  	s23 =	sadd.s32 $0x0, s28;
	[sflag:s8] =	ssyncadd.s32 $0xFFFFC000  }
0xde: {  	[tilespmem:s30], [sflag:$0x1] =	stream.linear.gather [hbm4b:s23+s3], $0x4000, $0x38;
	[tilespmem:$0x1D800] =	vst v63  }
0xdf: {  	_ =	swait.ge [sflag:s9], $0x4000  }
0xe0: {  	s23 =	simm.s32 $0x1000;
	[sflag:s9] =	ssyncset.done $0x0  }
.LBB2_6:
0xe1: {  	p1 =	sne.s32 s23, $0x13000;
	[sflag:s9] =	ssyncadd.s32 $0xFFFFC000;
	s13 =	sadd.s32 $0x100, s13  }
0xe2: {  	s10 =	smov.u32 s23;
	s23 =	sadd.s32 $0x1000, s23;
	_ =	swait.ge [sflag:s31], $0x4000  }
0xe3: {  	[sflag:s31] =	ssyncset.done $0x0  }
0xe4: {  	s11 =	sadd.s32 $0xFFFFFF80, s13;
	[sflag:s31] =	ssyncadd.s32 $0xFFFFC000  }
0xe5: {  	[spmem:s2] =	stream.indirect.scatter.add.f32 [tilespmem:s30], [sflag:$0x3], $0x80, s11, s0, $0xb8;
	[tilespmem:$0x1D800] =	vst v63  }
0xe6: {  	s11 =	sadd.s32 s10, s19  }
0xe7: {  	[tilespmem:s1], [sflag:$0x2] =	stream.linear.gather [hbm4b:s11+s3], $0x4000, $0x38;
	[tilespmem:$0x1D800] =	vst v63  }
0xe8: {  	_ =	swait.ge [sflag:s7], $0x4000  }
0xe9: {  	[sflag:s7] =	ssyncset.done $0x0  }
0xea: {  	[sflag:s7] =	ssyncadd.s32 $0xFFFFC000  }
0xeb: {  	[spmem:s2] =	stream.indirect.scatter.add.f32 [tilespmem:s1], [sflag:$0x4], $0x80, s13, s0, $0xb8;
	[tilespmem:$0x1D800] =	vst v63  }
0xec: {  	_ =	swait.ge [sflag:s8], $0x4000  }
.Ltmp2:
0xed: {  	[sflag:s8] =	ssyncset.done $0x0;
	(pc) =	sbr.rel @p1 .LBB2_6-.Ltmp2, $4  }
0xee: {  	s10 =	sadd.s32 s10, s28;
	[sflag:s8] =	ssyncadd.s32 $0xFFFFC000  }
0xef: {  	[tilespmem:s30], [sflag:$0x1] =	stream.linear.gather [hbm4b:s10+s3], $0x4000, $0x38;
	[tilespmem:$0x1D800] =	vst v63  }
0xf0: {  	_ =	swait.ge [sflag:s9], $0x4000  }
0xf1: {  	[sflag:s9] =	ssyncset.done $0x0  }
0xf2: {  	[sflag:s9] =	ssyncadd.s32 $0xFFFFC000  }
0xf3: {  	_ =	swait.ge [sflag:s31], $0x4000  }
0xf4: {  	[sflag:s31] =	ssyncset.done $0x0  }
0xf5: {  	[sflag:s31] =	ssyncadd.s32 $0xFFFFC000  }
0xf6: {  	[spmem:s2] =	stream.indirect.scatter.add.f32 [tilespmem:s30], [sflag:$0x3], $0x80, s26, s0, $0xb8;
	[tilespmem:$0x1D800] =	vst v63  }
0xf7: {  	s10 =	rddreg [dreg:$0x1c]  }
0xf8: {  	[tilespmem:s1], [sflag:$0x2] =	stream.linear.gather [hbm4b:s10+s3], $0x4000, $0x38;
	[tilespmem:$0x1D800] =	vst v63  }
0xf9: {  	_ =	swait.ge [sflag:s7], $0x4000  }
0xfa: {  	[sflag:s7] =	ssyncset.done $0x0  }
0xfb: {  	s23 =	simm.s32 $0x15480;
	[sflag:s7] =	ssyncadd.s32 $0xFFFFC000  }
0xfc: {  	[spmem:s2] =	stream.indirect.scatter.add.f32 [tilespmem:s1], [sflag:$0x4], $0x80, s23, s0, $0xb8;
	[tilespmem:$0x1D800] =	vst v63  }
0xfd: {  	_ =	swait.ge [sflag:s8], $0x4000  }
0xfe: {  	[sflag:s8] =	ssyncset.done $0x0  }
0xff: {  	s11 =	rddreg [dreg:$0x1d];
	[sflag:s8] =	ssyncadd.s32 $0xFFFFC000  }
0x100: {  	[tilespmem:s30], [sflag:$0x1] =	stream.linear.gather [hbm4b:s11+s3], $0x4000, $0x38;
	[tilespmem:$0x1D800] =	vst v63  }
0x101: {  	_ =	swait.ge [sflag:s9], $0x4000  }
0x102: {  	[sflag:s9] =	ssyncset.done $0x0  }
0x103: {  	[sflag:s9] =	ssyncadd.s32 $0xFFFFC000  }
0x104: {  	_ =	swait.ge [sflag:s31], $0x4000  }
0x105: {  	[sflag:s31] =	ssyncset.done $0x0  }
0x106: {  	[sflag:s31] =	ssyncadd.s32 $0xFFFFC000  }
0x107: {  	[bflag:$0x0] =	sbarrier.arrive $0xFFFF  }
0x108: {  	s13 =	rddreg [dreg:$0x17]  }
0x109: {  	[hbm:s13], [sflag:s15] =	dma.local [spmem:s18], $0x2700  }
0x10a: {  	_ =	swait.ge [sflag:s25], $0x2700  }
0x10b: {  	[sflag:s25] =	ssyncset.done $0x0  }
0x10c: {  	s10 =	rddreg [dreg:$0xc];
	[sflag:s25] =	ssyncadd.s32 $0xFFFFD900  }
0x10d: {  	[hbm:s10], [sflag:s15] =	dma.local @!p0 [spmem:s14], $0x100  }
0x10e: {  	s10 =	simm.s32 @!p0 $0x5  }
0x10f: {  	_ =	swait.ge @!p0 [sflag:s10], $0x100  }
0x110: {  	[sflag:s10] =	ssyncset.done @!p0 $0x0  }
0x111: {  	[sflag:s10] =	ssyncadd.s32 @!p0 $0xFFFFFF00  }
0x112: {  	[bflag:$0x0] =	sbarrier.arrive $0xFFFF  }
0x113: {  	[spmem:s16], [sflag:s15] =	dma.local [hbm:s6], $0x2800  }
0x114: {  	_ =	swait.ge [sflag:s25], $0x2800  }
0x115: {  	[sflag:s25] =	ssyncset.done $0x0  }
0x116: {  	[sflag:s25] =	ssyncadd.s32 $0xFFFFD800  }
0x117: {  	[bflag:$0x0] =	sbarrier.arrive $0xFFFF  }
0x118: {  	s23 =	simm.s32 $0x0;
	s11 =	rddreg [dreg:$0x18]  }
0x119: {  	[tilespmem:s30], [sflag:$0x1] =	stream.linear.gather [hbm4b:s11+s23], $0x4000, $0x38;
	[tilespmem:$0x1D800] =	vst v63  }
0x11a: {  	_ =	swait.ge [sflag:s31], $0x4000  }
0x11b: {  	[sflag:s31] =	ssyncset.done $0x0  }
0x11c: {  	s11 =	simm.s32 $0x14000;
	[sflag:s31] =	ssyncadd.s32 $0xFFFFC000  }
0x11d: {  	[spmem:s2] =	stream.indirect.scatter.add.f32 [tilespmem:s30], [sflag:$0x3], $0x80, s11, s0, $0xb8;
	[tilespmem:$0x1D800] =	vst v63  }
0x11e: {  	s13 =	sadd.s32 $0x0, s22  }
0x11f: {  	[tilespmem:s1], [sflag:$0x2] =	stream.linear.gather [hbm4b:s13+s3], $0x4000, $0x38;
	[tilespmem:$0x1D800] =	vst v63  }
0x120: {  	_ =	swait.ge [sflag:s7], $0x4000  }
0x121: {  	[sflag:s7] =	ssyncset.done $0x0  }
0x122: {  	s13 =	simm.s32 $0x14080;
	[sflag:s7] =	ssyncadd.s32 $0xFFFFC000  }
0x123: {  	[spmem:s2] =	stream.indirect.scatter.add.f32 [tilespmem:s1], [sflag:$0x4], $0x80, s13, s0, $0xb8;
	[tilespmem:$0x1D800] =	vst v63  }
0x124: {  	_ =	swait.ge [sflag:s8], $0x4000  }
0x125: {  	[sflag:s8] =	ssyncset.done $0x0  }
0x126: {  	s23 =	sadd.s32 $0x0, s29;
	[sflag:s8] =	ssyncadd.s32 $0xFFFFC000  }
0x127: {  	[tilespmem:s30], [sflag:$0x1] =	stream.linear.gather [hbm4b:s23+s3], $0x4000, $0x38;
	[tilespmem:$0x1D800] =	vst v63  }
0x128: {  	_ =	swait.ge [sflag:s9], $0x4000  }
0x129: {  	s23 =	simm.s32 $0x1000;
	[sflag:s9] =	ssyncset.done $0x0  }
.LBB2_8:
0x12a: {  	p1 =	sne.s32 s23, $0x13000;
	[sflag:s9] =	ssyncadd.s32 $0xFFFFC000;
	s13 =	sadd.s32 $0x100, s13  }
0x12b: {  	s10 =	smov.u32 s23;
	s23 =	sadd.s32 $0x1000, s23;
	_ =	swait.ge [sflag:s31], $0x4000  }
0x12c: {  	[sflag:s31] =	ssyncset.done $0x0  }
0x12d: {  	s11 =	sadd.s32 $0xFFFFFF80, s13;
	[sflag:s31] =	ssyncadd.s32 $0xFFFFC000  }
0x12e: {  	[spmem:s2] =	stream.indirect.scatter.add.f32 [tilespmem:s30], [sflag:$0x3], $0x80, s11, s0, $0xb8;
	[tilespmem:$0x1D800] =	vst v63  }
0x12f: {  	s11 =	sadd.s32 s10, s22  }
0x130: {  	[tilespmem:s1], [sflag:$0x2] =	stream.linear.gather [hbm4b:s11+s3], $0x4000, $0x38;
	[tilespmem:$0x1D800] =	vst v63  }
0x131: {  	_ =	swait.ge [sflag:s7], $0x4000  }
0x132: {  	[sflag:s7] =	ssyncset.done $0x0  }
0x133: {  	[sflag:s7] =	ssyncadd.s32 $0xFFFFC000  }
0x134: {  	[spmem:s2] =	stream.indirect.scatter.add.f32 [tilespmem:s1], [sflag:$0x4], $0x80, s13, s0, $0xb8;
	[tilespmem:$0x1D800] =	vst v63  }
0x135: {  	_ =	swait.ge [sflag:s8], $0x4000  }
.Ltmp3:
0x136: {  	[sflag:s8] =	ssyncset.done $0x0;
	(pc) =	sbr.rel @p1 .LBB2_8-.Ltmp3, $4  }
0x137: {  	s10 =	sadd.s32 s10, s29;
	[sflag:s8] =	ssyncadd.s32 $0xFFFFC000  }
0x138: {  	[tilespmem:s30], [sflag:$0x1] =	stream.linear.gather [hbm4b:s10+s3], $0x4000, $0x38;
	[tilespmem:$0x1D800] =	vst v63  }
0x139: {  	_ =	swait.ge [sflag:s9], $0x4000  }
0x13a: {  	[sflag:s9] =	ssyncset.done $0x0  }
0x13b: {  	[sflag:s9] =	ssyncadd.s32 $0xFFFFC000  }
0x13c: {  	_ =	swait.ge [sflag:s31], $0x4000  }
0x13d: {  	[sflag:s31] =	ssyncset.done $0x0  }
0x13e: {  	[sflag:s31] =	ssyncadd.s32 $0xFFFFC000  }
0x13f: {  	[spmem:s2] =	stream.indirect.scatter.add.f32 [tilespmem:s30], [sflag:$0x3], $0x80, s26, s0, $0xb8;
	[tilespmem:$0x1D800] =	vst v63  }
0x140: {  	s10 =	rddreg [dreg:$0x1e]  }
0x141: {  	[tilespmem:s1], [sflag:$0x2] =	stream.linear.gather [hbm4b:s10+s3], $0x4000, $0x38;
	[tilespmem:$0x1D800] =	vst v63  }
0x142: {  	_ =	swait.ge [sflag:s7], $0x4000  }
0x143: {  	[sflag:s7] =	ssyncset.done $0x0  }
0x144: {  	s11 =	simm.s32 $0x15480;
	[sflag:s7] =	ssyncadd.s32 $0xFFFFC000  }
0x145: {  	[spmem:s2] =	stream.indirect.scatter.add.f32 [tilespmem:s1], [sflag:$0x4], $0x80, s11, s0, $0xb8;
	[tilespmem:$0x1D800] =	vst v63  }
0x146: {  	_ =	swait.ge [sflag:s8], $0x4000  }
0x147: {  	[sflag:s8] =	ssyncset.done $0x0  }
0x148: {  	s13 =	rddreg [dreg:$0x1f];
	[sflag:s8] =	ssyncadd.s32 $0xFFFFC000  }
0x149: {  	[tilespmem:s30], [sflag:$0x1] =	stream.linear.gather [hbm4b:s13+s3], $0x4000, $0x38;
	[tilespmem:$0x1D800] =	vst v63  }
0x14a: {  	_ =	swait.ge [sflag:s9], $0x4000  }
0x14b: {  	[sflag:s9] =	ssyncset.done $0x0  }
0x14c: {  	[sflag:s9] =	ssyncadd.s32 $0xFFFFC000  }
0x14d: {  	_ =	swait.ge [sflag:s31], $0x4000  }
0x14e: {  	[sflag:s31] =	ssyncset.done $0x0  }
0x14f: {  	[sflag:s31] =	ssyncadd.s32 $0xFFFFC000  }
0x150: {  	[bflag:$0x0] =	sbarrier.arrive $0xFFFF  }
0x151: {  	s23 =	rddreg [dreg:$0x19]  }
0x152: {  	[hbm:s23], [sflag:s15] =	dma.local [spmem:s18], $0x2700  }
0x153: {  	_ =	swait.ge [sflag:s25], $0x2700  }
0x154: {  	[sflag:s25] =	ssyncset.done $0x0  }
0x155: {  	s10 =	rddreg [dreg:$0xd];
	[sflag:s25] =	ssyncadd.s32 $0xFFFFD900  }
0x156: {  	[hbm:s10], [sflag:s15] =	dma.local @!p0 [spmem:s14], $0x100  }
0x157: {  	s10 =	simm.s32 @!p0 $0x5  }
0x158: {  	_ =	swait.ge @!p0 [sflag:s10], $0x100  }
0x159: {  	[sflag:s10] =	ssyncset.done @!p0 $0x0  }
0x15a: {  	[sflag:s10] =	ssyncadd.s32 @!p0 $0xFFFFFF00  }
0x15b: {  	[bflag:$0x0] =	sbarrier.arrive $0xFFFF  }
0x15c: {  	[spmem:s16], [sflag:s15] =	dma.local [hbm:s6], $0x2800  }
0x15d: {  	_ =	swait.ge [sflag:s25], $0x2800  }
0x15e: {  	[sflag:s25] =	ssyncset.done $0x0  }
0x15f: {  	[sflag:s25] =	ssyncadd.s32 $0xFFFFD800  }
0x160: {  	[bflag:$0x0] =	sbarrier.arrive $0xFFFF  }
0x161: {  	s6 =	simm.s32 $0x0;
	s11 =	rddreg [dreg:$0x1a]  }
0x162: {  	[tilespmem:s30], [sflag:$0x1] =	stream.linear.gather [hbm4b:s11+s6], $0x4000, $0x38;
	[tilespmem:$0x1D800] =	vst v63  }
0x163: {  	_ =	swait.ge [sflag:s31], $0x4000  }
0x164: {  	[sflag:s31] =	ssyncset.done $0x0  }
0x165: {  	s13 =	simm.s32 $0x14000;
	[sflag:s31] =	ssyncadd.s32 $0xFFFFC000  }
0x166: {  	[spmem:s2] =	stream.indirect.scatter.add.f32 [tilespmem:s30], [sflag:$0x3], $0x80, s13, s0, $0xb8;
	[tilespmem:$0x1D800] =	vst v63  }
0x167: {  	s16 =	sadd.s32 $0x0, s24  }
0x168: {  	[tilespmem:s1], [sflag:$0x2] =	stream.linear.gather [hbm4b:s16+s3], $0x4000, $0x38;
	[tilespmem:$0x1D800] =	vst v63  }
0x169: {  	_ =	swait.ge [sflag:s7], $0x4000  }
0x16a: {  	[sflag:s7] =	ssyncset.done $0x0  }
0x16b: {  	s13 =	simm.s32 $0x14080;
	[sflag:s7] =	ssyncadd.s32 $0xFFFFC000  }
0x16c: {  	[spmem:s2] =	stream.indirect.scatter.add.f32 [tilespmem:s1], [sflag:$0x4], $0x80, s13, s0, $0xb8;
	[tilespmem:$0x1D800] =	vst v63  }
0x16d: {  	_ =	swait.ge [sflag:s8], $0x4000  }
0x16e: {  	[sflag:s8] =	ssyncset.done $0x0  }
0x16f: {  	s23 =	sadd.s32 $0x0, s17;
	[sflag:s8] =	ssyncadd.s32 $0xFFFFC000  }
0x170: {  	[tilespmem:s30], [sflag:$0x1] =	stream.linear.gather [hbm4b:s23+s3], $0x4000, $0x38;
	[tilespmem:$0x1D800] =	vst v63  }
0x171: {  	_ =	swait.ge [sflag:s9], $0x4000  }
0x172: {  	s16 =	simm.s32 $0x1000;
	[sflag:s9] =	ssyncset.done $0x0  }
.LBB2_10:
0x173: {  	p1 =	sne.s32 s16, $0x13000;
	[sflag:s9] =	ssyncadd.s32 $0xFFFFC000;
	s13 =	sadd.s32 $0x100, s13  }
0x174: {  	s10 =	smov.u32 s16;
	s16 =	sadd.s32 $0x1000, s16;
	_ =	swait.ge [sflag:s31], $0x4000  }
0x175: {  	[sflag:s31] =	ssyncset.done $0x0  }
0x176: {  	s11 =	sadd.s32 $0xFFFFFF80, s13;
	[sflag:s31] =	ssyncadd.s32 $0xFFFFC000  }
0x177: {  	[spmem:s2] =	stream.indirect.scatter.add.f32 [tilespmem:s30], [sflag:$0x3], $0x80, s11, s0, $0xb8;
	[tilespmem:$0x1D800] =	vst v63  }
0x178: {  	s11 =	sadd.s32 s10, s24  }
0x179: {  	[tilespmem:s1], [sflag:$0x2] =	stream.linear.gather [hbm4b:s11+s3], $0x4000, $0x38;
	[tilespmem:$0x1D800] =	vst v63  }
0x17a: {  	_ =	swait.ge [sflag:s7], $0x4000  }
0x17b: {  	[sflag:s7] =	ssyncset.done $0x0  }
0x17c: {  	[sflag:s7] =	ssyncadd.s32 $0xFFFFC000  }
0x17d: {  	[spmem:s2] =	stream.indirect.scatter.add.f32 [tilespmem:s1], [sflag:$0x4], $0x80, s13, s0, $0xb8;
	[tilespmem:$0x1D800] =	vst v63  }
0x17e: {  	_ =	swait.ge [sflag:s8], $0x4000  }
.Ltmp4:
0x17f: {  	[sflag:s8] =	ssyncset.done $0x0;
	(pc) =	sbr.rel @p1 .LBB2_10-.Ltmp4, $4  }
0x180: {  	s10 =	sadd.s32 s10, s17;
	[sflag:s8] =	ssyncadd.s32 $0xFFFFC000  }
0x181: {  	[tilespmem:s30], [sflag:$0x1] =	stream.linear.gather [hbm4b:s10+s3], $0x4000, $0x38;
	[tilespmem:$0x1D800] =	vst v63  }
0x182: {  	_ =	swait.ge [sflag:s9], $0x4000  }
0x183: {  	[sflag:s9] =	ssyncset.done $0x0  }
0x184: {  	[sflag:s9] =	ssyncadd.s32 $0xFFFFC000  }
0x185: {  	_ =	swait.ge [sflag:s31], $0x4000  }
0x186: {  	[sflag:s31] =	ssyncset.done $0x0  }
0x187: {  	s10 =	sld [smem:$0x7FC];
	[sflag:s31] =	ssyncadd.s32 $0xFFFFC000  }
0x188: {  	[spmem:s2] =	stream.indirect.scatter.add.f32 [tilespmem:s30], [sflag:$0x3], $0x80, s26, s0, $0xb8;
	[tilespmem:$0x1D800] =	vst v63  }
0x189: {  	_ = 	snop  }
0x18a: {  	[tilespmem:s1], [sflag:$0x2] =	stream.linear.gather [hbm4b:s10+s3], $0x4000, $0x38;
	[tilespmem:$0x1D800] =	vst v63  }
0x18b: {  	_ =	swait.ge [sflag:s7], $0x4000  }
0x18c: {  	[sflag:s7] =	ssyncset.done $0x0  }
0x18d: {  	s6 =	simm.s32 $0x15480;
	[sflag:s7] =	ssyncadd.s32 $0xFFFFC000  }
0x18e: {  	[spmem:s2] =	stream.indirect.scatter.add.f32 [tilespmem:s1], [sflag:$0x4], $0x80, s6, s0, $0xb8;
	[tilespmem:$0x1D800] =	vst v63  }
0x18f: {  	_ =	swait.ge [sflag:s8], $0x4000  }
0x190: {  	s23 =	sld [smem:$0x7FD]  }
0x191: {  	[sflag:s8] =	ssyncset.done $0x0  }
0x192: {  	[sflag:s8] =	ssyncadd.s32 $0xFFFFC000  }
0x193: {  	[tilespmem:s30], [sflag:$0x1] =	stream.linear.gather [hbm4b:s23+s3], $0x4000, $0x38;
	[tilespmem:$0x1D800] =	vst v63  }
0x194: {  	_ =	swait.ge [sflag:s9], $0x4000  }
0x195: {  	[sflag:s9] =	ssyncset.done $0x0  }
0x196: {  	[sflag:s9] =	ssyncadd.s32 $0xFFFFC000  }
0x197: {  	_ =	swait.ge [sflag:s31], $0x4000  }
0x198: {  	[sflag:s31] =	ssyncset.done $0x0  }
0x199: {  	[sflag:s31] =	ssyncadd.s32 $0xFFFFC000  }
0x19a: {  	[bflag:$0x0] =	sbarrier.arrive $0xFFFF  }
0x19b: {  	s26 =	rddreg [dreg:$0x1b]  }
0x19c: {  	[hbm:s26], [sflag:s15] =	dma.local [spmem:s18], $0x2700  }
0x19d: {  	_ =	swait.ge [sflag:s25], $0x2700  }
0x19e: {  	[sflag:s25] =	ssyncset.done $0x0  }
0x19f: {  	s10 =	rddreg [dreg:$0xe];
	[sflag:s25] =	ssyncadd.s32 $0xFFFFD900  }
0x1a0: {  	[hbm:s10], [sflag:s15] =	dma.local @!p0 [spmem:s14], $0x100  }
0x1a1: {  	s10 =	simm.s32 @!p0 $0x5  }
0x1a2: {  	_ =	swait.ge @!p0 [sflag:s10], $0x100  }
0x1a3: {  	s12 =	sadd.s32 $0x1, s12;
	s11 =	rddreg [dreg:$0xf]  }
0x1a4: {  	p1 =	sne.s32 s12, s11  }
.Ltmp5:
0x1a5: {  	_ = 	snop;
	(pc) =	sbr.rel @p1 .LBB2_1-.Ltmp5, $3  }
0x1a6: {  	_ =	sdelay $0x1  }
0x1a7: {  	[sflag:s10] =	ssyncset.done @!p0 $0x0  }
0x1a8: {  	[sflag:s10] =	ssyncadd.s32 @!p0 $0xFFFFFF00  }
0x1a9: {  	_ =	sfence.sel $0x180000  }
0x1aa: {  	[bflag:$0x0] =	sbarrier.arrive $0xFFFF  }
0x1ab: {  	_ =	strace $0x9000004A  }
0x1ac: {  	[bflag:$0x2] =	sbarrier.arrive $0xFFFF  }
0x1ad: {  	s0 =	rddreg [dreg:$0x2]  }
0x1ae: {  	s0 =	sadd.s32 @!p0 $0x100000, s0  }
0x1af: {  	[sflag:s0] =	ssyncadd.tile.s32 @!p0 $0x1;
	_ =	shalt  }
.Lfunc_end2:
_tile_overlayer_lowered:
.L_overlay_start_2:
0x1b0: {  	(tag) =	ssettag $0x2  }
0x1b1: {  	s0 =	rddreg [dreg:$0x0];
	s2 =	stileid.u32  }
0x1b2: {  	s1 =	rddreg [dreg:$0x1];
	p0 =	sne.s32 s2, $0x0  }
0x1b3: {  	s3 =	rddreg [dreg:$0x2];
	[bflag:$0x3] =	sbarrier.arrive $0xFFFF;
	s2 =	simm.s32 @!p0 $0x1C05  }
0x1b4: {  	[timem:s3], [sflag:s2] =	dma.local @!p0 [hbm:s0], s1  }
0x1b5: {  	s0 =	simm.s32 @!p0 $0x5  }
0x1b6: {  	_ =	swait.ge @!p0 [sflag:s0], s1  }
0x1b7: {  	s1 =	ssub.s32 @!p0 $0x0, s1;
	[sflag:s0] =	ssyncset.done @!p0 $0x0  }
0x1b8: {  	[sflag:s0] =	ssyncadd.s32 @!p0 s1  }
0x1b9: {  	[bflag:$0x3] =	sbarrier.arrive $0xFFFF  }
0x1ba: {  	_ =	shalt  }

// kernel: kernel.15.cloned.1.call-start
scs
__scs_entry_jumppad:
0x0: {  	(pc) =	sbr.rel $0x88, $3  }
0x1: {  	(tag) =	ssettag $0x0;
	lr =	simm.s32 $0x1  }
0x2: {  	[smem:$0x3F94] =	sst lr;
	_ =	strace $0xD0000000  }
0x3: {  	_ = 	snop  }
0x4: {  	_ = 	snop  }
0x5: {  	_ = 	snop  }
0x6: {  	_ = 	snop  }
0x7: {  	_ = 	snop  }
__scs_overlays_trampoline_lowered:
0x8: {  	[smem:$0x3FA3] =	sst s0  }
0x9: {  	[smem:$0x3FA4] =	sst s1  }
0xa: {  	[smem:$0x3FA5] =	sst s2  }
0xb: {  	[smem:$0x3FA6] =	sst s3  }
0xc: {  	[smem:$0x3FA7] =	sst s4  }
0xd: {  	[smem:$0x3FA8] =	sst s5  }
0xe: {  	[smem:$0x3FA9] =	sst s6  }
0xf: {  	[smem:$0x3FAA] =	sst s7  }
0x10: {  	[smem:$0x3FAB] =	sst s8  }
0x11: {  	[smem:$0x3FAC] =	sst s9;
	s0 =	simm.s32 @!p0 $0x0  }
0x12: {  	s1 =	sld [smem:$0x3F92];
	s0 =	simm.s32 @p0 $0x1  }
0x13: {  	[smem:$0x3FAD] =	sst s0;
	s0 =	simm.s32 @!p1 $0x0  }
0x14: {  	s2 =	sld [smem:$0x3F91];
	s0 =	simm.s32 @p1 $0x1  }
0x15: {  	[smem:$0x3FAE] =	sst s0;
	s0 =	simm.s32 @!p2 $0x0  }
0x16: {  	s3 =	sld [smem:$0x3FDB];
	s0 =	simm.s32 @p2 $0x1  }
0x17: {  	s4 =	simm.s32 $0x1BF5;
	[smem:$0x3FB0] =	sst s0  }
0x18: {  	s0 =	sld [smem:$0x3F93];
	_ =	swait.ge [sflag:s4], $0x0  }
0x19: {  	s7 =	sld [smem:$0x3F94]  }
0x1a: {  	s8 =	sadd.s32 $0xFFFFE003, lr  }
0x1b: {  	s9 =	sadd.s32 $0xFFFFFEF7, lr;
	s5 =	simm.s32 $0xFFFFFFFF;
	p2 =	slt.u32 s8, $0xFFFFF086  }
0x1c: {  	p1 =	slt.u32 s9, $0xF7A;
	s5 =	simm.s32 @!p2 $0x0  }
0x1d: {  	s5 =	simm.s32 @p1 $0x1;
	p0 =	seq.s32 s7, s2  }
0x1e: {  	s7 =	smul.u32 @!p0 $0xF7A, s2;
	p2 =	seq.s32 @!p0 s5, $0x0  }
0x1f: {  	s9 =	smul.u32 $0xF7A, s1;
	s8 =	simm.s32 @!p0 $0x1BF5;
	p2 =	por !p2, p0  }
0x20: {  	[sflag:s8] =	ssyncset.s32 @!p0 $0xFFFFF086;
	s6 =	sadd.s32 @!p0 s3, s7;
	s7 =	simm.s32 @!p0 $0x108  }
0x21: {  	s3 =	sadd.s32 s3, s9;
	s6 =	sadd.s32 @!p0 $0x88, s6;
	s7 =	simm.s32 @p2 $0x1082  }
0x22: {  	[simem:s7], [sflag:s8] =	dma.local @!p0 [hbm:s6], $0xF7A  }
0x23: {  	s9 =	sor.u32 $0xD0000000, s2;
	s6 =	simm.s32 $0x108;
	_ =	swait.ge @!p0 [sflag:s8], $0x0  }
0x24: {  	s3 =	sadd.s32 $0x88, s3;
	s6 =	simm.s32 @!p1 $0x1082;
	[sflag:s4] =	ssyncset.s32 $0xFFFFF086  }
0x25: {  	[simem:s6], [sflag:s4] =	dma.local [hbm:s3], $0xF7A  }
0x26: {  	[smem:$0x3F94] =	sst s1;
	(tag) =	ssettag s2;
	_ =	strace s9  }
0x27: {  	s1 =	sld [smem:$0x3FA4]  }
0x28: {  	s2 =	sld [smem:$0x3FA5]  }
0x29: {  	s4 =	sld [smem:$0x3FA7]  }
0x2a: {  	p0 =	seq.s32 s5, $0x0;
	s5 =	sld [smem:$0x3FA8]  }
0x2b: {  	s6 =	sld [smem:$0x3FA9]  }
0x2c: {  	s7 =	sld [smem:$0x3FAA]  }
0x2d: {  	s3 =	simm.s32 $0x108;
	s8 =	sld [smem:$0x3FAB]  }
0x2e: {  	s3 =	simm.s32 @!p0 $0x1082;
	s9 =	sld [smem:$0x3FAC]  }
0x2f: {  	lr =	sadd.s32 s0, s3;
	s0 =	sld [smem:$0x3FA3]  }
0x30: {  	s3 =	sld [smem:$0x3FA6]  }
0x31: {  	[smem:$0x3FAF] =	sst s10  }
0x32: {  	s10 =	sld [smem:$0x3FAD];
	_ =	sdelay $0x3  }
0x33: {  	p0 =	seq.s32 s10, $0x1;
	s10 =	sld [smem:$0x3FAF];
	_ =	sdelay $0x3  }
0x34: {  	[smem:$0x3FAF] =	sst s10  }
0x35: {  	s10 =	sld [smem:$0x3FAE];
	_ =	sdelay $0x3  }
0x36: {  	p1 =	seq.s32 s10, $0x1;
	s10 =	sld [smem:$0x3FAF];
	_ =	sdelay $0x3  }
0x37: {  	[smem:$0x3FAF] =	sst s10  }
0x38: {  	s10 =	sld [smem:$0x3FB0]  }
0x39: {  	_ = 	snop;
	(pc) =	sbr.ind lr, $3  }
0x3a: {  	_ = 	snop  }
0x3b: {  	_ = 	snop  }
0x3c: {  	p2 =	seq.s32 s10, $0x1;
	s10 =	sld [smem:$0x3FAF]  }
0x3d: {  	_ =	shalt  }
0x3e: {  	_ =	shalt  }
0x3f: {  	_ =	shalt  }
0x40: {  	_ =	shalt  }
0x41: {  	_ =	shalt  }
0x42: {  	_ =	shalt  }
0x43: {  	_ =	shalt  }
0x44: {  	_ =	shalt  }
0x45: {  	_ =	shalt  }
0x46: {  	_ =	shalt  }
0x47: {  	_ =	shalt  }
0x48: {  	_ =	shalt  }
0x49: {  	_ =	shalt  }
0x4a: {  	_ =	shalt  }
0x4b: {  	_ =	shalt  }
0x4c: {  	_ =	shalt  }
0x4d: {  	_ =	shalt  }
0x4e: {  	_ =	shalt  }
0x4f: {  	_ =	shalt  }
0x50: {  	_ =	shalt  }
0x51: {  	_ =	shalt  }
0x52: {  	_ =	shalt  }
0x53: {  	_ =	shalt  }
0x54: {  	_ =	shalt  }
0x55: {  	_ =	shalt  }
0x56: {  	_ =	shalt  }
0x57: {  	_ =	shalt  }
0x58: {  	_ =	shalt  }
0x59: {  	_ =	shalt  }
0x5a: {  	_ =	shalt  }
0x5b: {  	_ =	shalt  }
0x5c: {  	_ =	shalt  }
0x5d: {  	_ =	shalt  }
0x5e: {  	_ =	shalt  }
0x5f: {  	_ =	shalt  }
0x60: {  	_ =	shalt  }
0x61: {  	_ =	shalt  }
0x62: {  	_ =	shalt  }
0x63: {  	_ =	shalt  }
0x64: {  	_ =	shalt  }
0x65: {  	_ =	shalt  }
0x66: {  	_ =	shalt  }
0x67: {  	_ =	shalt  }
0x68: {  	_ =	shalt  }
0x69: {  	_ =	shalt  }
0x6a: {  	_ =	shalt  }
0x6b: {  	_ =	shalt  }
0x6c: {  	_ =	shalt  }
0x6d: {  	_ =	shalt  }
0x6e: {  	_ =	shalt  }
0x6f: {  	_ =	shalt  }
0x70: {  	_ =	shalt  }
0x71: {  	_ =	shalt  }
0x72: {  	_ =	shalt  }
0x73: {  	_ =	shalt  }
0x74: {  	_ =	shalt  }
0x75: {  	_ =	shalt  }
0x76: {  	_ =	shalt  }
0x77: {  	_ =	shalt  }
0x78: {  	_ =	shalt  }
0x79: {  	_ =	shalt  }
0x7a: {  	_ =	shalt  }
0x7b: {  	_ =	shalt  }
0x7c: {  	_ =	shalt  }
0x7d: {  	_ =	shalt  }
0x7e: {  	_ =	shalt  }
0x7f: {  	_ =	shalt  }
0x80: {  	_ =	shalt  }
0x81: {  	_ =	shalt  }
0x82: {  	_ =	shalt  }
0x83: {  	_ =	shalt  }
0x84: {  	_ =	shalt  }
0x85: {  	_ =	shalt  }
0x86: {  	_ =	shalt  }
0x87: {  	_ =	shalt  }
.Lfunc_end0:
.L_simem_size_0:
called_computation.2_lowered:
.L_overlay_start_0:
0x88: {  	s2 =	sld [smem:$0x3FD9]  }
0x89: {  	s3 =	sld [smem:$0x3FFE];
	_ =	sdelay $0x1  }
0x8a: {  	s1 =	srdreg.scid  }
0x8b: {  	s0 =	sand.u32 $0x1, s1  }
0x8c: {  	s16 =	sshll.u32 s0, $0xA;
	s2 =	sadd.s32 s3, s2  }
0x8d: {  	s2 =	sadd.s32 s2, s16  }
0x8e: {  	[smem:$0x3FBB] =	sst s2  }
0x8f: {  	_ = 	snop  }
0x90: {  	(tm) =	ssettm $0x1  }
0x91: {  	s17 =	sld [smem:$0x3FFB];
	_ =	sdelay $0x3  }
0x92: {  	_ =	strace s17  }
0x93: {  	s2 =	sld [smem:$0x3FFC];
	_ =	sdelay $0x3  }
0x94: {  	_ =	strace s2  }
0x95: {  	s2 =	sld [smem:$0x3FFD];
	_ =	sdelay $0x3  }
0x96: {  	_ =	strace s2  }
0x97: {  	_ =	strace $0x8FFFFFFF  }
0x98: {  	s18 =	sld [smem:$0x3FDB];
	_ =	sdelay $0x1  }
0x99: {  	s19 =	simm.s32 $_scs_section_size  }
0x9a: {  	s4 =	simm.s32 $_size__tile_overlayer_lowered;
	s5 =	simm.s32 $_tile_overlayer_lowered  }
0x9b: {  	s22 =	simm.s32 $0x1BFF;
	s21 =	sshll.u32 s5, $0x1;
	s2 =	sadd.s32 s19, s18  }
0x9c: {  	s6 =	simm.s32 $0x0;
	s20 =	sshll.u32 s4, $0x1;
	s4 =	sadd.s32 s21, s2  }
0x9d: {  	[timem:s6], [sflag:s22] =	dma.local [hbm:s4], s20  }
0x9e: {  	_ =	swait.ge [sflag:s22], s20  }
0x9f: {  	s3 =	ssub.s32 $0x0, s20;
	[sflag:s22] =	ssyncset.done $0x0  }
0xa0: {  	[sflag:s22] =	ssyncadd.s32 s3;
	_ =	sdelay $0x1  }
0xa1: {  	s23 =	simm.s32 $0x1B8B  }
0xa2: {  	_ =	swait.ge [sflag:s23], $0x1  }
0xa3: {  	[sflag:s23] =	ssyncset.done $0x0  }
0xa4: {  	s25 =	simm.s32 $0x1B8E;
	s24 =	sld [smem:$0x3FFE];
	[sflag:s23] =	ssyncadd.s32 $0xFFFFFFFF  }
0xa5: {  	s26 =	simm.s32 $execute0_lowered;
	[smem:$0x3FD2] =	sst s25  }
0xa6: {  	s4 =	sshll.u32 s26, $0x1;
	_ =	strace $0x8000004C;
	[dreg:$0x1] =	wrdreg $0xFFFFFFFF  }
0xa7: {  	s28 =	simm.s32 $_size_execute0_lowered;
	s2 =	sadd.s32 s2, s4;
	[dreg:$0x0] =	wrdreg $0x0  }
0xa8: {  	s4 =	sshll.u32 s28, $0x1;
	[dreg:$0x2] =	wrdreg s2  }
0xa9: {  	[dreg:$0x3] =	wrdreg s4  }
0xaa: {  	[dreg:$0x4] =	wrdreg $0xC0  }
0xab: {  	_ =	task [dreg:s6], $0x5FFFF  }
0xac: {  	[dreg:$0x1] =	wrdreg $0xFFFFFFFF  }
0xad: {  	[dreg:$0x0] =	wrdreg $0x60  }
0xae: {  	[dreg:$0x2] =	wrdreg s24  }
0xaf: {  	[dreg:$0x3] =	wrdreg $0x0  }
0xb0: {  	[dreg:$0x4] =	wrdreg $0x9  }
0xb1: {  	_ =	task.clear_ibuf [dreg:s6], $0x5FFFF;
	_ =	strace $0x9000004C  }
0xb2: {  	s29 =	simm.s32 $0x9;
	_ =	strace $0x8000004E  }
0xb3: {  	_ =	swait.ge [sflag:s29], $0x1  }
0xb4: {  	[sflag:s29] =	ssyncadd.s32 $0xFFFFFFFF  }
0xb5: {  	_ =	strace $0x9000004E  }
0xb6: {  	_ =	sfence  }
0xb7: {  	s30 =	sld [smem:$0x0];
	_ =	sdelay $0x2  }
0xb8: {  	s31 =	sshll.u32 s1, $0xD;
	s1 =	sshrl.u32 s1, $0x2  }
0xb9: {  	s3 =	sand.u32 $0x4000, s31;
	s1 =	sadd.s32 s1, s30  }
0xba: {  	s0 =	sor.u32 s3, s0;
	s1 =	sshll.u32 s1, $0x11  }
0xbb: {  	s0 =	sor.u32 s1, s0  }
0xbc: {  	s0 =	sadd.s32 $0x8F2B, s0  }
0xbd: {  	[sflag:s0] =	ssyncadd.remote.s32 $0x1  }
0xbe: {  	_ =	sfence.sel $0xFFFF  }
0xbf: {  	[dreg:$0x0] =	wrdreg $0xFFFFFFFF;
	(pc) =	sbr.abs _section_cstart, $3  }
0xc0: {  	[dreg:$0x1] =	wrdreg $0xFFFFFFFF  }
0xc1: {  	_ =	task.clear_ibuf [dreg:s6], $0x2FFFF;
	_ =	strace $0x9FFFFFFF  }
0xc2: {  	(tm) =	ssettm $0x7FFFFFFF  }
0xc3: {  	_ =	shalt  }
tec
execute0_lowered:
.L_overlay_start_1:
0x0: {  	(tag) =	ssettag $0x1  }
0x1: {  	s0 =	rddreg [dreg:$0x0];
	s1 =	srdreg.scid  }
0x2: {  	s11 =	stileid.u32;
	s2 =	rddreg [dreg:$0x1];
	s4 =	simm.s32 $0x0  }
0x3: {  	s28 =	simm.s32 $0x16800;
	s29 =	simm.s32 $0x1;
	s30 =	simm.s32 $0x1A800  }
0x4: {  	s31 =	simm.s32 $0x2;
	s1 =	sand.u32 $0x1, s1;
	s3 =	sshll.u32 s11, $0x1  }
0x5: {  	[smem:$0x7FF] =	sst s4;
	s4 =	sadd.s32 $0x19B600, s0;
	s7 =	smul.u32 $0x50000, s11  }
0x6: {  	s5 =	sadd.s32 $0xD400, s0;
	s10 =	sadd.s32 $0xFC00, s0;
	s16 =	smul.u32 $0x13800, s11  }
0x7: {  	s17 =	smul.u32 $0x4E000, s11;
	s23 =	sadd.s32 $0x138000, s2;
	s13 =	sadd.s32 $0x1C2700, s0  }
0x8: {  	p0 =	sne.s32 s11, $0x0;
	s3 =	sor.u32 s1, s3;
	_ =	strace $0x8000004D  }
0x9: {  	s6 =	ssub.s32 $0x2, s1;
	s1 =	smul.u32 $0x4E2000, s1;
	[dreg:$0x8] =	wrdreg s23  }
0xa: {  	s23 =	simm.s32 $0x14000;
	s3 =	smul.u32 $0x280, s3;
	s8 =	sshrl.u32 s6, $0x1  }
0xb: {  	s7 =	sshrl.u32 s7, $0x2;
	s20 =	sshrl.u32 s17, $0x2;
	s6 =	ssub.s32 s6, s8  }
0xc: {  	s18 =	sadd.s32 s7, s2;
	s19 =	sadd.s32 s16, s1;
	s1 =	sshrl.u32 s1, $0x3  }
0xd: {  	s21 =	sadd.s32 s20, s2;
	s16 =	sadd.s32 $0x1E9800, s0;
	[dreg:$0x5] =	wrdreg s18  }
0xe: {  	s7 =	simm.s32 $0x0;
	s3 =	sadd.s32 s3, s0;
	[dreg:$0x6] =	wrdreg s21  }
0xf: {  	s1 =	sadd.s32 s10, s1;
	s9 =	sadd.s32 $0x196600, s3;
	s3 =	sadd.s32 $0x3400, s3  }
0x10: {  	s22 =	sadd.s32 $0x27000, s1;
	s25 =	sadd.s32 $0x4E100, s1;
	[dreg:$0x3] =	wrdreg s9  }
0x11: {  	s18 =	sadd.s32 $0x75200, s1;
	s21 =	sadd.s32 $0x9C300, s1;
	[dreg:$0x4] =	wrdreg s3  }
0x12: {  	s1 =	simm.s32 $0x16700;
	s3 =	sshrl.u32 s19, $0x3;
	[dreg:$0x7] =	wrdreg s22  }
0x13: {  	[dreg:$0xa] =	wrdreg s25;
	s19 =	sadd.s32 $0x210900, s0;
	s22 =	smax.u32 s6, $0x1  }
0x14: {  	s0 =	simm.s32 $0x3;
	s25 =	simm.s32 $0x4;
	s9 =	sadd.s32 s10, s3  }
0x15: {  	s6 =	simm.s32 $0x16780;
	s3 =	simm.s32 $0x15380;
	s24 =	sadd.s32 $0x27100, s9  }
0x16: {  	s26 =	sadd.s32 $0x4E200, s9;
	s20 =	sadd.s32 $0x75300, s9;
	[dreg:$0x9] =	wrdreg s24  }
0x17: {  	[dreg:$0xb] =	wrdreg s26;
	s24 =	simm.s32 $0x5;
	s26 =	simm.s32 $0x80  }
.LBB2_1:
0x18: {  	s8 =	simm.s32 $0x0;
	s10 =	rddreg [dreg:$0x3]  }
0x19: {  	[tilespmem:s23], [sflag:$0x5] =	stream.linear.gather [hbm4b:s10+s8], $0x1400, $0x38;
	[tilespmem:$0x1E800] =	vst v63  }
0x1a: {  	_ =	swait.ge [sflag:s24], $0x1400  }
0x1b: {  	[sflag:s24] =	ssyncset.done $0x0  }
0x1c: {  	s11 =	simm.s32 $0x15400;
	s17 =	rddreg [dreg:$0x4];
	[sflag:s24] =	ssyncadd.s32 $0xFFFFEC00  }
0x1d: {  	[tilespmem:s11], [sflag:$0x5] =	stream.linear.gather [hbm4b:s17+s8], $0x1400, $0x38;
	[tilespmem:$0x1E800] =	vst v63  }
0x1e: {  	_ =	swait.ge [sflag:s24], $0x1400  }
0x1f: {  	[sflag:s24] =	ssyncset.done $0x0  }
0x20: {  	[sflag:s24] =	ssyncadd.s32 $0xFFFFEC00  }
0x21: {  	s10 =	stileid.u32;
	[bflag:$0x0] =	sbarrier.arrive $0xFFFF  }
0x22: {  	s8 =	sshll.u32 s10, $0x6;
	s11 =	rddreg [dreg:$0x5]  }
0x23: {  	s8 =	sor.u32 $0x1C05, s8;
	s10 =	sshrl.u32 s11, $0x3  }
0x24: {  	[spmem:s10], [sflag:s8] =	dma.local [hbm:s5], $0x2800  }
0x25: {  	_ =	swait.ge [sflag:s24], $0x2800  }
0x26: {  	[sflag:s24] =	ssyncset.done $0x0  }
0x27: {  	[sflag:s24] =	ssyncadd.s32 $0xFFFFD800  }
0x28: {  	[bflag:$0x0] =	sbarrier.arrive $0xFFFF  }
0x29: {  	[tilespmem:s28], [sflag:$0x1] =	stream.indirect.gather [hbm4b:s4+s26], $0x80, s23, s26, $0xb8;
	[tilespmem:$0x1E800] =	vst v63  }
0x2a: {  	_ =	swait.ge [sflag:s29], $0x4000  }
0x2b: {  	[sflag:s29] =	ssyncset.done $0x0  }
0x2c: {  	s12 =	simm.s32 $0x15400;
	[sflag:s29] =	ssyncadd.s32 $0xFFFFC000  }
0x2d: {  	[spmem:s2] =	stream.indirect.scatter.add.f32 [tilespmem:s28], [sflag:$0x3], $0x80, s12, s26, $0xb8;
	[tilespmem:$0x1E800] =	vst v63  }
0x2e: {  	s14 =	simm.s32 $0x14080  }
0x2f: {  	[tilespmem:s30], [sflag:$0x2] =	stream.indirect.gather [hbm4b:s4+s26], $0x80, s14, s26, $0xb8;
	[tilespmem:$0x1E800] =	vst v63  }
0x30: {  	_ =	swait.ge [sflag:s31], $0x4000  }
0x31: {  	[sflag:s31] =	ssyncset.done $0x0  }
0x32: {  	s15 =	simm.s32 $0x15480;
	[sflag:s31] =	ssyncadd.s32 $0xFFFFC000  }
0x33: {  	[spmem:s2] =	stream.indirect.scatter.add.f32 [tilespmem:s30], [sflag:$0x4], $0x80, s15, s26, $0xb8;
	[tilespmem:$0x1E800] =	vst v63  }
0x34: {  	_ =	swait.ge [sflag:s0], $0x4000  }
0x35: {  	[sflag:s0] =	ssyncset.done $0x0  }
0x36: {  	s17 =	simm.s32 $0x14100;
	[sflag:s0] =	ssyncadd.s32 $0xFFFFC000  }
0x37: {  	[tilespmem:s28], [sflag:$0x1] =	stream.indirect.gather [hbm4b:s4+s26], $0x80, s17, s26, $0xb8;
	[tilespmem:$0x1E800] =	vst v63  }
0x38: {  	_ =	swait.ge [sflag:s25], $0x4000  }
0x39: {  	s11 =	simm.s32 $0x400;
	[sflag:s25] =	ssyncset.done $0x0  }
.LBB2_2:
0x3a: {  	p1 =	sne.s32 s11, $0x4800  }
0x3b: {  	[sflag:s25] =	ssyncadd.s32 $0xFFFFC000;
	s12 =	smov.u32 s11;
	s11 =	sadd.s32 $0x400, s11  }
0x3c: {  	_ =	swait.ge [sflag:s29], $0x4000  }
0x3d: {  	s12 =	sshra.s32 s12, $0x2;
	[sflag:s29] =	ssyncset.done $0x0  }
0x3e: {  	s14 =	sadd.s32 $0x15400, s12;
	[sflag:s29] =	ssyncadd.s32 $0xFFFFC000  }
0x3f: {  	[spmem:s2] =	stream.indirect.scatter.add.f32 [tilespmem:s28], [sflag:$0x3], $0x80, s14, s26, $0xb8;
	[tilespmem:$0x1E800] =	vst v63  }
0x40: {  	s14 =	sadd.s32 $0x14080, s12  }
0x41: {  	[tilespmem:s30], [sflag:$0x2] =	stream.indirect.gather [hbm4b:s4+s26], $0x80, s14, s26, $0xb8;
	[tilespmem:$0x1E800] =	vst v63  }
0x42: {  	_ =	swait.ge [sflag:s31], $0x4000  }
0x43: {  	[sflag:s31] =	ssyncset.done $0x0  }
0x44: {  	s14 =	sadd.s32 $0x15480, s12;
	[sflag:s31] =	ssyncadd.s32 $0xFFFFC000  }
0x45: {  	[spmem:s2] =	stream.indirect.scatter.add.f32 [tilespmem:s30], [sflag:$0x4], $0x80, s14, s26, $0xb8;
	[tilespmem:$0x1E800] =	vst v63  }
0x46: {  	_ =	swait.ge [sflag:s0], $0x4000  }
.Ltmp0:
0x47: {  	[sflag:s0] =	ssyncset.done $0x0;
	(pc) =	sbr.rel @p1 .LBB2_2-.Ltmp0, $4  }
0x48: {  	s12 =	sadd.s32 $0x14100, s12;
	[sflag:s0] =	ssyncadd.s32 $0xFFFFC000  }
0x49: {  	[tilespmem:s28], [sflag:$0x1] =	stream.indirect.gather [hbm4b:s4+s26], $0x80, s12, s26, $0xb8;
	[tilespmem:$0x1E800] =	vst v63  }
0x4a: {  	_ =	swait.ge [sflag:s25], $0x4000  }
0x4b: {  	[sflag:s25] =	ssyncset.done $0x0  }
0x4c: {  	[sflag:s25] =	ssyncadd.s32 $0xFFFFC000  }
0x4d: {  	_ =	swait.ge [sflag:s29], $0x4000  }
0x4e: {  	[sflag:s29] =	ssyncset.done $0x0  }
0x4f: {  	[sflag:s29] =	ssyncadd.s32 $0xFFFFC000  }
0x50: {  	[spmem:s2] =	stream.indirect.scatter.add.f32 [tilespmem:s28], [sflag:$0x3], $0x80, s1, s26, $0xb8;
	[tilespmem:$0x1E800] =	vst v63  }
0x51: {  	_ = 	snop  }
0x52: {  	[tilespmem:s30], [sflag:$0x2] =	stream.indirect.gather [hbm4b:s4+s26], $0x80, s3, s26, $0xb8;
	[tilespmem:$0x1E800] =	vst v63  }
0x53: {  	_ =	swait.ge [sflag:s31], $0x4000  }
0x54: {  	[sflag:s31] =	ssyncset.done $0x0  }
0x55: {  	[sflag:s31] =	ssyncadd.s32 $0xFFFFC000  }
0x56: {  	[spmem:s2] =	stream.indirect.scatter.add.f32 [tilespmem:s30], [sflag:$0x4], $0x80, s6, s26, $0xb8;
	[tilespmem:$0x1E800] =	vst v63  }
0x57: {  	_ =	swait.ge [sflag:s0], $0x4000  }
0x58: {  	[sflag:s0] =	ssyncset.done $0x0  }
0x59: {  	[sflag:s0] =	ssyncadd.s32 $0xFFFFC000  }
0x5a: {  	[tilespmem:s28], [sflag:$0x1] =	stream.indirect.gather [hbm4b:s4+s26], $0x80, s3, s26, $0xb8;
	[tilespmem:$0x1E800] =	vst v63  }
0x5b: {  	_ =	swait.ge [sflag:s25], $0x4000  }
0x5c: {  	[sflag:s25] =	ssyncset.done $0x0  }
0x5d: {  	[sflag:s25] =	ssyncadd.s32 $0xFFFFC000  }
0x5e: {  	_ =	swait.ge [sflag:s29], $0x4000  }
0x5f: {  	[sflag:s29] =	ssyncset.done $0x0  }
0x60: {  	[sflag:s29] =	ssyncadd.s32 $0xFFFFC000  }
0x61: {  	[bflag:$0x0] =	sbarrier.arrive $0xFFFF  }
0x62: {  	s11 =	rddreg [dreg:$0x6]  }
0x63: {  	s11 =	sshrl.u32 s11, $0x3  }
0x64: {  	[hbm:s9], [sflag:s8] =	dma.local [spmem:s11], $0x2700  }
0x65: {  	_ =	swait.ge [sflag:s24], $0x2700  }
0x66: {  	[sflag:s24] =	ssyncset.done $0x0;
	s12 =	rddreg [dreg:$0x8]  }
0x67: {  	s14 =	rddreg [dreg:$0x7];
	[sflag:s24] =	ssyncadd.s32 $0xFFFFD900;
	s12 =	sshrl.u32 @!p0 s12, $0x3  }
0x68: {  	[hbm:s14], [sflag:s8] =	dma.local @!p0 [spmem:s12], $0x100  }
0x69: {  	s14 =	simm.s32 @!p0 $0x5  }
0x6a: {  	_ =	swait.ge @!p0 [sflag:s14], $0x100  }
0x6b: {  	[sflag:s14] =	ssyncset.done @!p0 $0x0  }
0x6c: {  	[sflag:s14] =	ssyncadd.s32 @!p0 $0xFFFFFF00  }
0x6d: {  	[bflag:$0x0] =	sbarrier.arrive $0xFFFF  }
0x6e: {  	[spmem:s10], [sflag:s8] =	dma.local [hbm:s5], $0x2800  }
0x6f: {  	_ =	swait.ge [sflag:s24], $0x2800  }
0x70: {  	[sflag:s24] =	ssyncset.done $0x0  }
0x71: {  	[sflag:s24] =	ssyncadd.s32 $0xFFFFD800  }
0x72: {  	[bflag:$0x0] =	sbarrier.arrive $0xFFFF  }
0x73: {  	[tilespmem:s28], [sflag:$0x1] =	stream.indirect.gather [hbm4b:s13+s26], $0x80, s23, s26, $0xb8;
	[tilespmem:$0x1E800] =	vst v63  }
0x74: {  	_ =	swait.ge [sflag:s29], $0x4000  }
0x75: {  	[sflag:s29] =	ssyncset.done $0x0  }
0x76: {  	s15 =	simm.s32 $0x15400;
	[sflag:s29] =	ssyncadd.s32 $0xFFFFC000  }
0x77: {  	[spmem:s2] =	stream.indirect.scatter.add.f32 [tilespmem:s28], [sflag:$0x3], $0x80, s15, s26, $0xb8;
	[tilespmem:$0x1E800] =	vst v63  }
0x78: {  	s17 =	simm.s32 $0x14080  }
0x79: {  	[tilespmem:s30], [sflag:$0x2] =	stream.indirect.gather [hbm4b:s13+s26], $0x80, s17, s26, $0xb8;
	[tilespmem:$0x1E800] =	vst v63  }
0x7a: {  	_ =	swait.ge [sflag:s31], $0x4000  }
0x7b: {  	[sflag:s31] =	ssyncset.done $0x0  }
0x7c: {  	s15 =	simm.s32 $0x15480;
	[sflag:s31] =	ssyncadd.s32 $0xFFFFC000  }
0x7d: {  	[spmem:s2] =	stream.indirect.scatter.add.f32 [tilespmem:s30], [sflag:$0x4], $0x80, s15, s26, $0xb8;
	[tilespmem:$0x1E800] =	vst v63  }
0x7e: {  	_ =	swait.ge [sflag:s0], $0x4000  }
0x7f: {  	[sflag:s0] =	ssyncset.done $0x0  }
0x80: {  	s17 =	simm.s32 $0x14100;
	[sflag:s0] =	ssyncadd.s32 $0xFFFFC000  }
0x81: {  	[tilespmem:s28], [sflag:$0x1] =	stream.indirect.gather [hbm4b:s13+s26], $0x80, s17, s26, $0xb8;
	[tilespmem:$0x1E800] =	vst v63  }
0x82: {  	_ =	swait.ge [sflag:s25], $0x4000  }
0x83: {  	s14 =	simm.s32 $0x400;
	[sflag:s25] =	ssyncset.done $0x0  }
.LBB2_4:
0x84: {  	p1 =	sne.s32 s14, $0x4800  }
0x85: {  	[sflag:s25] =	ssyncadd.s32 $0xFFFFC000;
	s15 =	smov.u32 s14;
	s14 =	sadd.s32 $0x400, s14  }
0x86: {  	_ =	swait.ge [sflag:s29], $0x4000  }
0x87: {  	s15 =	sshra.s32 s15, $0x2;
	[sflag:s29] =	ssyncset.done $0x0  }
0x88: {  	s17 =	sadd.s32 $0x15400, s15;
	[sflag:s29] =	ssyncadd.s32 $0xFFFFC000  }
0x89: {  	[spmem:s2] =	stream.indirect.scatter.add.f32 [tilespmem:s28], [sflag:$0x3], $0x80, s17, s26, $0xb8;
	[tilespmem:$0x1E800] =	vst v63  }
0x8a: {  	s17 =	sadd.s32 $0x14080, s15  }
0x8b: {  	[tilespmem:s30], [sflag:$0x2] =	stream.indirect.gather [hbm4b:s13+s26], $0x80, s17, s26, $0xb8;
	[tilespmem:$0x1E800] =	vst v63  }
0x8c: {  	_ =	swait.ge [sflag:s31], $0x4000  }
0x8d: {  	[sflag:s31] =	ssyncset.done $0x0  }
0x8e: {  	s17 =	sadd.s32 $0x15480, s15;
	[sflag:s31] =	ssyncadd.s32 $0xFFFFC000  }
0x8f: {  	[spmem:s2] =	stream.indirect.scatter.add.f32 [tilespmem:s30], [sflag:$0x4], $0x80, s17, s26, $0xb8;
	[tilespmem:$0x1E800] =	vst v63  }
0x90: {  	_ =	swait.ge [sflag:s0], $0x4000  }
.Ltmp1:
0x91: {  	[sflag:s0] =	ssyncset.done $0x0;
	(pc) =	sbr.rel @p1 .LBB2_4-.Ltmp1, $4  }
0x92: {  	s15 =	sadd.s32 $0x14100, s15;
	[sflag:s0] =	ssyncadd.s32 $0xFFFFC000  }
0x93: {  	[tilespmem:s28], [sflag:$0x1] =	stream.indirect.gather [hbm4b:s13+s26], $0x80, s15, s26, $0xb8;
	[tilespmem:$0x1E800] =	vst v63  }
0x94: {  	_ =	swait.ge [sflag:s25], $0x4000  }
0x95: {  	[sflag:s25] =	ssyncset.done $0x0  }
0x96: {  	[sflag:s25] =	ssyncadd.s32 $0xFFFFC000  }
0x97: {  	_ =	swait.ge [sflag:s29], $0x4000  }
0x98: {  	[sflag:s29] =	ssyncset.done $0x0  }
0x99: {  	[sflag:s29] =	ssyncadd.s32 $0xFFFFC000  }
0x9a: {  	[spmem:s2] =	stream.indirect.scatter.add.f32 [tilespmem:s28], [sflag:$0x3], $0x80, s1, s26, $0xb8;
	[tilespmem:$0x1E800] =	vst v63  }
0x9b: {  	_ = 	snop  }
0x9c: {  	[tilespmem:s30], [sflag:$0x2] =	stream.indirect.gather [hbm4b:s13+s26], $0x80, s3, s26, $0xb8;
	[tilespmem:$0x1E800] =	vst v63  }
0x9d: {  	_ =	swait.ge [sflag:s31], $0x4000  }
0x9e: {  	[sflag:s31] =	ssyncset.done $0x0  }
0x9f: {  	[sflag:s31] =	ssyncadd.s32 $0xFFFFC000  }
0xa0: {  	[spmem:s2] =	stream.indirect.scatter.add.f32 [tilespmem:s30], [sflag:$0x4], $0x80, s6, s26, $0xb8;
	[tilespmem:$0x1E800] =	vst v63  }
0xa1: {  	_ =	swait.ge [sflag:s0], $0x4000  }
0xa2: {  	[sflag:s0] =	ssyncset.done $0x0  }
0xa3: {  	[sflag:s0] =	ssyncadd.s32 $0xFFFFC000  }
0xa4: {  	[tilespmem:s28], [sflag:$0x1] =	stream.indirect.gather [hbm4b:s13+s26], $0x80, s3, s26, $0xb8;
	[tilespmem:$0x1E800] =	vst v63  }
0xa5: {  	_ =	swait.ge [sflag:s25], $0x4000  }
0xa6: {  	[sflag:s25] =	ssyncset.done $0x0  }
0xa7: {  	[sflag:s25] =	ssyncadd.s32 $0xFFFFC000  }
0xa8: {  	_ =	swait.ge [sflag:s29], $0x4000  }
0xa9: {  	[sflag:s29] =	ssyncset.done $0x0  }
0xaa: {  	[sflag:s29] =	ssyncadd.s32 $0xFFFFC000  }
0xab: {  	[bflag:$0x0] =	sbarrier.arrive $0xFFFF  }
0xac: {  	s14 =	rddreg [dreg:$0x9]  }
0xad: {  	[hbm:s14], [sflag:s8] =	dma.local [spmem:s11], $0x2700  }
0xae: {  	_ =	swait.ge [sflag:s24], $0x2700  }
0xaf: {  	[sflag:s24] =	ssyncset.done $0x0  }
0xb0: {  	s14 =	rddreg [dreg:$0xa];
	[sflag:s24] =	ssyncadd.s32 $0xFFFFD900  }
0xb1: {  	[hbm:s14], [sflag:s8] =	dma.local @!p0 [spmem:s12], $0x100  }
0xb2: {  	s14 =	simm.s32 @!p0 $0x5  }
0xb3: {  	_ =	swait.ge @!p0 [sflag:s14], $0x100  }
0xb4: {  	[sflag:s14] =	ssyncset.done @!p0 $0x0  }
0xb5: {  	[sflag:s14] =	ssyncadd.s32 @!p0 $0xFFFFFF00  }
0xb6: {  	[bflag:$0x0] =	sbarrier.arrive $0xFFFF  }
0xb7: {  	[spmem:s10], [sflag:s8] =	dma.local [hbm:s5], $0x2800  }
0xb8: {  	_ =	swait.ge [sflag:s24], $0x2800  }
0xb9: {  	[sflag:s24] =	ssyncset.done $0x0  }
0xba: {  	[sflag:s24] =	ssyncadd.s32 $0xFFFFD800  }
0xbb: {  	[bflag:$0x0] =	sbarrier.arrive $0xFFFF  }
0xbc: {  	[tilespmem:s28], [sflag:$0x1] =	stream.indirect.gather [hbm4b:s16+s26], $0x80, s23, s26, $0xb8;
	[tilespmem:$0x1E800] =	vst v63  }
0xbd: {  	_ =	swait.ge [sflag:s29], $0x4000  }
0xbe: {  	[sflag:s29] =	ssyncset.done $0x0  }
0xbf: {  	s15 =	simm.s32 $0x15400;
	[sflag:s29] =	ssyncadd.s32 $0xFFFFC000  }
0xc0: {  	[spmem:s2] =	stream.indirect.scatter.add.f32 [tilespmem:s28], [sflag:$0x3], $0x80, s15, s26, $0xb8;
	[tilespmem:$0x1E800] =	vst v63  }
0xc1: {  	s17 =	simm.s32 $0x14080  }
0xc2: {  	[tilespmem:s30], [sflag:$0x2] =	stream.indirect.gather [hbm4b:s16+s26], $0x80, s17, s26, $0xb8;
	[tilespmem:$0x1E800] =	vst v63  }
0xc3: {  	_ =	swait.ge [sflag:s31], $0x4000  }
0xc4: {  	[sflag:s31] =	ssyncset.done $0x0  }
0xc5: {  	s15 =	simm.s32 $0x15480;
	[sflag:s31] =	ssyncadd.s32 $0xFFFFC000  }
0xc6: {  	[spmem:s2] =	stream.indirect.scatter.add.f32 [tilespmem:s30], [sflag:$0x4], $0x80, s15, s26, $0xb8;
	[tilespmem:$0x1E800] =	vst v63  }
0xc7: {  	_ =	swait.ge [sflag:s0], $0x4000  }
0xc8: {  	[sflag:s0] =	ssyncset.done $0x0  }
0xc9: {  	s17 =	simm.s32 $0x14100;
	[sflag:s0] =	ssyncadd.s32 $0xFFFFC000  }
0xca: {  	[tilespmem:s28], [sflag:$0x1] =	stream.indirect.gather [hbm4b:s16+s26], $0x80, s17, s26, $0xb8;
	[tilespmem:$0x1E800] =	vst v63  }
0xcb: {  	_ =	swait.ge [sflag:s25], $0x4000  }
0xcc: {  	s14 =	simm.s32 $0x400;
	[sflag:s25] =	ssyncset.done $0x0  }
.LBB2_6:
0xcd: {  	p1 =	sne.s32 s14, $0x4800  }
0xce: {  	[sflag:s25] =	ssyncadd.s32 $0xFFFFC000;
	s15 =	smov.u32 s14;
	s14 =	sadd.s32 $0x400, s14  }
0xcf: {  	_ =	swait.ge [sflag:s29], $0x4000  }
0xd0: {  	s15 =	sshra.s32 s15, $0x2;
	[sflag:s29] =	ssyncset.done $0x0  }
0xd1: {  	s17 =	sadd.s32 $0x15400, s15;
	[sflag:s29] =	ssyncadd.s32 $0xFFFFC000  }
0xd2: {  	[spmem:s2] =	stream.indirect.scatter.add.f32 [tilespmem:s28], [sflag:$0x3], $0x80, s17, s26, $0xb8;
	[tilespmem:$0x1E800] =	vst v63  }
0xd3: {  	s17 =	sadd.s32 $0x14080, s15  }
0xd4: {  	[tilespmem:s30], [sflag:$0x2] =	stream.indirect.gather [hbm4b:s16+s26], $0x80, s17, s26, $0xb8;
	[tilespmem:$0x1E800] =	vst v63  }
0xd5: {  	_ =	swait.ge [sflag:s31], $0x4000  }
0xd6: {  	[sflag:s31] =	ssyncset.done $0x0  }
0xd7: {  	s17 =	sadd.s32 $0x15480, s15;
	[sflag:s31] =	ssyncadd.s32 $0xFFFFC000  }
0xd8: {  	[spmem:s2] =	stream.indirect.scatter.add.f32 [tilespmem:s30], [sflag:$0x4], $0x80, s17, s26, $0xb8;
	[tilespmem:$0x1E800] =	vst v63  }
0xd9: {  	_ =	swait.ge [sflag:s0], $0x4000  }
.Ltmp2:
0xda: {  	[sflag:s0] =	ssyncset.done $0x0;
	(pc) =	sbr.rel @p1 .LBB2_6-.Ltmp2, $4  }
0xdb: {  	s15 =	sadd.s32 $0x14100, s15;
	[sflag:s0] =	ssyncadd.s32 $0xFFFFC000  }
0xdc: {  	[tilespmem:s28], [sflag:$0x1] =	stream.indirect.gather [hbm4b:s16+s26], $0x80, s15, s26, $0xb8;
	[tilespmem:$0x1E800] =	vst v63  }
0xdd: {  	_ =	swait.ge [sflag:s25], $0x4000  }
0xde: {  	[sflag:s25] =	ssyncset.done $0x0  }
0xdf: {  	[sflag:s25] =	ssyncadd.s32 $0xFFFFC000  }
0xe0: {  	_ =	swait.ge [sflag:s29], $0x4000  }
0xe1: {  	[sflag:s29] =	ssyncset.done $0x0  }
0xe2: {  	[sflag:s29] =	ssyncadd.s32 $0xFFFFC000  }
0xe3: {  	[spmem:s2] =	stream.indirect.scatter.add.f32 [tilespmem:s28], [sflag:$0x3], $0x80, s1, s26, $0xb8;
	[tilespmem:$0x1E800] =	vst v63  }
0xe4: {  	_ = 	snop  }
0xe5: {  	[tilespmem:s30], [sflag:$0x2] =	stream.indirect.gather [hbm4b:s16+s26], $0x80, s3, s26, $0xb8;
	[tilespmem:$0x1E800] =	vst v63  }
0xe6: {  	_ =	swait.ge [sflag:s31], $0x4000  }
0xe7: {  	[sflag:s31] =	ssyncset.done $0x0  }
0xe8: {  	[sflag:s31] =	ssyncadd.s32 $0xFFFFC000  }
0xe9: {  	[spmem:s2] =	stream.indirect.scatter.add.f32 [tilespmem:s30], [sflag:$0x4], $0x80, s6, s26, $0xb8;
	[tilespmem:$0x1E800] =	vst v63  }
0xea: {  	_ =	swait.ge [sflag:s0], $0x4000  }
0xeb: {  	[sflag:s0] =	ssyncset.done $0x0  }
0xec: {  	[sflag:s0] =	ssyncadd.s32 $0xFFFFC000  }
0xed: {  	[tilespmem:s28], [sflag:$0x1] =	stream.indirect.gather [hbm4b:s16+s26], $0x80, s3, s26, $0xb8;
	[tilespmem:$0x1E800] =	vst v63  }
0xee: {  	_ =	swait.ge [sflag:s25], $0x4000  }
0xef: {  	[sflag:s25] =	ssyncset.done $0x0  }
0xf0: {  	[sflag:s25] =	ssyncadd.s32 $0xFFFFC000  }
0xf1: {  	_ =	swait.ge [sflag:s29], $0x4000  }
0xf2: {  	[sflag:s29] =	ssyncset.done $0x0  }
0xf3: {  	[sflag:s29] =	ssyncadd.s32 $0xFFFFC000  }
0xf4: {  	[bflag:$0x0] =	sbarrier.arrive $0xFFFF  }
0xf5: {  	s14 =	rddreg [dreg:$0xb]  }
0xf6: {  	[hbm:s14], [sflag:s8] =	dma.local [spmem:s11], $0x2700  }
0xf7: {  	_ =	swait.ge [sflag:s24], $0x2700  }
0xf8: {  	[sflag:s24] =	ssyncset.done $0x0  }
0xf9: {  	s14 =	simm.s32 @!p0 $0x5;
	[sflag:s24] =	ssyncadd.s32 $0xFFFFD900  }
0xfa: {  	[hbm:s18], [sflag:s8] =	dma.local @!p0 [spmem:s12], $0x100  }
0xfb: {  	_ =	swait.ge @!p0 [sflag:s14], $0x100  }
0xfc: {  	[sflag:s14] =	ssyncset.done @!p0 $0x0  }
0xfd: {  	[sflag:s14] =	ssyncadd.s32 @!p0 $0xFFFFFF00  }
0xfe: {  	[bflag:$0x0] =	sbarrier.arrive $0xFFFF  }
0xff: {  	[spmem:s10], [sflag:s8] =	dma.local [hbm:s5], $0x2800  }
0x100: {  	_ =	swait.ge [sflag:s24], $0x2800  }
0x101: {  	[sflag:s24] =	ssyncset.done $0x0  }
0x102: {  	[sflag:s24] =	ssyncadd.s32 $0xFFFFD800  }
0x103: {  	[bflag:$0x0] =	sbarrier.arrive $0xFFFF  }
0x104: {  	[tilespmem:s28], [sflag:$0x1] =	stream.indirect.gather [hbm4b:s19+s26], $0x80, s23, s26, $0xb8;
	[tilespmem:$0x1E800] =	vst v63  }
0x105: {  	_ =	swait.ge [sflag:s29], $0x4000  }
0x106: {  	[sflag:s29] =	ssyncset.done $0x0  }
0x107: {  	s17 =	simm.s32 $0x15400;
	[sflag:s29] =	ssyncadd.s32 $0xFFFFC000  }
0x108: {  	[spmem:s2] =	stream.indirect.scatter.add.f32 [tilespmem:s28], [sflag:$0x3], $0x80, s17, s26, $0xb8;
	[tilespmem:$0x1E800] =	vst v63  }
0x109: {  	s14 =	simm.s32 $0x14080  }
0x10a: {  	[tilespmem:s30], [sflag:$0x2] =	stream.indirect.gather [hbm4b:s19+s26], $0x80, s14, s26, $0xb8;
	[tilespmem:$0x1E800] =	vst v63  }
0x10b: {  	_ =	swait.ge [sflag:s31], $0x4000  }
0x10c: {  	[sflag:s31] =	ssyncset.done $0x0  }
0x10d: {  	s15 =	simm.s32 $0x15480;
	[sflag:s31] =	ssyncadd.s32 $0xFFFFC000  }
0x10e: {  	[spmem:s2] =	stream.indirect.scatter.add.f32 [tilespmem:s30], [sflag:$0x4], $0x80, s15, s26, $0xb8;
	[tilespmem:$0x1E800] =	vst v63  }
0x10f: {  	_ =	swait.ge [sflag:s0], $0x4000  }
0x110: {  	[sflag:s0] =	ssyncset.done $0x0  }
0x111: {  	s17 =	simm.s32 $0x14100;
	[sflag:s0] =	ssyncadd.s32 $0xFFFFC000  }
0x112: {  	[tilespmem:s28], [sflag:$0x1] =	stream.indirect.gather [hbm4b:s19+s26], $0x80, s17, s26, $0xb8;
	[tilespmem:$0x1E800] =	vst v63  }
0x113: {  	_ =	swait.ge [sflag:s25], $0x4000  }
0x114: {  	s10 =	simm.s32 $0x400;
	[sflag:s25] =	ssyncset.done $0x0  }
.LBB2_8:
0x115: {  	p1 =	sne.s32 s10, $0x4800  }
0x116: {  	[sflag:s25] =	ssyncadd.s32 $0xFFFFC000;
	s14 =	smov.u32 s10;
	s10 =	sadd.s32 $0x400, s10  }
0x117: {  	_ =	swait.ge [sflag:s29], $0x4000  }
0x118: {  	s14 =	sshra.s32 s14, $0x2;
	[sflag:s29] =	ssyncset.done $0x0  }
0x119: {  	s15 =	sadd.s32 $0x15400, s14;
	[sflag:s29] =	ssyncadd.s32 $0xFFFFC000  }
0x11a: {  	[spmem:s2] =	stream.indirect.scatter.add.f32 [tilespmem:s28], [sflag:$0x3], $0x80, s15, s26, $0xb8;
	[tilespmem:$0x1E800] =	vst v63  }
0x11b: {  	s15 =	sadd.s32 $0x14080, s14  }
0x11c: {  	[tilespmem:s30], [sflag:$0x2] =	stream.indirect.gather [hbm4b:s19+s26], $0x80, s15, s26, $0xb8;
	[tilespmem:$0x1E800] =	vst v63  }
0x11d: {  	_ =	swait.ge [sflag:s31], $0x4000  }
0x11e: {  	[sflag:s31] =	ssyncset.done $0x0  }
0x11f: {  	s15 =	sadd.s32 $0x15480, s14;
	[sflag:s31] =	ssyncadd.s32 $0xFFFFC000  }
0x120: {  	[spmem:s2] =	stream.indirect.scatter.add.f32 [tilespmem:s30], [sflag:$0x4], $0x80, s15, s26, $0xb8;
	[tilespmem:$0x1E800] =	vst v63  }
0x121: {  	_ =	swait.ge [sflag:s0], $0x4000  }
.Ltmp3:
0x122: {  	[sflag:s0] =	ssyncset.done $0x0;
	(pc) =	sbr.rel @p1 .LBB2_8-.Ltmp3, $4  }
0x123: {  	s14 =	sadd.s32 $0x14100, s14;
	[sflag:s0] =	ssyncadd.s32 $0xFFFFC000  }
0x124: {  	[tilespmem:s28], [sflag:$0x1] =	stream.indirect.gather [hbm4b:s19+s26], $0x80, s14, s26, $0xb8;
	[tilespmem:$0x1E800] =	vst v63  }
0x125: {  	_ =	swait.ge [sflag:s25], $0x4000  }
0x126: {  	[sflag:s25] =	ssyncset.done $0x0  }
0x127: {  	[sflag:s25] =	ssyncadd.s32 $0xFFFFC000  }
0x128: {  	_ =	swait.ge [sflag:s29], $0x4000  }
0x129: {  	[sflag:s29] =	ssyncset.done $0x0  }
0x12a: {  	[sflag:s29] =	ssyncadd.s32 $0xFFFFC000  }
0x12b: {  	[spmem:s2] =	stream.indirect.scatter.add.f32 [tilespmem:s28], [sflag:$0x3], $0x80, s1, s26, $0xb8;
	[tilespmem:$0x1E800] =	vst v63  }
0x12c: {  	_ = 	snop  }
0x12d: {  	[tilespmem:s30], [sflag:$0x2] =	stream.indirect.gather [hbm4b:s19+s26], $0x80, s3, s26, $0xb8;
	[tilespmem:$0x1E800] =	vst v63  }
0x12e: {  	_ =	swait.ge [sflag:s31], $0x4000  }
0x12f: {  	[sflag:s31] =	ssyncset.done $0x0  }
0x130: {  	[sflag:s31] =	ssyncadd.s32 $0xFFFFC000  }
0x131: {  	[spmem:s2] =	stream.indirect.scatter.add.f32 [tilespmem:s30], [sflag:$0x4], $0x80, s6, s26, $0xb8;
	[tilespmem:$0x1E800] =	vst v63  }
0x132: {  	_ =	swait.ge [sflag:s0], $0x4000  }
0x133: {  	[sflag:s0] =	ssyncset.done $0x0  }
0x134: {  	[sflag:s0] =	ssyncadd.s32 $0xFFFFC000  }
0x135: {  	[tilespmem:s28], [sflag:$0x1] =	stream.indirect.gather [hbm4b:s19+s26], $0x80, s3, s26, $0xb8;
	[tilespmem:$0x1E800] =	vst v63  }
0x136: {  	_ =	swait.ge [sflag:s25], $0x4000  }
0x137: {  	[sflag:s25] =	ssyncset.done $0x0  }
0x138: {  	[sflag:s25] =	ssyncadd.s32 $0xFFFFC000  }
0x139: {  	_ =	swait.ge [sflag:s29], $0x4000  }
0x13a: {  	[sflag:s29] =	ssyncset.done $0x0  }
0x13b: {  	[sflag:s29] =	ssyncadd.s32 $0xFFFFC000  }
0x13c: {  	[bflag:$0x0] =	sbarrier.arrive $0xFFFF  }
0x13d: {  	[hbm:s20], [sflag:s8] =	dma.local [spmem:s11], $0x2700  }
0x13e: {  	_ =	swait.ge [sflag:s24], $0x2700  }
0x13f: {  	s7 =	sadd.s32 $0x1, s7;
	[sflag:s24] =	ssyncset.done $0x0  }
0x140: {  	p1 =	sne.s32 s7, s22;
	[sflag:s24] =	ssyncadd.s32 $0xFFFFD900  }
0x141: {  	[hbm:s21], [sflag:s8] =	dma.local @!p0 [spmem:s12], $0x100  }
.Ltmp4:
0x142: {  	_ = 	snop;
	(pc) =	sbr.rel @p1 .LBB2_1-.Ltmp4, $4  }
0x143: {  	s8 =	simm.s32 @!p0 $0x5  }
0x144: {  	_ =	swait.ge @!p0 [sflag:s8], $0x100  }
0x145: {  	[sflag:s8] =	ssyncset.done @!p0 $0x0  }
0x146: {  	[sflag:s8] =	ssyncadd.s32 @!p0 $0xFFFFFF00  }
0x147: {  	_ =	sfence.sel $0x180000  }
0x148: {  	[bflag:$0x0] =	sbarrier.arrive $0xFFFF  }
0x149: {  	_ =	strace $0x9000004D  }
0x14a: {  	[bflag:$0x2] =	sbarrier.arrive $0xFFFF  }
0x14b: {  	s0 =	rddreg [dreg:$0x2]  }
0x14c: {  	s0 =	sadd.s32 @!p0 $0x100000, s0  }
0x14d: {  	[sflag:s0] =	ssyncadd.tile.s32 @!p0 $0x1;
	_ =	shalt  }
.Lfunc_end2:
_tile_overlayer_lowered:
.L_overlay_start_2:
0x14e: {  	(tag) =	ssettag $0x2  }
0x14f: {  	s0 =	rddreg [dreg:$0x0];
	s2 =	stileid.u32  }
0x150: {  	s1 =	rddreg [dreg:$0x1];
	p0 =	sne.s32 s2, $0x0  }
0x151: {  	s3 =	rddreg [dreg:$0x2];
	[bflag:$0x3] =	sbarrier.arrive $0xFFFF;
	s2 =	simm.s32 @!p0 $0x1C05  }
0x152: {  	[timem:s3], [sflag:s2] =	dma.local @!p0 [hbm:s0], s1  }
0x153: {  	s0 =	simm.s32 @!p0 $0x5  }
0x154: {  	_ =	swait.ge @!p0 [sflag:s0], s1  }
0x155: {  	s1 =	ssub.s32 @!p0 $0x0, s1;
	[sflag:s0] =	ssyncset.done @!p0 $0x0  }
0x156: {  	[sflag:s0] =	ssyncadd.s32 @!p0 s1  }
0x157: {  	[bflag:$0x3] =	sbarrier.arrive $0xFFFF  }
0x158: {  	_ =	shalt  }

// kernel: kernel.9.cloned.1.call-start
scs
__scs_entry_jumppad:
0x0: {  	(pc) =	sbr.rel $0x88, $3  }
0x1: {  	(tag) =	ssettag $0x0;
	lr =	simm.s32 $0x1  }
0x2: {  	[smem:$0x3F94] =	sst lr;
	_ =	strace $0xD0000000  }
0x3: {  	_ = 	snop  }
0x4: {  	_ = 	snop  }
0x5: {  	_ = 	snop  }
0x6: {  	_ = 	snop  }
0x7: {  	_ = 	snop  }
__scs_overlays_trampoline_lowered:
0x8: {  	[smem:$0x3FA3] =	sst s0  }
0x9: {  	[smem:$0x3FA4] =	sst s1  }
0xa: {  	[smem:$0x3FA5] =	sst s2  }
0xb: {  	[smem:$0x3FA6] =	sst s3  }
0xc: {  	[smem:$0x3FA7] =	sst s4  }
0xd: {  	[smem:$0x3FA8] =	sst s5  }
0xe: {  	[smem:$0x3FA9] =	sst s6  }
0xf: {  	[smem:$0x3FAA] =	sst s7  }
0x10: {  	[smem:$0x3FAB] =	sst s8  }
0x11: {  	[smem:$0x3FAC] =	sst s9;
	s0 =	simm.s32 @!p0 $0x0  }
0x12: {  	s1 =	sld [smem:$0x3F92];
	s0 =	simm.s32 @p0 $0x1  }
0x13: {  	[smem:$0x3FAD] =	sst s0;
	s0 =	simm.s32 @!p1 $0x0  }
0x14: {  	s2 =	sld [smem:$0x3F91];
	s0 =	simm.s32 @p1 $0x1  }
0x15: {  	[smem:$0x3FAE] =	sst s0;
	s0 =	simm.s32 @!p2 $0x0  }
0x16: {  	s3 =	sld [smem:$0x3FDB];
	s0 =	simm.s32 @p2 $0x1  }
0x17: {  	s4 =	simm.s32 $0x1BF5;
	[smem:$0x3FB0] =	sst s0  }
0x18: {  	s0 =	sld [smem:$0x3F93];
	_ =	swait.ge [sflag:s4], $0x0  }
0x19: {  	s7 =	sld [smem:$0x3F94]  }
0x1a: {  	s8 =	sadd.s32 $0xFFFFE003, lr  }
0x1b: {  	s9 =	sadd.s32 $0xFFFFFEF7, lr;
	s5 =	simm.s32 $0xFFFFFFFF;
	p2 =	slt.u32 s8, $0xFFFFF086  }
0x1c: {  	p1 =	slt.u32 s9, $0xF7A;
	s5 =	simm.s32 @!p2 $0x0  }
0x1d: {  	s5 =	simm.s32 @p1 $0x1;
	p0 =	seq.s32 s7, s2  }
0x1e: {  	s7 =	smul.u32 @!p0 $0xF7A, s2;
	p2 =	seq.s32 @!p0 s5, $0x0  }
0x1f: {  	s9 =	smul.u32 $0xF7A, s1;
	s8 =	simm.s32 @!p0 $0x1BF5;
	p2 =	por !p2, p0  }
0x20: {  	[sflag:s8] =	ssyncset.s32 @!p0 $0xFFFFF086;
	s6 =	sadd.s32 @!p0 s3, s7;
	s7 =	simm.s32 @!p0 $0x108  }
0x21: {  	s3 =	sadd.s32 s3, s9;
	s6 =	sadd.s32 @!p0 $0x88, s6;
	s7 =	simm.s32 @p2 $0x1082  }
0x22: {  	[simem:s7], [sflag:s8] =	dma.local @!p0 [hbm:s6], $0xF7A  }
0x23: {  	s9 =	sor.u32 $0xD0000000, s2;
	s6 =	simm.s32 $0x108;
	_ =	swait.ge @!p0 [sflag:s8], $0x0  }
0x24: {  	s3 =	sadd.s32 $0x88, s3;
	s6 =	simm.s32 @!p1 $0x1082;
	[sflag:s4] =	ssyncset.s32 $0xFFFFF086  }
0x25: {  	[simem:s6], [sflag:s4] =	dma.local [hbm:s3], $0xF7A  }
0x26: {  	[smem:$0x3F94] =	sst s1;
	(tag) =	ssettag s2;
	_ =	strace s9  }
0x27: {  	s1 =	sld [smem:$0x3FA4]  }
0x28: {  	s2 =	sld [smem:$0x3FA5]  }
0x29: {  	s4 =	sld [smem:$0x3FA7]  }
0x2a: {  	p0 =	seq.s32 s5, $0x0;
	s5 =	sld [smem:$0x3FA8]  }
0x2b: {  	s6 =	sld [smem:$0x3FA9]  }
0x2c: {  	s7 =	sld [smem:$0x3FAA]  }
0x2d: {  	s3 =	simm.s32 $0x108;
	s8 =	sld [smem:$0x3FAB]  }
0x2e: {  	s3 =	simm.s32 @!p0 $0x1082;
	s9 =	sld [smem:$0x3FAC]  }
0x2f: {  	lr =	sadd.s32 s0, s3;
	s0 =	sld [smem:$0x3FA3]  }
0x30: {  	s3 =	sld [smem:$0x3FA6]  }
0x31: {  	[smem:$0x3FAF] =	sst s10  }
0x32: {  	s10 =	sld [smem:$0x3FAD];
	_ =	sdelay $0x3  }
0x33: {  	p0 =	seq.s32 s10, $0x1;
	s10 =	sld [smem:$0x3FAF];
	_ =	sdelay $0x3  }
0x34: {  	[smem:$0x3FAF] =	sst s10  }
0x35: {  	s10 =	sld [smem:$0x3FAE];
	_ =	sdelay $0x3  }
0x36: {  	p1 =	seq.s32 s10, $0x1;
	s10 =	sld [smem:$0x3FAF];
	_ =	sdelay $0x3  }
0x37: {  	[smem:$0x3FAF] =	sst s10  }
0x38: {  	s10 =	sld [smem:$0x3FB0]  }
0x39: {  	_ = 	snop;
	(pc) =	sbr.ind lr, $3  }
0x3a: {  	_ = 	snop  }
0x3b: {  	_ = 	snop  }
0x3c: {  	p2 =	seq.s32 s10, $0x1;
	s10 =	sld [smem:$0x3FAF]  }
0x3d: {  	_ =	shalt  }
0x3e: {  	_ =	shalt  }
0x3f: {  	_ =	shalt  }
0x40: {  	_ =	shalt  }
0x41: {  	_ =	shalt  }
0x42: {  	_ =	shalt  }
0x43: {  	_ =	shalt  }
0x44: {  	_ =	shalt  }
0x45: {  	_ =	shalt  }
0x46: {  	_ =	shalt  }
0x47: {  	_ =	shalt  }
0x48: {  	_ =	shalt  }
0x49: {  	_ =	shalt  }
0x4a: {  	_ =	shalt  }
0x4b: {  	_ =	shalt  }
0x4c: {  	_ =	shalt  }
0x4d: {  	_ =	shalt  }
0x4e: {  	_ =	shalt  }
0x4f: {  	_ =	shalt  }
0x50: {  	_ =	shalt  }
0x51: {  	_ =	shalt  }
0x52: {  	_ =	shalt  }
0x53: {  	_ =	shalt  }
0x54: {  	_ =	shalt  }
0x55: {  	_ =	shalt  }
0x56: {  	_ =	shalt  }
0x57: {  	_ =	shalt  }
0x58: {  	_ =	shalt  }
0x59: {  	_ =	shalt  }
0x5a: {  	_ =	shalt  }
0x5b: {  	_ =	shalt  }
0x5c: {  	_ =	shalt  }
0x5d: {  	_ =	shalt  }
0x5e: {  	_ =	shalt  }
0x5f: {  	_ =	shalt  }
0x60: {  	_ =	shalt  }
0x61: {  	_ =	shalt  }
0x62: {  	_ =	shalt  }
0x63: {  	_ =	shalt  }
0x64: {  	_ =	shalt  }
0x65: {  	_ =	shalt  }
0x66: {  	_ =	shalt  }
0x67: {  	_ =	shalt  }
0x68: {  	_ =	shalt  }
0x69: {  	_ =	shalt  }
0x6a: {  	_ =	shalt  }
0x6b: {  	_ =	shalt  }
0x6c: {  	_ =	shalt  }
0x6d: {  	_ =	shalt  }
0x6e: {  	_ =	shalt  }
0x6f: {  	_ =	shalt  }
0x70: {  	_ =	shalt  }
0x71: {  	_ =	shalt  }
0x72: {  	_ =	shalt  }
0x73: {  	_ =	shalt  }
0x74: {  	_ =	shalt  }
0x75: {  	_ =	shalt  }
0x76: {  	_ =	shalt  }
0x77: {  	_ =	shalt  }
0x78: {  	_ =	shalt  }
0x79: {  	_ =	shalt  }
0x7a: {  	_ =	shalt  }
0x7b: {  	_ =	shalt  }
0x7c: {  	_ =	shalt  }
0x7d: {  	_ =	shalt  }
0x7e: {  	_ =	shalt  }
0x7f: {  	_ =	shalt  }
0x80: {  	_ =	shalt  }
0x81: {  	_ =	shalt  }
0x82: {  	_ =	shalt  }
0x83: {  	_ =	shalt  }
0x84: {  	_ =	shalt  }
0x85: {  	_ =	shalt  }
0x86: {  	_ =	shalt  }
0x87: {  	_ =	shalt  }
.Lfunc_end0:
.L_simem_size_0:
called_computation_lowered:
.L_overlay_start_0:
0x88: {  	s2 =	sld [smem:$0x3FD9]  }
0x89: {  	s3 =	sld [smem:$0x3FFE];
	_ =	sdelay $0x1  }
0x8a: {  	s1 =	srdreg.scid  }
0x8b: {  	s0 =	sand.u32 $0x1, s1  }
0x8c: {  	s16 =	sshll.u32 s0, $0xA;
	s2 =	sadd.s32 s3, s2  }
0x8d: {  	s2 =	sadd.s32 s2, s16  }
0x8e: {  	[smem:$0x3FBB] =	sst s2  }
0x8f: {  	_ = 	snop  }
0x90: {  	(tm) =	ssettm $0x1  }
0x91: {  	s17 =	sld [smem:$0x3FFB];
	_ =	sdelay $0x3  }
0x92: {  	_ =	strace s17  }
0x93: {  	s2 =	sld [smem:$0x3FFC];
	_ =	sdelay $0x3  }
0x94: {  	_ =	strace s2  }
0x95: {  	s2 =	sld [smem:$0x3FFD];
	_ =	sdelay $0x3  }
0x96: {  	_ =	strace s2  }
0x97: {  	_ =	strace $0x8FFFFFFF  }
0x98: {  	s18 =	sld [smem:$0x3FDB];
	_ =	sdelay $0x1  }
0x99: {  	s19 =	simm.s32 $_scs_section_size  }
0x9a: {  	s4 =	simm.s32 $_size__tile_overlayer_lowered;
	s5 =	simm.s32 $_tile_overlayer_lowered  }
0x9b: {  	s22 =	simm.s32 $0x1BFF;
	s21 =	sshll.u32 s5, $0x1;
	s2 =	sadd.s32 s19, s18  }
0x9c: {  	s6 =	simm.s32 $0x0;
	s20 =	sshll.u32 s4, $0x1;
	s4 =	sadd.s32 s21, s2  }
0x9d: {  	[timem:s6], [sflag:s22] =	dma.local [hbm:s4], s20  }
0x9e: {  	_ =	swait.ge [sflag:s22], s20  }
0x9f: {  	s3 =	ssub.s32 $0x0, s20;
	[sflag:s22] =	ssyncset.done $0x0  }
0xa0: {  	[sflag:s22] =	ssyncadd.s32 s3;
	_ =	sdelay $0x1  }
0xa1: {  	s23 =	simm.s32 $0x1B8B  }
0xa2: {  	_ =	swait.ge [sflag:s23], $0x1  }
0xa3: {  	[sflag:s23] =	ssyncset.done $0x0  }
0xa4: {  	s25 =	simm.s32 $0x1B8E;
	s24 =	sld [smem:$0x3FFE];
	[sflag:s23] =	ssyncadd.s32 $0xFFFFFFFF  }
0xa5: {  	s26 =	simm.s32 $execute0_lowered;
	[smem:$0x3FD2] =	sst s25  }
0xa6: {  	s4 =	sshll.u32 s26, $0x1;
	_ =	strace $0x80000046;
	[dreg:$0x1] =	wrdreg $0xFFFFFFFF  }
0xa7: {  	s28 =	simm.s32 $_size_execute0_lowered;
	s2 =	sadd.s32 s2, s4;
	[dreg:$0x0] =	wrdreg $0x0  }
0xa8: {  	s4 =	sshll.u32 s28, $0x1;
	[dreg:$0x2] =	wrdreg s2  }
0xa9: {  	[dreg:$0x3] =	wrdreg s4  }
0xaa: {  	[dreg:$0x4] =	wrdreg $0xC0  }
0xab: {  	_ =	task [dreg:s6], $0x5FFFF  }
0xac: {  	[dreg:$0x1] =	wrdreg $0xFFFFFFFF  }
0xad: {  	[dreg:$0x0] =	wrdreg $0x60  }
0xae: {  	[dreg:$0x2] =	wrdreg s24  }
0xaf: {  	[dreg:$0x3] =	wrdreg $0x9  }
0xb0: {  	_ =	task.clear_ibuf [dreg:s6], $0x4FFFF;
	_ =	strace $0x90000046  }
0xb1: {  	s29 =	simm.s32 $0x9;
	_ =	strace $0x80000048  }
0xb2: {  	_ =	swait.ge [sflag:s29], $0x1  }
0xb3: {  	[sflag:s29] =	ssyncadd.s32 $0xFFFFFFFF  }
0xb4: {  	_ =	strace $0x90000048  }
0xb5: {  	_ =	sfence  }
0xb6: {  	s30 =	sld [smem:$0x0];
	_ =	sdelay $0x2  }
0xb7: {  	s31 =	sshll.u32 s1, $0xD;
	s1 =	sshrl.u32 s1, $0x2  }
0xb8: {  	s3 =	sand.u32 $0x4000, s31;
	s1 =	sadd.s32 s1, s30  }
0xb9: {  	s0 =	sor.u32 s3, s0;
	s1 =	sshll.u32 s1, $0x11  }
0xba: {  	s0 =	sor.u32 s1, s0  }
0xbb: {  	s0 =	sadd.s32 $0x8F2B, s0  }
0xbc: {  	[sflag:s0] =	ssyncadd.remote.s32 $0x1  }
0xbd: {  	_ =	sfence.sel $0xFFFF  }
0xbe: {  	[dreg:$0x0] =	wrdreg $0xFFFFFFFF;
	(pc) =	sbr.abs _section_cstart, $3  }
0xbf: {  	[dreg:$0x1] =	wrdreg $0xFFFFFFFF  }
0xc0: {  	_ =	task.clear_ibuf [dreg:s6], $0x2FFFF;
	_ =	strace $0x9FFFFFFF  }
0xc1: {  	(tm) =	ssettm $0x7FFFFFFF  }
tec
execute0_lowered:
.L_overlay_start_1:
0x0: {  	(tag) =	ssettag $0x1  }
0x1: {  	s0 =	srdreg.scid;
	s12 =	stileid.u32  }
0x2: {  	s1 =	rddreg [dreg:$0x0];
	s2 =	simm.s32 $0x0;
	s18 =	simm.s32 $0x10000  }
0x3: {  	s20 =	simm.s32 $0x10800;
	s21 =	simm.s32 $0x10C00;
	s22 =	simm.s32 $0x11400  }
0x4: {  	s23 =	simm.s32 $0x11C00;
	s24 =	simm.s32 $0x12000;
	[smem:$0x7FF] =	sst s2  }
0x5: {  	s25 =	simm.s32 $0x12800;
	_ =	strace $0x80000047;
	[dreg:$0x3] =	wrdreg s18  }
0x6: {  	s26 =	simm.s32 $0x13000;
	s13 =	simm.s32 $0x15000;
	[dreg:$0x4] =	wrdreg s20  }
0x7: {  	s28 =	simm.s32 $0x8800;
	s29 =	simm.s32 $0x9000;
	[dreg:$0x5] =	wrdreg s21  }
0x8: {  	s30 =	simm.s32 $0x9400;
	s31 =	simm.s32 $0x9C00;
	[dreg:$0x6] =	wrdreg s22  }
0x9: {  	s0 =	sand.u32 $0x1, s0;
	s3 =	sshll.u32 s12, $0x1;
	[dreg:$0x7] =	wrdreg s23  }
0xa: {  	s4 =	sadd.s32 $0xE6A00, s1;
	s6 =	smul.u32 $0x2A000, s12;
	[dreg:$0x8] =	wrdreg s24  }
0xb: {  	s9 =	sadd.s32 $0x10DC00, s1;
	s17 =	smul.u32 $0x2A00, s12;
	[dreg:$0x9] =	wrdreg s25  }
0xc: {  	s12 =	simm.s32 $0x14800;
	s3 =	sor.u32 s0, s3;
	[dreg:$0xa] =	wrdreg s26  }
0xd: {  	s7 =	ssub.s32 $0x2, s0;
	s10 =	smul.u32 $0x15000, s0;
	[dreg:$0xe] =	wrdreg s12  }
0xe: {  	s0 =	smul.u32 $0x1500, s0;
	[dreg:$0xf] =	wrdreg s13;
	s13 =	simm.s32 $0x6C00  }
0xf: {  	s18 =	simm.s32 $0x16C00;
	s25 =	simm.s32 $0x7C00;
	s26 =	simm.s32 $0x8000  }
0x10: {  	s20 =	simm.s32 $0x17800;
	s21 =	simm.s32 $0x18000;
	[dreg:$0x13] =	wrdreg s18  }
0x11: {  	s22 =	simm.s32 $0x18400;
	s23 =	simm.s32 $0x18C00;
	[dreg:$0x15] =	wrdreg s20  }
0x12: {  	s24 =	simm.s32 $0x19400;
	s12 =	simm.s32 $0x19800;
	[dreg:$0x16] =	wrdreg s21  }
0x13: {  	s5 =	smul.u32 $0x580, s3;
	s3 =	sadd.s32 $0x23400, s1;
	[dreg:$0x17] =	wrdreg s22  }
0x14: {  	s8 =	sshrl.u32 s7, $0x1;
	s6 =	sadd.s32 s6, s1;
	[dreg:$0x18] =	wrdreg s23  }
0x15: {  	[dreg:$0x19] =	wrdreg s24;
	s18 =	simm.s32 $0x1B800;
	s20 =	simm.s32 $0x4  }
0x16: {  	s21 =	simm.s32 $0x5;
	s22 =	simm.s32 $0x7;
	s23 =	simm.s32 $0x6  }
0x17: {  	s24 =	simm.s32 $0x8;
	s11 =	ssub.s32 s7, s8;
	s7 =	sadd.s32 $0x23500, s1  }
0x18: {  	s15 =	sadd.s32 s10, s6;
	s8 =	sadd.s32 $0x23600, s1;
	s6 =	simm.s32 $0x13400  }
0x19: {  	s0 =	sadd.s32 s0, s17;
	s10 =	simm.s32 $0x13C00;
	[dreg:$0xb] =	wrdreg s6  }
0x1a: {  	s17 =	simm.s32 $0x16400;
	s5 =	sadd.s32 s5, s1;
	[dreg:$0xc] =	wrdreg s10  }
0x1b: {  	s16 =	sadd.s32 $0xE2DC00, s15;
	s19 =	smax.u32 s11, $0x1;
	[dreg:$0x12] =	wrdreg s17  }
0x1c: {  	s11 =	simm.s32 $0x14400;
	s6 =	simm.s32 $0x6000;
	[dreg:$0x2] =	wrdreg s16  }
0x1d: {  	s15 =	simm.s32 $0x15800;
	s10 =	simm.s32 $0x7400;
	[dreg:$0x1c] =	wrdreg s19  }
0x1e: {  	s17 =	simm.s32 $0xF800;
	s1 =	simm.s32 $0x0;
	[dreg:$0xd] =	wrdreg s11  }
0x1f: {  	s14 =	sadd.s32 $0x18400, s5;
	s5 =	sadd.s32 $0xD400, s5;
	[dreg:$0x10] =	wrdreg s15  }
0x20: {  	s16 =	simm.s32 $0x15C00;
	s19 =	simm.s32 $0x17000;
	s11 =	simm.s32 $0x40  }
0x21: {  	[dreg:$0x1b] =	wrdreg s5;
	s5 =	sshrl.u32 s0, $0x3;
	s0 =	sor.u32 $0x40, s0  }
0x22: {  	[dreg:$0x1a] =	wrdreg s14;
	s5 =	smul.u32 $0x280, s5;
	s0 =	sshrl.u32 s0, $0x3  }
0x23: {  	s15 =	simm.s32 $0x1;
	[dreg:$0x11] =	wrdreg s16;
	s0 =	smul.u32 $0x280, s0  }
0x24: {  	v2 =	vlaneseq.u32;
	s14 =	simm.s32 $0x5800;
	[dreg:$0x14] =	wrdreg s19;
	s5 =	sadd.s32 s5, s9  }
0x25: {  	vm0 =	vmmov $0xffff;
	vm1 =	vmmov $0xff;
	v1 =	vshrl.u32 v2, $0x3;
	s16 =	simm.s32 $0x3;
	[dreg:$0x1d] =	wrdreg s5;
	s0 =	sadd.s32 s0, s9  }
0x26: {  	v0 =	vand.u32 $0x7, v2;
	v2 =	vor.u32 $0x8, v2;
	v1 =	vmul.u32 $0x8, v1;
	s19 =	simm.s32 $0x2;
	s9 =	simm.s32 $0x6800;
	[dreg:$0x1e] =	wrdreg s0  }
.LBB2_1:
0x27: {  	[dreg:$0x1f] =	wrdreg s1  }
0x28: {  	s0 =	rddreg [dreg:$0x1a];
	s1 =	simm.s32 $0x9  }
0x29: {  	[tilespmem:s2], [sflag:$0x9] =	stream.linear.gather [hbm4b:s0+s2], $0x2A00, $0x38;
	[tilespmem:$0x1D800] =	vst v63  }
0x2a: {  	_ =	swait.ge [sflag:s1], $0x2A00  }
0x2b: {  	[sflag:s1] =	ssyncset.done $0x0  }
0x2c: {  	s5 =	simm.s32 $0x2C00;
	s0 =	rddreg [dreg:$0x1b];
	[sflag:s1] =	ssyncadd.s32 $0xFFFFD600  }
0x2d: {  	[tilespmem:s5], [sflag:$0x9] =	stream.linear.gather [hbm4b:s0+s2], $0x2A00, $0x38;
	[tilespmem:$0x1D800] =	vst v63  }
0x2e: {  	_ =	swait.ge [sflag:s1], $0x2A00  }
0x2f: {  	[sflag:s1] =	ssyncset.done $0x0  }
0x30: {  	[sflag:s1] =	ssyncadd.s32 $0xFFFFD600  }
0x31: {  	v3 =	vld [tilespmem:$0x0];
	_ =	sdelay $0x4  }
0x32: {  	v4 =	vshrl.u32 v3, $0x3  }
0x33: {  	v4 =	vmul.u32 $0x28, v4  }
0x34: {  	v3 =	vand.u32 $0x7, v3  }
0x35: {  	v3 =	vor.u32 v3, v4  }
0x36: {  	v4 =	vperm.xlane v3, v0;
	_ =	sdelay $0x1  }
0x37: {  	v4 =	vadd.s32 v1, v4;
	_ =	sdelay $0x3  }
0x38: {  	v3 =	vperm.xlane v3, v2  }
0x39: {  	[tilespmem:s14], [sflag:$0x1] =	stream.indirect_vreg.gather [hbm4b:s3+s2], $0x80, v4, vm0, $0xb8;
	[tilespmem:$0x1D800] =	vst v63  }
0x3a: {  	v3 =	vadd.s32 v1, v3  }
0x3b: {  	[tilespmem:s6], [sflag:$0x1] =	stream.indirect_vreg.gather [hbm4b:s7+s2], $0x80, v4, vm0, $0xb8;
	[tilespmem:$0x1D800] =	vst v63  }
0x3c: {  	_ = 	snop  }
0x3d: {  	[tilespmem:s9], [sflag:$0x1] =	stream.indirect_vreg.gather [hbm4b:s8+s2], $0x80, v4, vm1, $0xb8;
	[tilespmem:$0x1D800] =	vst v63  }
0x3e: {  	_ = 	snop  }
0x3f: {  	[tilespmem:s13], [sflag:$0x1] =	stream.indirect_vreg.gather [hbm4b:s3+s2], $0x80, v3, vm0, $0xb8;
	[tilespmem:$0x1D800] =	vst v63  }
0x40: {  	_ = 	snop  }
0x41: {  	[tilespmem:s10], [sflag:$0x1] =	stream.indirect_vreg.gather [hbm4b:s7+s2], $0x80, v3, vm0, $0xb8;
	[tilespmem:$0x1D800] =	vst v63  }
0x42: {  	_ = 	snop  }
0x43: {  	[tilespmem:s25], [sflag:$0x1] =	stream.indirect_vreg.gather [hbm4b:s8+s2], $0x80, v3, vm1, $0xb8;
	[tilespmem:$0x1D800] =	vst v63  }
0x44: {  	v3 =	vld [tilespmem:$0x10];
	_ =	sdelay $0x4  }
0x45: {  	v61 =	vshrl.u32 v3, $0x3  }
0x46: {  	v4 =	vmul.u32 $0x28, v61  }
0x47: {  	v3 =	vand.u32 $0x7, v3  }
0x48: {  	v3 =	vor.u32 v3, v4  }
0x49: {  	v4 =	vperm.xlane v3, v0;
	_ =	sdelay $0x1  }
0x4a: {  	v4 =	vadd.s32 v1, v4;
	_ =	sdelay $0x3  }
0x4b: {  	v3 =	vperm.xlane v3, v2  }
0x4c: {  	[tilespmem:s26], [sflag:$0x1] =	stream.indirect_vreg.gather [hbm4b:s3+s2], $0x80, v4, vm0, $0xb8;
	[tilespmem:$0x1D800] =	vst v63  }
0x4d: {  	v3 =	vadd.s32 v1, v3  }
0x4e: {  	[tilespmem:s28], [sflag:$0x1] =	stream.indirect_vreg.gather [hbm4b:s7+s2], $0x80, v4, vm0, $0xb8;
	[tilespmem:$0x1D800] =	vst v63  }
0x4f: {  	_ = 	snop  }
0x50: {  	[tilespmem:s29], [sflag:$0x1] =	stream.indirect_vreg.gather [hbm4b:s8+s2], $0x80, v4, vm1, $0xb8;
	[tilespmem:$0x1D800] =	vst v63  }
0x51: {  	_ = 	snop  }
0x52: {  	[tilespmem:s30], [sflag:$0x1] =	stream.indirect_vreg.gather [hbm4b:s3+s2], $0x80, v3, vm0, $0xb8;
	[tilespmem:$0x1D800] =	vst v63  }
0x53: {  	_ = 	snop  }
0x54: {  	[tilespmem:s31], [sflag:$0x1] =	stream.indirect_vreg.gather [hbm4b:s7+s2], $0x80, v3, vm0, $0xb8;
	[tilespmem:$0x1D800] =	vst v63  }
0x55: {  	s10 =	simm.s32 $0xA400  }
0x56: {  	[tilespmem:s10], [sflag:$0x1] =	stream.indirect_vreg.gather [hbm4b:s8+s2], $0x80, v3, vm1, $0xb8;
	[tilespmem:$0x1D800] =	vst v63  }
0x57: {  	v3 =	vld [tilespmem:$0x20];
	_ =	sdelay $0x4  }
0x58: {  	v62 =	vshrl.u32 v3, $0x3  }
0x59: {  	v4 =	vmul.u32 $0x28, v62  }
0x5a: {  	v3 =	vand.u32 $0x7, v3  }
0x5b: {  	v3 =	vor.u32 v3, v4  }
0x5c: {  	v4 =	vperm.xlane v3, v0;
	_ =	sdelay $0x1  }
0x5d: {  	v4 =	vadd.s32 v1, v4;
	_ =	sdelay $0x3  }
0x5e: {  	s13 =	simm.s32 $0xA800;
	v3 =	vperm.xlane v3, v2  }
0x5f: {  	[tilespmem:s13], [sflag:$0x1] =	stream.indirect_vreg.gather [hbm4b:s3+s2], $0x80, v4, vm0, $0xb8;
	[tilespmem:$0x1D800] =	vst v63  }
0x60: {  	s25 =	simm.s32 $0xB000;
	v3 =	vadd.s32 v1, v3  }
0x61: {  	[tilespmem:s25], [sflag:$0x1] =	stream.indirect_vreg.gather [hbm4b:s7+s2], $0x80, v4, vm0, $0xb8;
	[tilespmem:$0x1D800] =	vst v63  }
0x62: {  	s26 =	simm.s32 $0xB800  }
0x63: {  	[tilespmem:s26], [sflag:$0x1] =	stream.indirect_vreg.gather [hbm4b:s8+s2], $0x80, v4, vm1, $0xb8;
	[tilespmem:$0x1D800] =	vst v63  }
0x64: {  	s1 =	simm.s32 $0xBC00  }
0x65: {  	[tilespmem:s1], [sflag:$0x1] =	stream.indirect_vreg.gather [hbm4b:s3+s2], $0x80, v3, vm0, $0xb8;
	[tilespmem:$0x1D800] =	vst v63  }
0x66: {  	s6 =	simm.s32 $0xC400  }
0x67: {  	[tilespmem:s6], [sflag:$0x1] =	stream.indirect_vreg.gather [hbm4b:s7+s2], $0x80, v3, vm0, $0xb8;
	[tilespmem:$0x1D800] =	vst v63  }
0x68: {  	s9 =	simm.s32 $0xCC00  }
0x69: {  	[tilespmem:s9], [sflag:$0x1] =	stream.indirect_vreg.gather [hbm4b:s8+s2], $0x80, v3, vm1, $0xb8;
	[tilespmem:$0x1D800] =	vst v63  }
0x6a: {  	v3 =	vld [tilespmem:$0x30];
	_ =	sdelay $0x4  }
0x6b: {  	v63 =	vshrl.u32 v3, $0x3  }
0x6c: {  	v4 =	vmul.u32 $0x28, v63  }
0x6d: {  	v3 =	vand.u32 $0x7, v3  }
0x6e: {  	v3 =	vor.u32 v3, v4  }
0x6f: {  	v4 =	vperm.xlane v3, v0;
	_ =	sdelay $0x1  }
0x70: {  	v4 =	vadd.s32 v1, v4;
	_ =	sdelay $0x3  }
0x71: {  	s10 =	simm.s32 $0xD000;
	v3 =	vperm.xlane v3, v2  }
0x72: {  	[tilespmem:s10], [sflag:$0x1] =	stream.indirect_vreg.gather [hbm4b:s3+s2], $0x80, v4, vm0, $0xb8;
	[tilespmem:$0x1D800] =	vst v63  }
0x73: {  	s13 =	simm.s32 $0xD800;
	v3 =	vadd.s32 v1, v3  }
0x74: {  	[tilespmem:s13], [sflag:$0x1] =	stream.indirect_vreg.gather [hbm4b:s7+s2], $0x80, v4, vm0, $0xb8;
	[tilespmem:$0x1D800] =	vst v63  }
0x75: {  	s25 =	simm.s32 $0xE000  }
0x76: {  	[tilespmem:s25], [sflag:$0x1] =	stream.indirect_vreg.gather [hbm4b:s8+s2], $0x80, v4, vm1, $0xb8;
	[tilespmem:$0x1D800] =	vst v63  }
0x77: {  	s28 =	rddreg [dreg:$0x1e];
	s26 =	simm.s32 $0xE400  }
0x78: {  	[tilespmem:s26], [sflag:$0x1] =	stream.indirect_vreg.gather [hbm4b:s3+s2], $0x80, v3, vm0, $0xb8;
	[tilespmem:$0x1D800] =	vst v63  }
0x79: {  	s29 =	simm.s32 $0x0;
	s30 =	rddreg [dreg:$0x1d];
	s13 =	simm.s32 $0xEC00  }
0x7a: {  	[tilespmem:s13], [sflag:$0x1] =	stream.indirect_vreg.gather [hbm4b:s7+s2], $0x80, v3, vm0, $0xb8;
	[tilespmem:$0x1D800] =	vst v63  }
0x7b: {  	s31 =	simm.s32 $0x0;
	s6 =	simm.s32 $0x9400;
	s10 =	simm.s32 $0xF400  }
0x7c: {  	[tilespmem:s10], [sflag:$0x1] =	stream.indirect_vreg.gather [hbm4b:s8+s2], $0x80, v3, vm1, $0xb8;
	[tilespmem:$0x1D800] =	vst v63  }
0x7d: {  	s9 =	simm.s32 $0x9C00;
	s25 =	simm.s32 $0x2C80;
	s26 =	simm.s32 $0xB0  }
0x7e: {  	[tilespmem:s12], [sflag:$0x3] =	stream.indirect.gather [hbm4b:s4+s11], $0x80, s5, s11, $0xb8;
	[tilespmem:$0x1D800] =	vst v63  }
.LBB2_2:
0x7f: {  	_ =	swait.ge [sflag:s15], $0xA000  }
0x80: {  	[sflag:s15] =	ssyncset.done $0x0  }
0x81: {  	[sflag:s15] =	ssyncadd.s32 $0xFFFF6000  }
0x82: {  	_ =	swait.ge [sflag:s16], $0x2000  }
0x83: {  	[sflag:s16] =	ssyncset.done $0x0  }
0x84: {  	s1 =	rddreg [dreg:$0x2];
	[sflag:s16] =	ssyncadd.s32 $0xFFFFE000  }
0x85: {  	[hbm4b:s30+s2] =	stream.linear.scatter [tilespmem:s14], [sflag:$0x5], $0xA000, $0x38;
	[tilespmem:$0x1D800] =	vst v63  }
0x86: {  	s1 =	sadd.s32 s31, s1  }
0x87: {  	[hbm4b:s1+s2] =	stream.linear.scatter [tilespmem:s12], [sflag:$0x7], $0x2000, $0x38;
	[tilespmem:$0x1D800] =	vst v63  }
0x88: {  	v3 =	vld [tilespmem:s26+$0xFFFFFFD0];
	_ =	sdelay $0x4  }
0x89: {  	v4 =	vshrl.u32 v3, $0x3  }
0x8a: {  	v4 =	vmul.u32 $0x28, v4  }
0x8b: {  	v3 =	vand.u32 $0x7, v3  }
0x8c: {  	v3 =	vor.u32 v3, v4  }
0x8d: {  	v4 =	vperm.xlane v3, v0;
	_ =	sdelay $0x1  }
0x8e: {  	v4 =	vadd.s32 v1, v4;
	_ =	sdelay $0x3  }
0x8f: {  	v3 =	vperm.xlane v3, v2  }
0x90: {  	[tilespmem:s17], [sflag:$0x2] =	stream.indirect_vreg.gather [hbm4b:s3+s2], $0x80, v4, vm0, $0xb8;
	[tilespmem:$0x1D800] =	vst v63  }
0x91: {  	s0 =	rddreg [dreg:$0x3];
	v3 =	vadd.s32 v1, v3  }
0x92: {  	[tilespmem:s0], [sflag:$0x2] =	stream.indirect_vreg.gather [hbm4b:s7+s2], $0x80, v4, vm0, $0xb8;
	[tilespmem:$0x1D800] =	vst v63  }
0x93: {  	s5 =	rddreg [dreg:$0x4]  }
0x94: {  	[tilespmem:s5], [sflag:$0x2] =	stream.indirect_vreg.gather [hbm4b:s8+s2], $0x80, v4, vm1, $0xb8;
	[tilespmem:$0x1D800] =	vst v63  }
0x95: {  	s0 =	rddreg [dreg:$0x5]  }
0x96: {  	[tilespmem:s0], [sflag:$0x2] =	stream.indirect_vreg.gather [hbm4b:s3+s2], $0x80, v3, vm0, $0xb8;
	[tilespmem:$0x1D800] =	vst v63  }
0x97: {  	s5 =	rddreg [dreg:$0x6]  }
0x98: {  	[tilespmem:s5], [sflag:$0x2] =	stream.indirect_vreg.gather [hbm4b:s7+s2], $0x80, v3, vm0, $0xb8;
	[tilespmem:$0x1D800] =	vst v63  }
0x99: {  	s0 =	rddreg [dreg:$0x7]  }
0x9a: {  	[tilespmem:s0], [sflag:$0x2] =	stream.indirect_vreg.gather [hbm4b:s8+s2], $0x80, v3, vm1, $0xb8;
	[tilespmem:$0x1D800] =	vst v63  }
0x9b: {  	v3 =	vld [tilespmem:s26+$0xFFFFFFE0];
	_ =	sdelay $0x4  }
0x9c: {  	v57 =	vshrl.u32 v3, $0x3  }
0x9d: {  	v4 =	vmul.u32 $0x28, v57  }
0x9e: {  	v3 =	vand.u32 $0x7, v3  }
0x9f: {  	v3 =	vor.u32 v3, v4  }
0xa0: {  	v4 =	vperm.xlane v3, v0;
	_ =	sdelay $0x1  }
0xa1: {  	v4 =	vadd.s32 v1, v4;
	_ =	sdelay $0x3  }
0xa2: {  	s0 =	rddreg [dreg:$0x8];
	v3 =	vperm.xlane v3, v2  }
0xa3: {  	[tilespmem:s0], [sflag:$0x2] =	stream.indirect_vreg.gather [hbm4b:s3+s2], $0x80, v4, vm0, $0xb8;
	[tilespmem:$0x1D800] =	vst v63  }
0xa4: {  	s5 =	rddreg [dreg:$0x9];
	v3 =	vadd.s32 v1, v3  }
0xa5: {  	[tilespmem:s5], [sflag:$0x2] =	stream.indirect_vreg.gather [hbm4b:s7+s2], $0x80, v4, vm0, $0xb8;
	[tilespmem:$0x1D800] =	vst v63  }
0xa6: {  	s0 =	rddreg [dreg:$0xa]  }
0xa7: {  	[tilespmem:s0], [sflag:$0x2] =	stream.indirect_vreg.gather [hbm4b:s8+s2], $0x80, v4, vm1, $0xb8;
	[tilespmem:$0x1D800] =	vst v63  }
0xa8: {  	s5 =	rddreg [dreg:$0xb]  }
0xa9: {  	[tilespmem:s5], [sflag:$0x2] =	stream.indirect_vreg.gather [hbm4b:s3+s2], $0x80, v3, vm0, $0xb8;
	[tilespmem:$0x1D800] =	vst v63  }
0xaa: {  	s0 =	rddreg [dreg:$0xc]  }
0xab: {  	[tilespmem:s0], [sflag:$0x2] =	stream.indirect_vreg.gather [hbm4b:s7+s2], $0x80, v3, vm0, $0xb8;
	[tilespmem:$0x1D800] =	vst v63  }
0xac: {  	s5 =	rddreg [dreg:$0xd]  }
0xad: {  	[tilespmem:s5], [sflag:$0x2] =	stream.indirect_vreg.gather [hbm4b:s8+s2], $0x80, v3, vm1, $0xb8;
	[tilespmem:$0x1D800] =	vst v63  }
0xae: {  	v3 =	vld [tilespmem:s26+$0xFFFFFFF0];
	_ =	sdelay $0x4  }
0xaf: {  	v58 =	vshrl.u32 v3, $0x3  }
0xb0: {  	v4 =	vmul.u32 $0x28, v58  }
0xb1: {  	v3 =	vand.u32 $0x7, v3  }
0xb2: {  	v3 =	vor.u32 v3, v4  }
0xb3: {  	v4 =	vperm.xlane v3, v0;
	_ =	sdelay $0x1  }
0xb4: {  	v4 =	vadd.s32 v1, v4;
	_ =	sdelay $0x3  }
0xb5: {  	s0 =	rddreg [dreg:$0xe];
	v3 =	vperm.xlane v3, v2  }
0xb6: {  	[tilespmem:s0], [sflag:$0x2] =	stream.indirect_vreg.gather [hbm4b:s3+s2], $0x80, v4, vm0, $0xb8;
	[tilespmem:$0x1D800] =	vst v63  }
0xb7: {  	s5 =	rddreg [dreg:$0xf];
	v3 =	vadd.s32 v1, v3  }
0xb8: {  	[tilespmem:s5], [sflag:$0x2] =	stream.indirect_vreg.gather [hbm4b:s7+s2], $0x80, v4, vm0, $0xb8;
	[tilespmem:$0x1D800] =	vst v63  }
0xb9: {  	s0 =	rddreg [dreg:$0x10]  }
0xba: {  	[tilespmem:s0], [sflag:$0x2] =	stream.indirect_vreg.gather [hbm4b:s8+s2], $0x80, v4, vm1, $0xb8;
	[tilespmem:$0x1D800] =	vst v63  }
0xbb: {  	s5 =	rddreg [dreg:$0x11]  }
0xbc: {  	[tilespmem:s5], [sflag:$0x2] =	stream.indirect_vreg.gather [hbm4b:s3+s2], $0x80, v3, vm0, $0xb8;
	[tilespmem:$0x1D800] =	vst v63  }
0xbd: {  	s0 =	rddreg [dreg:$0x12]  }
0xbe: {  	[tilespmem:s0], [sflag:$0x2] =	stream.indirect_vreg.gather [hbm4b:s7+s2], $0x80, v3, vm0, $0xb8;
	[tilespmem:$0x1D800] =	vst v63  }
0xbf: {  	s5 =	rddreg [dreg:$0x13]  }
0xc0: {  	[tilespmem:s5], [sflag:$0x2] =	stream.indirect_vreg.gather [hbm4b:s8+s2], $0x80, v3, vm1, $0xb8;
	[tilespmem:$0x1D800] =	vst v63  }
0xc1: {  	v3 =	vld [tilespmem:s26+$0x0];
	_ =	sdelay $0x4  }
0xc2: {  	v59 =	vshrl.u32 v3, $0x3  }
0xc3: {  	v4 =	vmul.u32 $0x28, v59  }
0xc4: {  	v3 =	vand.u32 $0x7, v3  }
0xc5: {  	v3 =	vor.u32 v3, v4  }
0xc6: {  	v4 =	vperm.xlane v3, v0;
	_ =	sdelay $0x1  }
0xc7: {  	v4 =	vadd.s32 v1, v4;
	_ =	sdelay $0x3  }
0xc8: {  	s0 =	rddreg [dreg:$0x14];
	v3 =	vperm.xlane v3, v2  }
0xc9: {  	[tilespmem:s0], [sflag:$0x2] =	stream.indirect_vreg.gather [hbm4b:s3+s2], $0x80, v4, vm0, $0xb8;
	[tilespmem:$0x1D800] =	vst v63  }
0xca: {  	s5 =	rddreg [dreg:$0x15];
	v3 =	vadd.s32 v1, v3  }
0xcb: {  	[tilespmem:s5], [sflag:$0x2] =	stream.indirect_vreg.gather [hbm4b:s7+s2], $0x80, v4, vm0, $0xb8;
	[tilespmem:$0x1D800] =	vst v63  }
0xcc: {  	s0 =	rddreg [dreg:$0x16]  }
0xcd: {  	[tilespmem:s0], [sflag:$0x2] =	stream.indirect_vreg.gather [hbm4b:s8+s2], $0x80, v4, vm1, $0xb8;
	[tilespmem:$0x1D800] =	vst v63  }
0xce: {  	s5 =	rddreg [dreg:$0x17]  }
0xcf: {  	[tilespmem:s5], [sflag:$0x2] =	stream.indirect_vreg.gather [hbm4b:s3+s2], $0x80, v3, vm0, $0xb8;
	[tilespmem:$0x1D800] =	vst v63  }
0xd0: {  	s0 =	rddreg [dreg:$0x18]  }
0xd1: {  	[tilespmem:s0], [sflag:$0x2] =	stream.indirect_vreg.gather [hbm4b:s7+s2], $0x80, v3, vm0, $0xb8;
	[tilespmem:$0x1D800] =	vst v63  }
0xd2: {  	s5 =	rddreg [dreg:$0x19]  }
0xd3: {  	[tilespmem:s5], [sflag:$0x2] =	stream.indirect_vreg.gather [hbm4b:s8+s2], $0x80, v3, vm1, $0xb8;
	[tilespmem:$0x1D800] =	vst v63  }
0xd4: {  	_ = 	snop  }
0xd5: {  	[tilespmem:s18], [sflag:$0x4] =	stream.indirect.gather [hbm4b:s4+s11], $0x80, s25, s11, $0xb8;
	[tilespmem:$0x1D800] =	vst v63  }
0xd6: {  	_ =	swait.ge [sflag:s19], $0xA000  }
0xd7: {  	[sflag:s19] =	ssyncset.done $0x0  }
0xd8: {  	[sflag:s19] =	ssyncadd.s32 $0xFFFF6000  }
0xd9: {  	_ =	swait.ge [sflag:s20], $0x2000  }
0xda: {  	[sflag:s20] =	ssyncset.done $0x0  }
0xdb: {  	[sflag:s20] =	ssyncadd.s32 $0xFFFFE000  }
0xdc: {  	[hbm4b:s28+s2] =	stream.linear.scatter [tilespmem:s17], [sflag:$0x6], $0xA000, $0x38;
	[tilespmem:$0x1D800] =	vst v63  }
0xdd: {  	s5 =	sadd.s32 $0x400, s1  }
0xde: {  	[hbm4b:s5+s2] =	stream.linear.scatter [tilespmem:s18], [sflag:$0x8], $0x2000, $0x38;
	[tilespmem:$0x1D800] =	vst v63  }
0xdf: {  	_ =	swait.ge [sflag:s21], $0xA000  }
0xe0: {  	[sflag:s21] =	ssyncset.done $0x0  }
0xe1: {  	[sflag:s21] =	ssyncadd.s32 $0xFFFF6000  }
0xe2: {  	_ =	swait.ge [sflag:s22], $0x2000  }
0xe3: {  	s1 =	smin.u32 s29, $0x51;
	[sflag:s22] =	ssyncset.done $0x0  }
0xe4: {  	s0 =	sshll.u32 s1, $0x7;
	[sflag:s22] =	ssyncadd.s32 $0xFFFFE000  }
0xe5: {  	v3 =	vld [tilespmem:s0+$0x100];
	_ =	sdelay $0x4  }
0xe6: {  	v60 =	vshrl.u32 v3, $0x3  }
0xe7: {  	v4 =	vmul.u32 $0x28, v60  }
0xe8: {  	v3 =	vand.u32 $0x7, v3  }
0xe9: {  	v3 =	vor.u32 v3, v4  }
0xea: {  	v4 =	vperm.xlane v3, v0;
	_ =	sdelay $0x1  }
0xeb: {  	v4 =	vadd.s32 v1, v4;
	_ =	sdelay $0x3  }
0xec: {  	v3 =	vperm.xlane v3, v2  }
0xed: {  	[tilespmem:s14], [sflag:$0x1] =	stream.indirect_vreg.gather [hbm4b:s3+s2], $0x80, v4, vm0, $0xb8;
	[tilespmem:$0x1D800] =	vst v63  }
0xee: {  	s5 =	simm.s32 $0x6000;
	v3 =	vadd.s32 v1, v3  }
0xef: {  	[tilespmem:s5], [sflag:$0x1] =	stream.indirect_vreg.gather [hbm4b:s7+s2], $0x80, v4, vm0, $0xb8;
	[tilespmem:$0x1D800] =	vst v63  }
0xf0: {  	s5 =	simm.s32 $0x6800  }
0xf1: {  	[tilespmem:s5], [sflag:$0x1] =	stream.indirect_vreg.gather [hbm4b:s8+s2], $0x80, v4, vm1, $0xb8;
	[tilespmem:$0x1D800] =	vst v63  }
0xf2: {  	s5 =	simm.s32 $0x6C00  }
0xf3: {  	[tilespmem:s5], [sflag:$0x1] =	stream.indirect_vreg.gather [hbm4b:s3+s2], $0x80, v3, vm0, $0xb8;
	[tilespmem:$0x1D800] =	vst v63  }
0xf4: {  	s5 =	simm.s32 $0x7400  }
0xf5: {  	[tilespmem:s5], [sflag:$0x1] =	stream.indirect_vreg.gather [hbm4b:s7+s2], $0x80, v3, vm0, $0xb8;
	[tilespmem:$0x1D800] =	vst v63  }
0xf6: {  	s5 =	simm.s32 $0x7C00  }
0xf7: {  	[tilespmem:s5], [sflag:$0x1] =	stream.indirect_vreg.gather [hbm4b:s8+s2], $0x80, v3, vm1, $0xb8;
	[tilespmem:$0x1D800] =	vst v63  }
0xf8: {  	v3 =	vld [tilespmem:s0+$0x110];
	_ =	sdelay $0x4  }
0xf9: {  	v61 =	vshrl.u32 v3, $0x3  }
0xfa: {  	v4 =	vmul.u32 $0x28, v61  }
0xfb: {  	v3 =	vand.u32 $0x7, v3  }
0xfc: {  	v3 =	vor.u32 v3, v4  }
0xfd: {  	v4 =	vperm.xlane v3, v0;
	_ =	sdelay $0x1  }
0xfe: {  	v4 =	vadd.s32 v1, v4;
	_ =	sdelay $0x3  }
0xff: {  	s5 =	simm.s32 $0x8000;
	v3 =	vperm.xlane v3, v2  }
0x100: {  	[tilespmem:s5], [sflag:$0x1] =	stream.indirect_vreg.gather [hbm4b:s3+s2], $0x80, v4, vm0, $0xb8;
	[tilespmem:$0x1D800] =	vst v63  }
0x101: {  	v3 =	vadd.s32 v1, v3;
	s5 =	simm.s32 $0x8800  }
0x102: {  	[tilespmem:s5], [sflag:$0x1] =	stream.indirect_vreg.gather [hbm4b:s7+s2], $0x80, v4, vm0, $0xb8;
	[tilespmem:$0x1D800] =	vst v63  }
0x103: {  	s5 =	simm.s32 $0x9000  }
0x104: {  	[tilespmem:s5], [sflag:$0x1] =	stream.indirect_vreg.gather [hbm4b:s8+s2], $0x80, v4, vm1, $0xb8;
	[tilespmem:$0x1D800] =	vst v63  }
0x105: {  	_ = 	snop  }
0x106: {  	[tilespmem:s6], [sflag:$0x1] =	stream.indirect_vreg.gather [hbm4b:s3+s2], $0x80, v3, vm0, $0xb8;
	[tilespmem:$0x1D800] =	vst v63  }
0x107: {  	_ = 	snop  }
0x108: {  	[tilespmem:s9], [sflag:$0x1] =	stream.indirect_vreg.gather [hbm4b:s7+s2], $0x80, v3, vm0, $0xb8;
	[tilespmem:$0x1D800] =	vst v63  }
0x109: {  	s5 =	simm.s32 $0xA400  }
0x10a: {  	[tilespmem:s5], [sflag:$0x1] =	stream.indirect_vreg.gather [hbm4b:s8+s2], $0x80, v3, vm1, $0xb8;
	[tilespmem:$0x1D800] =	vst v63  }
0x10b: {  	v3 =	vld [tilespmem:s0+$0x120];
	_ =	sdelay $0x4  }
0x10c: {  	v62 =	vshrl.u32 v3, $0x3  }
0x10d: {  	v4 =	vmul.u32 $0x28, v62  }
0x10e: {  	v3 =	vand.u32 $0x7, v3  }
0x10f: {  	v3 =	vor.u32 v3, v4  }
0x110: {  	v4 =	vperm.xlane v3, v0;
	_ =	sdelay $0x1  }
0x111: {  	v4 =	vadd.s32 v1, v4;
	_ =	sdelay $0x3  }
0x112: {  	s5 =	simm.s32 $0xA800;
	v3 =	vperm.xlane v3, v2  }
0x113: {  	[tilespmem:s5], [sflag:$0x1] =	stream.indirect_vreg.gather [hbm4b:s3+s2], $0x80, v4, vm0, $0xb8;
	[tilespmem:$0x1D800] =	vst v63  }
0x114: {  	v3 =	vadd.s32 v1, v3;
	s5 =	simm.s32 $0xB000  }
0x115: {  	[tilespmem:s5], [sflag:$0x1] =	stream.indirect_vreg.gather [hbm4b:s7+s2], $0x80, v4, vm0, $0xb8;
	[tilespmem:$0x1D800] =	vst v63  }
0x116: {  	s5 =	simm.s32 $0xB800  }
0x117: {  	[tilespmem:s5], [sflag:$0x1] =	stream.indirect_vreg.gather [hbm4b:s8+s2], $0x80, v4, vm1, $0xb8;
	[tilespmem:$0x1D800] =	vst v63  }
0x118: {  	s5 =	simm.s32 $0xBC00  }
0x119: {  	[tilespmem:s5], [sflag:$0x1] =	stream.indirect_vreg.gather [hbm4b:s3+s2], $0x80, v3, vm0, $0xb8;
	[tilespmem:$0x1D800] =	vst v63  }
0x11a: {  	s5 =	simm.s32 $0xC400  }
0x11b: {  	[tilespmem:s5], [sflag:$0x1] =	stream.indirect_vreg.gather [hbm4b:s7+s2], $0x80, v3, vm0, $0xb8;
	[tilespmem:$0x1D800] =	vst v63  }
0x11c: {  	s5 =	simm.s32 $0xCC00  }
0x11d: {  	[tilespmem:s5], [sflag:$0x1] =	stream.indirect_vreg.gather [hbm4b:s8+s2], $0x80, v3, vm1, $0xb8;
	[tilespmem:$0x1D800] =	vst v63  }
0x11e: {  	v3 =	vld [tilespmem:s0+$0x130];
	_ =	sdelay $0x4  }
0x11f: {  	v63 =	vshrl.u32 v3, $0x3  }
0x120: {  	v4 =	vmul.u32 $0x28, v63  }
0x121: {  	v3 =	vand.u32 $0x7, v3  }
0x122: {  	v3 =	vor.u32 v3, v4  }
0x123: {  	v4 =	vperm.xlane v3, v0;
	_ =	sdelay $0x1  }
0x124: {  	v4 =	vadd.s32 v1, v4;
	_ =	sdelay $0x3  }
0x125: {  	s5 =	simm.s32 $0xD000;
	v3 =	vperm.xlane v3, v2  }
0x126: {  	[tilespmem:s5], [sflag:$0x1] =	stream.indirect_vreg.gather [hbm4b:s3+s2], $0x80, v4, vm0, $0xb8;
	[tilespmem:$0x1D800] =	vst v63  }
0x127: {  	v3 =	vadd.s32 v1, v3;
	s5 =	simm.s32 $0xD800  }
0x128: {  	[tilespmem:s5], [sflag:$0x1] =	stream.indirect_vreg.gather [hbm4b:s7+s2], $0x80, v4, vm0, $0xb8;
	[tilespmem:$0x1D800] =	vst v63  }
0x129: {  	s5 =	simm.s32 $0xE000  }
0x12a: {  	[tilespmem:s5], [sflag:$0x1] =	stream.indirect_vreg.gather [hbm4b:s8+s2], $0x80, v4, vm1, $0xb8;
	[tilespmem:$0x1D800] =	vst v63  }
0x12b: {  	s5 =	simm.s32 $0xE400  }
0x12c: {  	[tilespmem:s5], [sflag:$0x1] =	stream.indirect_vreg.gather [hbm4b:s3+s2], $0x80, v3, vm0, $0xb8;
	[tilespmem:$0x1D800] =	vst v63  }
0x12d: {  	_ = 	snop  }
0x12e: {  	[tilespmem:s13], [sflag:$0x1] =	stream.indirect_vreg.gather [hbm4b:s7+s2], $0x80, v3, vm0, $0xb8;
	[tilespmem:$0x1D800] =	vst v63  }
0x12f: {  	_ = 	snop  }
0x130: {  	[tilespmem:s10], [sflag:$0x1] =	stream.indirect_vreg.gather [hbm4b:s8+s2], $0x80, v3, vm1, $0xb8;
	[tilespmem:$0x1D800] =	vst v63  }
0x131: {  	s0 =	sadd.s32 $0x2D00, s0  }
0x132: {  	[tilespmem:s12], [sflag:$0x3] =	stream.indirect.gather [hbm4b:s4+s11], $0x80, s0, s11, $0xb8;
	[tilespmem:$0x1D800] =	vst v63  }
0x133: {  	p0 =	sne.s32 s31, $0x14800;
	_ =	swait.ge [sflag:s23], $0xA000  }
.Ltmp0:
0x134: {  	[sflag:s23] =	ssyncset.done $0x0;
	(pc) =	sbr.rel @p0 .LBB2_2-.Ltmp0, $4  }
0x135: {  	[sflag:s23] =	ssyncadd.s32 $0xFFFF6000  }
0x136: {  	s31 =	sadd.s32 $0x800, s31;
	s30 =	sadd.s32 $0x2800, s30;
	_ =	swait.ge [sflag:s24], $0x2000  }
0x137: {  	s26 =	sadd.s32 $0x100, s26;
	s29 =	sadd.s32 $0x2, s29;
	[sflag:s24] =	ssyncset.done $0x0  }
0x138: {  	s25 =	sadd.s32 $0x100, s25;
	s28 =	sadd.s32 $0x2800, s28;
	[sflag:s24] =	ssyncadd.s32 $0xFFFFE000  }
0x139: {  	_ =	swait.ge [sflag:s15], $0xA000  }
0x13a: {  	[sflag:s15] =	ssyncset.done $0x0  }
0x13b: {  	[sflag:s15] =	ssyncadd.s32 $0xFFFF6000  }
0x13c: {  	_ =	swait.ge [sflag:s16], $0x2000  }
0x13d: {  	s1 =	rddreg [dreg:$0x1f]  }
0x13e: {  	s0 =	rddreg [dreg:$0x1c];
	s1 =	sadd.s32 $0x1, s1  }
0x13f: {  	p0 =	sne.s32 s1, s0  }
.Ltmp1:
0x140: {  	_ = 	snop;
	(pc) =	sbr.rel @p0 .LBB2_1-.Ltmp1, $4  }
0x141: {  	s6 =	simm.s32 $0x6000;
	s9 =	simm.s32 $0x6800;
	s13 =	simm.s32 $0x6C00  }
0x142: {  	s10 =	simm.s32 $0x7400;
	s25 =	simm.s32 $0x7C00;
	s26 =	simm.s32 $0x8000  }
0x143: {  	s28 =	simm.s32 $0x8800;
	s29 =	simm.s32 $0x9000;
	[sflag:s16] =	ssyncset.done $0x0  }
0x144: {  	s30 =	simm.s32 $0x9400;
	s31 =	simm.s32 $0x9C00;
	[sflag:s16] =	ssyncadd.s32 $0xFFFFE000  }
0x145: {  	_ =	sfence.sel $0x180000  }
0x146: {  	[bflag:$0x0] =	sbarrier.arrive $0xFFFF  }
0x147: {  	_ =	strace $0x90000047  }
0x148: {  	s0 =	stileid.u32;
	[bflag:$0x2] =	sbarrier.arrive $0xFFFF  }
0x149: {  	p0 =	sne.s32 s0, $0x0;
	s0 =	rddreg [dreg:$0x1]  }
0x14a: {  	s0 =	sadd.s32 @!p0 $0x100000, s0  }
0x14b: {  	[sflag:s0] =	ssyncadd.tile.s32 @!p0 $0x1;
	_ =	shalt  }
.Lfunc_end2:
_tile_overlayer_lowered:
.L_overlay_start_2:
0x14c: {  	(tag) =	ssettag $0x2  }
0x14d: {  	s0 =	rddreg [dreg:$0x0];
	s2 =	stileid.u32  }
0x14e: {  	s1 =	rddreg [dreg:$0x1];
	p0 =	sne.s32 s2, $0x0  }
0x14f: {  	s3 =	rddreg [dreg:$0x2];
	[bflag:$0x3] =	sbarrier.arrive $0xFFFF;
	s2 =	simm.s32 @!p0 $0x1C09  }
0x150: {  	[timem:s3], [sflag:s2] =	dma.local @!p0 [hbm:s0], s1  }
0x151: {  	s0 =	simm.s32 @!p0 $0x9  }
0x152: {  	_ =	swait.ge @!p0 [sflag:s0], s1  }
0x153: {  	s1 =	ssub.s32 @!p0 $0x0, s1;
	[sflag:s0] =	ssyncset.done @!p0 $0x0  }
0x154: {  	[sflag:s0] =	ssyncadd.s32 @!p0 s1  }
0x155: {  	[bflag:$0x3] =	sbarrier.arrive $0xFFFF  }
0x156: {  	_ =	shalt  }

</sc_bundles>
